<compile_context>
chip_gen: v7x
topology: tpu7x:2x2x1
jax: 0.10.2.dev20260603
libtpu: 0.0.44.dev20260713+nightly
codegen_flags: <defaults>
</compile_context>

<pallas_src>
import functools

import jax
import jax.numpy as jnp
from jax import lax
from jax.experimental import pallas as pl
from jax.experimental.pallas import tpu as pltpu
from jax.experimental.pallas import tpu_sc as plsc

NC = 2
NS = 16
DW = 16
ZR = 78



@functools.lru_cache(maxsize=None)
def _deg_pass(n, e, ch):
    ept = e // (NC * NS)
    nchunks = ept // ch
    P = (n // NS) // 8 * 8
    tail = n - NS * P
    mesh = plsc.VectorSubcoreMesh(core_axis_name="c", subcore_axis_name="s",
                                  num_cores=NC, num_subcores=NS)

    def body(dst_hbm, out_hbm, acc, ones_v, idx_v, zb):
        c = lax.axis_index("c")
        s = lax.axis_index("s")
        w = s * NC + c

        def init_z(r, _):
            zb[r, :] = jnp.zeros((DW,), jnp.float32)
            return 0

        lax.fori_loop(0, ZR, init_z, 0)

        def init_o(r, _):
            for k in range(8):
                ones_v[r * 8 + k, :] = jnp.ones((DW,), jnp.float32)
            return 0

        lax.fori_loop(0, ch // 8, init_o, 0)

        def zrow(k, _):
            pltpu.sync_copy(zb, acc.at[pl.ds(s * P + k * ZR, ZR)])
            return 0

        lax.fori_loop(0, 8, zrow, 0)

        @pl.when(s == NS - 1)
        def _():
            pltpu.sync_copy(zb.at[pl.ds(0, tail)], acc.at[pl.ds(NS * P, tail)])

        plsc.subcore_barrier()

        def step(i, _):
            off = w * ept + i * ch
            pltpu.sync_copy(dst_hbm.at[pl.ds(off, ch)], idx_v)
            pltpu.sync_copy(ones_v, acc.at[idx_v], add=True)
            return 0

        lax.fori_loop(0, nchunks, step, 0)
        plsc.subcore_barrier()
        pltpu.sync_copy(acc.at[pl.ds(s * P, P)],
                        out_hbm.at[c, pl.ds(s * P, P)])

        @pl.when(s == NS - 1)
        def _():
            pltpu.sync_copy(acc.at[pl.ds(NS * P, tail)],
                            out_hbm.at[c, pl.ds(NS * P, tail)])

    return pl.kernel(
        body,
        out_type=jax.ShapeDtypeStruct((NC, n, DW), jnp.float32),
        mesh=mesh,
        compiler_params=pltpu.CompilerParams(use_tc_tiling_on_sc=False),
        scratch_types=[
            pltpu.VMEM_SHARED((n, DW), jnp.float32),
            pltpu.VMEM((ch, DW), jnp.float32),
            pltpu.VMEM((ch,), jnp.int32),
            pltpu.VMEM((ZR, DW), jnp.float32),
        ],
    )


@functools.lru_cache(maxsize=None)
def _conv_pass(n, e, fh, ch, rounds=1):
    ept = e // NS
    nchunks = ept // ch
    P = (n // NS) // 8 * 8
    tail = n - NS * P
    mesh = plsc.VectorSubcoreMesh(core_axis_name="c", subcore_axis_name="s",
                                  num_cores=NC, num_subcores=NS)

    def body(u_hbm, src_hbm, dst_hbm, out_hbm, acc,
             rows0, rows1, src0, src1, dst0, dst1, zb,
             gsem0, gsem1, isem0, isem1):
        c = lax.axis_index("c")
        s = lax.axis_index("s")

        def init_z(r, _):
            for j in range(fh // 16):
                zb[r, pl.ds(j * 16, 16)] = jnp.zeros((16,), jnp.float32)
            return 0

        lax.fori_loop(0, ZR, init_z, 0)

        def zero_acc():
            def zrow(k, _):
                pltpu.sync_copy(zb, acc.at[pl.ds(s * P + k * ZR, ZR)])
                return 0

            lax.fori_loop(0, 8, zrow, 0)

            @pl.when(s == NS - 1)
            def _():
                pltpu.sync_copy(zb.at[pl.ds(0, tail)],
                                acc.at[pl.ds(NS * P, tail)])

        def idx_refs(i, src_v, dst_v):
            off = s * ept + i * ch
            return (src_hbm.at[pl.ds(off, ch)], src_v,
                    dst_hbm.at[pl.ds(off, ch)], dst_v)

        def fire_idx(i, src_v, dst_v, isem):
            sh, sv, dh, dv = idx_refs(i, src_v, dst_v)
            pltpu.async_copy(sh, sv, isem)
            pltpu.async_copy(dh, dv, isem)

        def wait_idx(i, src_v, dst_v, isem):
            sh, sv, dh, dv = idx_refs(i, src_v, dst_v)
            pltpu.make_async_copy(sh, sv, isem).wait()
            pltpu.make_async_copy(dh, dv, isem).wait()

        def bufs(par):
            if par == 0:
                return rows0, src0, dst0, gsem0, isem0
            return rows1, src1, dst1, gsem1, isem1

        for r in range(rounds):
            q = NC * r + c
            u_c = u_hbm.at[q]
            zero_acc()
            plsc.subcore_barrier()

            fire_idx(0, src0, dst0, isem0)
            wait_idx(0, src0, dst0, isem0)
            pltpu.async_copy(u_c.at[src0], rows0, gsem0)
            fire_idx(1, src1, dst1, isem1)

            def step(i, _):
                def work(par):
                    rows_c, src_c, dst_c, gsem_c, isem_c = bufs(par)
                    rows_n, src_n, dst_n, gsem_n, isem_n = bufs(1 - par)
                    pltpu.make_async_copy(u_c.at[src_c], rows_c,
                                          gsem_c).wait()

                    @pl.when(i + 1 < nchunks)
                    def _():
                        wait_idx(i + 1, src_n, dst_n, isem_n)
                        pltpu.async_copy(u_c.at[src_n], rows_n, gsem_n)

                    pltpu.sync_copy(rows_c, acc.at[dst_c], add=True)

                    @pl.when(i + 2 < nchunks)
                    def _():
                        fire_idx(i + 2, src_c, dst_c, isem_c)

                @pl.when(lax.rem(i, 2) == 0)
                def _():
                    work(0)

                @pl.when(lax.rem(i, 2) == 1)
                def _():
                    work(1)

                return 0

            lax.fori_loop(0, nchunks, step, 0)
            plsc.subcore_barrier()
            pltpu.sync_copy(acc.at[pl.ds(s * P, P)],
                            out_hbm.at[q, pl.ds(s * P, P)])

            @pl.when(s == NS - 1)
            def _():
                pltpu.sync_copy(acc.at[pl.ds(NS * P, tail)],
                                out_hbm.at[q, pl.ds(NS * P, tail)])

    return pl.kernel(
        body,
        out_type=jax.ShapeDtypeStruct((rounds * NC, n, fh), jnp.float32),
        mesh=mesh,
        compiler_params=pltpu.CompilerParams(use_tc_tiling_on_sc=False),
        scratch_types=[
            pltpu.VMEM_SHARED((n, fh), jnp.float32),
            pltpu.VMEM((ch, fh), jnp.float32),
            pltpu.VMEM((ch, fh), jnp.float32),
            pltpu.VMEM((ch,), jnp.int32),
            pltpu.VMEM((ch,), jnp.int32),
            pltpu.VMEM((ch,), jnp.int32),
            pltpu.VMEM((ch,), jnp.int32),
            pltpu.VMEM((ZR, fh), jnp.float32),
            pltpu.SemaphoreType.DMA,
            pltpu.SemaphoreType.DMA,
            pltpu.SemaphoreType.DMA,
            pltpu.SemaphoreType.DMA,
        ],
    )



_R = 1000


def _dinv(d0_ref, d1_ref):
    deg = d0_ref[:, :1] + d1_ref[:, :1] + 1.0
    return lax.rsqrt(jnp.maximum(deg, 1.0))


def _slab():
    return lambda j: (j, 0)


def _scale_split(v, d0, d1):
    n, f = v.shape
    fh = f // 2
    nb = n // _R

    def body(v_ref, d0_ref, d1_ref, o_ref):
        u = v_ref[...] * _dinv(d0_ref, d1_ref)
        o_ref[0, :, :] = u[:, :fh]
        o_ref[1, :, :] = u[:, fh:]

    return pl.pallas_call(
        body,
        grid=(nb,),
        in_specs=[
            pl.BlockSpec((_R, f), lambda j: (j, 0)),
            pl.BlockSpec((_R, DW), _slab()),
            pl.BlockSpec((_R, DW), _slab()),
        ],
        out_specs=pl.BlockSpec((NC, _R, fh), lambda j: (0, j, 0)),
        out_shape=jax.ShapeDtypeStruct((NC, n, fh), jnp.float32),
    )(v, d0, d1)


def _stage_b(a0, a1, x, d0, d1, W1, b1, g1, be1):
    n, fin = x.shape
    h = W1.shape[1]
    fq = h // 4
    nb = n // _R
    fh = fin // 2

    def body(a0_ref, a1_ref, x_ref, d0_ref, d1_ref, w_ref, b_ref, g_ref,
             be_ref, h1_ref, u1_ref):
        dinv = _dinv(d0_ref, d1_ref)
        agg = jnp.concatenate([a0_ref[...], a1_ref[...]], axis=1)
        pre = dinv * (agg + dinv * x_ref[...])
        z = jnp.dot(pre, w_ref[...], preferred_element_type=jnp.float32,
                    precision=lax.Precision.HIGHEST) + b_ref[...]
        h1 = jnp.maximum(g_ref[...] * z + be_ref[...], 0.0)
        h1_ref[...] = h1
        u1 = dinv * h1
        for q in range(4):
            u1_ref[q, :, :] = u1[:, q * fq:(q + 1) * fq]

    return pl.pallas_call(
        body,
        grid=(nb,),
        in_specs=[
            pl.BlockSpec((_R, fh), _slab()),
            pl.BlockSpec((_R, fh), _slab()),
            pl.BlockSpec((_R, fin), lambda j: (j, 0)),
            pl.BlockSpec((_R, DW), _slab()),
            pl.BlockSpec((_R, DW), _slab()),
            pl.BlockSpec((fin, h), lambda j: (0, 0)),
            pl.BlockSpec((1, h), lambda j: (0, 0)),
            pl.BlockSpec((1, h), lambda j: (0, 0)),
            pl.BlockSpec((1, h), lambda j: (0, 0)),
        ],
        out_specs=[
            pl.BlockSpec((_R, h), lambda j: (j, 0)),
            pl.BlockSpec((4, _R, fq), lambda j: (0, j, 0)),
        ],
        out_shape=[
            jax.ShapeDtypeStruct((n, h), jnp.float32),
            jax.ShapeDtypeStruct((4, n, fq), jnp.float32),
        ],
    )(a0, a1, x, d0, d1, W1, b1, g1, be1)


def _stage_c(a0, a1, a2, a3, h1, d0, d1, W2, b2, g2, be2, W3, op):
    n, h = h1.shape
    fq = h // 4
    od = W3.shape[1]
    oh = op // 2
    nb = n // _R

    def body(a0_ref, a1_ref, a2_ref, a3_ref, h1_ref, d0_ref, d1_ref,
             w2_ref, b_ref, g_ref, be_ref, w3_ref, h2_ref, p_ref, u2_ref):
        dinv = _dinv(d0_ref, d1_ref)
        agg = jnp.concatenate(
            [a0_ref[...], a1_ref[...], a2_ref[...], a3_ref[...]], axis=1)
        pre = dinv * (agg + dinv * h1_ref[...])
        z = jnp.dot(pre, w2_ref[...], preferred_element_type=jnp.float32,
                    precision=lax.Precision.HIGHEST) + b_ref[...]
        h2 = jnp.maximum(g_ref[...] * z + be_ref[...], 0.0)
        h2_ref[...] = h2
        w3p = jnp.concatenate(
            [w3_ref[...], jnp.zeros((h, op - od), jnp.float32)], axis=1)
        p = jnp.dot(h2, w3p, preferred_element_type=jnp.float32,
                    precision=lax.Precision.HIGHEST)
        p_ref[...] = p
        u2 = dinv * p
        u2_ref[0, :, :] = u2[:, :oh]
        u2_ref[1, :, :] = u2[:, oh:]

    return pl.pallas_call(
        body,
        grid=(nb,),
        in_specs=[
            pl.BlockSpec((_R, fq), _slab()),
            pl.BlockSpec((_R, fq), _slab()),
            pl.BlockSpec((_R, fq), _slab()),
            pl.BlockSpec((_R, fq), _slab()),
            pl.BlockSpec((_R, h), lambda j: (j, 0)),
            pl.BlockSpec((_R, DW), _slab()),
            pl.BlockSpec((_R, DW), _slab()),
            pl.BlockSpec((h, h), lambda j: (0, 0)),
            pl.BlockSpec((1, h), lambda j: (0, 0)),
            pl.BlockSpec((1, h), lambda j: (0, 0)),
            pl.BlockSpec((1, h), lambda j: (0, 0)),
            pl.BlockSpec((h, od), lambda j: (0, 0)),
        ],
        out_specs=[
            pl.BlockSpec((_R, h), lambda j: (j, 0)),
            pl.BlockSpec((_R, op), lambda j: (j, 0)),
            pl.BlockSpec((NC, _R, oh), lambda j: (0, j, 0)),
        ],
        out_shape=[
            jax.ShapeDtypeStruct((n, h), jnp.float32),
            jax.ShapeDtypeStruct((n, op), jnp.float32),
            jax.ShapeDtypeStruct((NC, n, oh), jnp.float32),
        ],
    )(a0, a1, a2, a3, h1, d0, d1, W2, b2, g2, be2, W3)


def _stage_d(a0, a1, p, d0, d1, b3, out_dim):
    n, op = p.shape
    oh = op // 2
    nb = n // _R

    def body(a0_ref, a1_ref, p_ref, d0_ref, d1_ref, b_ref, o_ref):
        dinv = _dinv(d0_ref, d1_ref)
        agg = jnp.concatenate([a0_ref[...], a1_ref[...]], axis=1)
        z = dinv * (agg + dinv * p_ref[...])
        logits = z[:, :out_dim] + b_ref[...]
        m = jnp.max(logits, axis=1, keepdims=True)
        ex = jnp.exp(logits - m)
        lse = jnp.log(jnp.sum(ex, axis=1, keepdims=True)) + m
        o_ref[...] = logits - lse

    return pl.pallas_call(
        body,
        grid=(nb,),
        in_specs=[
            pl.BlockSpec((_R, oh), _slab()),
            pl.BlockSpec((_R, oh), _slab()),
            pl.BlockSpec((_R, op), lambda j: (j, 0)),
            pl.BlockSpec((_R, DW), _slab()),
            pl.BlockSpec((_R, DW), _slab()),
            pl.BlockSpec((1, out_dim), lambda j: (0, 0)),
        ],
        out_specs=pl.BlockSpec((_R, out_dim), lambda j: (j, 0)),
        out_shape=jax.ShapeDtypeStruct((n, out_dim), jnp.float32),
    )(a0, a1, p, d0, d1, b3)



def kernel(x, edge_index, W1, b1, g1, be1, W2, b2, g2, be2, W3, b3):
    n, fin = x.shape
    e = edge_index.shape[1]
    h = W1.shape[1]
    out_dim = W3.shape[1]
    op = 64

    src = edge_index[0]
    dst = edge_index[1]
    deg2 = _deg_pass(n, e, 2000)(dst)
    d0 = deg2[0]
    d1 = deg2[1]

    u0 = _scale_split(x, d0, d1)
    a0 = _conv_pass(n, e, fin // 2, 400)(u0, src, dst)
    h1, u1q = _stage_b(a0[0], a0[1], x, d0, d1, W1,
                       b1.reshape(1, -1), g1.reshape(1, -1),
                       be1.reshape(1, -1))
    fq = h // 4
    a1 = _conv_pass(n, e, fq, 400, rounds=2)(u1q, src, dst)
    h2, p, u2q = _stage_c(a1[0], a1[1], a1[2], a1[3], h1, d0, d1, W2,
                          b2.reshape(1, -1), g2.reshape(1, -1),
                          be2.reshape(1, -1), W3, op)
    a2 = _conv_pass(n, e, op // 2, 800)(u2q, src, dst)
    out = _stage_d(a2[0], a2[1], p, d0, d1, b3.reshape(1, -1), out_dim)
    return (out, h2)

# --- scband reference (transcript-rebuilt; emitter-appended) ---
"""Pipeline reference for scband-arxiv-gcn-5471788335235 (READ-ONLY COPY).

The authoritative reference and input builder live on the scoring server;
editing this copy changes nothing except your own understanding.
"""

import jax, jax.numpy as jnp
import numpy as np

N = 10000
E = 320000
IN = 128
H = 256
OUT = 40


def _glorot(key, fan_in, fan_out):
    limit = np.sqrt(6.0 / (fan_in + fan_out))
    return jax.random.uniform(key, (fan_in, fan_out), dtype=jnp.float32, minval=-limit, maxval=limit)


def setup_inputs(seed: int = 0) -> dict:
    key = jax.random.key(seed)
    ks = jax.random.split(key, 12)
    x = jax.random.normal(ks[0], (N, IN), dtype=jnp.float32)
    edge_index = jax.random.randint(ks[1], (2, E), 0, N, dtype=jnp.int32)
    W1 = _glorot(ks[2], IN, H)
    b1 = jnp.zeros((H,), jnp.float32)
    g1 = jnp.ones((H,), jnp.float32)
    be1 = jnp.zeros((H,), jnp.float32)
    W2 = _glorot(ks[3], H, H)
    b2 = jnp.zeros((H,), jnp.float32)
    g2 = jnp.ones((H,), jnp.float32)
    be2 = jnp.zeros((H,), jnp.float32)
    W3 = _glorot(ks[4], H, OUT)
    b3 = jnp.zeros((OUT,), jnp.float32)
    return {"x": x, "edge_index": edge_index, "W1": W1, "b1": b1, "g1": g1, "be1": be1,
            "W2": W2, "b2": b2, "g2": g2, "be2": be2, "W3": W3, "b3": b3}


def gcn_conv(x, edge_index, W, b):
    n = x.shape[0]
    h = x @ W
    src = edge_index[0]
    dst = edge_index[1]
    loop = jnp.arange(n, dtype=src.dtype)
    src = jnp.concatenate([src, loop])
    dst = jnp.concatenate([dst, loop])
    deg = jnp.zeros((n,), x.dtype).at[dst].add(1.0)
    dinv = jax.lax.rsqrt(jnp.maximum(deg, 1.0))
    norm = dinv[src] * dinv[dst]
    msg = h[src] * norm[:, None]
    out = jnp.zeros((n, h.shape[1]), h.dtype).at[dst].add(msg)
    return out + b


def bn_eval(x, gamma, beta):
    # BatchNorm1d in eval mode with running_mean=0, running_var=1 (fresh init)
    return x * gamma + beta


def reference(x, edge_index, W1, b1, g1, be1, W2, b2, g2, be2, W3, b3):
    h = gcn_conv(x, edge_index, W1, b1)
    h = bn_eval(h, g1, be1)
    h = jax.nn.relu(h)
    # dropout is identity in eval mode
    h = gcn_conv(h, edge_index, W2, b2)
    h = bn_eval(h, g2, be2)
    h = jax.nn.relu(h)
    node_embeddings = h
    out = gcn_conv(h, edge_index, W3, b3)
    out = jax.nn.log_softmax(out, axis=-1)
    return (out, node_embeddings)

if __name__ == "__main__":
    import jax
    _d = setup_inputs()
    print(jax.jit(kernel)(*tuple(_d.values())))

</pallas_src>

<mosaic_0001>
#map = affine_map<(d0, d1) -> (0, 0, 0)>
#map1 = affine_map<(d0, d1) -> (0)>
module attributes {stable_mosaic.version = 14 : i64} {
  func.func @body(%arg0: i32, %arg1: i32, %arg2: memref<4x10000x64xf32, #tpu.memory_space<hbm>>, %arg3: memref<320000xi32, #tpu.memory_space<hbm>>, %arg4: memref<320000xi32, #tpu.memory_space<hbm>>, %arg5: memref<4x10000x64xf32, #tpu.memory_space<hbm>>, %arg6: memref<10000x64xf32, #tpu.memory_space<vmem_shared>>, %arg7: memref<400x64xf32, #tpu.memory_space<vmem>>, %arg8: memref<400x64xf32, #tpu.memory_space<vmem>>, %arg9: memref<400xi32, #tpu.memory_space<vmem>>, %arg10: memref<400xi32, #tpu.memory_space<vmem>>, %arg11: memref<400xi32, #tpu.memory_space<vmem>>, %arg12: memref<400xi32, #tpu.memory_space<vmem>>, %arg13: memref<78x64xf32, #tpu.memory_space<vmem>>, %arg14: memref<!tpu.dma_semaphore, #tpu.memory_space<semaphore_mem>>, %arg15: memref<!tpu.dma_semaphore, #tpu.memory_space<semaphore_mem>>, %arg16: memref<!tpu.dma_semaphore, #tpu.memory_space<semaphore_mem>>, %arg17: memref<!tpu.dma_semaphore, #tpu.memory_space<semaphore_mem>>) attributes {dimension_semantics = [#tpu.dimension_semantics<core_parallel>, #tpu.dimension_semantics<subcore_parallel>], iteration_bounds = array<i64: 2, 16>, scalar_prefetch = 0 : i64, scratch_operands = 12 : i64, tpu.core_type = #tpu.core_type<sc_vector_subcore>, window_params = [{transform_indices = #map}, {transform_indices = #map1}, {transform_indices = #map1}, {transform_indices = #map}]} {
    %scan3A = arith.constant 0 : i32
    %scan3A_0 = arith.constant 0 : i32
    %scan3A_1 = arith.constant 78 : i32
    %scan3A_2 = arith.addi %scan3A_0, %scan3A_1 : i32
    %scan3A_3 = arith.constant 1 : i32
    %scan3A_4 = scf.for %scan3A_124 = %scan3A_0 to %scan3A_2 step %scan3A_3 iter_args(%scan3A_125 = %scan3A) -> (i32)  : i32 {
      %broadcast_in_dim3A = arith.constant 0.000000e+00 : f32
      %broadcast_in_dim3A_126 = vector.broadcast %broadcast_in_dim3A : f32 to vector<16xf32>
      %swap3A = arith.index_cast %scan3A_124 : i32 to index
      %swap3A_127 = arith.constant 0 : index
      %swap3A_128 = tpu.vector_load %arg13[%swap3A, %swap3A_127] {strides = array<i32>} : memref<78x64xf32, #tpu.memory_space<vmem>>, vector<1x16xf32>,
      %swap3A_129 = vector.shape_cast %swap3A_128 : vector<1x16xf32> to vector<16xf32>
      %swap3A_130 = vector.shape_cast %broadcast_in_dim3A_126 : vector<16xf32> to vector<1x16xf32>
      tpu.vector_store %arg13[%swap3A, %swap3A_127], %swap3A_130 {strides = array<i32>} : memref<78x64xf32, #tpu.memory_space<vmem>>, vector<1x16xf32>,
      %broadcast_in_dim3A_131 = arith.constant 0.000000e+00 : f32
      %broadcast_in_dim3A_132 = vector.broadcast %broadcast_in_dim3A_131 : f32 to vector<16xf32>
      %swap3A_133 = arith.index_cast %scan3A_124 : i32 to index
      %swap3A_134 = arith.constant 16 : index
      %swap3A_135 = tpu.vector_load %arg13[%swap3A_133, %swap3A_134] {strides = array<i32>} : memref<78x64xf32, #tpu.memory_space<vmem>>, vector<1x16xf32>,
      %swap3A_136 = vector.shape_cast %swap3A_135 : vector<1x16xf32> to vector<16xf32>
      %swap3A_137 = vector.shape_cast %broadcast_in_dim3A_132 : vector<16xf32> to vector<1x16xf32>
      tpu.vector_store %arg13[%swap3A_133, %swap3A_134], %swap3A_137 {strides = array<i32>} : memref<78x64xf32, #tpu.memory_space<vmem>>, vector<1x16xf32>,
      %broadcast_in_dim3A_138 = arith.constant 0.000000e+00 : f32
      %broadcast_in_dim3A_139 = vector.broadcast %broadcast_in_dim3A_138 : f32 to vector<16xf32>
      %swap3A_140 = arith.index_cast %scan3A_124 : i32 to index
      %swap3A_141 = arith.constant 32 : index
      %swap3A_142 = tpu.vector_load %arg13[%swap3A_140, %swap3A_141] {strides = array<i32>} : memref<78x64xf32, #tpu.memory_space<vmem>>, vector<1x16xf32>,
      %swap3A_143 = vector.shape_cast %swap3A_142 : vector<1x16xf32> to vector<16xf32>
      %swap3A_144 = vector.shape_cast %broadcast_in_dim3A_139 : vector<16xf32> to vector<1x16xf32>
      tpu.vector_store %arg13[%swap3A_140, %swap3A_141], %swap3A_144 {strides = array<i32>} : memref<78x64xf32, #tpu.memory_space<vmem>>, vector<1x16xf32>,
      %broadcast_in_dim3A_145 = arith.constant 0.000000e+00 : f32
      %broadcast_in_dim3A_146 = vector.broadcast %broadcast_in_dim3A_145 : f32 to vector<16xf32>
      %swap3A_147 = arith.index_cast %scan3A_124 : i32 to index
      %swap3A_148 = arith.constant 48 : index
      %swap3A_149 = tpu.vector_load %arg13[%swap3A_147, %swap3A_148] {strides = array<i32>} : memref<78x64xf32, #tpu.memory_space<vmem>>, vector<1x16xf32>,
      %swap3A_150 = vector.shape_cast %swap3A_149 : vector<1x16xf32> to vector<16xf32>
      %swap3A_151 = vector.shape_cast %broadcast_in_dim3A_146 : vector<16xf32> to vector<1x16xf32>
      tpu.vector_store %arg13[%swap3A_147, %swap3A_148], %swap3A_151 {strides = array<i32>} : memref<78x64xf32, #tpu.memory_space<vmem>>, vector<1x16xf32>,
      %scan3A_152 = arith.constant 0 : i32
      scf.yield %scan3A_152 : i32
    }
    %scan3A_5 = arith.constant 78 : i32
    %add3A = arith.constant 0 : i32
    %add3A_6 = arith.addi %add3A, %arg0 : i32
    %scan3A_7 = arith.constant 0 : i32
    %scan3A_8 = arith.constant 0 : i32
    %scan3A_9 = arith.constant 8 : i32
    %scan3A_10 = arith.addi %scan3A_8, %scan3A_9 : i32
    %scan3A_11 = arith.constant 1 : i32
    %scan3A_12 = scf.for %scan3A_124 = %scan3A_8 to %scan3A_10 step %scan3A_11 iter_args(%scan3A_125 = %scan3A_7) -> (i32)  : i32 {
      %mul3A_126 = arith.constant 624 : i32
      %mul3A_127 = arith.muli %arg1, %mul3A_126 : i32
      %mul3A_128 = arith.constant 78 : i32
      %mul3A_129 = arith.muli %scan3A_124, %mul3A_128 : i32
      %add3A_130 = arith.addi %mul3A_127, %mul3A_129 : i32
      "tpu.region"() ({
        %run_scoped3A = tpu.sem_alloc : memref<!tpu.dma_semaphore, #tpu.memory_space<semaphore_mem>>
        %dma_start3A_132 = arith.constant 0 : i32
        %dma_start3A_133 = tpu.memref_slice %arg6[%add3A_130, %dma_start3A_132] : memref<10000x64xf32, #tpu.memory_space<vmem_shared>> -> memref<78x64xf32, #tpu.memory_space<vmem_shared>>
        %dma_start3A_134 = arith.constant 0 : i32
        %dma_start3A_135 = tpu.memref_slice %arg6[%add3A_130, %dma_start3A_134] : memref<10000x64xf32, #tpu.memory_space<vmem_shared>> -> memref<78x64xf32, #tpu.memory_space<vmem_shared>>
        tpu.enqueue_dma source(%arg13 : memref<78x64xf32, #tpu.memory_space<vmem>>) target(%dma_start3A_135 : memref<78x64xf32, #tpu.memory_space<vmem_shared>>) target_semaphore(%run_scoped3A : memref<!tpu.dma_semaphore, #tpu.memory_space<semaphore_mem>>)
        %dma_wait3A_136 = arith.constant 0 : i32
        %dma_wait3A_137 = tpu.memref_slice %arg6[%add3A_130, %dma_wait3A_136] : memref<10000x64xf32, #tpu.memory_space<vmem_shared>> -> memref<78x64xf32, #tpu.memory_space<vmem_shared>>
        %dma_wait3A_138 = arith.constant 0 : i32
        %dma_wait3A_139 = tpu.memref_slice %arg6[%add3A_130, %dma_wait3A_138] : memref<10000x64xf32, #tpu.memory_space<vmem_shared>> -> memref<78x64xf32, #tpu.memory_space<vmem_shared>>
        tpu.wait_dma2 semaphore(%run_scoped3A : memref<!tpu.dma_semaphore, #tpu.memory_space<semaphore_mem>>) src(%arg13 : memref<78x64xf32, #tpu.memory_space<vmem>>) dst(%dma_wait3A_139 : memref<78x64xf32, #tpu.memory_space<vmem_shared>>)
        tpu.yield
      }) : () -> ()
      %scan3A_131 = arith.constant 0 : i32
      scf.yield %scan3A_131 : i32
    }
    %scan3A_13 = arith.constant 8 : i32
    %eq3A = arith.constant 15 : i32
    %eq3A_14 = arith.cmpi eq, %arg1, %eq3A : i32
    %convert_element_type3A = arith.extui %eq3A_14 : i1 to i32
    %cond3A = arith.constant 0 : i32
    %cond3A_15 = arith.cmpi ne, %convert_element_type3A, %cond3A : i32
    scf.if %cond3A_15 {
      "tpu.region"() ({
        %run_scoped3A = tpu.sem_alloc : memref<!tpu.dma_semaphore, #tpu.memory_space<semaphore_mem>>
        %dma_start3A_124 = arith.constant 0 : i32
        %dma_start3A_125 = arith.constant 0 : i32
        %dma_start3A_126 = tpu.memref_slice %arg13[%dma_start3A_124, %dma_start3A_125] : memref<78x64xf32, #tpu.memory_space<vmem>> -> memref<16x64xf32, #tpu.memory_space<vmem>>
        %dma_start3A_127 = arith.constant 9984 : i32
        %dma_start3A_128 = arith.constant 0 : i32
        %dma_start3A_129 = tpu.memref_slice %arg6[%dma_start3A_127, %dma_start3A_128] : memref<10000x64xf32, #tpu.memory_space<vmem_shared>> -> memref<16x64xf32, #tpu.memory_space<vmem_shared>>
        %dma_start3A_130 = arith.constant 9984 : i32
        %dma_start3A_131 = arith.constant 0 : i32
        %dma_start3A_132 = tpu.memref_slice %arg6[%dma_start3A_130, %dma_start3A_131] : memref<10000x64xf32, #tpu.memory_space<vmem_shared>> -> memref<16x64xf32, #tpu.memory_space<vmem_shared>>
        %dma_start3A_133 = arith.constant 0 : i32
        %dma_start3A_134 = arith.constant 0 : i32
        %dma_start3A_135 = tpu.memref_slice %arg13[%dma_start3A_133, %dma_start3A_134] : memref<78x64xf32, #tpu.memory_space<vmem>> -> memref<16x64xf32, #tpu.memory_space<vmem>>
        tpu.enqueue_dma source(%dma_start3A_135 : memref<16x64xf32, #tpu.memory_space<vmem>>) target(%dma_start3A_132 : memref<16x64xf32, #tpu.memory_space<vmem_shared>>) target_semaphore(%run_scoped3A : memref<!tpu.dma_semaphore, #tpu.memory_space<semaphore_mem>>)
        %dma_wait3A_136 = arith.constant 0 : i32
        %dma_wait3A_137 = arith.constant 0 : i32
        %dma_wait3A_138 = tpu.memref_slice %arg13[%dma_wait3A_136, %dma_wait3A_137] : memref<78x64xf32, #tpu.memory_space<vmem>> -> memref<16x64xf32, #tpu.memory_space<vmem>>
        %dma_wait3A_139 = arith.constant 9984 : i32
        %dma_wait3A_140 = arith.constant 0 : i32
        %dma_wait3A_141 = tpu.memref_slice %arg6[%dma_wait3A_139, %dma_wait3A_140] : memref<10000x64xf32, #tpu.memory_space<vmem_shared>> -> memref<16x64xf32, #tpu.memory_space<vmem_shared>>
        %dma_wait3A_142 = arith.constant 9984 : i32
        %dma_wait3A_143 = arith.constant 0 : i32
        %dma_wait3A_144 = tpu.memref_slice %arg6[%dma_wait3A_142, %dma_wait3A_143] : memref<10000x64xf32, #tpu.memory_space<vmem_shared>> -> memref<16x64xf32, #tpu.memory_space<vmem_shared>>
        %dma_wait3A_145 = arith.constant 0 : i32
        %dma_wait3A_146 = arith.constant 0 : i32
        %dma_wait3A_147 = tpu.memref_slice %arg13[%dma_wait3A_145, %dma_wait3A_146] : memref<78x64xf32, #tpu.memory_space<vmem>> -> memref<16x64xf32, #tpu.memory_space<vmem>>
        tpu.wait_dma2 semaphore(%run_scoped3A : memref<!tpu.dma_semaphore, #tpu.memory_space<semaphore_mem>>) src(%dma_wait3A_147 : memref<16x64xf32, #tpu.memory_space<vmem>>) dst(%dma_wait3A_144 : memref<16x64xf32, #tpu.memory_space<vmem_shared>>)
        tpu.yield
      }) : () -> ()
    } else {
    }
    %barrier3A = arith.constant 0 : index
    tpu.barrier barrier_id(%barrier3A)
    %mul3A = arith.constant 20000 : i32
    %mul3A_16 = arith.muli %arg1, %mul3A : i32
    %add3A_17 = arith.constant 0 : i32
    %add3A_18 = arith.addi %mul3A_16, %add3A_17 : i32
    %dma_start3A = tpu.memref_slice %arg3[%add3A_18] : memref<320000xi32, #tpu.memory_space<hbm>> -> memref<400xi32, #tpu.memory_space<hbm>>
    %dma_start3A_19 = tpu.memref_slice %arg3[%add3A_18] : memref<320000xi32, #tpu.memory_space<hbm>> -> memref<400xi32, #tpu.memory_space<hbm>>
    tpu.enqueue_dma source(%dma_start3A_19 : memref<400xi32, #tpu.memory_space<hbm>>) target(%arg9 : memref<400xi32, #tpu.memory_space<vmem>>) target_semaphore(%arg16 : memref<!tpu.dma_semaphore, #tpu.memory_space<semaphore_mem>>)
    %dma_start3A_20 = tpu.memref_slice %arg4[%add3A_18] : memref<320000xi32, #tpu.memory_space<hbm>> -> memref<400xi32, #tpu.memory_space<hbm>>
    %dma_start3A_21 = tpu.memref_slice %arg4[%add3A_18] : memref<320000xi32, #tpu.memory_space<hbm>> -> memref<400xi32, #tpu.memory_space<hbm>>
    tpu.enqueue_dma source(%dma_start3A_21 : memref<400xi32, #tpu.memory_space<hbm>>) target(%arg11 : memref<400xi32, #tpu.memory_space<vmem>>) target_semaphore(%arg16 : memref<!tpu.dma_semaphore, #tpu.memory_space<semaphore_mem>>)
    %mul3A_22 = arith.constant 20000 : i32
    %mul3A_23 = arith.muli %arg1, %mul3A_22 : i32
    %add3A_24 = arith.constant 0 : i32
    %add3A_25 = arith.addi %mul3A_23, %add3A_24 : i32
    %dma_wait3A = tpu.memref_slice %arg3[%add3A_25] : memref<320000xi32, #tpu.memory_space<hbm>> -> memref<400xi32, #tpu.memory_space<hbm>>
    %dma_wait3A_26 = tpu.memref_slice %arg3[%add3A_25] : memref<320000xi32, #tpu.memory_space<hbm>> -> memref<400xi32, #tpu.memory_space<hbm>>
    tpu.wait_dma2 semaphore(%arg16 : memref<!tpu.dma_semaphore, #tpu.memory_space<semaphore_mem>>) src(%dma_wait3A_26 : memref<400xi32, #tpu.memory_space<hbm>>) dst(%arg9 : memref<400xi32, #tpu.memory_space<vmem>>)
    %dma_wait3A_27 = tpu.memref_slice %arg4[%add3A_25] : memref<320000xi32, #tpu.memory_space<hbm>> -> memref<400xi32, #tpu.memory_space<hbm>>
    %dma_wait3A_28 = tpu.memref_slice %arg4[%add3A_25] : memref<320000xi32, #tpu.memory_space<hbm>> -> memref<400xi32, #tpu.memory_space<hbm>>
    tpu.wait_dma2 semaphore(%arg16 : memref<!tpu.dma_semaphore, #tpu.memory_space<semaphore_mem>>) src(%dma_wait3A_28 : memref<400xi32, #tpu.memory_space<hbm>>) dst(%arg11 : memref<400xi32, #tpu.memory_space<vmem>>)
    %dma_start3A_29 = arith.constant 0 : i32
    %dma_start3A_30 = arith.constant 0 : i32
    %dma_start3A_31 = tpu.memref_slice %arg2[%add3A_6, %dma_start3A_29, %dma_start3A_30] : memref<4x10000x64xf32, #tpu.memory_space<hbm>> -> memref<1x10000x64xf32, #tpu.memory_space<hbm>>
    %dma_start3A_32 = tpu.memref_squeeze %dma_start3A_31 : memref<1x10000x64xf32, #tpu.memory_space<hbm>> -> memref<10000x64xf32, #tpu.memory_space<hbm>>
    %dma_start3A_33 = arith.constant 0 : i32
    %dma_start3A_34 = arith.constant 0 : i32
    %dma_start3A_35 = tpu.memref_slice %dma_start3A_32[%dma_start3A_33, %dma_start3A_34] : memref<10000x64xf32, #tpu.memory_space<hbm>> -> memref<10000x64xf32, #tpu.memory_space<hbm>>
    tpu.enqueue_indirect_dma source(%dma_start3A_35 : memref<10000x64xf32, #tpu.memory_space<hbm>>) target(%arg7 : memref<400x64xf32, #tpu.memory_space<vmem>>) offsets(%arg9 : memref<400xi32, #tpu.memory_space<vmem>>) semaphore(%arg14 : memref<!tpu.dma_semaphore, #tpu.memory_space<semaphore_mem>>)
    %mul3A_36 = arith.constant 20000 : i32
    %mul3A_37 = arith.muli %arg1, %mul3A_36 : i32
    %add3A_38 = arith.constant 400 : i32
    %add3A_39 = arith.addi %mul3A_37, %add3A_38 : i32
    %dma_start3A_40 = tpu.memref_slice %arg3[%add3A_39] : memref<320000xi32, #tpu.memory_space<hbm>> -> memref<400xi32, #tpu.memory_space<hbm>>
    %dma_start3A_41 = tpu.memref_slice %arg3[%add3A_39] : memref<320000xi32, #tpu.memory_space<hbm>> -> memref<400xi32, #tpu.memory_space<hbm>>
    tpu.enqueue_dma source(%dma_start3A_41 : memref<400xi32, #tpu.memory_space<hbm>>) target(%arg10 : memref<400xi32, #tpu.memory_space<vmem>>) target_semaphore(%arg17 : memref<!tpu.dma_semaphore, #tpu.memory_space<semaphore_mem>>)
    %dma_start3A_42 = tpu.memref_slice %arg4[%add3A_39] : memref<320000xi32, #tpu.memory_space<hbm>> -> memref<400xi32, #tpu.memory_space<hbm>>
    %dma_start3A_43 = tpu.memref_slice %arg4[%add3A_39] : memref<320000xi32, #tpu.memory_space<hbm>> -> memref<400xi32, #tpu.memory_space<hbm>>
    tpu.enqueue_dma source(%dma_start3A_43 : memref<400xi32, #tpu.memory_space<hbm>>) target(%arg12 : memref<400xi32, #tpu.memory_space<vmem>>) target_semaphore(%arg17 : memref<!tpu.dma_semaphore, #tpu.memory_space<semaphore_mem>>)
    %scan3A_44 = arith.constant 0 : i32
    %scan3A_45 = arith.constant 0 : i32
    %scan3A_46 = arith.constant 50 : i32
    %scan3A_47 = arith.addi %scan3A_45, %scan3A_46 : i32
    %scan3A_48 = arith.constant 1 : i32
    %scan3A_49 = scf.for %scan3A_124 = %scan3A_45 to %scan3A_47 step %scan3A_48 iter_args(%scan3A_125 = %scan3A_44) -> (i32)  : i32 {
      %rem3A = arith.constant 2 : i32
      %rem3A_126 = arith.remsi %scan3A_124, %rem3A : i32
      %eq3A_127 = arith.constant 0 : i32
      %eq3A_128 = arith.cmpi eq, %rem3A_126, %eq3A_127 : i32
      %convert_element_type3A_129 = arith.extui %eq3A_128 : i1 to i32
      %cond3A_130 = arith.constant 0 : i32
      %cond3A_131 = arith.cmpi ne, %convert_element_type3A_129, %cond3A_130 : i32
      scf.if %cond3A_131 {
        %dma_wait3A_140 = arith.constant 0 : i32
        %dma_wait3A_141 = arith.constant 0 : i32
        %dma_wait3A_142 = tpu.memref_slice %arg2[%add3A_6, %dma_wait3A_140, %dma_wait3A_141] : memref<4x10000x64xf32, #tpu.memory_space<hbm>> -> memref<1x10000x64xf32, #tpu.memory_space<hbm>>
        %dma_wait3A_143 = tpu.memref_squeeze %dma_wait3A_142 : memref<1x10000x64xf32, #tpu.memory_space<hbm>> -> memref<10000x64xf32, #tpu.memory_space<hbm>>
        %dma_wait3A_144 = arith.constant 0 : i32
        %dma_wait3A_145 = arith.constant 0 : i32
        %dma_wait3A_146 = tpu.memref_slice %dma_wait3A_143[%dma_wait3A_144, %dma_wait3A_145] : memref<10000x64xf32, #tpu.memory_space<hbm>> -> memref<10000x64xf32, #tpu.memory_space<hbm>>
        tpu.wait_indirect_dma semaphore(%arg14 : memref<!tpu.dma_semaphore, #tpu.memory_space<semaphore_mem>>) src(%dma_wait3A_146 : memref<10000x64xf32, #tpu.memory_space<hbm>>) dst(%arg7 : memref<400x64xf32, #tpu.memory_space<vmem>>)
        %add3A_147 = arith.constant 1 : i32
        %add3A_148 = arith.addi %scan3A_124, %add3A_147 : i32
        %lt3A = arith.constant 50 : i32
        %lt3A_149 = arith.cmpi slt, %add3A_148, %lt3A : i32
        %convert_element_type3A_150 = arith.extui %lt3A_149 : i1 to i32
        %cond3A_151 = arith.constant 0 : i32
        %cond3A_152 = arith.cmpi ne, %convert_element_type3A_150, %cond3A_151 : i32
        scf.if %cond3A_152 {
          %add3A_160 = arith.constant 1 : i32
          %add3A_161 = arith.addi %scan3A_124, %add3A_160 : i32
          %mul3A_162 = arith.constant 20000 : i32
          %mul3A_163 = arith.muli %arg1, %mul3A_162 : i32
          %mul3A_164 = arith.constant 400 : i32
          %mul3A_165 = arith.muli %add3A_161, %mul3A_164 : i32
          %add3A_166 = arith.addi %mul3A_163, %mul3A_165 : i32
          %dma_wait3A_167 = tpu.memref_slice %arg3[%add3A_166] : memref<320000xi32, #tpu.memory_space<hbm>> -> memref<400xi32, #tpu.memory_space<hbm>>
          %dma_wait3A_168 = tpu.memref_slice %arg3[%add3A_166] : memref<320000xi32, #tpu.memory_space<hbm>> -> memref<400xi32, #tpu.memory_space<hbm>>
          tpu.wait_dma2 semaphore(%arg17 : memref<!tpu.dma_semaphore, #tpu.memory_space<semaphore_mem>>) src(%dma_wait3A_168 : memref<400xi32, #tpu.memory_space<hbm>>) dst(%arg10 : memref<400xi32, #tpu.memory_space<vmem>>)
          %dma_wait3A_169 = tpu.memref_slice %arg4[%add3A_166] : memref<320000xi32, #tpu.memory_space<hbm>> -> memref<400xi32, #tpu.memory_space<hbm>>
          %dma_wait3A_170 = tpu.memref_slice %arg4[%add3A_166] : memref<320000xi32, #tpu.memory_space<hbm>> -> memref<400xi32, #tpu.memory_space<hbm>>
          tpu.wait_dma2 semaphore(%arg17 : memref<!tpu.dma_semaphore, #tpu.memory_space<semaphore_mem>>) src(%dma_wait3A_170 : memref<400xi32, #tpu.memory_space<hbm>>) dst(%arg12 : memref<400xi32, #tpu.memory_space<vmem>>)
          %dma_start3A_171 = arith.constant 0 : i32
          %dma_start3A_172 = arith.constant 0 : i32
          %dma_start3A_173 = tpu.memref_slice %arg2[%add3A_6, %dma_start3A_171, %dma_start3A_172] : memref<4x10000x64xf32, #tpu.memory_space<hbm>> -> memref<1x10000x64xf32, #tpu.memory_space<hbm>>
          %dma_start3A_174 = tpu.memref_squeeze %dma_start3A_173 : memref<1x10000x64xf32, #tpu.memory_space<hbm>> -> memref<10000x64xf32, #tpu.memory_space<hbm>>
          %dma_start3A_175 = arith.constant 0 : i32
          %dma_start3A_176 = arith.constant 0 : i32
          %dma_start3A_177 = tpu.memref_slice %dma_start3A_174[%dma_start3A_175, %dma_start3A_176] : memref<10000x64xf32, #tpu.memory_space<hbm>> -> memref<10000x64xf32, #tpu.memory_space<hbm>>
          tpu.enqueue_indirect_dma source(%dma_start3A_177 : memref<10000x64xf32, #tpu.memory_space<hbm>>) target(%arg8 : memref<400x64xf32, #tpu.memory_space<vmem>>) offsets(%arg10 : memref<400xi32, #tpu.memory_space<vmem>>) semaphore(%arg15 : memref<!tpu.dma_semaphore, #tpu.memory_space<semaphore_mem>>)
        } else {
        }
        "tpu.region"() ({
          %run_scoped3A = tpu.sem_alloc : memref<!tpu.dma_semaphore, #tpu.memory_space<semaphore_mem>>
          %dma_start3A_160 = arith.constant 0 : i32
          %dma_start3A_161 = arith.constant 0 : i32
          %dma_start3A_162 = tpu.memref_slice %arg6[%dma_start3A_160, %dma_start3A_161] : memref<10000x64xf32, #tpu.memory_space<vmem_shared>> -> memref<10000x64xf32, #tpu.memory_space<vmem_shared>>
          tpu.enqueue_indirect_dma source(%arg7 : memref<400x64xf32, #tpu.memory_space<vmem>>) target(%dma_start3A_162 : memref<10000x64xf32, #tpu.memory_space<vmem_shared>>) offsets(%arg11 : memref<400xi32, #tpu.memory_space<vmem>>) semaphore(%run_scoped3A : memref<!tpu.dma_semaphore, #tpu.memory_space<semaphore_mem>>) {add = true}
          %dma_wait3A_163 = arith.constant 0 : i32
          %dma_wait3A_164 = arith.constant 0 : i32
          %dma_wait3A_165 = tpu.memref_slice %arg6[%dma_wait3A_163, %dma_wait3A_164] : memref<10000x64xf32, #tpu.memory_space<vmem_shared>> -> memref<10000x64xf32, #tpu.memory_space<vmem_shared>>
          tpu.wait_indirect_dma semaphore(%run_scoped3A : memref<!tpu.dma_semaphore, #tpu.memory_space<semaphore_mem>>) src(%arg7 : memref<400x64xf32, #tpu.memory_space<vmem>>) dst(%dma_wait3A_165 : memref<10000x64xf32, #tpu.memory_space<vmem_shared>>)
          tpu.yield
        }) : () -> ()
        %add3A_153 = arith.constant 2 : i32
        %add3A_154 = arith.addi %scan3A_124, %add3A_153 : i32
        %lt3A_155 = arith.constant 50 : i32
        %lt3A_156 = arith.cmpi slt, %add3A_154, %lt3A_155 : i32
        %convert_element_type3A_157 = arith.extui %lt3A_156 : i1 to i32
        %cond3A_158 = arith.constant 0 : i32
        %cond3A_159 = arith.cmpi ne, %convert_element_type3A_157, %cond3A_158 : i32
        scf.if %cond3A_159 {
          %add3A_160 = arith.constant 2 : i32
          %add3A_161 = arith.addi %scan3A_124, %add3A_160 : i32
          %mul3A_162 = arith.constant 20000 : i32
          %mul3A_163 = arith.muli %arg1, %mul3A_162 : i32
          %mul3A_164 = arith.constant 400 : i32
          %mul3A_165 = arith.muli %add3A_161, %mul3A_164 : i32
          %add3A_166 = arith.addi %mul3A_163, %mul3A_165 : i32
          %dma_start3A_167 = tpu.memref_slice %arg3[%add3A_166] : memref<320000xi32, #tpu.memory_space<hbm>> -> memref<400xi32, #tpu.memory_space<hbm>>
          %dma_start3A_168 = tpu.memref_slice %arg3[%add3A_166] : memref<320000xi32, #tpu.memory_space<hbm>> -> memref<400xi32, #tpu.memory_space<hbm>>
          tpu.enqueue_dma source(%dma_start3A_168 : memref<400xi32, #tpu.memory_space<hbm>>) target(%arg9 : memref<400xi32, #tpu.memory_space<vmem>>) target_semaphore(%arg16 : memref<!tpu.dma_semaphore, #tpu.memory_space<semaphore_mem>>)
          %dma_start3A_169 = tpu.memref_slice %arg4[%add3A_166] : memref<320000xi32, #tpu.memory_space<hbm>> -> memref<400xi32, #tpu.memory_space<hbm>>
          %dma_start3A_170 = tpu.memref_slice %arg4[%add3A_166] : memref<320000xi32, #tpu.memory_space<hbm>> -> memref<400xi32, #tpu.memory_space<hbm>>
          tpu.enqueue_dma source(%dma_start3A_170 : memref<400xi32, #tpu.memory_space<hbm>>) target(%arg11 : memref<400xi32, #tpu.memory_space<vmem>>) target_semaphore(%arg16 : memref<!tpu.dma_semaphore, #tpu.memory_space<semaphore_mem>>)
        } else {
        }
      } else {
      }
      %rem3A_132 = arith.constant 2 : i32
      %rem3A_133 = arith.remsi %scan3A_124, %rem3A_132 : i32
      %eq3A_134 = arith.constant 1 : i32
      %eq3A_135 = arith.cmpi eq, %rem3A_133, %eq3A_134 : i32
      %convert_element_type3A_136 = arith.extui %eq3A_135 : i1 to i32
      %cond3A_137 = arith.constant 0 : i32
      %cond3A_138 = arith.cmpi ne, %convert_element_type3A_136, %cond3A_137 : i32
      scf.if %cond3A_138 {
        %dma_wait3A_140 = arith.constant 0 : i32
        %dma_wait3A_141 = arith.constant 0 : i32
        %dma_wait3A_142 = tpu.memref_slice %arg2[%add3A_6, %dma_wait3A_140, %dma_wait3A_141] : memref<4x10000x64xf32, #tpu.memory_space<hbm>> -> memref<1x10000x64xf32, #tpu.memory_space<hbm>>
        %dma_wait3A_143 = tpu.memref_squeeze %dma_wait3A_142 : memref<1x10000x64xf32, #tpu.memory_space<hbm>> -> memref<10000x64xf32, #tpu.memory_space<hbm>>
        %dma_wait3A_144 = arith.constant 0 : i32
        %dma_wait3A_145 = arith.constant 0 : i32
        %dma_wait3A_146 = tpu.memref_slice %dma_wait3A_143[%dma_wait3A_144, %dma_wait3A_145] : memref<10000x64xf32, #tpu.memory_space<hbm>> -> memref<10000x64xf32, #tpu.memory_space<hbm>>
        tpu.wait_indirect_dma semaphore(%arg15 : memref<!tpu.dma_semaphore, #tpu.memory_space<semaphore_mem>>) src(%dma_wait3A_146 : memref<10000x64xf32, #tpu.memory_space<hbm>>) dst(%arg8 : memref<400x64xf32, #tpu.memory_space<vmem>>)
        %add3A_147 = arith.constant 1 : i32
        %add3A_148 = arith.addi %scan3A_124, %add3A_147 : i32
        %lt3A = arith.constant 50 : i32
        %lt3A_149 = arith.cmpi slt, %add3A_148, %lt3A : i32
        %convert_element_type3A_150 = arith.extui %lt3A_149 : i1 to i32
        %cond3A_151 = arith.constant 0 : i32
        %cond3A_152 = arith.cmpi ne, %convert_element_type3A_150, %cond3A_151 : i32
        scf.if %cond3A_152 {
          %add3A_160 = arith.constant 1 : i32
          %add3A_161 = arith.addi %scan3A_124, %add3A_160 : i32
          %mul3A_162 = arith.constant 20000 : i32
          %mul3A_163 = arith.muli %arg1, %mul3A_162 : i32
          %mul3A_164 = arith.constant 400 : i32
          %mul3A_165 = arith.muli %add3A_161, %mul3A_164 : i32
          %add3A_166 = arith.addi %mul3A_163, %mul3A_165 : i32
          %dma_wait3A_167 = tpu.memref_slice %arg3[%add3A_166] : memref<320000xi32, #tpu.memory_space<hbm>> -> memref<400xi32, #tpu.memory_space<hbm>>
          %dma_wait3A_168 = tpu.memref_slice %arg3[%add3A_166] : memref<320000xi32, #tpu.memory_space<hbm>> -> memref<400xi32, #tpu.memory_space<hbm>>
          tpu.wait_dma2 semaphore(%arg16 : memref<!tpu.dma_semaphore, #tpu.memory_space<semaphore_mem>>) src(%dma_wait3A_168 : memref<400xi32, #tpu.memory_space<hbm>>) dst(%arg9 : memref<400xi32, #tpu.memory_space<vmem>>)
          %dma_wait3A_169 = tpu.memref_slice %arg4[%add3A_166] : memref<320000xi32, #tpu.memory_space<hbm>> -> memref<400xi32, #tpu.memory_space<hbm>>
          %dma_wait3A_170 = tpu.memref_slice %arg4[%add3A_166] : memref<320000xi32, #tpu.memory_space<hbm>> -> memref<400xi32, #tpu.memory_space<hbm>>
          tpu.wait_dma2 semaphore(%arg16 : memref<!tpu.dma_semaphore, #tpu.memory_space<semaphore_mem>>) src(%dma_wait3A_170 : memref<400xi32, #tpu.memory_space<hbm>>) dst(%arg11 : memref<400xi32, #tpu.memory_space<vmem>>)
          %dma_start3A_171 = arith.constant 0 : i32
          %dma_start3A_172 = arith.constant 0 : i32
          %dma_start3A_173 = tpu.memref_slice %arg2[%add3A_6, %dma_start3A_171, %dma_start3A_172] : memref<4x10000x64xf32, #tpu.memory_space<hbm>> -> memref<1x10000x64xf32, #tpu.memory_space<hbm>>
          %dma_start3A_174 = tpu.memref_squeeze %dma_start3A_173 : memref<1x10000x64xf32, #tpu.memory_space<hbm>> -> memref<10000x64xf32, #tpu.memory_space<hbm>>
          %dma_start3A_175 = arith.constant 0 : i32
          %dma_start3A_176 = arith.constant 0 : i32
          %dma_start3A_177 = tpu.memref_slice %dma_start3A_174[%dma_start3A_175, %dma_start3A_176] : memref<10000x64xf32, #tpu.memory_space<hbm>> -> memref<10000x64xf32, #tpu.memory_space<hbm>>
          tpu.enqueue_indirect_dma source(%dma_start3A_177 : memref<10000x64xf32, #tpu.memory_space<hbm>>) target(%arg7 : memref<400x64xf32, #tpu.memory_space<vmem>>) offsets(%arg9 : memref<400xi32, #tpu.memory_space<vmem>>) semaphore(%arg14 : memref<!tpu.dma_semaphore, #tpu.memory_space<semaphore_mem>>)
        } else {
        }
        "tpu.region"() ({
          %run_scoped3A = tpu.sem_alloc : memref<!tpu.dma_semaphore, #tpu.memory_space<semaphore_mem>>
          %dma_start3A_160 = arith.constant 0 : i32
          %dma_start3A_161 = arith.constant 0 : i32
          %dma_start3A_162 = tpu.memref_slice %arg6[%dma_start3A_160, %dma_start3A_161] : memref<10000x64xf32, #tpu.memory_space<vmem_shared>> -> memref<10000x64xf32, #tpu.memory_space<vmem_shared>>
          tpu.enqueue_indirect_dma source(%arg8 : memref<400x64xf32, #tpu.memory_space<vmem>>) target(%dma_start3A_162 : memref<10000x64xf32, #tpu.memory_space<vmem_shared>>) offsets(%arg12 : memref<400xi32, #tpu.memory_space<vmem>>) semaphore(%run_scoped3A : memref<!tpu.dma_semaphore, #tpu.memory_space<semaphore_mem>>) {add = true}
          %dma_wait3A_163 = arith.constant 0 : i32
          %dma_wait3A_164 = arith.constant 0 : i32
          %dma_wait3A_165 = tpu.memref_slice %arg6[%dma_wait3A_163, %dma_wait3A_164] : memref<10000x64xf32, #tpu.memory_space<vmem_shared>> -> memref<10000x64xf32, #tpu.memory_space<vmem_shared>>
          tpu.wait_indirect_dma semaphore(%run_scoped3A : memref<!tpu.dma_semaphore, #tpu.memory_space<semaphore_mem>>) src(%arg8 : memref<400x64xf32, #tpu.memory_space<vmem>>) dst(%dma_wait3A_165 : memref<10000x64xf32, #tpu.memory_space<vmem_shared>>)
          tpu.yield
        }) : () -> ()
        %add3A_153 = arith.constant 2 : i32
        %add3A_154 = arith.addi %scan3A_124, %add3A_153 : i32
        %lt3A_155 = arith.constant 50 : i32
        %lt3A_156 = arith.cmpi slt, %add3A_154, %lt3A_155 : i32
        %convert_element_type3A_157 = arith.extui %lt3A_156 : i1 to i32
        %cond3A_158 = arith.constant 0 : i32
        %cond3A_159 = arith.cmpi ne, %convert_element_type3A_157, %cond3A_158 : i32
        scf.if %cond3A_159 {
          %add3A_160 = arith.constant 2 : i32
          %add3A_161 = arith.addi %scan3A_124, %add3A_160 : i32
          %mul3A_162 = arith.constant 20000 : i32
          %mul3A_163 = arith.muli %arg1, %mul3A_162 : i32
          %mul3A_164 = arith.constant 400 : i32
          %mul3A_165 = arith.muli %add3A_161, %mul3A_164 : i32
          %add3A_166 = arith.addi %mul3A_163, %mul3A_165 : i32
          %dma_start3A_167 = tpu.memref_slice %arg3[%add3A_166] : memref<320000xi32, #tpu.memory_space<hbm>> -> memref<400xi32, #tpu.memory_space<hbm>>
          %dma_start3A_168 = tpu.memref_slice %arg3[%add3A_166] : memref<320000xi32, #tpu.memory_space<hbm>> -> memref<400xi32, #tpu.memory_space<hbm>>
          tpu.enqueue_dma source(%dma_start3A_168 : memref<400xi32, #tpu.memory_space<hbm>>) target(%arg10 : memref<400xi32, #tpu.memory_space<vmem>>) target_semaphore(%arg17 : memref<!tpu.dma_semaphore, #tpu.memory_space<semaphore_mem>>)
          %dma_start3A_169 = tpu.memref_slice %arg4[%add3A_166] : memref<320000xi32, #tpu.memory_space<hbm>> -> memref<400xi32, #tpu.memory_space<hbm>>
          %dma_start3A_170 = tpu.memref_slice %arg4[%add3A_166] : memref<320000xi32, #tpu.memory_space<hbm>> -> memref<400xi32, #tpu.memory_space<hbm>>
          tpu.enqueue_dma source(%dma_start3A_170 : memref<400xi32, #tpu.memory_space<hbm>>) target(%arg12 : memref<400xi32, #tpu.memory_space<vmem>>) target_semaphore(%arg17 : memref<!tpu.dma_semaphore, #tpu.memory_space<semaphore_mem>>)
        } else {
        }
      } else {
      }
      %scan3A_139 = arith.constant 0 : i32
      scf.yield %scan3A_139 : i32
    }
    %scan3A_50 = arith.constant 50 : i32
    %barrier3A_51 = arith.constant 0 : index
    tpu.barrier barrier_id(%barrier3A_51)
    %mul3A_52 = arith.constant 624 : i32
    %mul3A_53 = arith.muli %arg1, %mul3A_52 : i32
    %mul3A_54 = arith.constant 624 : i32
    %mul3A_55 = arith.muli %arg1, %mul3A_54 : i32
    "tpu.region"() ({
      %run_scoped3A = tpu.sem_alloc : memref<!tpu.dma_semaphore, #tpu.memory_space<semaphore_mem>>
      %dma_start3A_124 = arith.constant 0 : i32
      %dma_start3A_125 = tpu.memref_slice %arg5[%add3A_6, %mul3A_55, %dma_start3A_124] : memref<4x10000x64xf32, #tpu.memory_space<hbm>> -> memref<1x624x64xf32, #tpu.memory_space<hbm>>
      %dma_start3A_126 = tpu.memref_squeeze %dma_start3A_125 : memref<1x624x64xf32, #tpu.memory_space<hbm>> -> memref<624x64xf32, #tpu.memory_space<hbm>>
      %dma_start3A_127 = arith.constant 0 : i32
      %dma_start3A_128 = tpu.memref_slice %arg6[%mul3A_53, %dma_start3A_127] : memref<10000x64xf32, #tpu.memory_space<vmem_shared>> -> memref<624x64xf32, #tpu.memory_space<vmem_shared>>
      tpu.enqueue_dma source(%dma_start3A_128 : memref<624x64xf32, #tpu.memory_space<vmem_shared>>) target(%dma_start3A_126 : memref<624x64xf32, #tpu.memory_space<hbm>>) target_semaphore(%run_scoped3A : memref<!tpu.dma_semaphore, #tpu.memory_space<semaphore_mem>>)
      %dma_wait3A_129 = arith.constant 0 : i32
      %dma_wait3A_130 = tpu.memref_slice %arg5[%add3A_6, %mul3A_55, %dma_wait3A_129] : memref<4x10000x64xf32, #tpu.memory_space<hbm>> -> memref<1x624x64xf32, #tpu.memory_space<hbm>>
      %dma_wait3A_131 = tpu.memref_squeeze %dma_wait3A_130 : memref<1x624x64xf32, #tpu.memory_space<hbm>> -> memref<624x64xf32, #tpu.memory_space<hbm>>
      %dma_wait3A_132 = arith.constant 0 : i32
      %dma_wait3A_133 = tpu.memref_slice %arg6[%mul3A_53, %dma_wait3A_132] : memref<10000x64xf32, #tpu.memory_space<vmem_shared>> -> memref<624x64xf32, #tpu.memory_space<vmem_shared>>
      tpu.wait_dma2 semaphore(%run_scoped3A : memref<!tpu.dma_semaphore, #tpu.memory_space<semaphore_mem>>) src(%dma_wait3A_133 : memref<624x64xf32, #tpu.memory_space<vmem_shared>>) dst(%dma_wait3A_131 : memref<624x64xf32, #tpu.memory_space<hbm>>)
      tpu.yield
    }) : () -> ()
    %eq3A_56 = arith.constant 15 : i32
    %eq3A_57 = arith.cmpi eq, %arg1, %eq3A_56 : i32
    %convert_element_type3A_58 = arith.extui %eq3A_57 : i1 to i32
    %cond3A_59 = arith.constant 0 : i32
    %cond3A_60 = arith.cmpi ne, %convert_element_type3A_58, %cond3A_59 : i32
    scf.if %cond3A_60 {
      "tpu.region"() ({
        %run_scoped3A = tpu.sem_alloc : memref<!tpu.dma_semaphore, #tpu.memory_space<semaphore_mem>>
        %dma_start3A_124 = arith.constant 9984 : i32
        %dma_start3A_125 = arith.constant 0 : i32
        %dma_start3A_126 = tpu.memref_slice %arg5[%add3A_6, %dma_start3A_124, %dma_start3A_125] : memref<4x10000x64xf32, #tpu.memory_space<hbm>> -> memref<1x16x64xf32, #tpu.memory_space<hbm>>
        %dma_start3A_127 = tpu.memref_squeeze %dma_start3A_126 : memref<1x16x64xf32, #tpu.memory_space<hbm>> -> memref<16x64xf32, #tpu.memory_space<hbm>>
        %dma_start3A_128 = arith.constant 9984 : i32
        %dma_start3A_129 = arith.constant 0 : i32
        %dma_start3A_130 = tpu.memref_slice %arg6[%dma_start3A_128, %dma_start3A_129] : memref<10000x64xf32, #tpu.memory_space<vmem_shared>> -> memref<16x64xf32, #tpu.memory_space<vmem_shared>>
        tpu.enqueue_dma source(%dma_start3A_130 : memref<16x64xf32, #tpu.memory_space<vmem_shared>>) target(%dma_start3A_127 : memref<16x64xf32, #tpu.memory_space<hbm>>) target_semaphore(%run_scoped3A : memref<!tpu.dma_semaphore, #tpu.memory_space<semaphore_mem>>)
        %dma_wait3A_131 = arith.constant 9984 : i32
        %dma_wait3A_132 = arith.constant 0 : i32
        %dma_wait3A_133 = tpu.memref_slice %arg5[%add3A_6, %dma_wait3A_131, %dma_wait3A_132] : memref<4x10000x64xf32, #tpu.memory_space<hbm>> -> memref<1x16x64xf32, #tpu.memory_space<hbm>>
        %dma_wait3A_134 = tpu.memref_squeeze %dma_wait3A_133 : memref<1x16x64xf32, #tpu.memory_space<hbm>> -> memref<16x64xf32, #tpu.memory_space<hbm>>
        %dma_wait3A_135 = arith.constant 9984 : i32
        %dma_wait3A_136 = arith.constant 0 : i32
        %dma_wait3A_137 = tpu.memref_slice %arg6[%dma_wait3A_135, %dma_wait3A_136] : memref<10000x64xf32, #tpu.memory_space<vmem_shared>> -> memref<16x64xf32, #tpu.memory_space<vmem_shared>>
        tpu.wait_dma2 semaphore(%run_scoped3A : memref<!tpu.dma_semaphore, #tpu.memory_space<semaphore_mem>>) src(%dma_wait3A_137 : memref<16x64xf32, #tpu.memory_space<vmem_shared>>) dst(%dma_wait3A_134 : memref<16x64xf32, #tpu.memory_space<hbm>>)
        tpu.yield
      }) : () -> ()
    } else {
    }
    %add3A_61 = arith.constant 2 : i32
    %add3A_62 = arith.addi %add3A_61, %arg0 : i32
    %scan3A_63 = arith.constant 0 : i32
    %scan3A_64 = arith.constant 0 : i32
    %scan3A_65 = arith.constant 8 : i32
    %scan3A_66 = arith.addi %scan3A_64, %scan3A_65 : i32
    %scan3A_67 = arith.constant 1 : i32
    %scan3A_68 = scf.for %scan3A_124 = %scan3A_64 to %scan3A_66 step %scan3A_67 iter_args(%scan3A_125 = %scan3A_63) -> (i32)  : i32 {
      %mul3A_126 = arith.constant 624 : i32
      %mul3A_127 = arith.muli %arg1, %mul3A_126 : i32
      %mul3A_128 = arith.constant 78 : i32
      %mul3A_129 = arith.muli %scan3A_124, %mul3A_128 : i32
      %add3A_130 = arith.addi %mul3A_127, %mul3A_129 : i32
      "tpu.region"() ({
        %run_scoped3A = tpu.sem_alloc : memref<!tpu.dma_semaphore, #tpu.memory_space<semaphore_mem>>
        %dma_start3A_132 = arith.constant 0 : i32
        %dma_start3A_133 = tpu.memref_slice %arg6[%add3A_130, %dma_start3A_132] : memref<10000x64xf32, #tpu.memory_space<vmem_shared>> -> memref<78x64xf32, #tpu.memory_space<vmem_shared>>
        %dma_start3A_134 = arith.constant 0 : i32
        %dma_start3A_135 = tpu.memref_slice %arg6[%add3A_130, %dma_start3A_134] : memref<10000x64xf32, #tpu.memory_space<vmem_shared>> -> memref<78x64xf32, #tpu.memory_space<vmem_shared>>
        tpu.enqueue_dma source(%arg13 : memref<78x64xf32, #tpu.memory_space<vmem>>) target(%dma_start3A_135 : memref<78x64xf32, #tpu.memory_space<vmem_shared>>) target_semaphore(%run_scoped3A : memref<!tpu.dma_semaphore, #tpu.memory_space<semaphore_mem>>)
        %dma_wait3A_136 = arith.constant 0 : i32
        %dma_wait3A_137 = tpu.memref_slice %arg6[%add3A_130, %dma_wait3A_136] : memref<10000x64xf32, #tpu.memory_space<vmem_shared>> -> memref<78x64xf32, #tpu.memory_space<vmem_shared>>
        %dma_wait3A_138 = arith.constant 0 : i32
        %dma_wait3A_139 = tpu.memref_slice %arg6[%add3A_130, %dma_wait3A_138] : memref<10000x64xf32, #tpu.memory_space<vmem_shared>> -> memref<78x64xf32, #tpu.memory_space<vmem_shared>>
        tpu.wait_dma2 semaphore(%run_scoped3A : memref<!tpu.dma_semaphore, #tpu.memory_space<semaphore_mem>>) src(%arg13 : memref<78x64xf32, #tpu.memory_space<vmem>>) dst(%dma_wait3A_139 : memref<78x64xf32, #tpu.memory_space<vmem_shared>>)
        tpu.yield
      }) : () -> ()
      %scan3A_131 = arith.constant 0 : i32
      scf.yield %scan3A_131 : i32
    }
    %scan3A_69 = arith.constant 8 : i32
    %eq3A_70 = arith.constant 15 : i32
    %eq3A_71 = arith.cmpi eq, %arg1, %eq3A_70 : i32
    %convert_element_type3A_72 = arith.extui %eq3A_71 : i1 to i32
    %cond3A_73 = arith.constant 0 : i32
    %cond3A_74 = arith.cmpi ne, %convert_element_type3A_72, %cond3A_73 : i32
    scf.if %cond3A_74 {
      "tpu.region"() ({
        %run_scoped3A = tpu.sem_alloc : memref<!tpu.dma_semaphore, #tpu.memory_space<semaphore_mem>>
        %dma_start3A_124 = arith.constant 0 : i32
        %dma_start3A_125 = arith.constant 0 : i32
        %dma_start3A_126 = tpu.memref_slice %arg13[%dma_start3A_124, %dma_start3A_125] : memref<78x64xf32, #tpu.memory_space<vmem>> -> memref<16x64xf32, #tpu.memory_space<vmem>>
        %dma_start3A_127 = arith.constant 9984 : i32
        %dma_start3A_128 = arith.constant 0 : i32
        %dma_start3A_129 = tpu.memref_slice %arg6[%dma_start3A_127, %dma_start3A_128] : memref<10000x64xf32, #tpu.memory_space<vmem_shared>> -> memref<16x64xf32, #tpu.memory_space<vmem_shared>>
        %dma_start3A_130 = arith.constant 9984 : i32
        %dma_start3A_131 = arith.constant 0 : i32
        %dma_start3A_132 = tpu.memref_slice %arg6[%dma_start3A_130, %dma_start3A_131] : memref<10000x64xf32, #tpu.memory_space<vmem_shared>> -> memref<16x64xf32, #tpu.memory_space<vmem_shared>>
        %dma_start3A_133 = arith.constant 0 : i32
        %dma_start3A_134 = arith.constant 0 : i32
        %dma_start3A_135 = tpu.memref_slice %arg13[%dma_start3A_133, %dma_start3A_134] : memref<78x64xf32, #tpu.memory_space<vmem>> -> memref<16x64xf32, #tpu.memory_space<vmem>>
        tpu.enqueue_dma source(%dma_start3A_135 : memref<16x64xf32, #tpu.memory_space<vmem>>) target(%dma_start3A_132 : memref<16x64xf32, #tpu.memory_space<vmem_shared>>) target_semaphore(%run_scoped3A : memref<!tpu.dma_semaphore, #tpu.memory_space<semaphore_mem>>)
        %dma_wait3A_136 = arith.constant 0 : i32
        %dma_wait3A_137 = arith.constant 0 : i32
        %dma_wait3A_138 = tpu.memref_slice %arg13[%dma_wait3A_136, %dma_wait3A_137] : memref<78x64xf32, #tpu.memory_space<vmem>> -> memref<16x64xf32, #tpu.memory_space<vmem>>
        %dma_wait3A_139 = arith.constant 9984 : i32
        %dma_wait3A_140 = arith.constant 0 : i32
        %dma_wait3A_141 = tpu.memref_slice %arg6[%dma_wait3A_139, %dma_wait3A_140] : memref<10000x64xf32, #tpu.memory_space<vmem_shared>> -> memref<16x64xf32, #tpu.memory_space<vmem_shared>>
        %dma_wait3A_142 = arith.constant 9984 : i32
        %dma_wait3A_143 = arith.constant 0 : i32
        %dma_wait3A_144 = tpu.memref_slice %arg6[%dma_wait3A_142, %dma_wait3A_143] : memref<10000x64xf32, #tpu.memory_space<vmem_shared>> -> memref<16x64xf32, #tpu.memory_space<vmem_shared>>
        %dma_wait3A_145 = arith.constant 0 : i32
        %dma_wait3A_146 = arith.constant 0 : i32
        %dma_wait3A_147 = tpu.memref_slice %arg13[%dma_wait3A_145, %dma_wait3A_146] : memref<78x64xf32, #tpu.memory_space<vmem>> -> memref<16x64xf32, #tpu.memory_space<vmem>>
        tpu.wait_dma2 semaphore(%run_scoped3A : memref<!tpu.dma_semaphore, #tpu.memory_space<semaphore_mem>>) src(%dma_wait3A_147 : memref<16x64xf32, #tpu.memory_space<vmem>>) dst(%dma_wait3A_144 : memref<16x64xf32, #tpu.memory_space<vmem_shared>>)
        tpu.yield
      }) : () -> ()
    } else {
    }
    %barrier3A_75 = arith.constant 0 : index
    tpu.barrier barrier_id(%barrier3A_75)
    %mul3A_76 = arith.constant 20000 : i32
    %mul3A_77 = arith.muli %arg1, %mul3A_76 : i32
    %add3A_78 = arith.constant 0 : i32
    %add3A_79 = arith.addi %mul3A_77, %add3A_78 : i32
    %dma_start3A_80 = tpu.memref_slice %arg3[%add3A_79] : memref<320000xi32, #tpu.memory_space<hbm>> -> memref<400xi32, #tpu.memory_space<hbm>>
    %dma_start3A_81 = tpu.memref_slice %arg3[%add3A_79] : memref<320000xi32, #tpu.memory_space<hbm>> -> memref<400xi32, #tpu.memory_space<hbm>>
    tpu.enqueue_dma source(%dma_start3A_81 : memref<400xi32, #tpu.memory_space<hbm>>) target(%arg9 : memref<400xi32, #tpu.memory_space<vmem>>) target_semaphore(%arg16 : memref<!tpu.dma_semaphore, #tpu.memory_space<semaphore_mem>>)
    %dma_start3A_82 = tpu.memref_slice %arg4[%add3A_79] : memref<320000xi32, #tpu.memory_space<hbm>> -> memref<400xi32, #tpu.memory_space<hbm>>
    %dma_start3A_83 = tpu.memref_slice %arg4[%add3A_79] : memref<320000xi32, #tpu.memory_space<hbm>> -> memref<400xi32, #tpu.memory_space<hbm>>
    tpu.enqueue_dma source(%dma_start3A_83 : memref<400xi32, #tpu.memory_space<hbm>>) target(%arg11 : memref<400xi32, #tpu.memory_space<vmem>>) target_semaphore(%arg16 : memref<!tpu.dma_semaphore, #tpu.memory_space<semaphore_mem>>)
    %mul3A_84 = arith.constant 20000 : i32
    %mul3A_85 = arith.muli %arg1, %mul3A_84 : i32
    %add3A_86 = arith.constant 0 : i32
    %add3A_87 = arith.addi %mul3A_85, %add3A_86 : i32
    %dma_wait3A_88 = tpu.memref_slice %arg3[%add3A_87] : memref<320000xi32, #tpu.memory_space<hbm>> -> memref<400xi32, #tpu.memory_space<hbm>>
    %dma_wait3A_89 = tpu.memref_slice %arg3[%add3A_87] : memref<320000xi32, #tpu.memory_space<hbm>> -> memref<400xi32, #tpu.memory_space<hbm>>
    tpu.wait_dma2 semaphore(%arg16 : memref<!tpu.dma_semaphore, #tpu.memory_space<semaphore_mem>>) src(%dma_wait3A_89 : memref<400xi32, #tpu.memory_space<hbm>>) dst(%arg9 : memref<400xi32, #tpu.memory_space<vmem>>)
    %dma_wait3A_90 = tpu.memref_slice %arg4[%add3A_87] : memref<320000xi32, #tpu.memory_space<hbm>> -> memref<400xi32, #tpu.memory_space<hbm>>
    %dma_wait3A_91 = tpu.memref_slice %arg4[%add3A_87] : memref<320000xi32, #tpu.memory_space<hbm>> -> memref<400xi32, #tpu.memory_space<hbm>>
    tpu.wait_dma2 semaphore(%arg16 : memref<!tpu.dma_semaphore, #tpu.memory_space<semaphore_mem>>) src(%dma_wait3A_91 : memref<400xi32, #tpu.memory_space<hbm>>) dst(%arg11 : memref<400xi32, #tpu.memory_space<vmem>>)
    %dma_start3A_92 = arith.constant 0 : i32
    %dma_start3A_93 = arith.constant 0 : i32
    %dma_start3A_94 = tpu.memref_slice %arg2[%add3A_62, %dma_start3A_92, %dma_start3A_93] : memref<4x10000x64xf32, #tpu.memory_space<hbm>> -> memref<1x10000x64xf32, #tpu.memory_space<hbm>>
    %dma_start3A_95 = tpu.memref_squeeze %dma_start3A_94 : memref<1x10000x64xf32, #tpu.memory_space<hbm>> -> memref<10000x64xf32, #tpu.memory_space<hbm>>
    %dma_start3A_96 = arith.constant 0 : i32
    %dma_start3A_97 = arith.constant 0 : i32
    %dma_start3A_98 = tpu.memref_slice %dma_start3A_95[%dma_start3A_96, %dma_start3A_97] : memref<10000x64xf32, #tpu.memory_space<hbm>> -> memref<10000x64xf32, #tpu.memory_space<hbm>>
    tpu.enqueue_indirect_dma source(%dma_start3A_98 : memref<10000x64xf32, #tpu.memory_space<hbm>>) target(%arg7 : memref<400x64xf32, #tpu.memory_space<vmem>>) offsets(%arg9 : memref<400xi32, #tpu.memory_space<vmem>>) semaphore(%arg14 : memref<!tpu.dma_semaphore, #tpu.memory_space<semaphore_mem>>)
    %mul3A_99 = arith.constant 20000 : i32
    %mul3A_100 = arith.muli %arg1, %mul3A_99 : i32
    %add3A_101 = arith.constant 400 : i32
    %add3A_102 = arith.addi %mul3A_100, %add3A_101 : i32
    %dma_start3A_103 = tpu.memref_slice %arg3[%add3A_102] : memref<320000xi32, #tpu.memory_space<hbm>> -> memref<400xi32, #tpu.memory_space<hbm>>
    %dma_start3A_104 = tpu.memref_slice %arg3[%add3A_102] : memref<320000xi32, #tpu.memory_space<hbm>> -> memref<400xi32, #tpu.memory_space<hbm>>
    tpu.enqueue_dma source(%dma_start3A_104 : memref<400xi32, #tpu.memory_space<hbm>>) target(%arg10 : memref<400xi32, #tpu.memory_space<vmem>>) target_semaphore(%arg17 : memref<!tpu.dma_semaphore, #tpu.memory_space<semaphore_mem>>)
    %dma_start3A_105 = tpu.memref_slice %arg4[%add3A_102] : memref<320000xi32, #tpu.memory_space<hbm>> -> memref<400xi32, #tpu.memory_space<hbm>>
    %dma_start3A_106 = tpu.memref_slice %arg4[%add3A_102] : memref<320000xi32, #tpu.memory_space<hbm>> -> memref<400xi32, #tpu.memory_space<hbm>>
    tpu.enqueue_dma source(%dma_start3A_106 : memref<400xi32, #tpu.memory_space<hbm>>) target(%arg12 : memref<400xi32, #tpu.memory_space<vmem>>) target_semaphore(%arg17 : memref<!tpu.dma_semaphore, #tpu.memory_space<semaphore_mem>>)
    %scan3A_107 = arith.constant 0 : i32
    %scan3A_108 = arith.constant 0 : i32
    %scan3A_109 = arith.constant 50 : i32
    %scan3A_110 = arith.addi %scan3A_108, %scan3A_109 : i32
    %scan3A_111 = arith.constant 1 : i32
    %scan3A_112 = scf.for %scan3A_124 = %scan3A_108 to %scan3A_110 step %scan3A_111 iter_args(%scan3A_125 = %scan3A_107) -> (i32)  : i32 {
      %rem3A = arith.constant 2 : i32
      %rem3A_126 = arith.remsi %scan3A_124, %rem3A : i32
      %eq3A_127 = arith.constant 0 : i32
      %eq3A_128 = arith.cmpi eq, %rem3A_126, %eq3A_127 : i32
      %convert_element_type3A_129 = arith.extui %eq3A_128 : i1 to i32
      %cond3A_130 = arith.constant 0 : i32
      %cond3A_131 = arith.cmpi ne, %convert_element_type3A_129, %cond3A_130 : i32
      scf.if %cond3A_131 {
        %dma_wait3A_140 = arith.constant 0 : i32
        %dma_wait3A_141 = arith.constant 0 : i32
        %dma_wait3A_142 = tpu.memref_slice %arg2[%add3A_62, %dma_wait3A_140, %dma_wait3A_141] : memref<4x10000x64xf32, #tpu.memory_space<hbm>> -> memref<1x10000x64xf32, #tpu.memory_space<hbm>>
        %dma_wait3A_143 = tpu.memref_squeeze %dma_wait3A_142 : memref<1x10000x64xf32, #tpu.memory_space<hbm>> -> memref<10000x64xf32, #tpu.memory_space<hbm>>
        %dma_wait3A_144 = arith.constant 0 : i32
        %dma_wait3A_145 = arith.constant 0 : i32
        %dma_wait3A_146 = tpu.memref_slice %dma_wait3A_143[%dma_wait3A_144, %dma_wait3A_145] : memref<10000x64xf32, #tpu.memory_space<hbm>> -> memref<10000x64xf32, #tpu.memory_space<hbm>>
        tpu.wait_indirect_dma semaphore(%arg14 : memref<!tpu.dma_semaphore, #tpu.memory_space<semaphore_mem>>) src(%dma_wait3A_146 : memref<10000x64xf32, #tpu.memory_space<hbm>>) dst(%arg7 : memref<400x64xf32, #tpu.memory_space<vmem>>)
        %add3A_147 = arith.constant 1 : i32
        %add3A_148 = arith.addi %scan3A_124, %add3A_147 : i32
        %lt3A = arith.constant 50 : i32
        %lt3A_149 = arith.cmpi slt, %add3A_148, %lt3A : i32
        %convert_element_type3A_150 = arith.extui %lt3A_149 : i1 to i32
        %cond3A_151 = arith.constant 0 : i32
        %cond3A_152 = arith.cmpi ne, %convert_element_type3A_150, %cond3A_151 : i32
        scf.if %cond3A_152 {
          %add3A_160 = arith.constant 1 : i32
          %add3A_161 = arith.addi %scan3A_124, %add3A_160 : i32
          %mul3A_162 = arith.constant 20000 : i32
          %mul3A_163 = arith.muli %arg1, %mul3A_162 : i32
          %mul3A_164 = arith.constant 400 : i32
          %mul3A_165 = arith.muli %add3A_161, %mul3A_164 : i32
          %add3A_166 = arith.addi %mul3A_163, %mul3A_165 : i32
          %dma_wait3A_167 = tpu.memref_slice %arg3[%add3A_166] : memref<320000xi32, #tpu.memory_space<hbm>> -> memref<400xi32, #tpu.memory_space<hbm>>
          %dma_wait3A_168 = tpu.memref_slice %arg3[%add3A_166] : memref<320000xi32, #tpu.memory_space<hbm>> -> memref<400xi32, #tpu.memory_space<hbm>>
          tpu.wait_dma2 semaphore(%arg17 : memref<!tpu.dma_semaphore, #tpu.memory_space<semaphore_mem>>) src(%dma_wait3A_168 : memref<400xi32, #tpu.memory_space<hbm>>) dst(%arg10 : memref<400xi32, #tpu.memory_space<vmem>>)
          %dma_wait3A_169 = tpu.memref_slice %arg4[%add3A_166] : memref<320000xi32, #tpu.memory_space<hbm>> -> memref<400xi32, #tpu.memory_space<hbm>>
          %dma_wait3A_170 = tpu.memref_slice %arg4[%add3A_166] : memref<320000xi32, #tpu.memory_space<hbm>> -> memref<400xi32, #tpu.memory_space<hbm>>
          tpu.wait_dma2 semaphore(%arg17 : memref<!tpu.dma_semaphore, #tpu.memory_space<semaphore_mem>>) src(%dma_wait3A_170 : memref<400xi32, #tpu.memory_space<hbm>>) dst(%arg12 : memref<400xi32, #tpu.memory_space<vmem>>)
          %dma_start3A_171 = arith.constant 0 : i32
          %dma_start3A_172 = arith.constant 0 : i32
          %dma_start3A_173 = tpu.memref_slice %arg2[%add3A_62, %dma_start3A_171, %dma_start3A_172] : memref<4x10000x64xf32, #tpu.memory_space<hbm>> -> memref<1x10000x64xf32, #tpu.memory_space<hbm>>
          %dma_start3A_174 = tpu.memref_squeeze %dma_start3A_173 : memref<1x10000x64xf32, #tpu.memory_space<hbm>> -> memref<10000x64xf32, #tpu.memory_space<hbm>>
          %dma_start3A_175 = arith.constant 0 : i32
          %dma_start3A_176 = arith.constant 0 : i32
          %dma_start3A_177 = tpu.memref_slice %dma_start3A_174[%dma_start3A_175, %dma_start3A_176] : memref<10000x64xf32, #tpu.memory_space<hbm>> -> memref<10000x64xf32, #tpu.memory_space<hbm>>
          tpu.enqueue_indirect_dma source(%dma_start3A_177 : memref<10000x64xf32, #tpu.memory_space<hbm>>) target(%arg8 : memref<400x64xf32, #tpu.memory_space<vmem>>) offsets(%arg10 : memref<400xi32, #tpu.memory_space<vmem>>) semaphore(%arg15 : memref<!tpu.dma_semaphore, #tpu.memory_space<semaphore_mem>>)
        } else {
        }
        "tpu.region"() ({
          %run_scoped3A = tpu.sem_alloc : memref<!tpu.dma_semaphore, #tpu.memory_space<semaphore_mem>>
          %dma_start3A_160 = arith.constant 0 : i32
          %dma_start3A_161 = arith.constant 0 : i32
          %dma_start3A_162 = tpu.memref_slice %arg6[%dma_start3A_160, %dma_start3A_161] : memref<10000x64xf32, #tpu.memory_space<vmem_shared>> -> memref<10000x64xf32, #tpu.memory_space<vmem_shared>>
          tpu.enqueue_indirect_dma source(%arg7 : memref<400x64xf32, #tpu.memory_space<vmem>>) target(%dma_start3A_162 : memref<10000x64xf32, #tpu.memory_space<vmem_shared>>) offsets(%arg11 : memref<400xi32, #tpu.memory_space<vmem>>) semaphore(%run_scoped3A : memref<!tpu.dma_semaphore, #tpu.memory_space<semaphore_mem>>) {add = true}
          %dma_wait3A_163 = arith.constant 0 : i32
          %dma_wait3A_164 = arith.constant 0 : i32
          %dma_wait3A_165 = tpu.memref_slice %arg6[%dma_wait3A_163, %dma_wait3A_164] : memref<10000x64xf32, #tpu.memory_space<vmem_shared>> -> memref<10000x64xf32, #tpu.memory_space<vmem_shared>>
          tpu.wait_indirect_dma semaphore(%run_scoped3A : memref<!tpu.dma_semaphore, #tpu.memory_space<semaphore_mem>>) src(%arg7 : memref<400x64xf32, #tpu.memory_space<vmem>>) dst(%dma_wait3A_165 : memref<10000x64xf32, #tpu.memory_space<vmem_shared>>)
          tpu.yield
        }) : () -> ()
        %add3A_153 = arith.constant 2 : i32
        %add3A_154 = arith.addi %scan3A_124, %add3A_153 : i32
        %lt3A_155 = arith.constant 50 : i32
        %lt3A_156 = arith.cmpi slt, %add3A_154, %lt3A_155 : i32
        %convert_element_type3A_157 = arith.extui %lt3A_156 : i1 to i32
        %cond3A_158 = arith.constant 0 : i32
        %cond3A_159 = arith.cmpi ne, %convert_element_type3A_157, %cond3A_158 : i32
        scf.if %cond3A_159 {
          %add3A_160 = arith.constant 2 : i32
          %add3A_161 = arith.addi %scan3A_124, %add3A_160 : i32
          %mul3A_162 = arith.constant 20000 : i32
          %mul3A_163 = arith.muli %arg1, %mul3A_162 : i32
          %mul3A_164 = arith.constant 400 : i32
          %mul3A_165 = arith.muli %add3A_161, %mul3A_164 : i32
          %add3A_166 = arith.addi %mul3A_163, %mul3A_165 : i32
          %dma_start3A_167 = tpu.memref_slice %arg3[%add3A_166] : memref<320000xi32, #tpu.memory_space<hbm>> -> memref<400xi32, #tpu.memory_space<hbm>>
          %dma_start3A_168 = tpu.memref_slice %arg3[%add3A_166] : memref<320000xi32, #tpu.memory_space<hbm>> -> memref<400xi32, #tpu.memory_space<hbm>>
          tpu.enqueue_dma source(%dma_start3A_168 : memref<400xi32, #tpu.memory_space<hbm>>) target(%arg9 : memref<400xi32, #tpu.memory_space<vmem>>) target_semaphore(%arg16 : memref<!tpu.dma_semaphore, #tpu.memory_space<semaphore_mem>>)
          %dma_start3A_169 = tpu.memref_slice %arg4[%add3A_166] : memref<320000xi32, #tpu.memory_space<hbm>> -> memref<400xi32, #tpu.memory_space<hbm>>
          %dma_start3A_170 = tpu.memref_slice %arg4[%add3A_166] : memref<320000xi32, #tpu.memory_space<hbm>> -> memref<400xi32, #tpu.memory_space<hbm>>
          tpu.enqueue_dma source(%dma_start3A_170 : memref<400xi32, #tpu.memory_space<hbm>>) target(%arg11 : memref<400xi32, #tpu.memory_space<vmem>>) target_semaphore(%arg16 : memref<!tpu.dma_semaphore, #tpu.memory_space<semaphore_mem>>)
        } else {
        }
      } else {
      }
      %rem3A_132 = arith.constant 2 : i32
      %rem3A_133 = arith.remsi %scan3A_124, %rem3A_132 : i32
      %eq3A_134 = arith.constant 1 : i32
      %eq3A_135 = arith.cmpi eq, %rem3A_133, %eq3A_134 : i32
      %convert_element_type3A_136 = arith.extui %eq3A_135 : i1 to i32
      %cond3A_137 = arith.constant 0 : i32
      %cond3A_138 = arith.cmpi ne, %convert_element_type3A_136, %cond3A_137 : i32
      scf.if %cond3A_138 {
        %dma_wait3A_140 = arith.constant 0 : i32
        %dma_wait3A_141 = arith.constant 0 : i32
        %dma_wait3A_142 = tpu.memref_slice %arg2[%add3A_62, %dma_wait3A_140, %dma_wait3A_141] : memref<4x10000x64xf32, #tpu.memory_space<hbm>> -> memref<1x10000x64xf32, #tpu.memory_space<hbm>>
        %dma_wait3A_143 = tpu.memref_squeeze %dma_wait3A_142 : memref<1x10000x64xf32, #tpu.memory_space<hbm>> -> memref<10000x64xf32, #tpu.memory_space<hbm>>
        %dma_wait3A_144 = arith.constant 0 : i32
        %dma_wait3A_145 = arith.constant 0 : i32
        %dma_wait3A_146 = tpu.memref_slice %dma_wait3A_143[%dma_wait3A_144, %dma_wait3A_145] : memref<10000x64xf32, #tpu.memory_space<hbm>> -> memref<10000x64xf32, #tpu.memory_space<hbm>>
        tpu.wait_indirect_dma semaphore(%arg15 : memref<!tpu.dma_semaphore, #tpu.memory_space<semaphore_mem>>) src(%dma_wait3A_146 : memref<10000x64xf32, #tpu.memory_space<hbm>>) dst(%arg8 : memref<400x64xf32, #tpu.memory_space<vmem>>)
        %add3A_147 = arith.constant 1 : i32
        %add3A_148 = arith.addi %scan3A_124, %add3A_147 : i32
        %lt3A = arith.constant 50 : i32
        %lt3A_149 = arith.cmpi slt, %add3A_148, %lt3A : i32
        %convert_element_type3A_150 = arith.extui %lt3A_149 : i1 to i32
        %cond3A_151 = arith.constant 0 : i32
        %cond3A_152 = arith.cmpi ne, %convert_element_type3A_150, %cond3A_151 : i32
        scf.if %cond3A_152 {
          %add3A_160 = arith.constant 1 : i32
          %add3A_161 = arith.addi %scan3A_124, %add3A_160 : i32
          %mul3A_162 = arith.constant 20000 : i32
          %mul3A_163 = arith.muli %arg1, %mul3A_162 : i32
          %mul3A_164 = arith.constant 400 : i32
          %mul3A_165 = arith.muli %add3A_161, %mul3A_164 : i32
          %add3A_166 = arith.addi %mul3A_163, %mul3A_165 : i32
          %dma_wait3A_167 = tpu.memref_slice %arg3[%add3A_166] : memref<320000xi32, #tpu.memory_space<hbm>> -> memref<400xi32, #tpu.memory_space<hbm>>
          %dma_wait3A_168 = tpu.memref_slice %arg3[%add3A_166] : memref<320000xi32, #tpu.memory_space<hbm>> -> memref<400xi32, #tpu.memory_space<hbm>>
          tpu.wait_dma2 semaphore(%arg16 : memref<!tpu.dma_semaphore, #tpu.memory_space<semaphore_mem>>) src(%dma_wait3A_168 : memref<400xi32, #tpu.memory_space<hbm>>) dst(%arg9 : memref<400xi32, #tpu.memory_space<vmem>>)
          %dma_wait3A_169 = tpu.memref_slice %arg4[%add3A_166] : memref<320000xi32, #tpu.memory_space<hbm>> -> memref<400xi32, #tpu.memory_space<hbm>>
          %dma_wait3A_170 = tpu.memref_slice %arg4[%add3A_166] : memref<320000xi32, #tpu.memory_space<hbm>> -> memref<400xi32, #tpu.memory_space<hbm>>
          tpu.wait_dma2 semaphore(%arg16 : memref<!tpu.dma_semaphore, #tpu.memory_space<semaphore_mem>>) src(%dma_wait3A_170 : memref<400xi32, #tpu.memory_space<hbm>>) dst(%arg11 : memref<400xi32, #tpu.memory_space<vmem>>)
          %dma_start3A_171 = arith.constant 0 : i32
          %dma_start3A_172 = arith.constant 0 : i32
          %dma_start3A_173 = tpu.memref_slice %arg2[%add3A_62, %dma_start3A_171, %dma_start3A_172] : memref<4x10000x64xf32, #tpu.memory_space<hbm>> -> memref<1x10000x64xf32, #tpu.memory_space<hbm>>
          %dma_start3A_174 = tpu.memref_squeeze %dma_start3A_173 : memref<1x10000x64xf32, #tpu.memory_space<hbm>> -> memref<10000x64xf32, #tpu.memory_space<hbm>>
          %dma_start3A_175 = arith.constant 0 : i32
          %dma_start3A_176 = arith.constant 0 : i32
          %dma_start3A_177 = tpu.memref_slice %dma_start3A_174[%dma_start3A_175, %dma_start3A_176] : memref<10000x64xf32, #tpu.memory_space<hbm>> -> memref<10000x64xf32, #tpu.memory_space<hbm>>
          tpu.enqueue_indirect_dma source(%dma_start3A_177 : memref<10000x64xf32, #tpu.memory_space<hbm>>) target(%arg7 : memref<400x64xf32, #tpu.memory_space<vmem>>) offsets(%arg9 : memref<400xi32, #tpu.memory_space<vmem>>) semaphore(%arg14 : memref<!tpu.dma_semaphore, #tpu.memory_space<semaphore_mem>>)
        } else {
        }
        "tpu.region"() ({
          %run_scoped3A = tpu.sem_alloc : memref<!tpu.dma_semaphore, #tpu.memory_space<semaphore_mem>>
          %dma_start3A_160 = arith.constant 0 : i32
          %dma_start3A_161 = arith.constant 0 : i32
          %dma_start3A_162 = tpu.memref_slice %arg6[%dma_start3A_160, %dma_start3A_161] : memref<10000x64xf32, #tpu.memory_space<vmem_shared>> -> memref<10000x64xf32, #tpu.memory_space<vmem_shared>>
          tpu.enqueue_indirect_dma source(%arg8 : memref<400x64xf32, #tpu.memory_space<vmem>>) target(%dma_start3A_162 : memref<10000x64xf32, #tpu.memory_space<vmem_shared>>) offsets(%arg12 : memref<400xi32, #tpu.memory_space<vmem>>) semaphore(%run_scoped3A : memref<!tpu.dma_semaphore, #tpu.memory_space<semaphore_mem>>) {add = true}
          %dma_wait3A_163 = arith.constant 0 : i32
          %dma_wait3A_164 = arith.constant 0 : i32
          %dma_wait3A_165 = tpu.memref_slice %arg6[%dma_wait3A_163, %dma_wait3A_164] : memref<10000x64xf32, #tpu.memory_space<vmem_shared>> -> memref<10000x64xf32, #tpu.memory_space<vmem_shared>>
          tpu.wait_indirect_dma semaphore(%run_scoped3A : memref<!tpu.dma_semaphore, #tpu.memory_space<semaphore_mem>>) src(%arg8 : memref<400x64xf32, #tpu.memory_space<vmem>>) dst(%dma_wait3A_165 : memref<10000x64xf32, #tpu.memory_space<vmem_shared>>)
          tpu.yield
        }) : () -> ()
        %add3A_153 = arith.constant 2 : i32
        %add3A_154 = arith.addi %scan3A_124, %add3A_153 : i32
        %lt3A_155 = arith.constant 50 : i32
        %lt3A_156 = arith.cmpi slt, %add3A_154, %lt3A_155 : i32
        %convert_element_type3A_157 = arith.extui %lt3A_156 : i1 to i32
        %cond3A_158 = arith.constant 0 : i32
        %cond3A_159 = arith.cmpi ne, %convert_element_type3A_157, %cond3A_158 : i32
        scf.if %cond3A_159 {
          %add3A_160 = arith.constant 2 : i32
          %add3A_161 = arith.addi %scan3A_124, %add3A_160 : i32
          %mul3A_162 = arith.constant 20000 : i32
          %mul3A_163 = arith.muli %arg1, %mul3A_162 : i32
          %mul3A_164 = arith.constant 400 : i32
          %mul3A_165 = arith.muli %add3A_161, %mul3A_164 : i32
          %add3A_166 = arith.addi %mul3A_163, %mul3A_165 : i32
          %dma_start3A_167 = tpu.memref_slice %arg3[%add3A_166] : memref<320000xi32, #tpu.memory_space<hbm>> -> memref<400xi32, #tpu.memory_space<hbm>>
          %dma_start3A_168 = tpu.memref_slice %arg3[%add3A_166] : memref<320000xi32, #tpu.memory_space<hbm>> -> memref<400xi32, #tpu.memory_space<hbm>>
          tpu.enqueue_dma source(%dma_start3A_168 : memref<400xi32, #tpu.memory_space<hbm>>) target(%arg10 : memref<400xi32, #tpu.memory_space<vmem>>) target_semaphore(%arg17 : memref<!tpu.dma_semaphore, #tpu.memory_space<semaphore_mem>>)
          %dma_start3A_169 = tpu.memref_slice %arg4[%add3A_166] : memref<320000xi32, #tpu.memory_space<hbm>> -> memref<400xi32, #tpu.memory_space<hbm>>
          %dma_start3A_170 = tpu.memref_slice %arg4[%add3A_166] : memref<320000xi32, #tpu.memory_space<hbm>> -> memref<400xi32, #tpu.memory_space<hbm>>
          tpu.enqueue_dma source(%dma_start3A_170 : memref<400xi32, #tpu.memory_space<hbm>>) target(%arg12 : memref<400xi32, #tpu.memory_space<vmem>>) target_semaphore(%arg17 : memref<!tpu.dma_semaphore, #tpu.memory_space<semaphore_mem>>)
        } else {
        }
      } else {
      }
      %scan3A_139 = arith.constant 0 : i32
      scf.yield %scan3A_139 : i32
    }
    %scan3A_113 = arith.constant 50 : i32
    %barrier3A_114 = arith.constant 0 : index
    tpu.barrier barrier_id(%barrier3A_114)
    %mul3A_115 = arith.constant 624 : i32
    %mul3A_116 = arith.muli %arg1, %mul3A_115 : i32
    %mul3A_117 = arith.constant 624 : i32
    %mul3A_118 = arith.muli %arg1, %mul3A_117 : i32
    "tpu.region"() ({
      %run_scoped3A = tpu.sem_alloc : memref<!tpu.dma_semaphore, #tpu.memory_space<semaphore_mem>>
      %dma_start3A_124 = arith.constant 0 : i32
      %dma_start3A_125 = tpu.memref_slice %arg5[%add3A_62, %mul3A_118, %dma_start3A_124] : memref<4x10000x64xf32, #tpu.memory_space<hbm>> -> memref<1x624x64xf32, #tpu.memory_space<hbm>>
      %dma_start3A_126 = tpu.memref_squeeze %dma_start3A_125 : memref<1x624x64xf32, #tpu.memory_space<hbm>> -> memref<624x64xf32, #tpu.memory_space<hbm>>
      %dma_start3A_127 = arith.constant 0 : i32
      %dma_start3A_128 = tpu.memref_slice %arg6[%mul3A_116, %dma_start3A_127] : memref<10000x64xf32, #tpu.memory_space<vmem_shared>> -> memref<624x64xf32, #tpu.memory_space<vmem_shared>>
      tpu.enqueue_dma source(%dma_start3A_128 : memref<624x64xf32, #tpu.memory_space<vmem_shared>>) target(%dma_start3A_126 : memref<624x64xf32, #tpu.memory_space<hbm>>) target_semaphore(%run_scoped3A : memref<!tpu.dma_semaphore, #tpu.memory_space<semaphore_mem>>)
      %dma_wait3A_129 = arith.constant 0 : i32
      %dma_wait3A_130 = tpu.memref_slice %arg5[%add3A_62, %mul3A_118, %dma_wait3A_129] : memref<4x10000x64xf32, #tpu.memory_space<hbm>> -> memref<1x624x64xf32, #tpu.memory_space<hbm>>
      %dma_wait3A_131 = tpu.memref_squeeze %dma_wait3A_130 : memref<1x624x64xf32, #tpu.memory_space<hbm>> -> memref<624x64xf32, #tpu.memory_space<hbm>>
      %dma_wait3A_132 = arith.constant 0 : i32
      %dma_wait3A_133 = tpu.memref_slice %arg6[%mul3A_116, %dma_wait3A_132] : memref<10000x64xf32, #tpu.memory_space<vmem_shared>> -> memref<624x64xf32, #tpu.memory_space<vmem_shared>>
      tpu.wait_dma2 semaphore(%run_scoped3A : memref<!tpu.dma_semaphore, #tpu.memory_space<semaphore_mem>>) src(%dma_wait3A_133 : memref<624x64xf32, #tpu.memory_space<vmem_shared>>) dst(%dma_wait3A_131 : memref<624x64xf32, #tpu.memory_space<hbm>>)
      tpu.yield
    }) : () -> ()
    %eq3A_119 = arith.constant 15 : i32
    %eq3A_120 = arith.cmpi eq, %arg1, %eq3A_119 : i32
    %convert_element_type3A_121 = arith.extui %eq3A_120 : i1 to i32
    %cond3A_122 = arith.constant 0 : i32
    %cond3A_123 = arith.cmpi ne, %convert_element_type3A_121, %cond3A_122 : i32
    scf.if %cond3A_123 {
      "tpu.region"() ({
        %run_scoped3A = tpu.sem_alloc : memref<!tpu.dma_semaphore, #tpu.memory_space<semaphore_mem>>
        %dma_start3A_124 = arith.constant 9984 : i32
        %dma_start3A_125 = arith.constant 0 : i32
        %dma_start3A_126 = tpu.memref_slice %arg5[%add3A_62, %dma_start3A_124, %dma_start3A_125] : memref<4x10000x64xf32, #tpu.memory_space<hbm>> -> memref<1x16x64xf32, #tpu.memory_space<hbm>>
        %dma_start3A_127 = tpu.memref_squeeze %dma_start3A_126 : memref<1x16x64xf32, #tpu.memory_space<hbm>> -> memref<16x64xf32, #tpu.memory_space<hbm>>
        %dma_start3A_128 = arith.constant 9984 : i32
        %dma_start3A_129 = arith.constant 0 : i32
        %dma_start3A_130 = tpu.memref_slice %arg6[%dma_start3A_128, %dma_start3A_129] : memref<10000x64xf32, #tpu.memory_space<vmem_shared>> -> memref<16x64xf32, #tpu.memory_space<vmem_shared>>
        tpu.enqueue_dma source(%dma_start3A_130 : memref<16x64xf32, #tpu.memory_space<vmem_shared>>) target(%dma_start3A_127 : memref<16x64xf32, #tpu.memory_space<hbm>>) target_semaphore(%run_scoped3A : memref<!tpu.dma_semaphore, #tpu.memory_space<semaphore_mem>>)
        %dma_wait3A_131 = arith.constant 9984 : i32
        %dma_wait3A_132 = arith.constant 0 : i32
        %dma_wait3A_133 = tpu.memref_slice %arg5[%add3A_62, %dma_wait3A_131, %dma_wait3A_132] : memref<4x10000x64xf32, #tpu.memory_space<hbm>> -> memref<1x16x64xf32, #tpu.memory_space<hbm>>
        %dma_wait3A_134 = tpu.memref_squeeze %dma_wait3A_133 : memref<1x16x64xf32, #tpu.memory_space<hbm>> -> memref<16x64xf32, #tpu.memory_space<hbm>>
        %dma_wait3A_135 = arith.constant 9984 : i32
        %dma_wait3A_136 = arith.constant 0 : i32
        %dma_wait3A_137 = tpu.memref_slice %arg6[%dma_wait3A_135, %dma_wait3A_136] : memref<10000x64xf32, #tpu.memory_space<vmem_shared>> -> memref<16x64xf32, #tpu.memory_space<vmem_shared>>
        tpu.wait_dma2 semaphore(%run_scoped3A : memref<!tpu.dma_semaphore, #tpu.memory_space<semaphore_mem>>) src(%dma_wait3A_137 : memref<16x64xf32, #tpu.memory_space<vmem_shared>>) dst(%dma_wait3A_134 : memref<16x64xf32, #tpu.memory_space<hbm>>)
        tpu.yield
      }) : () -> ()
    } else {
    }
    return
  }
}

#map = affine_map<(d0, d1) -> (0, 0, 0)>
#map1 = affine_map<(d0, d1) -> (0)>
module attributes {stable_mosaic.version = 14 : i64} {
  func.func @body(%arg0: i32, %arg1: i32, %arg2: memref<2x10000x32xf32, #tpu.memory_space<hbm>>, %arg3: memref<320000xi32, #tpu.memory_space<hbm>>, %arg4: memref<320000xi32, #tpu.memory_space<hbm>>, %arg5: memref<2x10000x32xf32, #tpu.memory_space<hbm>>, %arg6: memref<10000x32xf32, #tpu.memory_space<vmem_shared>>, %arg7: memref<800x32xf32, #tpu.memory_space<vmem>>, %arg8: memref<800x32xf32, #tpu.memory_space<vmem>>, %arg9: memref<800xi32, #tpu.memory_space<vmem>>, %arg10: memref<800xi32, #tpu.memory_space<vmem>>, %arg11: memref<800xi32, #tpu.memory_space<vmem>>, %arg12: memref<800xi32, #tpu.memory_space<vmem>>, %arg13: memref<78x32xf32, #tpu.memory_space<vmem>>, %arg14: memref<!tpu.dma_semaphore, #tpu.memory_space<semaphore_mem>>, %arg15: memref<!tpu.dma_semaphore, #tpu.memory_space<semaphore_mem>>, %arg16: memref<!tpu.dma_semaphore, #tpu.memory_space<semaphore_mem>>, %arg17: memref<!tpu.dma_semaphore, #tpu.memory_space<semaphore_mem>>) attributes {dimension_semantics = [#tpu.dimension_semantics<core_parallel>, #tpu.dimension_semantics<subcore_parallel>], iteration_bounds = array<i64: 2, 16>, scalar_prefetch = 0 : i64, scratch_operands = 12 : i64, tpu.core_type = #tpu.core_type<sc_vector_subcore>, window_params = [{transform_indices = #map}, {transform_indices = #map1}, {transform_indices = #map1}, {transform_indices = #map}]} {
    %scan3A = arith.constant 0 : i32
    %scan3A_0 = arith.constant 0 : i32
    %scan3A_1 = arith.constant 78 : i32
    %scan3A_2 = arith.addi %scan3A_0, %scan3A_1 : i32
    %scan3A_3 = arith.constant 1 : i32
    %scan3A_4 = scf.for %scan3A_61 = %scan3A_0 to %scan3A_2 step %scan3A_3 iter_args(%scan3A_62 = %scan3A) -> (i32)  : i32 {
      %broadcast_in_dim3A = arith.constant 0.000000e+00 : f32
      %broadcast_in_dim3A_63 = vector.broadcast %broadcast_in_dim3A : f32 to vector<16xf32>
      %swap3A = arith.index_cast %scan3A_61 : i32 to index
      %swap3A_64 = arith.constant 0 : index
      %swap3A_65 = tpu.vector_load %arg13[%swap3A, %swap3A_64] {strides = array<i32>} : memref<78x32xf32, #tpu.memory_space<vmem>>, vector<1x16xf32>,
      %swap3A_66 = vector.shape_cast %swap3A_65 : vector<1x16xf32> to vector<16xf32>
      %swap3A_67 = vector.shape_cast %broadcast_in_dim3A_63 : vector<16xf32> to vector<1x16xf32>
      tpu.vector_store %arg13[%swap3A, %swap3A_64], %swap3A_67 {strides = array<i32>} : memref<78x32xf32, #tpu.memory_space<vmem>>, vector<1x16xf32>,
      %broadcast_in_dim3A_68 = arith.constant 0.000000e+00 : f32
      %broadcast_in_dim3A_69 = vector.broadcast %broadcast_in_dim3A_68 : f32 to vector<16xf32>
      %swap3A_70 = arith.index_cast %scan3A_61 : i32 to index
      %swap3A_71 = arith.constant 16 : index
      %swap3A_72 = tpu.vector_load %arg13[%swap3A_70, %swap3A_71] {strides = array<i32>} : memref<78x32xf32, #tpu.memory_space<vmem>>, vector<1x16xf32>,
      %swap3A_73 = vector.shape_cast %swap3A_72 : vector<1x16xf32> to vector<16xf32>
      %swap3A_74 = vector.shape_cast %broadcast_in_dim3A_69 : vector<16xf32> to vector<1x16xf32>
      tpu.vector_store %arg13[%swap3A_70, %swap3A_71], %swap3A_74 {strides = array<i32>} : memref<78x32xf32, #tpu.memory_space<vmem>>, vector<1x16xf32>,
      %scan3A_75 = arith.constant 0 : i32
      scf.yield %scan3A_75 : i32
    }
    %scan3A_5 = arith.constant 78 : i32
    %add3A = arith.constant 0 : i32
    %add3A_6 = arith.addi %add3A, %arg0 : i32
    %scan3A_7 = arith.constant 0 : i32
    %scan3A_8 = arith.constant 0 : i32
    %scan3A_9 = arith.constant 8 : i32
    %scan3A_10 = arith.addi %scan3A_8, %scan3A_9 : i32
    %scan3A_11 = arith.constant 1 : i32
    %scan3A_12 = scf.for %scan3A_61 = %scan3A_8 to %scan3A_10 step %scan3A_11 iter_args(%scan3A_62 = %scan3A_7) -> (i32)  : i32 {
      %mul3A_63 = arith.constant 624 : i32
      %mul3A_64 = arith.muli %arg1, %mul3A_63 : i32
      %mul3A_65 = arith.constant 78 : i32
      %mul3A_66 = arith.muli %scan3A_61, %mul3A_65 : i32
      %add3A_67 = arith.addi %mul3A_64, %mul3A_66 : i32
      "tpu.region"() ({
        %run_scoped3A = tpu.sem_alloc : memref<!tpu.dma_semaphore, #tpu.memory_space<semaphore_mem>>
        %dma_start3A_69 = arith.constant 0 : i32
        %dma_start3A_70 = tpu.memref_slice %arg6[%add3A_67, %dma_start3A_69] : memref<10000x32xf32, #tpu.memory_space<vmem_shared>> -> memref<78x32xf32, #tpu.memory_space<vmem_shared>>
        %dma_start3A_71 = arith.constant 0 : i32
        %dma_start3A_72 = tpu.memref_slice %arg6[%add3A_67, %dma_start3A_71] : memref<10000x32xf32, #tpu.memory_space<vmem_shared>> -> memref<78x32xf32, #tpu.memory_space<vmem_shared>>
        tpu.enqueue_dma source(%arg13 : memref<78x32xf32, #tpu.memory_space<vmem>>) target(%dma_start3A_72 : memref<78x32xf32, #tpu.memory_space<vmem_shared>>) target_semaphore(%run_scoped3A : memref<!tpu.dma_semaphore, #tpu.memory_space<semaphore_mem>>)
        %dma_wait3A_73 = arith.constant 0 : i32
        %dma_wait3A_74 = tpu.memref_slice %arg6[%add3A_67, %dma_wait3A_73] : memref<10000x32xf32, #tpu.memory_space<vmem_shared>> -> memref<78x32xf32, #tpu.memory_space<vmem_shared>>
        %dma_wait3A_75 = arith.constant 0 : i32
        %dma_wait3A_76 = tpu.memref_slice %arg6[%add3A_67, %dma_wait3A_75] : memref<10000x32xf32, #tpu.memory_space<vmem_shared>> -> memref<78x32xf32, #tpu.memory_space<vmem_shared>>
        tpu.wait_dma2 semaphore(%run_scoped3A : memref<!tpu.dma_semaphore, #tpu.memory_space<semaphore_mem>>) src(%arg13 : memref<78x32xf32, #tpu.memory_space<vmem>>) dst(%dma_wait3A_76 : memref<78x32xf32, #tpu.memory_space<vmem_shared>>)
        tpu.yield
      }) : () -> ()
      %scan3A_68 = arith.constant 0 : i32
      scf.yield %scan3A_68 : i32
    }
    %scan3A_13 = arith.constant 8 : i32
    %eq3A = arith.constant 15 : i32
    %eq3A_14 = arith.cmpi eq, %arg1, %eq3A : i32
    %convert_element_type3A = arith.extui %eq3A_14 : i1 to i32
    %cond3A = arith.constant 0 : i32
    %cond3A_15 = arith.cmpi ne, %convert_element_type3A, %cond3A : i32
    scf.if %cond3A_15 {
      "tpu.region"() ({
        %run_scoped3A = tpu.sem_alloc : memref<!tpu.dma_semaphore, #tpu.memory_space<semaphore_mem>>
        %dma_start3A_61 = arith.constant 0 : i32
        %dma_start3A_62 = arith.constant 0 : i32
        %dma_start3A_63 = tpu.memref_slice %arg13[%dma_start3A_61, %dma_start3A_62] : memref<78x32xf32, #tpu.memory_space<vmem>> -> memref<16x32xf32, #tpu.memory_space<vmem>>
        %dma_start3A_64 = arith.constant 9984 : i32
        %dma_start3A_65 = arith.constant 0 : i32
        %dma_start3A_66 = tpu.memref_slice %arg6[%dma_start3A_64, %dma_start3A_65] : memref<10000x32xf32, #tpu.memory_space<vmem_shared>> -> memref<16x32xf32, #tpu.memory_space<vmem_shared>>
        %dma_start3A_67 = arith.constant 9984 : i32
        %dma_start3A_68 = arith.constant 0 : i32
        %dma_start3A_69 = tpu.memref_slice %arg6[%dma_start3A_67, %dma_start3A_68] : memref<10000x32xf32, #tpu.memory_space<vmem_shared>> -> memref<16x32xf32, #tpu.memory_space<vmem_shared>>
        %dma_start3A_70 = arith.constant 0 : i32
        %dma_start3A_71 = arith.constant 0 : i32
        %dma_start3A_72 = tpu.memref_slice %arg13[%dma_start3A_70, %dma_start3A_71] : memref<78x32xf32, #tpu.memory_space<vmem>> -> memref<16x32xf32, #tpu.memory_space<vmem>>
        tpu.enqueue_dma source(%dma_start3A_72 : memref<16x32xf32, #tpu.memory_space<vmem>>) target(%dma_start3A_69 : memref<16x32xf32, #tpu.memory_space<vmem_shared>>) target_semaphore(%run_scoped3A : memref<!tpu.dma_semaphore, #tpu.memory_space<semaphore_mem>>)
        %dma_wait3A_73 = arith.constant 0 : i32
        %dma_wait3A_74 = arith.constant 0 : i32
        %dma_wait3A_75 = tpu.memref_slice %arg13[%dma_wait3A_73, %dma_wait3A_74] : memref<78x32xf32, #tpu.memory_space<vmem>> -> memref<16x32xf32, #tpu.memory_space<vmem>>
        %dma_wait3A_76 = arith.constant 9984 : i32
        %dma_wait3A_77 = arith.constant 0 : i32
        %dma_wait3A_78 = tpu.memref_slice %arg6[%dma_wait3A_76, %dma_wait3A_77] : memref<10000x32xf32, #tpu.memory_space<vmem_shared>> -> memref<16x32xf32, #tpu.memory_space<vmem_shared>>
        %dma_wait3A_79 = arith.constant 9984 : i32
        %dma_wait3A_80 = arith.constant 0 : i32
        %dma_wait3A_81 = tpu.memref_slice %arg6[%dma_wait3A_79, %dma_wait3A_80] : memref<10000x32xf32, #tpu.memory_space<vmem_shared>> -> memref<16x32xf32, #tpu.memory_space<vmem_shared>>
        %dma_wait3A_82 = arith.constant 0 : i32
        %dma_wait3A_83 = arith.constant 0 : i32
        %dma_wait3A_84 = tpu.memref_slice %arg13[%dma_wait3A_82, %dma_wait3A_83] : memref<78x32xf32, #tpu.memory_space<vmem>> -> memref<16x32xf32, #tpu.memory_space<vmem>>
        tpu.wait_dma2 semaphore(%run_scoped3A : memref<!tpu.dma_semaphore, #tpu.memory_space<semaphore_mem>>) src(%dma_wait3A_84 : memref<16x32xf32, #tpu.memory_space<vmem>>) dst(%dma_wait3A_81 : memref<16x32xf32, #tpu.memory_space<vmem_shared>>)
        tpu.yield
      }) : () -> ()
    } else {
    }
    %barrier3A = arith.constant 0 : index
    tpu.barrier barrier_id(%barrier3A)
    %mul3A = arith.constant 20000 : i32
    %mul3A_16 = arith.muli %arg1, %mul3A : i32
    %add3A_17 = arith.constant 0 : i32
    %add3A_18 = arith.addi %mul3A_16, %add3A_17 : i32
    %dma_start3A = tpu.memref_slice %arg3[%add3A_18] : memref<320000xi32, #tpu.memory_space<hbm>> -> memref<800xi32, #tpu.memory_space<hbm>>
    %dma_start3A_19 = tpu.memref_slice %arg3[%add3A_18] : memref<320000xi32, #tpu.memory_space<hbm>> -> memref<800xi32, #tpu.memory_space<hbm>>
    tpu.enqueue_dma source(%dma_start3A_19 : memref<800xi32, #tpu.memory_space<hbm>>) target(%arg9 : memref<800xi32, #tpu.memory_space<vmem>>) target_semaphore(%arg16 : memref<!tpu.dma_semaphore, #tpu.memory_space<semaphore_mem>>)
    %dma_start3A_20 = tpu.memref_slice %arg4[%add3A_18] : memref<320000xi32, #tpu.memory_space<hbm>> -> memref<800xi32, #tpu.memory_space<hbm>>
    %dma_start3A_21 = tpu.memref_slice %arg4[%add3A_18] : memref<320000xi32, #tpu.memory_space<hbm>> -> memref<800xi32, #tpu.memory_space<hbm>>
    tpu.enqueue_dma source(%dma_start3A_21 : memref<800xi32, #tpu.memory_space<hbm>>) target(%arg11 : memref<800xi32, #tpu.memory_space<vmem>>) target_semaphore(%arg16 : memref<!tpu.dma_semaphore, #tpu.memory_space<semaphore_mem>>)
    %mul3A_22 = arith.constant 20000 : i32
    %mul3A_23 = arith.muli %arg1, %mul3A_22 : i32
    %add3A_24 = arith.constant 0 : i32
    %add3A_25 = arith.addi %mul3A_23, %add3A_24 : i32
    %dma_wait3A = tpu.memref_slice %arg3[%add3A_25] : memref<320000xi32, #tpu.memory_space<hbm>> -> memref<800xi32, #tpu.memory_space<hbm>>
    %dma_wait3A_26 = tpu.memref_slice %arg3[%add3A_25] : memref<320000xi32, #tpu.memory_space<hbm>> -> memref<800xi32, #tpu.memory_space<hbm>>
    tpu.wait_dma2 semaphore(%arg16 : memref<!tpu.dma_semaphore, #tpu.memory_space<semaphore_mem>>) src(%dma_wait3A_26 : memref<800xi32, #tpu.memory_space<hbm>>) dst(%arg9 : memref<800xi32, #tpu.memory_space<vmem>>)
    %dma_wait3A_27 = tpu.memref_slice %arg4[%add3A_25] : memref<320000xi32, #tpu.memory_space<hbm>> -> memref<800xi32, #tpu.memory_space<hbm>>
    %dma_wait3A_28 = tpu.memref_slice %arg4[%add3A_25] : memref<320000xi32, #tpu.memory_space<hbm>> -> memref<800xi32, #tpu.memory_space<hbm>>
    tpu.wait_dma2 semaphore(%arg16 : memref<!tpu.dma_semaphore, #tpu.memory_space<semaphore_mem>>) src(%dma_wait3A_28 : memref<800xi32, #tpu.memory_space<hbm>>) dst(%arg11 : memref<800xi32, #tpu.memory_space<vmem>>)
    %dma_start3A_29 = arith.constant 0 : i32
    %dma_start3A_30 = arith.constant 0 : i32
    %dma_start3A_31 = tpu.memref_slice %arg2[%add3A_6, %dma_start3A_29, %dma_start3A_30] : memref<2x10000x32xf32, #tpu.memory_space<hbm>> -> memref<1x10000x32xf32, #tpu.memory_space<hbm>>
    %dma_start3A_32 = tpu.memref_squeeze %dma_start3A_31 : memref<1x10000x32xf32, #tpu.memory_space<hbm>> -> memref<10000x32xf32, #tpu.memory_space<hbm>>
    %dma_start3A_33 = arith.constant 0 : i32
    %dma_start3A_34 = arith.constant 0 : i32
    %dma_start3A_35 = tpu.memref_slice %dma_start3A_32[%dma_start3A_33, %dma_start3A_34] : memref<10000x32xf32, #tpu.memory_space<hbm>> -> memref<10000x32xf32, #tpu.memory_space<hbm>>
    tpu.enqueue_indirect_dma source(%dma_start3A_35 : memref<10000x32xf32, #tpu.memory_space<hbm>>) target(%arg7 : memref<800x32xf32, #tpu.memory_space<vmem>>) offsets(%arg9 : memref<800xi32, #tpu.memory_space<vmem>>) semaphore(%arg14 : memref<!tpu.dma_semaphore, #tpu.memory_space<semaphore_mem>>)
    %mul3A_36 = arith.constant 20000 : i32
    %mul3A_37 = arith.muli %arg1, %mul3A_36 : i32
    %add3A_38 = arith.constant 800 : i32
    %add3A_39 = arith.addi %mul3A_37, %add3A_38 : i32
    %dma_start3A_40 = tpu.memref_slice %arg3[%add3A_39] : memref<320000xi32, #tpu.memory_space<hbm>> -> memref<800xi32, #tpu.memory_space<hbm>>
    %dma_start3A_41 = tpu.memref_slice %arg3[%add3A_39] : memref<320000xi32, #tpu.memory_space<hbm>> -> memref<800xi32, #tpu.memory_space<hbm>>
    tpu.enqueue_dma source(%dma_start3A_41 : memref<800xi32, #tpu.memory_space<hbm>>) target(%arg10 : memref<800xi32, #tpu.memory_space<vmem>>) target_semaphore(%arg17 : memref<!tpu.dma_semaphore, #tpu.memory_space<semaphore_mem>>)
    %dma_start3A_42 = tpu.memref_slice %arg4[%add3A_39] : memref<320000xi32, #tpu.memory_space<hbm>> -> memref<800xi32, #tpu.memory_space<hbm>>
    %dma_start3A_43 = tpu.memref_slice %arg4[%add3A_39] : memref<320000xi32, #tpu.memory_space<hbm>> -> memref<800xi32, #tpu.memory_space<hbm>>
    tpu.enqueue_dma source(%dma_start3A_43 : memref<800xi32, #tpu.memory_space<hbm>>) target(%arg12 : memref<800xi32, #tpu.memory_space<vmem>>) target_semaphore(%arg17 : memref<!tpu.dma_semaphore, #tpu.memory_space<semaphore_mem>>)
    %scan3A_44 = arith.constant 0 : i32
    %scan3A_45 = arith.constant 0 : i32
    %scan3A_46 = arith.constant 25 : i32
    %scan3A_47 = arith.addi %scan3A_45, %scan3A_46 : i32
    %scan3A_48 = arith.constant 1 : i32
    %scan3A_49 = scf.for %scan3A_61 = %scan3A_45 to %scan3A_47 step %scan3A_48 iter_args(%scan3A_62 = %scan3A_44) -> (i32)  : i32 {
      %rem3A = arith.constant 2 : i32
      %rem3A_63 = arith.remsi %scan3A_61, %rem3A : i32
      %eq3A_64 = arith.constant 0 : i32
      %eq3A_65 = arith.cmpi eq, %rem3A_63, %eq3A_64 : i32
      %convert_element_type3A_66 = arith.extui %eq3A_65 : i1 to i32
      %cond3A_67 = arith.constant 0 : i32
      %cond3A_68 = arith.cmpi ne, %convert_element_type3A_66, %cond3A_67 : i32
      scf.if %cond3A_68 {
        %dma_wait3A_77 = arith.constant 0 : i32
        %dma_wait3A_78 = arith.constant 0 : i32
        %dma_wait3A_79 = tpu.memref_slice %arg2[%add3A_6, %dma_wait3A_77, %dma_wait3A_78] : memref<2x10000x32xf32, #tpu.memory_space<hbm>> -> memref<1x10000x32xf32, #tpu.memory_space<hbm>>
        %dma_wait3A_80 = tpu.memref_squeeze %dma_wait3A_79 : memref<1x10000x32xf32, #tpu.memory_space<hbm>> -> memref<10000x32xf32, #tpu.memory_space<hbm>>
        %dma_wait3A_81 = arith.constant 0 : i32
        %dma_wait3A_82 = arith.constant 0 : i32
        %dma_wait3A_83 = tpu.memref_slice %dma_wait3A_80[%dma_wait3A_81, %dma_wait3A_82] : memref<10000x32xf32, #tpu.memory_space<hbm>> -> memref<10000x32xf32, #tpu.memory_space<hbm>>
        tpu.wait_indirect_dma semaphore(%arg14 : memref<!tpu.dma_semaphore, #tpu.memory_space<semaphore_mem>>) src(%dma_wait3A_83 : memref<10000x32xf32, #tpu.memory_space<hbm>>) dst(%arg7 : memref<800x32xf32, #tpu.memory_space<vmem>>)
        %add3A_84 = arith.constant 1 : i32
        %add3A_85 = arith.addi %scan3A_61, %add3A_84 : i32
        %lt3A = arith.constant 25 : i32
        %lt3A_86 = arith.cmpi slt, %add3A_85, %lt3A : i32
        %convert_element_type3A_87 = arith.extui %lt3A_86 : i1 to i32
        %cond3A_88 = arith.constant 0 : i32
        %cond3A_89 = arith.cmpi ne, %convert_element_type3A_87, %cond3A_88 : i32
        scf.if %cond3A_89 {
          %add3A_97 = arith.constant 1 : i32
          %add3A_98 = arith.addi %scan3A_61, %add3A_97 : i32
          %mul3A_99 = arith.constant 20000 : i32
          %mul3A_100 = arith.muli %arg1, %mul3A_99 : i32
          %mul3A_101 = arith.constant 800 : i32
          %mul3A_102 = arith.muli %add3A_98, %mul3A_101 : i32
          %add3A_103 = arith.addi %mul3A_100, %mul3A_102 : i32
          %dma_wait3A_104 = tpu.memref_slice %arg3[%add3A_103] : memref<320000xi32, #tpu.memory_space<hbm>> -> memref<800xi32, #tpu.memory_space<hbm>>
          %dma_wait3A_105 = tpu.memref_slice %arg3[%add3A_103] : memref<320000xi32, #tpu.memory_space<hbm>> -> memref<800xi32, #tpu.memory_space<hbm>>
          tpu.wait_dma2 semaphore(%arg17 : memref<!tpu.dma_semaphore, #tpu.memory_space<semaphore_mem>>) src(%dma_wait3A_105 : memref<800xi32, #tpu.memory_space<hbm>>) dst(%arg10 : memref<800xi32, #tpu.memory_space<vmem>>)
          %dma_wait3A_106 = tpu.memref_slice %arg4[%add3A_103] : memref<320000xi32, #tpu.memory_space<hbm>> -> memref<800xi32, #tpu.memory_space<hbm>>
          %dma_wait3A_107 = tpu.memref_slice %arg4[%add3A_103] : memref<320000xi32, #tpu.memory_space<hbm>> -> memref<800xi32, #tpu.memory_space<hbm>>
          tpu.wait_dma2 semaphore(%arg17 : memref<!tpu.dma_semaphore, #tpu.memory_space<semaphore_mem>>) src(%dma_wait3A_107 : memref<800xi32, #tpu.memory_space<hbm>>) dst(%arg12 : memref<800xi32, #tpu.memory_space<vmem>>)
          %dma_start3A_108 = arith.constant 0 : i32
          %dma_start3A_109 = arith.constant 0 : i32
          %dma_start3A_110 = tpu.memref_slice %arg2[%add3A_6, %dma_start3A_108, %dma_start3A_109] : memref<2x10000x32xf32, #tpu.memory_space<hbm>> -> memref<1x10000x32xf32, #tpu.memory_space<hbm>>
          %dma_start3A_111 = tpu.memref_squeeze %dma_start3A_110 : memref<1x10000x32xf32, #tpu.memory_space<hbm>> -> memref<10000x32xf32, #tpu.memory_space<hbm>>
          %dma_start3A_112 = arith.constant 0 : i32
          %dma_start3A_113 = arith.constant 0 : i32
          %dma_start3A_114 = tpu.memref_slice %dma_start3A_111[%dma_start3A_112, %dma_start3A_113] : memref<10000x32xf32, #tpu.memory_space<hbm>> -> memref<10000x32xf32, #tpu.memory_space<hbm>>
          tpu.enqueue_indirect_dma source(%dma_start3A_114 : memref<10000x32xf32, #tpu.memory_space<hbm>>) target(%arg8 : memref<800x32xf32, #tpu.memory_space<vmem>>) offsets(%arg10 : memref<800xi32, #tpu.memory_space<vmem>>) semaphore(%arg15 : memref<!tpu.dma_semaphore, #tpu.memory_space<semaphore_mem>>)
        } else {
        }
        "tpu.region"() ({
          %run_scoped3A = tpu.sem_alloc : memref<!tpu.dma_semaphore, #tpu.memory_space<semaphore_mem>>
          %dma_start3A_97 = arith.constant 0 : i32
          %dma_start3A_98 = arith.constant 0 : i32
          %dma_start3A_99 = tpu.memref_slice %arg6[%dma_start3A_97, %dma_start3A_98] : memref<10000x32xf32, #tpu.memory_space<vmem_shared>> -> memref<10000x32xf32, #tpu.memory_space<vmem_shared>>
          tpu.enqueue_indirect_dma source(%arg7 : memref<800x32xf32, #tpu.memory_space<vmem>>) target(%dma_start3A_99 : memref<10000x32xf32, #tpu.memory_space<vmem_shared>>) offsets(%arg11 : memref<800xi32, #tpu.memory_space<vmem>>) semaphore(%run_scoped3A : memref<!tpu.dma_semaphore, #tpu.memory_space<semaphore_mem>>) {add = true}
          %dma_wait3A_100 = arith.constant 0 : i32
          %dma_wait3A_101 = arith.constant 0 : i32
          %dma_wait3A_102 = tpu.memref_slice %arg6[%dma_wait3A_100, %dma_wait3A_101] : memref<10000x32xf32, #tpu.memory_space<vmem_shared>> -> memref<10000x32xf32, #tpu.memory_space<vmem_shared>>
          tpu.wait_indirect_dma semaphore(%run_scoped3A : memref<!tpu.dma_semaphore, #tpu.memory_space<semaphore_mem>>) src(%arg7 : memref<800x32xf32, #tpu.memory_space<vmem>>) dst(%dma_wait3A_102 : memref<10000x32xf32, #tpu.memory_space<vmem_shared>>)
          tpu.yield
        }) : () -> ()
        %add3A_90 = arith.constant 2 : i32
        %add3A_91 = arith.addi %scan3A_61, %add3A_90 : i32
        %lt3A_92 = arith.constant 25 : i32
        %lt3A_93 = arith.cmpi slt, %add3A_91, %lt3A_92 : i32
        %convert_element_type3A_94 = arith.extui %lt3A_93 : i1 to i32
        %cond3A_95 = arith.constant 0 : i32
        %cond3A_96 = arith.cmpi ne, %convert_element_type3A_94, %cond3A_95 : i32
        scf.if %cond3A_96 {
          %add3A_97 = arith.constant 2 : i32
          %add3A_98 = arith.addi %scan3A_61, %add3A_97 : i32
          %mul3A_99 = arith.constant 20000 : i32
          %mul3A_100 = arith.muli %arg1, %mul3A_99 : i32
          %mul3A_101 = arith.constant 800 : i32
          %mul3A_102 = arith.muli %add3A_98, %mul3A_101 : i32
          %add3A_103 = arith.addi %mul3A_100, %mul3A_102 : i32
          %dma_start3A_104 = tpu.memref_slice %arg3[%add3A_103] : memref<320000xi32, #tpu.memory_space<hbm>> -> memref<800xi32, #tpu.memory_space<hbm>>
          %dma_start3A_105 = tpu.memref_slice %arg3[%add3A_103] : memref<320000xi32, #tpu.memory_space<hbm>> -> memref<800xi32, #tpu.memory_space<hbm>>
          tpu.enqueue_dma source(%dma_start3A_105 : memref<800xi32, #tpu.memory_space<hbm>>) target(%arg9 : memref<800xi32, #tpu.memory_space<vmem>>) target_semaphore(%arg16 : memref<!tpu.dma_semaphore, #tpu.memory_space<semaphore_mem>>)
          %dma_start3A_106 = tpu.memref_slice %arg4[%add3A_103] : memref<320000xi32, #tpu.memory_space<hbm>> -> memref<800xi32, #tpu.memory_space<hbm>>
          %dma_start3A_107 = tpu.memref_slice %arg4[%add3A_103] : memref<320000xi32, #tpu.memory_space<hbm>> -> memref<800xi32, #tpu.memory_space<hbm>>
          tpu.enqueue_dma source(%dma_start3A_107 : memref<800xi32, #tpu.memory_space<hbm>>) target(%arg11 : memref<800xi32, #tpu.memory_space<vmem>>) target_semaphore(%arg16 : memref<!tpu.dma_semaphore, #tpu.memory_space<semaphore_mem>>)
        } else {
        }
      } else {
      }
      %rem3A_69 = arith.constant 2 : i32
      %rem3A_70 = arith.remsi %scan3A_61, %rem3A_69 : i32
      %eq3A_71 = arith.constant 1 : i32
      %eq3A_72 = arith.cmpi eq, %rem3A_70, %eq3A_71 : i32
      %convert_element_type3A_73 = arith.extui %eq3A_72 : i1 to i32
      %cond3A_74 = arith.constant 0 : i32
      %cond3A_75 = arith.cmpi ne, %convert_element_type3A_73, %cond3A_74 : i32
      scf.if %cond3A_75 {
        %dma_wait3A_77 = arith.constant 0 : i32
        %dma_wait3A_78 = arith.constant 0 : i32
        %dma_wait3A_79 = tpu.memref_slice %arg2[%add3A_6, %dma_wait3A_77, %dma_wait3A_78] : memref<2x10000x32xf32, #tpu.memory_space<hbm>> -> memref<1x10000x32xf32, #tpu.memory_space<hbm>>
        %dma_wait3A_80 = tpu.memref_squeeze %dma_wait3A_79 : memref<1x10000x32xf32, #tpu.memory_space<hbm>> -> memref<10000x32xf32, #tpu.memory_space<hbm>>
        %dma_wait3A_81 = arith.constant 0 : i32
        %dma_wait3A_82 = arith.constant 0 : i32
        %dma_wait3A_83 = tpu.memref_slice %dma_wait3A_80[%dma_wait3A_81, %dma_wait3A_82] : memref<10000x32xf32, #tpu.memory_space<hbm>> -> memref<10000x32xf32, #tpu.memory_space<hbm>>
        tpu.wait_indirect_dma semaphore(%arg15 : memref<!tpu.dma_semaphore, #tpu.memory_space<semaphore_mem>>) src(%dma_wait3A_83 : memref<10000x32xf32, #tpu.memory_space<hbm>>) dst(%arg8 : memref<800x32xf32, #tpu.memory_space<vmem>>)
        %add3A_84 = arith.constant 1 : i32
        %add3A_85 = arith.addi %scan3A_61, %add3A_84 : i32
        %lt3A = arith.constant 25 : i32
        %lt3A_86 = arith.cmpi slt, %add3A_85, %lt3A : i32
        %convert_element_type3A_87 = arith.extui %lt3A_86 : i1 to i32
        %cond3A_88 = arith.constant 0 : i32
        %cond3A_89 = arith.cmpi ne, %convert_element_type3A_87, %cond3A_88 : i32
        scf.if %cond3A_89 {
          %add3A_97 = arith.constant 1 : i32
          %add3A_98 = arith.addi %scan3A_61, %add3A_97 : i32
          %mul3A_99 = arith.constant 20000 : i32
          %mul3A_100 = arith.muli %arg1, %mul3A_99 : i32
          %mul3A_101 = arith.constant 800 : i32
          %mul3A_102 = arith.muli %add3A_98, %mul3A_101 : i32
          %add3A_103 = arith.addi %mul3A_100, %mul3A_102 : i32
          %dma_wait3A_104 = tpu.memref_slice %arg3[%add3A_103] : memref<320000xi32, #tpu.memory_space<hbm>> -> memref<800xi32, #tpu.memory_space<hbm>>
          %dma_wait3A_105 = tpu.memref_slice %arg3[%add3A_103] : memref<320000xi32, #tpu.memory_space<hbm>> -> memref<800xi32, #tpu.memory_space<hbm>>
          tpu.wait_dma2 semaphore(%arg16 : memref<!tpu.dma_semaphore, #tpu.memory_space<semaphore_mem>>) src(%dma_wait3A_105 : memref<800xi32, #tpu.memory_space<hbm>>) dst(%arg9 : memref<800xi32, #tpu.memory_space<vmem>>)
          %dma_wait3A_106 = tpu.memref_slice %arg4[%add3A_103] : memref<320000xi32, #tpu.memory_space<hbm>> -> memref<800xi32, #tpu.memory_space<hbm>>
          %dma_wait3A_107 = tpu.memref_slice %arg4[%add3A_103] : memref<320000xi32, #tpu.memory_space<hbm>> -> memref<800xi32, #tpu.memory_space<hbm>>
          tpu.wait_dma2 semaphore(%arg16 : memref<!tpu.dma_semaphore, #tpu.memory_space<semaphore_mem>>) src(%dma_wait3A_107 : memref<800xi32, #tpu.memory_space<hbm>>) dst(%arg11 : memref<800xi32, #tpu.memory_space<vmem>>)
          %dma_start3A_108 = arith.constant 0 : i32
          %dma_start3A_109 = arith.constant 0 : i32
          %dma_start3A_110 = tpu.memref_slice %arg2[%add3A_6, %dma_start3A_108, %dma_start3A_109] : memref<2x10000x32xf32, #tpu.memory_space<hbm>> -> memref<1x10000x32xf32, #tpu.memory_space<hbm>>
          %dma_start3A_111 = tpu.memref_squeeze %dma_start3A_110 : memref<1x10000x32xf32, #tpu.memory_space<hbm>> -> memref<10000x32xf32, #tpu.memory_space<hbm>>
          %dma_start3A_112 = arith.constant 0 : i32
          %dma_start3A_113 = arith.constant 0 : i32
          %dma_start3A_114 = tpu.memref_slice %dma_start3A_111[%dma_start3A_112, %dma_start3A_113] : memref<10000x32xf32, #tpu.memory_space<hbm>> -> memref<10000x32xf32, #tpu.memory_space<hbm>>
          tpu.enqueue_indirect_dma source(%dma_start3A_114 : memref<10000x32xf32, #tpu.memory_space<hbm>>) target(%arg7 : memref<800x32xf32, #tpu.memory_space<vmem>>) offsets(%arg9 : memref<800xi32, #tpu.memory_space<vmem>>) semaphore(%arg14 : memref<!tpu.dma_semaphore, #tpu.memory_space<semaphore_mem>>)
        } else {
        }
        "tpu.region"() ({
          %run_scoped3A = tpu.sem_alloc : memref<!tpu.dma_semaphore, #tpu.memory_space<semaphore_mem>>
          %dma_start3A_97 = arith.constant 0 : i32
          %dma_start3A_98 = arith.constant 0 : i32
          %dma_start3A_99 = tpu.memref_slice %arg6[%dma_start3A_97, %dma_start3A_98] : memref<10000x32xf32, #tpu.memory_space<vmem_shared>> -> memref<10000x32xf32, #tpu.memory_space<vmem_shared>>
          tpu.enqueue_indirect_dma source(%arg8 : memref<800x32xf32, #tpu.memory_space<vmem>>) target(%dma_start3A_99 : memref<10000x32xf32, #tpu.memory_space<vmem_shared>>) offsets(%arg12 : memref<800xi32, #tpu.memory_space<vmem>>) semaphore(%run_scoped3A : memref<!tpu.dma_semaphore, #tpu.memory_space<semaphore_mem>>) {add = true}
          %dma_wait3A_100 = arith.constant 0 : i32
          %dma_wait3A_101 = arith.constant 0 : i32
          %dma_wait3A_102 = tpu.memref_slice %arg6[%dma_wait3A_100, %dma_wait3A_101] : memref<10000x32xf32, #tpu.memory_space<vmem_shared>> -> memref<10000x32xf32, #tpu.memory_space<vmem_shared>>
          tpu.wait_indirect_dma semaphore(%run_scoped3A : memref<!tpu.dma_semaphore, #tpu.memory_space<semaphore_mem>>) src(%arg8 : memref<800x32xf32, #tpu.memory_space<vmem>>) dst(%dma_wait3A_102 : memref<10000x32xf32, #tpu.memory_space<vmem_shared>>)
          tpu.yield
        }) : () -> ()
        %add3A_90 = arith.constant 2 : i32
        %add3A_91 = arith.addi %scan3A_61, %add3A_90 : i32
        %lt3A_92 = arith.constant 25 : i32
        %lt3A_93 = arith.cmpi slt, %add3A_91, %lt3A_92 : i32
        %convert_element_type3A_94 = arith.extui %lt3A_93 : i1 to i32
        %cond3A_95 = arith.constant 0 : i32
        %cond3A_96 = arith.cmpi ne, %convert_element_type3A_94, %cond3A_95 : i32
        scf.if %cond3A_96 {
          %add3A_97 = arith.constant 2 : i32
          %add3A_98 = arith.addi %scan3A_61, %add3A_97 : i32
          %mul3A_99 = arith.constant 20000 : i32
          %mul3A_100 = arith.muli %arg1, %mul3A_99 : i32
          %mul3A_101 = arith.constant 800 : i32
          %mul3A_102 = arith.muli %add3A_98, %mul3A_101 : i32
          %add3A_103 = arith.addi %mul3A_100, %mul3A_102 : i32
          %dma_start3A_104 = tpu.memref_slice %arg3[%add3A_103] : memref<320000xi32, #tpu.memory_space<hbm>> -> memref<800xi32, #tpu.memory_space<hbm>>
          %dma_start3A_105 = tpu.memref_slice %arg3[%add3A_103] : memref<320000xi32, #tpu.memory_space<hbm>> -> memref<800xi32, #tpu.memory_space<hbm>>
          tpu.enqueue_dma source(%dma_start3A_105 : memref<800xi32, #tpu.memory_space<hbm>>) target(%arg10 : memref<800xi32, #tpu.memory_space<vmem>>) target_semaphore(%arg17 : memref<!tpu.dma_semaphore, #tpu.memory_space<semaphore_mem>>)
          %dma_start3A_106 = tpu.memref_slice %arg4[%add3A_103] : memref<320000xi32, #tpu.memory_space<hbm>> -> memref<800xi32, #tpu.memory_space<hbm>>
          %dma_start3A_107 = tpu.memref_slice %arg4[%add3A_103] : memref<320000xi32, #tpu.memory_space<hbm>> -> memref<800xi32, #tpu.memory_space<hbm>>
          tpu.enqueue_dma source(%dma_start3A_107 : memref<800xi32, #tpu.memory_space<hbm>>) target(%arg12 : memref<800xi32, #tpu.memory_space<vmem>>) target_semaphore(%arg17 : memref<!tpu.dma_semaphore, #tpu.memory_space<semaphore_mem>>)
        } else {
        }
      } else {
      }
      %scan3A_76 = arith.constant 0 : i32
      scf.yield %scan3A_76 : i32
    }
    %scan3A_50 = arith.constant 25 : i32
    %barrier3A_51 = arith.constant 0 : index
    tpu.barrier barrier_id(%barrier3A_51)
    %mul3A_52 = arith.constant 624 : i32
    %mul3A_53 = arith.muli %arg1, %mul3A_52 : i32
    %mul3A_54 = arith.constant 624 : i32
    %mul3A_55 = arith.muli %arg1, %mul3A_54 : i32
    "tpu.region"() ({
      %run_scoped3A = tpu.sem_alloc : memref<!tpu.dma_semaphore, #tpu.memory_space<semaphore_mem>>
      %dma_start3A_61 = arith.constant 0 : i32
      %dma_start3A_62 = tpu.memref_slice %arg5[%add3A_6, %mul3A_55, %dma_start3A_61] : memref<2x10000x32xf32, #tpu.memory_space<hbm>> -> memref<1x624x32xf32, #tpu.memory_space<hbm>>
      %dma_start3A_63 = tpu.memref_squeeze %dma_start3A_62 : memref<1x624x32xf32, #tpu.memory_space<hbm>> -> memref<624x32xf32, #tpu.memory_space<hbm>>
      %dma_start3A_64 = arith.constant 0 : i32
      %dma_start3A_65 = tpu.memref_slice %arg6[%mul3A_53, %dma_start3A_64] : memref<10000x32xf32, #tpu.memory_space<vmem_shared>> -> memref<624x32xf32, #tpu.memory_space<vmem_shared>>
      tpu.enqueue_dma source(%dma_start3A_65 : memref<624x32xf32, #tpu.memory_space<vmem_shared>>) target(%dma_start3A_63 : memref<624x32xf32, #tpu.memory_space<hbm>>) target_semaphore(%run_scoped3A : memref<!tpu.dma_semaphore, #tpu.memory_space<semaphore_mem>>)
      %dma_wait3A_66 = arith.constant 0 : i32
      %dma_wait3A_67 = tpu.memref_slice %arg5[%add3A_6, %mul3A_55, %dma_wait3A_66] : memref<2x10000x32xf32, #tpu.memory_space<hbm>> -> memref<1x624x32xf32, #tpu.memory_space<hbm>>
      %dma_wait3A_68 = tpu.memref_squeeze %dma_wait3A_67 : memref<1x624x32xf32, #tpu.memory_space<hbm>> -> memref<624x32xf32, #tpu.memory_space<hbm>>
      %dma_wait3A_69 = arith.constant 0 : i32
      %dma_wait3A_70 = tpu.memref_slice %arg6[%mul3A_53, %dma_wait3A_69] : memref<10000x32xf32, #tpu.memory_space<vmem_shared>> -> memref<624x32xf32, #tpu.memory_space<vmem_shared>>
      tpu.wait_dma2 semaphore(%run_scoped3A : memref<!tpu.dma_semaphore, #tpu.memory_space<semaphore_mem>>) src(%dma_wait3A_70 : memref<624x32xf32, #tpu.memory_space<vmem_shared>>) dst(%dma_wait3A_68 : memref<624x32xf32, #tpu.memory_space<hbm>>)
      tpu.yield
    }) : () -> ()
    %eq3A_56 = arith.constant 15 : i32
    %eq3A_57 = arith.cmpi eq, %arg1, %eq3A_56 : i32
    %convert_element_type3A_58 = arith.extui %eq3A_57 : i1 to i32
    %cond3A_59 = arith.constant 0 : i32
    %cond3A_60 = arith.cmpi ne, %convert_element_type3A_58, %cond3A_59 : i32
    scf.if %cond3A_60 {
      "tpu.region"() ({
        %run_scoped3A = tpu.sem_alloc : memref<!tpu.dma_semaphore, #tpu.memory_space<semaphore_mem>>
        %dma_start3A_61 = arith.constant 9984 : i32
        %dma_start3A_62 = arith.constant 0 : i32
        %dma_start3A_63 = tpu.memref_slice %arg5[%add3A_6, %dma_start3A_61, %dma_start3A_62] : memref<2x10000x32xf32, #tpu.memory_space<hbm>> -> memref<1x16x32xf32, #tpu.memory_space<hbm>>
        %dma_start3A_64 = tpu.memref_squeeze %dma_start3A_63 : memref<1x16x32xf32, #tpu.memory_space<hbm>> -> memref<16x32xf32, #tpu.memory_space<hbm>>
        %dma_start3A_65 = arith.constant 9984 : i32
        %dma_start3A_66 = arith.constant 0 : i32
        %dma_start3A_67 = tpu.memref_slice %arg6[%dma_start3A_65, %dma_start3A_66] : memref<10000x32xf32, #tpu.memory_space<vmem_shared>> -> memref<16x32xf32, #tpu.memory_space<vmem_shared>>
        tpu.enqueue_dma source(%dma_start3A_67 : memref<16x32xf32, #tpu.memory_space<vmem_shared>>) target(%dma_start3A_64 : memref<16x32xf32, #tpu.memory_space<hbm>>) target_semaphore(%run_scoped3A : memref<!tpu.dma_semaphore, #tpu.memory_space<semaphore_mem>>)
        %dma_wait3A_68 = arith.constant 9984 : i32
        %dma_wait3A_69 = arith.constant 0 : i32
        %dma_wait3A_70 = tpu.memref_slice %arg5[%add3A_6, %dma_wait3A_68, %dma_wait3A_69] : memref<2x10000x32xf32, #tpu.memory_space<hbm>> -> memref<1x16x32xf32, #tpu.memory_space<hbm>>
        %dma_wait3A_71 = tpu.memref_squeeze %dma_wait3A_70 : memref<1x16x32xf32, #tpu.memory_space<hbm>> -> memref<16x32xf32, #tpu.memory_space<hbm>>
        %dma_wait3A_72 = arith.constant 9984 : i32
        %dma_wait3A_73 = arith.constant 0 : i32
        %dma_wait3A_74 = tpu.memref_slice %arg6[%dma_wait3A_72, %dma_wait3A_73] : memref<10000x32xf32, #tpu.memory_space<vmem_shared>> -> memref<16x32xf32, #tpu.memory_space<vmem_shared>>
        tpu.wait_dma2 semaphore(%run_scoped3A : memref<!tpu.dma_semaphore, #tpu.memory_space<semaphore_mem>>) src(%dma_wait3A_74 : memref<16x32xf32, #tpu.memory_space<vmem_shared>>) dst(%dma_wait3A_71 : memref<16x32xf32, #tpu.memory_space<hbm>>)
        tpu.yield
      }) : () -> ()
    } else {
    }
    return
  }
}

#map = affine_map<(d0, d1) -> (0, 0, 0)>
#map1 = affine_map<(d0, d1) -> (0)>
module attributes {stable_mosaic.version = 14 : i64} {
  func.func @body(%arg0: i32, %arg1: i32, %arg2: memref<2x10000x64xf32, #tpu.memory_space<hbm>>, %arg3: memref<320000xi32, #tpu.memory_space<hbm>>, %arg4: memref<320000xi32, #tpu.memory_space<hbm>>, %arg5: memref<2x10000x64xf32, #tpu.memory_space<hbm>>, %arg6: memref<10000x64xf32, #tpu.memory_space<vmem_shared>>, %arg7: memref<400x64xf32, #tpu.memory_space<vmem>>, %arg8: memref<400x64xf32, #tpu.memory_space<vmem>>, %arg9: memref<400xi32, #tpu.memory_space<vmem>>, %arg10: memref<400xi32, #tpu.memory_space<vmem>>, %arg11: memref<400xi32, #tpu.memory_space<vmem>>, %arg12: memref<400xi32, #tpu.memory_space<vmem>>, %arg13: memref<78x64xf32, #tpu.memory_space<vmem>>, %arg14: memref<!tpu.dma_semaphore, #tpu.memory_space<semaphore_mem>>, %arg15: memref<!tpu.dma_semaphore, #tpu.memory_space<semaphore_mem>>, %arg16: memref<!tpu.dma_semaphore, #tpu.memory_space<semaphore_mem>>, %arg17: memref<!tpu.dma_semaphore, #tpu.memory_space<semaphore_mem>>) attributes {dimension_semantics = [#tpu.dimension_semantics<core_parallel>, #tpu.dimension_semantics<subcore_parallel>], iteration_bounds = array<i64: 2, 16>, scalar_prefetch = 0 : i64, scratch_operands = 12 : i64, tpu.core_type = #tpu.core_type<sc_vector_subcore>, window_params = [{transform_indices = #map}, {transform_indices = #map1}, {transform_indices = #map1}, {transform_indices = #map}]} {
    %scan3A = arith.constant 0 : i32
    %scan3A_0 = arith.constant 0 : i32
    %scan3A_1 = arith.constant 78 : i32
    %scan3A_2 = arith.addi %scan3A_0, %scan3A_1 : i32
    %scan3A_3 = arith.constant 1 : i32
    %scan3A_4 = scf.for %scan3A_61 = %scan3A_0 to %scan3A_2 step %scan3A_3 iter_args(%scan3A_62 = %scan3A) -> (i32)  : i32 {
      %broadcast_in_dim3A = arith.constant 0.000000e+00 : f32
      %broadcast_in_dim3A_63 = vector.broadcast %broadcast_in_dim3A : f32 to vector<16xf32>
      %swap3A = arith.index_cast %scan3A_61 : i32 to index
      %swap3A_64 = arith.constant 0 : index
      %swap3A_65 = tpu.vector_load %arg13[%swap3A, %swap3A_64] {strides = array<i32>} : memref<78x64xf32, #tpu.memory_space<vmem>>, vector<1x16xf32>,
      %swap3A_66 = vector.shape_cast %swap3A_65 : vector<1x16xf32> to vector<16xf32>
      %swap3A_67 = vector.shape_cast %broadcast_in_dim3A_63 : vector<16xf32> to vector<1x16xf32>
      tpu.vector_store %arg13[%swap3A, %swap3A_64], %swap3A_67 {strides = array<i32>} : memref<78x64xf32, #tpu.memory_space<vmem>>, vector<1x16xf32>,
      %broadcast_in_dim3A_68 = arith.constant 0.000000e+00 : f32
      %broadcast_in_dim3A_69 = vector.broadcast %broadcast_in_dim3A_68 : f32 to vector<16xf32>
      %swap3A_70 = arith.index_cast %scan3A_61 : i32 to index
      %swap3A_71 = arith.constant 16 : index
      %swap3A_72 = tpu.vector_load %arg13[%swap3A_70, %swap3A_71] {strides = array<i32>} : memref<78x64xf32, #tpu.memory_space<vmem>>, vector<1x16xf32>,
      %swap3A_73 = vector.shape_cast %swap3A_72 : vector<1x16xf32> to vector<16xf32>
      %swap3A_74 = vector.shape_cast %broadcast_in_dim3A_69 : vector<16xf32> to vector<1x16xf32>
      tpu.vector_store %arg13[%swap3A_70, %swap3A_71], %swap3A_74 {strides = array<i32>} : memref<78x64xf32, #tpu.memory_space<vmem>>, vector<1x16xf32>,
      %broadcast_in_dim3A_75 = arith.constant 0.000000e+00 : f32
      %broadcast_in_dim3A_76 = vector.broadcast %broadcast_in_dim3A_75 : f32 to vector<16xf32>
      %swap3A_77 = arith.index_cast %scan3A_61 : i32 to index
      %swap3A_78 = arith.constant 32 : index
      %swap3A_79 = tpu.vector_load %arg13[%swap3A_77, %swap3A_78] {strides = array<i32>} : memref<78x64xf32, #tpu.memory_space<vmem>>, vector<1x16xf32>,
      %swap3A_80 = vector.shape_cast %swap3A_79 : vector<1x16xf32> to vector<16xf32>
      %swap3A_81 = vector.shape_cast %broadcast_in_dim3A_76 : vector<16xf32> to vector<1x16xf32>
      tpu.vector_store %arg13[%swap3A_77, %swap3A_78], %swap3A_81 {strides = array<i32>} : memref<78x64xf32, #tpu.memory_space<vmem>>, vector<1x16xf32>,
      %broadcast_in_dim3A_82 = arith.constant 0.000000e+00 : f32
      %broadcast_in_dim3A_83 = vector.broadcast %broadcast_in_dim3A_82 : f32 to vector<16xf32>
      %swap3A_84 = arith.index_cast %scan3A_61 : i32 to index
      %swap3A_85 = arith.constant 48 : index
      %swap3A_86 = tpu.vector_load %arg13[%swap3A_84, %swap3A_85] {strides = array<i32>} : memref<78x64xf32, #tpu.memory_space<vmem>>, vector<1x16xf32>,
      %swap3A_87 = vector.shape_cast %swap3A_86 : vector<1x16xf32> to vector<16xf32>
      %swap3A_88 = vector.shape_cast %broadcast_in_dim3A_83 : vector<16xf32> to vector<1x16xf32>
      tpu.vector_store %arg13[%swap3A_84, %swap3A_85], %swap3A_88 {strides = array<i32>} : memref<78x64xf32, #tpu.memory_space<vmem>>, vector<1x16xf32>,
      %scan3A_89 = arith.constant 0 : i32
      scf.yield %scan3A_89 : i32
    }
    %scan3A_5 = arith.constant 78 : i32
    %add3A = arith.constant 0 : i32
    %add3A_6 = arith.addi %add3A, %arg0 : i32
    %scan3A_7 = arith.constant 0 : i32
    %scan3A_8 = arith.constant 0 : i32
    %scan3A_9 = arith.constant 8 : i32
    %scan3A_10 = arith.addi %scan3A_8, %scan3A_9 : i32
    %scan3A_11 = arith.constant 1 : i32
    %scan3A_12 = scf.for %scan3A_61 = %scan3A_8 to %scan3A_10 step %scan3A_11 iter_args(%scan3A_62 = %scan3A_7) -> (i32)  : i32 {
      %mul3A_63 = arith.constant 624 : i32
      %mul3A_64 = arith.muli %arg1, %mul3A_63 : i32
      %mul3A_65 = arith.constant 78 : i32
      %mul3A_66 = arith.muli %scan3A_61, %mul3A_65 : i32
      %add3A_67 = arith.addi %mul3A_64, %mul3A_66 : i32
      "tpu.region"() ({
        %run_scoped3A = tpu.sem_alloc : memref<!tpu.dma_semaphore, #tpu.memory_space<semaphore_mem>>
        %dma_start3A_69 = arith.constant 0 : i32
        %dma_start3A_70 = tpu.memref_slice %arg6[%add3A_67, %dma_start3A_69] : memref<10000x64xf32, #tpu.memory_space<vmem_shared>> -> memref<78x64xf32, #tpu.memory_space<vmem_shared>>
        %dma_start3A_71 = arith.constant 0 : i32
        %dma_start3A_72 = tpu.memref_slice %arg6[%add3A_67, %dma_start3A_71] : memref<10000x64xf32, #tpu.memory_space<vmem_shared>> -> memref<78x64xf32, #tpu.memory_space<vmem_shared>>
        tpu.enqueue_dma source(%arg13 : memref<78x64xf32, #tpu.memory_space<vmem>>) target(%dma_start3A_72 : memref<78x64xf32, #tpu.memory_space<vmem_shared>>) target_semaphore(%run_scoped3A : memref<!tpu.dma_semaphore, #tpu.memory_space<semaphore_mem>>)
        %dma_wait3A_73 = arith.constant 0 : i32
        %dma_wait3A_74 = tpu.memref_slice %arg6[%add3A_67, %dma_wait3A_73] : memref<10000x64xf32, #tpu.memory_space<vmem_shared>> -> memref<78x64xf32, #tpu.memory_space<vmem_shared>>
        %dma_wait3A_75 = arith.constant 0 : i32
        %dma_wait3A_76 = tpu.memref_slice %arg6[%add3A_67, %dma_wait3A_75] : memref<10000x64xf32, #tpu.memory_space<vmem_shared>> -> memref<78x64xf32, #tpu.memory_space<vmem_shared>>
        tpu.wait_dma2 semaphore(%run_scoped3A : memref<!tpu.dma_semaphore, #tpu.memory_space<semaphore_mem>>) src(%arg13 : memref<78x64xf32, #tpu.memory_space<vmem>>) dst(%dma_wait3A_76 : memref<78x64xf32, #tpu.memory_space<vmem_shared>>)
        tpu.yield
      }) : () -> ()
      %scan3A_68 = arith.constant 0 : i32
      scf.yield %scan3A_68 : i32
    }
    %scan3A_13 = arith.constant 8 : i32
    %eq3A = arith.constant 15 : i32
    %eq3A_14 = arith.cmpi eq, %arg1, %eq3A : i32
    %convert_element_type3A = arith.extui %eq3A_14 : i1 to i32
    %cond3A = arith.constant 0 : i32
    %cond3A_15 = arith.cmpi ne, %convert_element_type3A, %cond3A : i32
    scf.if %cond3A_15 {
      "tpu.region"() ({
        %run_scoped3A = tpu.sem_alloc : memref<!tpu.dma_semaphore, #tpu.memory_space<semaphore_mem>>
        %dma_start3A_61 = arith.constant 0 : i32
        %dma_start3A_62 = arith.constant 0 : i32
        %dma_start3A_63 = tpu.memref_slice %arg13[%dma_start3A_61, %dma_start3A_62] : memref<78x64xf32, #tpu.memory_space<vmem>> -> memref<16x64xf32, #tpu.memory_space<vmem>>
        %dma_start3A_64 = arith.constant 9984 : i32
        %dma_start3A_65 = arith.constant 0 : i32
        %dma_start3A_66 = tpu.memref_slice %arg6[%dma_start3A_64, %dma_start3A_65] : memref<10000x64xf32, #tpu.memory_space<vmem_shared>> -> memref<16x64xf32, #tpu.memory_space<vmem_shared>>
        %dma_start3A_67 = arith.constant 9984 : i32
        %dma_start3A_68 = arith.constant 0 : i32
        %dma_start3A_69 = tpu.memref_slice %arg6[%dma_start3A_67, %dma_start3A_68] : memref<10000x64xf32, #tpu.memory_space<vmem_shared>> -> memref<16x64xf32, #tpu.memory_space<vmem_shared>>
        %dma_start3A_70 = arith.constant 0 : i32
        %dma_start3A_71 = arith.constant 0 : i32
        %dma_start3A_72 = tpu.memref_slice %arg13[%dma_start3A_70, %dma_start3A_71] : memref<78x64xf32, #tpu.memory_space<vmem>> -> memref<16x64xf32, #tpu.memory_space<vmem>>
        tpu.enqueue_dma source(%dma_start3A_72 : memref<16x64xf32, #tpu.memory_space<vmem>>) target(%dma_start3A_69 : memref<16x64xf32, #tpu.memory_space<vmem_shared>>) target_semaphore(%run_scoped3A : memref<!tpu.dma_semaphore, #tpu.memory_space<semaphore_mem>>)
        %dma_wait3A_73 = arith.constant 0 : i32
        %dma_wait3A_74 = arith.constant 0 : i32
        %dma_wait3A_75 = tpu.memref_slice %arg13[%dma_wait3A_73, %dma_wait3A_74] : memref<78x64xf32, #tpu.memory_space<vmem>> -> memref<16x64xf32, #tpu.memory_space<vmem>>
        %dma_wait3A_76 = arith.constant 9984 : i32
        %dma_wait3A_77 = arith.constant 0 : i32
        %dma_wait3A_78 = tpu.memref_slice %arg6[%dma_wait3A_76, %dma_wait3A_77] : memref<10000x64xf32, #tpu.memory_space<vmem_shared>> -> memref<16x64xf32, #tpu.memory_space<vmem_shared>>
        %dma_wait3A_79 = arith.constant 9984 : i32
        %dma_wait3A_80 = arith.constant 0 : i32
        %dma_wait3A_81 = tpu.memref_slice %arg6[%dma_wait3A_79, %dma_wait3A_80] : memref<10000x64xf32, #tpu.memory_space<vmem_shared>> -> memref<16x64xf32, #tpu.memory_space<vmem_shared>>
        %dma_wait3A_82 = arith.constant 0 : i32
        %dma_wait3A_83 = arith.constant 0 : i32
        %dma_wait3A_84 = tpu.memref_slice %arg13[%dma_wait3A_82, %dma_wait3A_83] : memref<78x64xf32, #tpu.memory_space<vmem>> -> memref<16x64xf32, #tpu.memory_space<vmem>>
        tpu.wait_dma2 semaphore(%run_scoped3A : memref<!tpu.dma_semaphore, #tpu.memory_space<semaphore_mem>>) src(%dma_wait3A_84 : memref<16x64xf32, #tpu.memory_space<vmem>>) dst(%dma_wait3A_81 : memref<16x64xf32, #tpu.memory_space<vmem_shared>>)
        tpu.yield
      }) : () -> ()
    } else {
    }
    %barrier3A = arith.constant 0 : index
    tpu.barrier barrier_id(%barrier3A)
    %mul3A = arith.constant 20000 : i32
    %mul3A_16 = arith.muli %arg1, %mul3A : i32
    %add3A_17 = arith.constant 0 : i32
    %add3A_18 = arith.addi %mul3A_16, %add3A_17 : i32
    %dma_start3A = tpu.memref_slice %arg3[%add3A_18] : memref<320000xi32, #tpu.memory_space<hbm>> -> memref<400xi32, #tpu.memory_space<hbm>>
    %dma_start3A_19 = tpu.memref_slice %arg3[%add3A_18] : memref<320000xi32, #tpu.memory_space<hbm>> -> memref<400xi32, #tpu.memory_space<hbm>>
    tpu.enqueue_dma source(%dma_start3A_19 : memref<400xi32, #tpu.memory_space<hbm>>) target(%arg9 : memref<400xi32, #tpu.memory_space<vmem>>) target_semaphore(%arg16 : memref<!tpu.dma_semaphore, #tpu.memory_space<semaphore_mem>>)
    %dma_start3A_20 = tpu.memref_slice %arg4[%add3A_18] : memref<320000xi32, #tpu.memory_space<hbm>> -> memref<400xi32, #tpu.memory_space<hbm>>
    %dma_start3A_21 = tpu.memref_slice %arg4[%add3A_18] : memref<320000xi32, #tpu.memory_space<hbm>> -> memref<400xi32, #tpu.memory_space<hbm>>
    tpu.enqueue_dma source(%dma_start3A_21 : memref<400xi32, #tpu.memory_space<hbm>>) target(%arg11 : memref<400xi32, #tpu.memory_space<vmem>>) target_semaphore(%arg16 : memref<!tpu.dma_semaphore, #tpu.memory_space<semaphore_mem>>)
    %mul3A_22 = arith.constant 20000 : i32
    %mul3A_23 = arith.muli %arg1, %mul3A_22 : i32
    %add3A_24 = arith.constant 0 : i32
    %add3A_25 = arith.addi %mul3A_23, %add3A_24 : i32
    %dma_wait3A = tpu.memref_slice %arg3[%add3A_25] : memref<320000xi32, #tpu.memory_space<hbm>> -> memref<400xi32, #tpu.memory_space<hbm>>
    %dma_wait3A_26 = tpu.memref_slice %arg3[%add3A_25] : memref<320000xi32, #tpu.memory_space<hbm>> -> memref<400xi32, #tpu.memory_space<hbm>>
    tpu.wait_dma2 semaphore(%arg16 : memref<!tpu.dma_semaphore, #tpu.memory_space<semaphore_mem>>) src(%dma_wait3A_26 : memref<400xi32, #tpu.memory_space<hbm>>) dst(%arg9 : memref<400xi32, #tpu.memory_space<vmem>>)
    %dma_wait3A_27 = tpu.memref_slice %arg4[%add3A_25] : memref<320000xi32, #tpu.memory_space<hbm>> -> memref<400xi32, #tpu.memory_space<hbm>>
    %dma_wait3A_28 = tpu.memref_slice %arg4[%add3A_25] : memref<320000xi32, #tpu.memory_space<hbm>> -> memref<400xi32, #tpu.memory_space<hbm>>
    tpu.wait_dma2 semaphore(%arg16 : memref<!tpu.dma_semaphore, #tpu.memory_space<semaphore_mem>>) src(%dma_wait3A_28 : memref<400xi32, #tpu.memory_space<hbm>>) dst(%arg11 : memref<400xi32, #tpu.memory_space<vmem>>)
    %dma_start3A_29 = arith.constant 0 : i32
    %dma_start3A_30 = arith.constant 0 : i32
    %dma_start3A_31 = tpu.memref_slice %arg2[%add3A_6, %dma_start3A_29, %dma_start3A_30] : memref<2x10000x64xf32, #tpu.memory_space<hbm>> -> memref<1x10000x64xf32, #tpu.memory_space<hbm>>
    %dma_start3A_32 = tpu.memref_squeeze %dma_start3A_31 : memref<1x10000x64xf32, #tpu.memory_space<hbm>> -> memref<10000x64xf32, #tpu.memory_space<hbm>>
    %dma_start3A_33 = arith.constant 0 : i32
    %dma_start3A_34 = arith.constant 0 : i32
    %dma_start3A_35 = tpu.memref_slice %dma_start3A_32[%dma_start3A_33, %dma_start3A_34] : memref<10000x64xf32, #tpu.memory_space<hbm>> -> memref<10000x64xf32, #tpu.memory_space<hbm>>
    tpu.enqueue_indirect_dma source(%dma_start3A_35 : memref<10000x64xf32, #tpu.memory_space<hbm>>) target(%arg7 : memref<400x64xf32, #tpu.memory_space<vmem>>) offsets(%arg9 : memref<400xi32, #tpu.memory_space<vmem>>) semaphore(%arg14 : memref<!tpu.dma_semaphore, #tpu.memory_space<semaphore_mem>>)
    %mul3A_36 = arith.constant 20000 : i32
    %mul3A_37 = arith.muli %arg1, %mul3A_36 : i32
    %add3A_38 = arith.constant 400 : i32
    %add3A_39 = arith.addi %mul3A_37, %add3A_38 : i32
    %dma_start3A_40 = tpu.memref_slice %arg3[%add3A_39] : memref<320000xi32, #tpu.memory_space<hbm>> -> memref<400xi32, #tpu.memory_space<hbm>>
    %dma_start3A_41 = tpu.memref_slice %arg3[%add3A_39] : memref<320000xi32, #tpu.memory_space<hbm>> -> memref<400xi32, #tpu.memory_space<hbm>>
    tpu.enqueue_dma source(%dma_start3A_41 : memref<400xi32, #tpu.memory_space<hbm>>) target(%arg10 : memref<400xi32, #tpu.memory_space<vmem>>) target_semaphore(%arg17 : memref<!tpu.dma_semaphore, #tpu.memory_space<semaphore_mem>>)
    %dma_start3A_42 = tpu.memref_slice %arg4[%add3A_39] : memref<320000xi32, #tpu.memory_space<hbm>> -> memref<400xi32, #tpu.memory_space<hbm>>
    %dma_start3A_43 = tpu.memref_slice %arg4[%add3A_39] : memref<320000xi32, #tpu.memory_space<hbm>> -> memref<400xi32, #tpu.memory_space<hbm>>
    tpu.enqueue_dma source(%dma_start3A_43 : memref<400xi32, #tpu.memory_space<hbm>>) target(%arg12 : memref<400xi32, #tpu.memory_space<vmem>>) target_semaphore(%arg17 : memref<!tpu.dma_semaphore, #tpu.memory_space<semaphore_mem>>)
    %scan3A_44 = arith.constant 0 : i32
    %scan3A_45 = arith.constant 0 : i32
    %scan3A_46 = arith.constant 50 : i32
    %scan3A_47 = arith.addi %scan3A_45, %scan3A_46 : i32
    %scan3A_48 = arith.constant 1 : i32
    %scan3A_49 = scf.for %scan3A_61 = %scan3A_45 to %scan3A_47 step %scan3A_48 iter_args(%scan3A_62 = %scan3A_44) -> (i32)  : i32 {
      %rem3A = arith.constant 2 : i32
      %rem3A_63 = arith.remsi %scan3A_61, %rem3A : i32
      %eq3A_64 = arith.constant 0 : i32
      %eq3A_65 = arith.cmpi eq, %rem3A_63, %eq3A_64 : i32
      %convert_element_type3A_66 = arith.extui %eq3A_65 : i1 to i32
      %cond3A_67 = arith.constant 0 : i32
      %cond3A_68 = arith.cmpi ne, %convert_element_type3A_66, %cond3A_67 : i32
      scf.if %cond3A_68 {
        %dma_wait3A_77 = arith.constant 0 : i32
        %dma_wait3A_78 = arith.constant 0 : i32
        %dma_wait3A_79 = tpu.memref_slice %arg2[%add3A_6, %dma_wait3A_77, %dma_wait3A_78] : memref<2x10000x64xf32, #tpu.memory_space<hbm>> -> memref<1x10000x64xf32, #tpu.memory_space<hbm>>
        %dma_wait3A_80 = tpu.memref_squeeze %dma_wait3A_79 : memref<1x10000x64xf32, #tpu.memory_space<hbm>> -> memref<10000x64xf32, #tpu.memory_space<hbm>>
        %dma_wait3A_81 = arith.constant 0 : i32
        %dma_wait3A_82 = arith.constant 0 : i32
        %dma_wait3A_83 = tpu.memref_slice %dma_wait3A_80[%dma_wait3A_81, %dma_wait3A_82] : memref<10000x64xf32, #tpu.memory_space<hbm>> -> memref<10000x64xf32, #tpu.memory_space<hbm>>
        tpu.wait_indirect_dma semaphore(%arg14 : memref<!tpu.dma_semaphore, #tpu.memory_space<semaphore_mem>>) src(%dma_wait3A_83 : memref<10000x64xf32, #tpu.memory_space<hbm>>) dst(%arg7 : memref<400x64xf32, #tpu.memory_space<vmem>>)
        %add3A_84 = arith.constant 1 : i32
        %add3A_85 = arith.addi %scan3A_61, %add3A_84 : i32
        %lt3A = arith.constant 50 : i32
        %lt3A_86 = arith.cmpi slt, %add3A_85, %lt3A : i32
        %convert_element_type3A_87 = arith.extui %lt3A_86 : i1 to i32
        %cond3A_88 = arith.constant 0 : i32
        %cond3A_89 = arith.cmpi ne, %convert_element_type3A_87, %cond3A_88 : i32
        scf.if %cond3A_89 {
          %add3A_97 = arith.constant 1 : i32
          %add3A_98 = arith.addi %scan3A_61, %add3A_97 : i32
          %mul3A_99 = arith.constant 20000 : i32
          %mul3A_100 = arith.muli %arg1, %mul3A_99 : i32
          %mul3A_101 = arith.constant 400 : i32
          %mul3A_102 = arith.muli %add3A_98, %mul3A_101 : i32
          %add3A_103 = arith.addi %mul3A_100, %mul3A_102 : i32
          %dma_wait3A_104 = tpu.memref_slice %arg3[%add3A_103] : memref<320000xi32, #tpu.memory_space<hbm>> -> memref<400xi32, #tpu.memory_space<hbm>>
          %dma_wait3A_105 = tpu.memref_slice %arg3[%add3A_103] : memref<320000xi32, #tpu.memory_space<hbm>> -> memref<400xi32, #tpu.memory_space<hbm>>
          tpu.wait_dma2 semaphore(%arg17 : memref<!tpu.dma_semaphore, #tpu.memory_space<semaphore_mem>>) src(%dma_wait3A_105 : memref<400xi32, #tpu.memory_space<hbm>>) dst(%arg10 : memref<400xi32, #tpu.memory_space<vmem>>)
          %dma_wait3A_106 = tpu.memref_slice %arg4[%add3A_103] : memref<320000xi32, #tpu.memory_space<hbm>> -> memref<400xi32, #tpu.memory_space<hbm>>
          %dma_wait3A_107 = tpu.memref_slice %arg4[%add3A_103] : memref<320000xi32, #tpu.memory_space<hbm>> -> memref<400xi32, #tpu.memory_space<hbm>>
          tpu.wait_dma2 semaphore(%arg17 : memref<!tpu.dma_semaphore, #tpu.memory_space<semaphore_mem>>) src(%dma_wait3A_107 : memref<400xi32, #tpu.memory_space<hbm>>) dst(%arg12 : memref<400xi32, #tpu.memory_space<vmem>>)
          %dma_start3A_108 = arith.constant 0 : i32
          %dma_start3A_109 = arith.constant 0 : i32
          %dma_start3A_110 = tpu.memref_slice %arg2[%add3A_6, %dma_start3A_108, %dma_start3A_109] : memref<2x10000x64xf32, #tpu.memory_space<hbm>> -> memref<1x10000x64xf32, #tpu.memory_space<hbm>>
          %dma_start3A_111 = tpu.memref_squeeze %dma_start3A_110 : memref<1x10000x64xf32, #tpu.memory_space<hbm>> -> memref<10000x64xf32, #tpu.memory_space<hbm>>
          %dma_start3A_112 = arith.constant 0 : i32
          %dma_start3A_113 = arith.constant 0 : i32
          %dma_start3A_114 = tpu.memref_slice %dma_start3A_111[%dma_start3A_112, %dma_start3A_113] : memref<10000x64xf32, #tpu.memory_space<hbm>> -> memref<10000x64xf32, #tpu.memory_space<hbm>>
          tpu.enqueue_indirect_dma source(%dma_start3A_114 : memref<10000x64xf32, #tpu.memory_space<hbm>>) target(%arg8 : memref<400x64xf32, #tpu.memory_space<vmem>>) offsets(%arg10 : memref<400xi32, #tpu.memory_space<vmem>>) semaphore(%arg15 : memref<!tpu.dma_semaphore, #tpu.memory_space<semaphore_mem>>)
        } else {
        }
        "tpu.region"() ({
          %run_scoped3A = tpu.sem_alloc : memref<!tpu.dma_semaphore, #tpu.memory_space<semaphore_mem>>
          %dma_start3A_97 = arith.constant 0 : i32
          %dma_start3A_98 = arith.constant 0 : i32
          %dma_start3A_99 = tpu.memref_slice %arg6[%dma_start3A_97, %dma_start3A_98] : memref<10000x64xf32, #tpu.memory_space<vmem_shared>> -> memref<10000x64xf32, #tpu.memory_space<vmem_shared>>
          tpu.enqueue_indirect_dma source(%arg7 : memref<400x64xf32, #tpu.memory_space<vmem>>) target(%dma_start3A_99 : memref<10000x64xf32, #tpu.memory_space<vmem_shared>>) offsets(%arg11 : memref<400xi32, #tpu.memory_space<vmem>>) semaphore(%run_scoped3A : memref<!tpu.dma_semaphore, #tpu.memory_space<semaphore_mem>>) {add = true}
          %dma_wait3A_100 = arith.constant 0 : i32
          %dma_wait3A_101 = arith.constant 0 : i32
          %dma_wait3A_102 = tpu.memref_slice %arg6[%dma_wait3A_100, %dma_wait3A_101] : memref<10000x64xf32, #tpu.memory_space<vmem_shared>> -> memref<10000x64xf32, #tpu.memory_space<vmem_shared>>
          tpu.wait_indirect_dma semaphore(%run_scoped3A : memref<!tpu.dma_semaphore, #tpu.memory_space<semaphore_mem>>) src(%arg7 : memref<400x64xf32, #tpu.memory_space<vmem>>) dst(%dma_wait3A_102 : memref<10000x64xf32, #tpu.memory_space<vmem_shared>>)
          tpu.yield
        }) : () -> ()
        %add3A_90 = arith.constant 2 : i32
        %add3A_91 = arith.addi %scan3A_61, %add3A_90 : i32
        %lt3A_92 = arith.constant 50 : i32
        %lt3A_93 = arith.cmpi slt, %add3A_91, %lt3A_92 : i32
        %convert_element_type3A_94 = arith.extui %lt3A_93 : i1 to i32
        %cond3A_95 = arith.constant 0 : i32
        %cond3A_96 = arith.cmpi ne, %convert_element_type3A_94, %cond3A_95 : i32
        scf.if %cond3A_96 {
          %add3A_97 = arith.constant 2 : i32
          %add3A_98 = arith.addi %scan3A_61, %add3A_97 : i32
          %mul3A_99 = arith.constant 20000 : i32
          %mul3A_100 = arith.muli %arg1, %mul3A_99 : i32
          %mul3A_101 = arith.constant 400 : i32
          %mul3A_102 = arith.muli %add3A_98, %mul3A_101 : i32
          %add3A_103 = arith.addi %mul3A_100, %mul3A_102 : i32
          %dma_start3A_104 = tpu.memref_slice %arg3[%add3A_103] : memref<320000xi32, #tpu.memory_space<hbm>> -> memref<400xi32, #tpu.memory_space<hbm>>
          %dma_start3A_105 = tpu.memref_slice %arg3[%add3A_103] : memref<320000xi32, #tpu.memory_space<hbm>> -> memref<400xi32, #tpu.memory_space<hbm>>
          tpu.enqueue_dma source(%dma_start3A_105 : memref<400xi32, #tpu.memory_space<hbm>>) target(%arg9 : memref<400xi32, #tpu.memory_space<vmem>>) target_semaphore(%arg16 : memref<!tpu.dma_semaphore, #tpu.memory_space<semaphore_mem>>)
          %dma_start3A_106 = tpu.memref_slice %arg4[%add3A_103] : memref<320000xi32, #tpu.memory_space<hbm>> -> memref<400xi32, #tpu.memory_space<hbm>>
          %dma_start3A_107 = tpu.memref_slice %arg4[%add3A_103] : memref<320000xi32, #tpu.memory_space<hbm>> -> memref<400xi32, #tpu.memory_space<hbm>>
          tpu.enqueue_dma source(%dma_start3A_107 : memref<400xi32, #tpu.memory_space<hbm>>) target(%arg11 : memref<400xi32, #tpu.memory_space<vmem>>) target_semaphore(%arg16 : memref<!tpu.dma_semaphore, #tpu.memory_space<semaphore_mem>>)
        } else {
        }
      } else {
      }
      %rem3A_69 = arith.constant 2 : i32
      %rem3A_70 = arith.remsi %scan3A_61, %rem3A_69 : i32
      %eq3A_71 = arith.constant 1 : i32
      %eq3A_72 = arith.cmpi eq, %rem3A_70, %eq3A_71 : i32
      %convert_element_type3A_73 = arith.extui %eq3A_72 : i1 to i32
      %cond3A_74 = arith.constant 0 : i32
      %cond3A_75 = arith.cmpi ne, %convert_element_type3A_73, %cond3A_74 : i32
      scf.if %cond3A_75 {
        %dma_wait3A_77 = arith.constant 0 : i32
        %dma_wait3A_78 = arith.constant 0 : i32
        %dma_wait3A_79 = tpu.memref_slice %arg2[%add3A_6, %dma_wait3A_77, %dma_wait3A_78] : memref<2x10000x64xf32, #tpu.memory_space<hbm>> -> memref<1x10000x64xf32, #tpu.memory_space<hbm>>
        %dma_wait3A_80 = tpu.memref_squeeze %dma_wait3A_79 : memref<1x10000x64xf32, #tpu.memory_space<hbm>> -> memref<10000x64xf32, #tpu.memory_space<hbm>>
        %dma_wait3A_81 = arith.constant 0 : i32
        %dma_wait3A_82 = arith.constant 0 : i32
        %dma_wait3A_83 = tpu.memref_slice %dma_wait3A_80[%dma_wait3A_81, %dma_wait3A_82] : memref<10000x64xf32, #tpu.memory_space<hbm>> -> memref<10000x64xf32, #tpu.memory_space<hbm>>
        tpu.wait_indirect_dma semaphore(%arg15 : memref<!tpu.dma_semaphore, #tpu.memory_space<semaphore_mem>>) src(%dma_wait3A_83 : memref<10000x64xf32, #tpu.memory_space<hbm>>) dst(%arg8 : memref<400x64xf32, #tpu.memory_space<vmem>>)
        %add3A_84 = arith.constant 1 : i32
        %add3A_85 = arith.addi %scan3A_61, %add3A_84 : i32
        %lt3A = arith.constant 50 : i32
        %lt3A_86 = arith.cmpi slt, %add3A_85, %lt3A : i32
        %convert_element_type3A_87 = arith.extui %lt3A_86 : i1 to i32
        %cond3A_88 = arith.constant 0 : i32
        %cond3A_89 = arith.cmpi ne, %convert_element_type3A_87, %cond3A_88 : i32
        scf.if %cond3A_89 {
          %add3A_97 = arith.constant 1 : i32
          %add3A_98 = arith.addi %scan3A_61, %add3A_97 : i32
          %mul3A_99 = arith.constant 20000 : i32
          %mul3A_100 = arith.muli %arg1, %mul3A_99 : i32
          %mul3A_101 = arith.constant 400 : i32
          %mul3A_102 = arith.muli %add3A_98, %mul3A_101 : i32
          %add3A_103 = arith.addi %mul3A_100, %mul3A_102 : i32
          %dma_wait3A_104 = tpu.memref_slice %arg3[%add3A_103] : memref<320000xi32, #tpu.memory_space<hbm>> -> memref<400xi32, #tpu.memory_space<hbm>>
          %dma_wait3A_105 = tpu.memref_slice %arg3[%add3A_103] : memref<320000xi32, #tpu.memory_space<hbm>> -> memref<400xi32, #tpu.memory_space<hbm>>
          tpu.wait_dma2 semaphore(%arg16 : memref<!tpu.dma_semaphore, #tpu.memory_space<semaphore_mem>>) src(%dma_wait3A_105 : memref<400xi32, #tpu.memory_space<hbm>>) dst(%arg9 : memref<400xi32, #tpu.memory_space<vmem>>)
          %dma_wait3A_106 = tpu.memref_slice %arg4[%add3A_103] : memref<320000xi32, #tpu.memory_space<hbm>> -> memref<400xi32, #tpu.memory_space<hbm>>
          %dma_wait3A_107 = tpu.memref_slice %arg4[%add3A_103] : memref<320000xi32, #tpu.memory_space<hbm>> -> memref<400xi32, #tpu.memory_space<hbm>>
          tpu.wait_dma2 semaphore(%arg16 : memref<!tpu.dma_semaphore, #tpu.memory_space<semaphore_mem>>) src(%dma_wait3A_107 : memref<400xi32, #tpu.memory_space<hbm>>) dst(%arg11 : memref<400xi32, #tpu.memory_space<vmem>>)
          %dma_start3A_108 = arith.constant 0 : i32
          %dma_start3A_109 = arith.constant 0 : i32
          %dma_start3A_110 = tpu.memref_slice %arg2[%add3A_6, %dma_start3A_108, %dma_start3A_109] : memref<2x10000x64xf32, #tpu.memory_space<hbm>> -> memref<1x10000x64xf32, #tpu.memory_space<hbm>>
          %dma_start3A_111 = tpu.memref_squeeze %dma_start3A_110 : memref<1x10000x64xf32, #tpu.memory_space<hbm>> -> memref<10000x64xf32, #tpu.memory_space<hbm>>
          %dma_start3A_112 = arith.constant 0 : i32
          %dma_start3A_113 = arith.constant 0 : i32
          %dma_start3A_114 = tpu.memref_slice %dma_start3A_111[%dma_start3A_112, %dma_start3A_113] : memref<10000x64xf32, #tpu.memory_space<hbm>> -> memref<10000x64xf32, #tpu.memory_space<hbm>>
          tpu.enqueue_indirect_dma source(%dma_start3A_114 : memref<10000x64xf32, #tpu.memory_space<hbm>>) target(%arg7 : memref<400x64xf32, #tpu.memory_space<vmem>>) offsets(%arg9 : memref<400xi32, #tpu.memory_space<vmem>>) semaphore(%arg14 : memref<!tpu.dma_semaphore, #tpu.memory_space<semaphore_mem>>)
        } else {
        }
        "tpu.region"() ({
          %run_scoped3A = tpu.sem_alloc : memref<!tpu.dma_semaphore, #tpu.memory_space<semaphore_mem>>
          %dma_start3A_97 = arith.constant 0 : i32
          %dma_start3A_98 = arith.constant 0 : i32
          %dma_start3A_99 = tpu.memref_slice %arg6[%dma_start3A_97, %dma_start3A_98] : memref<10000x64xf32, #tpu.memory_space<vmem_shared>> -> memref<10000x64xf32, #tpu.memory_space<vmem_shared>>
          tpu.enqueue_indirect_dma source(%arg8 : memref<400x64xf32, #tpu.memory_space<vmem>>) target(%dma_start3A_99 : memref<10000x64xf32, #tpu.memory_space<vmem_shared>>) offsets(%arg12 : memref<400xi32, #tpu.memory_space<vmem>>) semaphore(%run_scoped3A : memref<!tpu.dma_semaphore, #tpu.memory_space<semaphore_mem>>) {add = true}
          %dma_wait3A_100 = arith.constant 0 : i32
          %dma_wait3A_101 = arith.constant 0 : i32
          %dma_wait3A_102 = tpu.memref_slice %arg6[%dma_wait3A_100, %dma_wait3A_101] : memref<10000x64xf32, #tpu.memory_space<vmem_shared>> -> memref<10000x64xf32, #tpu.memory_space<vmem_shared>>
          tpu.wait_indirect_dma semaphore(%run_scoped3A : memref<!tpu.dma_semaphore, #tpu.memory_space<semaphore_mem>>) src(%arg8 : memref<400x64xf32, #tpu.memory_space<vmem>>) dst(%dma_wait3A_102 : memref<10000x64xf32, #tpu.memory_space<vmem_shared>>)
          tpu.yield
        }) : () -> ()
        %add3A_90 = arith.constant 2 : i32
        %add3A_91 = arith.addi %scan3A_61, %add3A_90 : i32
        %lt3A_92 = arith.constant 50 : i32
        %lt3A_93 = arith.cmpi slt, %add3A_91, %lt3A_92 : i32
        %convert_element_type3A_94 = arith.extui %lt3A_93 : i1 to i32
        %cond3A_95 = arith.constant 0 : i32
        %cond3A_96 = arith.cmpi ne, %convert_element_type3A_94, %cond3A_95 : i32
        scf.if %cond3A_96 {
          %add3A_97 = arith.constant 2 : i32
          %add3A_98 = arith.addi %scan3A_61, %add3A_97 : i32
          %mul3A_99 = arith.constant 20000 : i32
          %mul3A_100 = arith.muli %arg1, %mul3A_99 : i32
          %mul3A_101 = arith.constant 400 : i32
          %mul3A_102 = arith.muli %add3A_98, %mul3A_101 : i32
          %add3A_103 = arith.addi %mul3A_100, %mul3A_102 : i32
          %dma_start3A_104 = tpu.memref_slice %arg3[%add3A_103] : memref<320000xi32, #tpu.memory_space<hbm>> -> memref<400xi32, #tpu.memory_space<hbm>>
          %dma_start3A_105 = tpu.memref_slice %arg3[%add3A_103] : memref<320000xi32, #tpu.memory_space<hbm>> -> memref<400xi32, #tpu.memory_space<hbm>>
          tpu.enqueue_dma source(%dma_start3A_105 : memref<400xi32, #tpu.memory_space<hbm>>) target(%arg10 : memref<400xi32, #tpu.memory_space<vmem>>) target_semaphore(%arg17 : memref<!tpu.dma_semaphore, #tpu.memory_space<semaphore_mem>>)
          %dma_start3A_106 = tpu.memref_slice %arg4[%add3A_103] : memref<320000xi32, #tpu.memory_space<hbm>> -> memref<400xi32, #tpu.memory_space<hbm>>
          %dma_start3A_107 = tpu.memref_slice %arg4[%add3A_103] : memref<320000xi32, #tpu.memory_space<hbm>> -> memref<400xi32, #tpu.memory_space<hbm>>
          tpu.enqueue_dma source(%dma_start3A_107 : memref<400xi32, #tpu.memory_space<hbm>>) target(%arg12 : memref<400xi32, #tpu.memory_space<vmem>>) target_semaphore(%arg17 : memref<!tpu.dma_semaphore, #tpu.memory_space<semaphore_mem>>)
        } else {
        }
      } else {
      }
      %scan3A_76 = arith.constant 0 : i32
      scf.yield %scan3A_76 : i32
    }
    %scan3A_50 = arith.constant 50 : i32
    %barrier3A_51 = arith.constant 0 : index
    tpu.barrier barrier_id(%barrier3A_51)
    %mul3A_52 = arith.constant 624 : i32
    %mul3A_53 = arith.muli %arg1, %mul3A_52 : i32
    %mul3A_54 = arith.constant 624 : i32
    %mul3A_55 = arith.muli %arg1, %mul3A_54 : i32
    "tpu.region"() ({
      %run_scoped3A = tpu.sem_alloc : memref<!tpu.dma_semaphore, #tpu.memory_space<semaphore_mem>>
      %dma_start3A_61 = arith.constant 0 : i32
      %dma_start3A_62 = tpu.memref_slice %arg5[%add3A_6, %mul3A_55, %dma_start3A_61] : memref<2x10000x64xf32, #tpu.memory_space<hbm>> -> memref<1x624x64xf32, #tpu.memory_space<hbm>>
      %dma_start3A_63 = tpu.memref_squeeze %dma_start3A_62 : memref<1x624x64xf32, #tpu.memory_space<hbm>> -> memref<624x64xf32, #tpu.memory_space<hbm>>
      %dma_start3A_64 = arith.constant 0 : i32
      %dma_start3A_65 = tpu.memref_slice %arg6[%mul3A_53, %dma_start3A_64] : memref<10000x64xf32, #tpu.memory_space<vmem_shared>> -> memref<624x64xf32, #tpu.memory_space<vmem_shared>>
      tpu.enqueue_dma source(%dma_start3A_65 : memref<624x64xf32, #tpu.memory_space<vmem_shared>>) target(%dma_start3A_63 : memref<624x64xf32, #tpu.memory_space<hbm>>) target_semaphore(%run_scoped3A : memref<!tpu.dma_semaphore, #tpu.memory_space<semaphore_mem>>)
      %dma_wait3A_66 = arith.constant 0 : i32
      %dma_wait3A_67 = tpu.memref_slice %arg5[%add3A_6, %mul3A_55, %dma_wait3A_66] : memref<2x10000x64xf32, #tpu.memory_space<hbm>> -> memref<1x624x64xf32, #tpu.memory_space<hbm>>
      %dma_wait3A_68 = tpu.memref_squeeze %dma_wait3A_67 : memref<1x624x64xf32, #tpu.memory_space<hbm>> -> memref<624x64xf32, #tpu.memory_space<hbm>>
      %dma_wait3A_69 = arith.constant 0 : i32
      %dma_wait3A_70 = tpu.memref_slice %arg6[%mul3A_53, %dma_wait3A_69] : memref<10000x64xf32, #tpu.memory_space<vmem_shared>> -> memref<624x64xf32, #tpu.memory_space<vmem_shared>>
      tpu.wait_dma2 semaphore(%run_scoped3A : memref<!tpu.dma_semaphore, #tpu.memory_space<semaphore_mem>>) src(%dma_wait3A_70 : memref<624x64xf32, #tpu.memory_space<vmem_shared>>) dst(%dma_wait3A_68 : memref<624x64xf32, #tpu.memory_space<hbm>>)
      tpu.yield
    }) : () -> ()
    %eq3A_56 = arith.constant 15 : i32
    %eq3A_57 = arith.cmpi eq, %arg1, %eq3A_56 : i32
    %convert_element_type3A_58 = arith.extui %eq3A_57 : i1 to i32
    %cond3A_59 = arith.constant 0 : i32
    %cond3A_60 = arith.cmpi ne, %convert_element_type3A_58, %cond3A_59 : i32
    scf.if %cond3A_60 {
      "tpu.region"() ({
        %run_scoped3A = tpu.sem_alloc : memref<!tpu.dma_semaphore, #tpu.memory_space<semaphore_mem>>
        %dma_start3A_61 = arith.constant 9984 : i32
        %dma_start3A_62 = arith.constant 0 : i32
        %dma_start3A_63 = tpu.memref_slice %arg5[%add3A_6, %dma_start3A_61, %dma_start3A_62] : memref<2x10000x64xf32, #tpu.memory_space<hbm>> -> memref<1x16x64xf32, #tpu.memory_space<hbm>>
        %dma_start3A_64 = tpu.memref_squeeze %dma_start3A_63 : memref<1x16x64xf32, #tpu.memory_space<hbm>> -> memref<16x64xf32, #tpu.memory_space<hbm>>
        %dma_start3A_65 = arith.constant 9984 : i32
        %dma_start3A_66 = arith.constant 0 : i32
        %dma_start3A_67 = tpu.memref_slice %arg6[%dma_start3A_65, %dma_start3A_66] : memref<10000x64xf32, #tpu.memory_space<vmem_shared>> -> memref<16x64xf32, #tpu.memory_space<vmem_shared>>
        tpu.enqueue_dma source(%dma_start3A_67 : memref<16x64xf32, #tpu.memory_space<vmem_shared>>) target(%dma_start3A_64 : memref<16x64xf32, #tpu.memory_space<hbm>>) target_semaphore(%run_scoped3A : memref<!tpu.dma_semaphore, #tpu.memory_space<semaphore_mem>>)
        %dma_wait3A_68 = arith.constant 9984 : i32
        %dma_wait3A_69 = arith.constant 0 : i32
        %dma_wait3A_70 = tpu.memref_slice %arg5[%add3A_6, %dma_wait3A_68, %dma_wait3A_69] : memref<2x10000x64xf32, #tpu.memory_space<hbm>> -> memref<1x16x64xf32, #tpu.memory_space<hbm>>
        %dma_wait3A_71 = tpu.memref_squeeze %dma_wait3A_70 : memref<1x16x64xf32, #tpu.memory_space<hbm>> -> memref<16x64xf32, #tpu.memory_space<hbm>>
        %dma_wait3A_72 = arith.constant 9984 : i32
        %dma_wait3A_73 = arith.constant 0 : i32
        %dma_wait3A_74 = tpu.memref_slice %arg6[%dma_wait3A_72, %dma_wait3A_73] : memref<10000x64xf32, #tpu.memory_space<vmem_shared>> -> memref<16x64xf32, #tpu.memory_space<vmem_shared>>
        tpu.wait_dma2 semaphore(%run_scoped3A : memref<!tpu.dma_semaphore, #tpu.memory_space<semaphore_mem>>) src(%dma_wait3A_74 : memref<16x64xf32, #tpu.memory_space<vmem_shared>>) dst(%dma_wait3A_71 : memref<16x64xf32, #tpu.memory_space<hbm>>)
        tpu.yield
      }) : () -> ()
    } else {
    }
    return
  }
}

#map = affine_map<(d0, d1) -> (0)>
#map1 = affine_map<(d0, d1) -> (0, 0, 0)>
module attributes {stable_mosaic.version = 14 : i64} {
  func.func @body(%arg0: i32, %arg1: i32, %arg2: memref<320000xi32, #tpu.memory_space<hbm>>, %arg3: memref<2x10000x16xf32, #tpu.memory_space<hbm>>, %arg4: memref<10000x16xf32, #tpu.memory_space<vmem_shared>>, %arg5: memref<2000x16xf32, #tpu.memory_space<vmem>>, %arg6: memref<2000xi32, #tpu.memory_space<vmem>>, %arg7: memref<78x16xf32, #tpu.memory_space<vmem>>) attributes {dimension_semantics = [#tpu.dimension_semantics<core_parallel>, #tpu.dimension_semantics<subcore_parallel>], iteration_bounds = array<i64: 2, 16>, scalar_prefetch = 0 : i64, scratch_operands = 4 : i64, tpu.core_type = #tpu.core_type<sc_vector_subcore>, window_params = [{transform_indices = #map}, {transform_indices = #map1}]} {
    %mul3A = arith.constant 2 : i32
    %mul3A_0 = arith.muli %arg1, %mul3A : i32
    %add3A = arith.addi %mul3A_0, %arg0 : i32
    %scan3A = arith.constant 0 : i32
    %scan3A_1 = arith.constant 0 : i32
    %scan3A_2 = arith.constant 78 : i32
    %scan3A_3 = arith.addi %scan3A_1, %scan3A_2 : i32
    %scan3A_4 = arith.constant 1 : i32
    %scan3A_5 = scf.for %scan3A_40 = %scan3A_1 to %scan3A_3 step %scan3A_4 iter_args(%scan3A_41 = %scan3A) -> (i32)  : i32 {
      %broadcast_in_dim3A = arith.constant 0.000000e+00 : f32
      %broadcast_in_dim3A_42 = vector.broadcast %broadcast_in_dim3A : f32 to vector<16xf32>
      %swap3A = arith.index_cast %scan3A_40 : i32 to index
      %swap3A_43 = arith.constant 0 : index
      %swap3A_44 = tpu.vector_load %arg7[%swap3A, %swap3A_43] {strides = array<i32>} : memref<78x16xf32, #tpu.memory_space<vmem>>, vector<1x16xf32>,
      %swap3A_45 = vector.shape_cast %swap3A_44 : vector<1x16xf32> to vector<16xf32>
      %swap3A_46 = vector.shape_cast %broadcast_in_dim3A_42 : vector<16xf32> to vector<1x16xf32>
      tpu.vector_store %arg7[%swap3A, %swap3A_43], %swap3A_46 {strides = array<i32>} : memref<78x16xf32, #tpu.memory_space<vmem>>, vector<1x16xf32>,
      %scan3A_47 = arith.constant 0 : i32
      scf.yield %scan3A_47 : i32
    }
    %scan3A_6 = arith.constant 78 : i32
    %scan3A_7 = arith.constant 0 : i32
    %scan3A_8 = arith.constant 0 : i32
    %scan3A_9 = arith.constant 250 : i32
    %scan3A_10 = arith.addi %scan3A_8, %scan3A_9 : i32
    %scan3A_11 = arith.constant 1 : i32
    %scan3A_12 = scf.for %scan3A_40 = %scan3A_8 to %scan3A_10 step %scan3A_11 iter_args(%scan3A_41 = %scan3A_7) -> (i32)  : i32 {
      %broadcast_in_dim3A = arith.constant 1.000000e+00 : f32
      %broadcast_in_dim3A_42 = vector.broadcast %broadcast_in_dim3A : f32 to vector<16xf32>
      %mul3A_43 = arith.constant 8 : i32
      %mul3A_44 = arith.muli %scan3A_40, %mul3A_43 : i32
      %add3A_45 = arith.constant 0 : i32
      %add3A_46 = arith.addi %mul3A_44, %add3A_45 : i32
      %swap3A = arith.index_cast %add3A_46 : i32 to index
      %swap3A_47 = arith.constant 0 : index
      %swap3A_48 = tpu.vector_load %arg5[%swap3A, %swap3A_47] {strides = array<i32>} : memref<2000x16xf32, #tpu.memory_space<vmem>>, vector<1x16xf32>,
      %swap3A_49 = vector.shape_cast %swap3A_48 : vector<1x16xf32> to vector<16xf32>
      %swap3A_50 = vector.shape_cast %broadcast_in_dim3A_42 : vector<16xf32> to vector<1x16xf32>
      tpu.vector_store %arg5[%swap3A, %swap3A_47], %swap3A_50 {strides = array<i32>} : memref<2000x16xf32, #tpu.memory_space<vmem>>, vector<1x16xf32>,
      %broadcast_in_dim3A_51 = arith.constant 1.000000e+00 : f32
      %broadcast_in_dim3A_52 = vector.broadcast %broadcast_in_dim3A_51 : f32 to vector<16xf32>
      %mul3A_53 = arith.constant 8 : i32
      %mul3A_54 = arith.muli %scan3A_40, %mul3A_53 : i32
      %add3A_55 = arith.constant 1 : i32
      %add3A_56 = arith.addi %mul3A_54, %add3A_55 : i32
      %swap3A_57 = arith.index_cast %add3A_56 : i32 to index
      %swap3A_58 = arith.constant 0 : index
      %swap3A_59 = tpu.vector_load %arg5[%swap3A_57, %swap3A_58] {strides = array<i32>} : memref<2000x16xf32, #tpu.memory_space<vmem>>, vector<1x16xf32>,
      %swap3A_60 = vector.shape_cast %swap3A_59 : vector<1x16xf32> to vector<16xf32>
      %swap3A_61 = vector.shape_cast %broadcast_in_dim3A_52 : vector<16xf32> to vector<1x16xf32>
      tpu.vector_store %arg5[%swap3A_57, %swap3A_58], %swap3A_61 {strides = array<i32>} : memref<2000x16xf32, #tpu.memory_space<vmem>>, vector<1x16xf32>,
      %broadcast_in_dim3A_62 = arith.constant 1.000000e+00 : f32
      %broadcast_in_dim3A_63 = vector.broadcast %broadcast_in_dim3A_62 : f32 to vector<16xf32>
      %mul3A_64 = arith.constant 8 : i32
      %mul3A_65 = arith.muli %scan3A_40, %mul3A_64 : i32
      %add3A_66 = arith.constant 2 : i32
      %add3A_67 = arith.addi %mul3A_65, %add3A_66 : i32
      %swap3A_68 = arith.index_cast %add3A_67 : i32 to index
      %swap3A_69 = arith.constant 0 : index
      %swap3A_70 = tpu.vector_load %arg5[%swap3A_68, %swap3A_69] {strides = array<i32>} : memref<2000x16xf32, #tpu.memory_space<vmem>>, vector<1x16xf32>,
      %swap3A_71 = vector.shape_cast %swap3A_70 : vector<1x16xf32> to vector<16xf32>
      %swap3A_72 = vector.shape_cast %broadcast_in_dim3A_63 : vector<16xf32> to vector<1x16xf32>
      tpu.vector_store %arg5[%swap3A_68, %swap3A_69], %swap3A_72 {strides = array<i32>} : memref<2000x16xf32, #tpu.memory_space<vmem>>, vector<1x16xf32>,
      %broadcast_in_dim3A_73 = arith.constant 1.000000e+00 : f32
      %broadcast_in_dim3A_74 = vector.broadcast %broadcast_in_dim3A_73 : f32 to vector<16xf32>
      %mul3A_75 = arith.constant 8 : i32
      %mul3A_76 = arith.muli %scan3A_40, %mul3A_75 : i32
      %add3A_77 = arith.constant 3 : i32
      %add3A_78 = arith.addi %mul3A_76, %add3A_77 : i32
      %swap3A_79 = arith.index_cast %add3A_78 : i32 to index
      %swap3A_80 = arith.constant 0 : index
      %swap3A_81 = tpu.vector_load %arg5[%swap3A_79, %swap3A_80] {strides = array<i32>} : memref<2000x16xf32, #tpu.memory_space<vmem>>, vector<1x16xf32>,
      %swap3A_82 = vector.shape_cast %swap3A_81 : vector<1x16xf32> to vector<16xf32>
      %swap3A_83 = vector.shape_cast %broadcast_in_dim3A_74 : vector<16xf32> to vector<1x16xf32>
      tpu.vector_store %arg5[%swap3A_79, %swap3A_80], %swap3A_83 {strides = array<i32>} : memref<2000x16xf32, #tpu.memory_space<vmem>>, vector<1x16xf32>,
      %broadcast_in_dim3A_84 = arith.constant 1.000000e+00 : f32
      %broadcast_in_dim3A_85 = vector.broadcast %broadcast_in_dim3A_84 : f32 to vector<16xf32>
      %mul3A_86 = arith.constant 8 : i32
      %mul3A_87 = arith.muli %scan3A_40, %mul3A_86 : i32
      %add3A_88 = arith.constant 4 : i32
      %add3A_89 = arith.addi %mul3A_87, %add3A_88 : i32
      %swap3A_90 = arith.index_cast %add3A_89 : i32 to index
      %swap3A_91 = arith.constant 0 : index
      %swap3A_92 = tpu.vector_load %arg5[%swap3A_90, %swap3A_91] {strides = array<i32>} : memref<2000x16xf32, #tpu.memory_space<vmem>>, vector<1x16xf32>,
      %swap3A_93 = vector.shape_cast %swap3A_92 : vector<1x16xf32> to vector<16xf32>
      %swap3A_94 = vector.shape_cast %broadcast_in_dim3A_85 : vector<16xf32> to vector<1x16xf32>
      tpu.vector_store %arg5[%swap3A_90, %swap3A_91], %swap3A_94 {strides = array<i32>} : memref<2000x16xf32, #tpu.memory_space<vmem>>, vector<1x16xf32>,
      %broadcast_in_dim3A_95 = arith.constant 1.000000e+00 : f32
      %broadcast_in_dim3A_96 = vector.broadcast %broadcast_in_dim3A_95 : f32 to vector<16xf32>
      %mul3A_97 = arith.constant 8 : i32
      %mul3A_98 = arith.muli %scan3A_40, %mul3A_97 : i32
      %add3A_99 = arith.constant 5 : i32
      %add3A_100 = arith.addi %mul3A_98, %add3A_99 : i32
      %swap3A_101 = arith.index_cast %add3A_100 : i32 to index
      %swap3A_102 = arith.constant 0 : index
      %swap3A_103 = tpu.vector_load %arg5[%swap3A_101, %swap3A_102] {strides = array<i32>} : memref<2000x16xf32, #tpu.memory_space<vmem>>, vector<1x16xf32>,
      %swap3A_104 = vector.shape_cast %swap3A_103 : vector<1x16xf32> to vector<16xf32>
      %swap3A_105 = vector.shape_cast %broadcast_in_dim3A_96 : vector<16xf32> to vector<1x16xf32>
      tpu.vector_store %arg5[%swap3A_101, %swap3A_102], %swap3A_105 {strides = array<i32>} : memref<2000x16xf32, #tpu.memory_space<vmem>>, vector<1x16xf32>,
      %broadcast_in_dim3A_106 = arith.constant 1.000000e+00 : f32
      %broadcast_in_dim3A_107 = vector.broadcast %broadcast_in_dim3A_106 : f32 to vector<16xf32>
      %mul3A_108 = arith.constant 8 : i32
      %mul3A_109 = arith.muli %scan3A_40, %mul3A_108 : i32
      %add3A_110 = arith.constant 6 : i32
      %add3A_111 = arith.addi %mul3A_109, %add3A_110 : i32
      %swap3A_112 = arith.index_cast %add3A_111 : i32 to index
      %swap3A_113 = arith.constant 0 : index
      %swap3A_114 = tpu.vector_load %arg5[%swap3A_112, %swap3A_113] {strides = array<i32>} : memref<2000x16xf32, #tpu.memory_space<vmem>>, vector<1x16xf32>,
      %swap3A_115 = vector.shape_cast %swap3A_114 : vector<1x16xf32> to vector<16xf32>
      %swap3A_116 = vector.shape_cast %broadcast_in_dim3A_107 : vector<16xf32> to vector<1x16xf32>
      tpu.vector_store %arg5[%swap3A_112, %swap3A_113], %swap3A_116 {strides = array<i32>} : memref<2000x16xf32, #tpu.memory_space<vmem>>, vector<1x16xf32>,
      %broadcast_in_dim3A_117 = arith.constant 1.000000e+00 : f32
      %broadcast_in_dim3A_118 = vector.broadcast %broadcast_in_dim3A_117 : f32 to vector<16xf32>
      %mul3A_119 = arith.constant 8 : i32
      %mul3A_120 = arith.muli %scan3A_40, %mul3A_119 : i32
      %add3A_121 = arith.constant 7 : i32
      %add3A_122 = arith.addi %mul3A_120, %add3A_121 : i32
      %swap3A_123 = arith.index_cast %add3A_122 : i32 to index
      %swap3A_124 = arith.constant 0 : index
      %swap3A_125 = tpu.vector_load %arg5[%swap3A_123, %swap3A_124] {strides = array<i32>} : memref<2000x16xf32, #tpu.memory_space<vmem>>, vector<1x16xf32>,
      %swap3A_126 = vector.shape_cast %swap3A_125 : vector<1x16xf32> to vector<16xf32>
      %swap3A_127 = vector.shape_cast %broadcast_in_dim3A_118 : vector<16xf32> to vector<1x16xf32>
      tpu.vector_store %arg5[%swap3A_123, %swap3A_124], %swap3A_127 {strides = array<i32>} : memref<2000x16xf32, #tpu.memory_space<vmem>>, vector<1x16xf32>,
      %scan3A_128 = arith.constant 0 : i32
      scf.yield %scan3A_128 : i32
    }
    %scan3A_13 = arith.constant 250 : i32
    %scan3A_14 = arith.constant 0 : i32
    %scan3A_15 = arith.constant 0 : i32
    %scan3A_16 = arith.constant 8 : i32
    %scan3A_17 = arith.addi %scan3A_15, %scan3A_16 : i32
    %scan3A_18 = arith.constant 1 : i32
    %scan3A_19 = scf.for %scan3A_40 = %scan3A_15 to %scan3A_17 step %scan3A_18 iter_args(%scan3A_41 = %scan3A_14) -> (i32)  : i32 {
      %mul3A_42 = arith.constant 624 : i32
      %mul3A_43 = arith.muli %arg1, %mul3A_42 : i32
      %mul3A_44 = arith.constant 78 : i32
      %mul3A_45 = arith.muli %scan3A_40, %mul3A_44 : i32
      %add3A_46 = arith.addi %mul3A_43, %mul3A_45 : i32
      "tpu.region"() ({
        %run_scoped3A = tpu.sem_alloc : memref<!tpu.dma_semaphore, #tpu.memory_space<semaphore_mem>>
        %dma_start3A = arith.constant 0 : i32
        %dma_start3A_48 = tpu.memref_slice %arg4[%add3A_46, %dma_start3A] : memref<10000x16xf32, #tpu.memory_space<vmem_shared>> -> memref<78x16xf32, #tpu.memory_space<vmem_shared>>
        %dma_start3A_49 = arith.constant 0 : i32
        %dma_start3A_50 = tpu.memref_slice %arg4[%add3A_46, %dma_start3A_49] : memref<10000x16xf32, #tpu.memory_space<vmem_shared>> -> memref<78x16xf32, #tpu.memory_space<vmem_shared>>
        tpu.enqueue_dma source(%arg7 : memref<78x16xf32, #tpu.memory_space<vmem>>) target(%dma_start3A_50 : memref<78x16xf32, #tpu.memory_space<vmem_shared>>) target_semaphore(%run_scoped3A : memref<!tpu.dma_semaphore, #tpu.memory_space<semaphore_mem>>)
        %dma_wait3A = arith.constant 0 : i32
        %dma_wait3A_51 = tpu.memref_slice %arg4[%add3A_46, %dma_wait3A] : memref<10000x16xf32, #tpu.memory_space<vmem_shared>> -> memref<78x16xf32, #tpu.memory_space<vmem_shared>>
        %dma_wait3A_52 = arith.constant 0 : i32
        %dma_wait3A_53 = tpu.memref_slice %arg4[%add3A_46, %dma_wait3A_52] : memref<10000x16xf32, #tpu.memory_space<vmem_shared>> -> memref<78x16xf32, #tpu.memory_space<vmem_shared>>
        tpu.wait_dma2 semaphore(%run_scoped3A : memref<!tpu.dma_semaphore, #tpu.memory_space<semaphore_mem>>) src(%arg7 : memref<78x16xf32, #tpu.memory_space<vmem>>) dst(%dma_wait3A_53 : memref<78x16xf32, #tpu.memory_space<vmem_shared>>)
        tpu.yield
      }) : () -> ()
      %scan3A_47 = arith.constant 0 : i32
      scf.yield %scan3A_47 : i32
    }
    %scan3A_20 = arith.constant 8 : i32
    %eq3A = arith.constant 15 : i32
    %eq3A_21 = arith.cmpi eq, %arg1, %eq3A : i32
    %convert_element_type3A = arith.extui %eq3A_21 : i1 to i32
    %cond3A = arith.constant 0 : i32
    %cond3A_22 = arith.cmpi ne, %convert_element_type3A, %cond3A : i32
    scf.if %cond3A_22 {
      "tpu.region"() ({
        %run_scoped3A = tpu.sem_alloc : memref<!tpu.dma_semaphore, #tpu.memory_space<semaphore_mem>>
        %dma_start3A = arith.constant 0 : i32
        %dma_start3A_40 = arith.constant 0 : i32
        %dma_start3A_41 = tpu.memref_slice %arg7[%dma_start3A, %dma_start3A_40] : memref<78x16xf32, #tpu.memory_space<vmem>> -> memref<16x16xf32, #tpu.memory_space<vmem>>
        %dma_start3A_42 = arith.constant 9984 : i32
        %dma_start3A_43 = arith.constant 0 : i32
        %dma_start3A_44 = tpu.memref_slice %arg4[%dma_start3A_42, %dma_start3A_43] : memref<10000x16xf32, #tpu.memory_space<vmem_shared>> -> memref<16x16xf32, #tpu.memory_space<vmem_shared>>
        %dma_start3A_45 = arith.constant 9984 : i32
        %dma_start3A_46 = arith.constant 0 : i32
        %dma_start3A_47 = tpu.memref_slice %arg4[%dma_start3A_45, %dma_start3A_46] : memref<10000x16xf32, #tpu.memory_space<vmem_shared>> -> memref<16x16xf32, #tpu.memory_space<vmem_shared>>
        %dma_start3A_48 = arith.constant 0 : i32
        %dma_start3A_49 = arith.constant 0 : i32
        %dma_start3A_50 = tpu.memref_slice %arg7[%dma_start3A_48, %dma_start3A_49] : memref<78x16xf32, #tpu.memory_space<vmem>> -> memref<16x16xf32, #tpu.memory_space<vmem>>
        tpu.enqueue_dma source(%dma_start3A_50 : memref<16x16xf32, #tpu.memory_space<vmem>>) target(%dma_start3A_47 : memref<16x16xf32, #tpu.memory_space<vmem_shared>>) target_semaphore(%run_scoped3A : memref<!tpu.dma_semaphore, #tpu.memory_space<semaphore_mem>>)
        %dma_wait3A = arith.constant 0 : i32
        %dma_wait3A_51 = arith.constant 0 : i32
        %dma_wait3A_52 = tpu.memref_slice %arg7[%dma_wait3A, %dma_wait3A_51] : memref<78x16xf32, #tpu.memory_space<vmem>> -> memref<16x16xf32, #tpu.memory_space<vmem>>
        %dma_wait3A_53 = arith.constant 9984 : i32
        %dma_wait3A_54 = arith.constant 0 : i32
        %dma_wait3A_55 = tpu.memref_slice %arg4[%dma_wait3A_53, %dma_wait3A_54] : memref<10000x16xf32, #tpu.memory_space<vmem_shared>> -> memref<16x16xf32, #tpu.memory_space<vmem_shared>>
        %dma_wait3A_56 = arith.constant 9984 : i32
        %dma_wait3A_57 = arith.constant 0 : i32
        %dma_wait3A_58 = tpu.memref_slice %arg4[%dma_wait3A_56, %dma_wait3A_57] : memref<10000x16xf32, #tpu.memory_space<vmem_shared>> -> memref<16x16xf32, #tpu.memory_space<vmem_shared>>
        %dma_wait3A_59 = arith.constant 0 : i32
        %dma_wait3A_60 = arith.constant 0 : i32
        %dma_wait3A_61 = tpu.memref_slice %arg7[%dma_wait3A_59, %dma_wait3A_60] : memref<78x16xf32, #tpu.memory_space<vmem>> -> memref<16x16xf32, #tpu.memory_space<vmem>>
        tpu.wait_dma2 semaphore(%run_scoped3A : memref<!tpu.dma_semaphore, #tpu.memory_space<semaphore_mem>>) src(%dma_wait3A_61 : memref<16x16xf32, #tpu.memory_space<vmem>>) dst(%dma_wait3A_58 : memref<16x16xf32, #tpu.memory_space<vmem_shared>>)
        tpu.yield
      }) : () -> ()
    } else {
    }
    %barrier3A = arith.constant 0 : index
    tpu.barrier barrier_id(%barrier3A)
    %scan3A_23 = arith.constant 0 : i32
    %scan3A_24 = arith.constant 0 : i32
    %scan3A_25 = arith.constant 5 : i32
    %scan3A_26 = arith.addi %scan3A_24, %scan3A_25 : i32
    %scan3A_27 = arith.constant 1 : i32
    %scan3A_28 = scf.for %scan3A_40 = %scan3A_24 to %scan3A_26 step %scan3A_27 iter_args(%scan3A_41 = %scan3A_23) -> (i32)  : i32 {
      %mul3A_42 = arith.constant 10000 : i32
      %mul3A_43 = arith.muli %add3A, %mul3A_42 : i32
      %mul3A_44 = arith.constant 2000 : i32
      %mul3A_45 = arith.muli %scan3A_40, %mul3A_44 : i32
      %add3A_46 = arith.addi %mul3A_43, %mul3A_45 : i32
      "tpu.region"() ({
        %run_scoped3A = tpu.sem_alloc : memref<!tpu.dma_semaphore, #tpu.memory_space<semaphore_mem>>
        %dma_start3A = tpu.memref_slice %arg2[%add3A_46] : memref<320000xi32, #tpu.memory_space<hbm>> -> memref<2000xi32, #tpu.memory_space<hbm>>
        %dma_start3A_48 = tpu.memref_slice %arg2[%add3A_46] : memref<320000xi32, #tpu.memory_space<hbm>> -> memref<2000xi32, #tpu.memory_space<hbm>>
        tpu.enqueue_dma source(%dma_start3A_48 : memref<2000xi32, #tpu.memory_space<hbm>>) target(%arg6 : memref<2000xi32, #tpu.memory_space<vmem>>) target_semaphore(%run_scoped3A : memref<!tpu.dma_semaphore, #tpu.memory_space<semaphore_mem>>)
        %dma_wait3A = tpu.memref_slice %arg2[%add3A_46] : memref<320000xi32, #tpu.memory_space<hbm>> -> memref<2000xi32, #tpu.memory_space<hbm>>
        %dma_wait3A_49 = tpu.memref_slice %arg2[%add3A_46] : memref<320000xi32, #tpu.memory_space<hbm>> -> memref<2000xi32, #tpu.memory_space<hbm>>
        tpu.wait_dma2 semaphore(%run_scoped3A : memref<!tpu.dma_semaphore, #tpu.memory_space<semaphore_mem>>) src(%dma_wait3A_49 : memref<2000xi32, #tpu.memory_space<hbm>>) dst(%arg6 : memref<2000xi32, #tpu.memory_space<vmem>>)
        tpu.yield
      }) : () -> ()
      "tpu.region"() ({
        %run_scoped3A = tpu.sem_alloc : memref<!tpu.dma_semaphore, #tpu.memory_space<semaphore_mem>>
        %dma_start3A = arith.constant 0 : i32
        %dma_start3A_48 = arith.constant 0 : i32
        %dma_start3A_49 = tpu.memref_slice %arg4[%dma_start3A, %dma_start3A_48] : memref<10000x16xf32, #tpu.memory_space<vmem_shared>> -> memref<10000x16xf32, #tpu.memory_space<vmem_shared>>
        tpu.enqueue_indirect_dma source(%arg5 : memref<2000x16xf32, #tpu.memory_space<vmem>>) target(%dma_start3A_49 : memref<10000x16xf32, #tpu.memory_space<vmem_shared>>) offsets(%arg6 : memref<2000xi32, #tpu.memory_space<vmem>>) semaphore(%run_scoped3A : memref<!tpu.dma_semaphore, #tpu.memory_space<semaphore_mem>>) {add = true}
        %dma_wait3A = arith.constant 0 : i32
        %dma_wait3A_50 = arith.constant 0 : i32
        %dma_wait3A_51 = tpu.memref_slice %arg4[%dma_wait3A, %dma_wait3A_50] : memref<10000x16xf32, #tpu.memory_space<vmem_shared>> -> memref<10000x16xf32, #tpu.memory_space<vmem_shared>>
        tpu.wait_indirect_dma semaphore(%run_scoped3A : memref<!tpu.dma_semaphore, #tpu.memory_space<semaphore_mem>>) src(%arg5 : memref<2000x16xf32, #tpu.memory_space<vmem>>) dst(%dma_wait3A_51 : memref<10000x16xf32, #tpu.memory_space<vmem_shared>>)
        tpu.yield
      }) : () -> ()
      %scan3A_47 = arith.constant 0 : i32
      scf.yield %scan3A_47 : i32
    }
    %scan3A_29 = arith.constant 5 : i32
    %barrier3A_30 = arith.constant 0 : index
    tpu.barrier barrier_id(%barrier3A_30)
    %mul3A_31 = arith.constant 624 : i32
    %mul3A_32 = arith.muli %arg1, %mul3A_31 : i32
    %mul3A_33 = arith.constant 624 : i32
    %mul3A_34 = arith.muli %arg1, %mul3A_33 : i32
    "tpu.region"() ({
      %run_scoped3A = tpu.sem_alloc : memref<!tpu.dma_semaphore, #tpu.memory_space<semaphore_mem>>
      %dma_start3A = arith.constant 0 : i32
      %dma_start3A_40 = tpu.memref_slice %arg3[%arg0, %mul3A_34, %dma_start3A] : memref<2x10000x16xf32, #tpu.memory_space<hbm>> -> memref<1x624x16xf32, #tpu.memory_space<hbm>>
      %dma_start3A_41 = tpu.memref_squeeze %dma_start3A_40 : memref<1x624x16xf32, #tpu.memory_space<hbm>> -> memref<624x16xf32, #tpu.memory_space<hbm>>
      %dma_start3A_42 = arith.constant 0 : i32
      %dma_start3A_43 = tpu.memref_slice %arg4[%mul3A_32, %dma_start3A_42] : memref<10000x16xf32, #tpu.memory_space<vmem_shared>> -> memref<624x16xf32, #tpu.memory_space<vmem_shared>>
      tpu.enqueue_dma source(%dma_start3A_43 : memref<624x16xf32, #tpu.memory_space<vmem_shared>>) target(%dma_start3A_41 : memref<624x16xf32, #tpu.memory_space<hbm>>) target_semaphore(%run_scoped3A : memref<!tpu.dma_semaphore, #tpu.memory_space<semaphore_mem>>)
      %dma_wait3A = arith.constant 0 : i32
      %dma_wait3A_44 = tpu.memref_slice %arg3[%arg0, %mul3A_34, %dma_wait3A] : memref<2x10000x16xf32, #tpu.memory_space<hbm>> -> memref<1x624x16xf32, #tpu.memory_space<hbm>>
      %dma_wait3A_45 = tpu.memref_squeeze %dma_wait3A_44 : memref<1x624x16xf32, #tpu.memory_space<hbm>> -> memref<624x16xf32, #tpu.memory_space<hbm>>
      %dma_wait3A_46 = arith.constant 0 : i32
      %dma_wait3A_47 = tpu.memref_slice %arg4[%mul3A_32, %dma_wait3A_46] : memref<10000x16xf32, #tpu.memory_space<vmem_shared>> -> memref<624x16xf32, #tpu.memory_space<vmem_shared>>
      tpu.wait_dma2 semaphore(%run_scoped3A : memref<!tpu.dma_semaphore, #tpu.memory_space<semaphore_mem>>) src(%dma_wait3A_47 : memref<624x16xf32, #tpu.memory_space<vmem_shared>>) dst(%dma_wait3A_45 : memref<624x16xf32, #tpu.memory_space<hbm>>)
      tpu.yield
    }) : () -> ()
    %eq3A_35 = arith.constant 15 : i32
    %eq3A_36 = arith.cmpi eq, %arg1, %eq3A_35 : i32
    %convert_element_type3A_37 = arith.extui %eq3A_36 : i1 to i32
    %cond3A_38 = arith.constant 0 : i32
    %cond3A_39 = arith.cmpi ne, %convert_element_type3A_37, %cond3A_38 : i32
    scf.if %cond3A_39 {
      "tpu.region"() ({
        %run_scoped3A = tpu.sem_alloc : memref<!tpu.dma_semaphore, #tpu.memory_space<semaphore_mem>>
        %dma_start3A = arith.constant 9984 : i32
        %dma_start3A_40 = arith.constant 0 : i32
        %dma_start3A_41 = tpu.memref_slice %arg3[%arg0, %dma_start3A, %dma_start3A_40] : memref<2x10000x16xf32, #tpu.memory_space<hbm>> -> memref<1x16x16xf32, #tpu.memory_space<hbm>>
        %dma_start3A_42 = tpu.memref_squeeze %dma_start3A_41 : memref<1x16x16xf32, #tpu.memory_space<hbm>> -> memref<16x16xf32, #tpu.memory_space<hbm>>
        %dma_start3A_43 = arith.constant 9984 : i32
        %dma_start3A_44 = arith.constant 0 : i32
        %dma_start3A_45 = tpu.memref_slice %arg4[%dma_start3A_43, %dma_start3A_44] : memref<10000x16xf32, #tpu.memory_space<vmem_shared>> -> memref<16x16xf32, #tpu.memory_space<vmem_shared>>
        tpu.enqueue_dma source(%dma_start3A_45 : memref<16x16xf32, #tpu.memory_space<vmem_shared>>) target(%dma_start3A_42 : memref<16x16xf32, #tpu.memory_space<hbm>>) target_semaphore(%run_scoped3A : memref<!tpu.dma_semaphore, #tpu.memory_space<semaphore_mem>>)
        %dma_wait3A = arith.constant 9984 : i32
        %dma_wait3A_46 = arith.constant 0 : i32
        %dma_wait3A_47 = tpu.memref_slice %arg3[%arg0, %dma_wait3A, %dma_wait3A_46] : memref<2x10000x16xf32, #tpu.memory_space<hbm>> -> memref<1x16x16xf32, #tpu.memory_space<hbm>>
        %dma_wait3A_48 = tpu.memref_squeeze %dma_wait3A_47 : memref<1x16x16xf32, #tpu.memory_space<hbm>> -> memref<16x16xf32, #tpu.memory_space<hbm>>
        %dma_wait3A_49 = arith.constant 9984 : i32
        %dma_wait3A_50 = arith.constant 0 : i32
        %dma_wait3A_51 = tpu.memref_slice %arg4[%dma_wait3A_49, %dma_wait3A_50] : memref<10000x16xf32, #tpu.memory_space<vmem_shared>> -> memref<16x16xf32, #tpu.memory_space<vmem_shared>>
        tpu.wait_dma2 semaphore(%run_scoped3A : memref<!tpu.dma_semaphore, #tpu.memory_space<semaphore_mem>>) src(%dma_wait3A_51 : memref<16x16xf32, #tpu.memory_space<vmem_shared>>) dst(%dma_wait3A_48 : memref<16x16xf32, #tpu.memory_space<hbm>>)
        tpu.yield
      }) : () -> ()
    } else {
    }
    return
  }
}

module attributes {stable_mosaic.version = 14 : i64} {
  func.func @body(%arg0: i32, %arg1: memref<1000x128xf32, #tpu.memory_space<vmem>>, %arg2: memref<1000x16xf32, #tpu.memory_space<vmem>>, %arg3: memref<1000x16xf32, #tpu.memory_space<vmem>>, %arg4: memref<2x1000x64xf32, #tpu.memory_space<vmem>>) attributes {dimension_semantics = [#tpu.dimension_semantics<arbitrary>], iteration_bounds = array<i64: 10>, scalar_prefetch = 0 : i64, scratch_operands = 0 : i64, tpu.core_type = #tpu.core_type<tc>, window_params = [{transform_indices = @transform_0, window_bounds = array<i64: 1000, 128>}, {transform_indices = @transform_1, window_bounds = array<i64: 1000, 16>}, {transform_indices = @transform_2, window_bounds = array<i64: 1000, 16>}, {transform_indices = @transform_3, window_bounds = array<i64: 2, 1000, 64>}]} {
    %get3A = arith.constant 0 : index
    %get3A_0 = arith.constant 0 : index
    %get3A_1 = vector.load %arg1[%get3A, %get3A_0] : memref<1000x128xf32, #tpu.memory_space<vmem>>, vector<1000x128xf32>
    %get3A_2 = arith.constant 0 : index
    %get3A_3 = arith.constant 0 : index
    %get3A_4 = vector.load %arg2[%get3A_2, %get3A_3] : memref<1000x16xf32, #tpu.memory_space<vmem>>, vector<1000x1xf32>
    %get3A_5 = arith.constant 0 : index
    %get3A_6 = arith.constant 0 : index
    %get3A_7 = vector.load %arg3[%get3A_5, %get3A_6] : memref<1000x16xf32, #tpu.memory_space<vmem>>, vector<1000x1xf32>
    %add3A = arith.addf %get3A_4, %get3A_7 : vector<1000x1xf32>
    %add3A_8 = arith.constant 1.000000e+00 : f32
    %add3A_9 = vector.broadcast %add3A_8 : f32 to vector<1000x1xf32>
    %add3A_10 = arith.addf %add3A, %add3A_9 : vector<1000x1xf32>
    %max3A = arith.constant 1.000000e+00 : f32
    %max3A_11 = vector.broadcast %max3A : f32 to vector<1000x1xf32>
    %max3A_12 = arith.maximumf %add3A_10, %max3A_11 : vector<1000x1xf32>
    %rsqrt3A = math.rsqrt %max3A_12 : vector<1000x1xf32>
    %mul3A = vector.broadcast %rsqrt3A : vector<1000x1xf32> to vector<1000x128xf32>
    %mul3A_13 = arith.mulf %get3A_1, %mul3A : vector<1000x128xf32>
    %slice3A = vector.extract_strided_slice %mul3A_13 {offsets = [0, 0], sizes = [1000, 64], strides = [1, 1]} : vector<1000x128xf32> to vector<1000x64xf32>
    %swap3A = arith.constant 0 : index
    %swap3A_14 = arith.constant 0 : index
    %swap3A_15 = arith.constant 0 : index
    %swap3A_16 = vector.load %arg4[%swap3A, %swap3A_14, %swap3A_15] : memref<2x1000x64xf32, #tpu.memory_space<vmem>>, vector<1x1000x64xf32>
    %swap3A_17 = vector.shape_cast %swap3A_16 : vector<1x1000x64xf32> to vector<1000x64xf32>
    %swap3A_18 = vector.shape_cast %slice3A : vector<1000x64xf32> to vector<1x1000x64xf32>
    tpu.vector_store %arg4[%swap3A, %swap3A_14, %swap3A_15], %swap3A_18 {strides = array<i32>} : memref<2x1000x64xf32, #tpu.memory_space<vmem>>, vector<1x1000x64xf32>,
    %slice3A_19 = vector.extract_strided_slice %mul3A_13 {offsets = [0, 64], sizes = [1000, 64], strides = [1, 1]} : vector<1000x128xf32> to vector<1000x64xf32>
    %swap3A_20 = arith.constant 1 : index
    %swap3A_21 = arith.constant 0 : index
    %swap3A_22 = arith.constant 0 : index
    %swap3A_23 = vector.load %arg4[%swap3A_20, %swap3A_21, %swap3A_22] : memref<2x1000x64xf32, #tpu.memory_space<vmem>>, vector<1x1000x64xf32>
    %swap3A_24 = vector.shape_cast %swap3A_23 : vector<1x1000x64xf32> to vector<1000x64xf32>
    %swap3A_25 = vector.shape_cast %slice3A_19 : vector<1000x64xf32> to vector<1x1000x64xf32>
    tpu.vector_store %arg4[%swap3A_20, %swap3A_21, %swap3A_22], %swap3A_25 {strides = array<i32>} : memref<2x1000x64xf32, #tpu.memory_space<vmem>>, vector<1x1000x64xf32>,
    return
  }
  func.func @transform_0(%arg0: i32) -> (i32, i32) {
    %c0_i32 = arith.constant 0 : i32
    %c0_i32_0 = arith.constant 0 : i32
    return %arg0, %c0_i32 : i32, i32
  }
  func.func @transform_1(%arg0: i32) -> (i32, i32) {
    %c0_i32 = arith.constant 0 : i32
    %c0_i32_0 = arith.constant 0 : i32
    return %arg0, %c0_i32 : i32, i32
  }
  func.func @transform_2(%arg0: i32) -> (i32, i32) {
    %c0_i32 = arith.constant 0 : i32
    %c0_i32_0 = arith.constant 0 : i32
    return %arg0, %c0_i32 : i32, i32
  }
  func.func @transform_3(%arg0: i32) -> (i32, i32, i32) {
    %c0_i32 = arith.constant 0 : i32
    %c0_i32_0 = arith.constant 0 : i32
    %c0_i32_1 = arith.constant 0 : i32
    return %c0_i32, %arg0, %c0_i32_0 : i32, i32, i32
  }
}

module attributes {stable_mosaic.version = 14 : i64} {
  func.func @body(%arg0: i32, %arg1: memref<1000x64xf32, #tpu.memory_space<vmem>>, %arg2: memref<1000x64xf32, #tpu.memory_space<vmem>>, %arg3: memref<1000x128xf32, #tpu.memory_space<vmem>>, %arg4: memref<1000x16xf32, #tpu.memory_space<vmem>>, %arg5: memref<1000x16xf32, #tpu.memory_space<vmem>>, %arg6: memref<128x256xf32, #tpu.memory_space<vmem>>, %arg7: memref<1x256xf32, #tpu.memory_space<vmem>>, %arg8: memref<1x256xf32, #tpu.memory_space<vmem>>, %arg9: memref<1x256xf32, #tpu.memory_space<vmem>>, %arg10: memref<1000x256xf32, #tpu.memory_space<vmem>>, %arg11: memref<4x1000x64xf32, #tpu.memory_space<vmem>>) attributes {dimension_semantics = [#tpu.dimension_semantics<arbitrary>], iteration_bounds = array<i64: 10>, scalar_prefetch = 0 : i64, scratch_operands = 0 : i64, tpu.core_type = #tpu.core_type<tc>, window_params = [{transform_indices = @transform_0, window_bounds = array<i64: 1000, 64>}, {transform_indices = @transform_1, window_bounds = array<i64: 1000, 64>}, {transform_indices = @transform_2, window_bounds = array<i64: 1000, 128>}, {transform_indices = @transform_3, window_bounds = array<i64: 1000, 16>}, {transform_indices = @transform_4, window_bounds = array<i64: 1000, 16>}, {pipeline_mode = #tpu.pipeline_mode<synchronous>, transform_indices = @transform_5, window_bounds = array<i64: 128, 256>}, {pipeline_mode = #tpu.pipeline_mode<synchronous>, transform_indices = @transform_6, window_bounds = array<i64: 1, 256>}, {pipeline_mode = #tpu.pipeline_mode<synchronous>, transform_indices = @transform_7, window_bounds = array<i64: 1, 256>}, {pipeline_mode = #tpu.pipeline_mode<synchronous>, transform_indices = @transform_8, window_bounds = array<i64: 1, 256>}, {transform_indices = @transform_9, window_bounds = array<i64: 1000, 256>}, {transform_indices = @transform_10, window_bounds = array<i64: 4, 1000, 64>}]} {
    %get3A = arith.constant 0 : index
    %get3A_0 = arith.constant 0 : index
    %get3A_1 = vector.load %arg4[%get3A, %get3A_0] : memref<1000x16xf32, #tpu.memory_space<vmem>>, vector<1000x1xf32>
    %get3A_2 = arith.constant 0 : index
    %get3A_3 = arith.constant 0 : index
    %get3A_4 = vector.load %arg5[%get3A_2, %get3A_3] : memref<1000x16xf32, #tpu.memory_space<vmem>>, vector<1000x1xf32>
    %add3A = arith.addf %get3A_1, %get3A_4 : vector<1000x1xf32>
    %add3A_5 = arith.constant 1.000000e+00 : f32
    %add3A_6 = vector.broadcast %add3A_5 : f32 to vector<1000x1xf32>
    %add3A_7 = arith.addf %add3A, %add3A_6 : vector<1000x1xf32>
    %max3A = arith.constant 1.000000e+00 : f32
    %max3A_8 = vector.broadcast %max3A : f32 to vector<1000x1xf32>
    %max3A_9 = arith.maximumf %add3A_7, %max3A_8 : vector<1000x1xf32>
    %rsqrt3A = math.rsqrt %max3A_9 : vector<1000x1xf32>
    %get3A_10 = arith.constant 0 : index
    %get3A_11 = arith.constant 0 : index
    %get3A_12 = vector.load %arg1[%get3A_10, %get3A_11] : memref<1000x64xf32, #tpu.memory_space<vmem>>, vector<1000x64xf32>
    %get3A_13 = arith.constant 0 : index
    %get3A_14 = arith.constant 0 : index
    %get3A_15 = vector.load %arg2[%get3A_13, %get3A_14] : memref<1000x64xf32, #tpu.memory_space<vmem>>, vector<1000x64xf32>
    %concatenate3A = tpu.concatenate %get3A_12, %get3A_15 in 1 : vector<1000x64xf32>, vector<1000x64xf32> -> vector<1000x128xf32>
    %get3A_16 = arith.constant 0 : index
    %get3A_17 = arith.constant 0 : index
    %get3A_18 = vector.load %arg3[%get3A_16, %get3A_17] : memref<1000x128xf32, #tpu.memory_space<vmem>>, vector<1000x128xf32>
    %mul3A = vector.broadcast %rsqrt3A : vector<1000x1xf32> to vector<1000x128xf32>
    %mul3A_19 = arith.mulf %mul3A, %get3A_18 : vector<1000x128xf32>
    %add3A_20 = arith.addf %concatenate3A, %mul3A_19 : vector<1000x128xf32>
    %mul3A_21 = vector.broadcast %rsqrt3A : vector<1000x1xf32> to vector<1000x128xf32>
    %mul3A_22 = arith.mulf %mul3A_21, %add3A_20 : vector<1000x128xf32>
    %get3A_23 = arith.constant 0 : index
    %get3A_24 = arith.constant 0 : index
    %get3A_25 = vector.load %arg6[%get3A_23, %get3A_24] : memref<128x256xf32, #tpu.memory_space<vmem>>, vector<128x256xf32>
    %dot_general3A = arith.constant dense<0.000000e+00> : vector<1000x256xf32>
    %dot_general3A_26 = tpu.matmul %mul3A_22, %get3A_25, %dot_general3A {dimension_numbers = #tpu.dot_dimension_numbers<[1], [0], [0], [1], [0, 0, 1, 1], [], []>, precision = #tpu.contract_precision<fp32>, transpose_lhs_hint = false} : vector<1000x128xf32>, vector<128x256xf32>, vector<1000x256xf32> -> vector<1000x256xf32>
    %get3A_27 = arith.constant 0 : index
    %get3A_28 = arith.constant 0 : index
    %get3A_29 = vector.load %arg7[%get3A_27, %get3A_28] : memref<1x256xf32, #tpu.memory_space<vmem>>, vector<1x256xf32>
    %add3A_30 = vector.broadcast %get3A_29 : vector<1x256xf32> to vector<1000x256xf32>
    %add3A_31 = arith.addf %dot_general3A_26, %add3A_30 : vector<1000x256xf32>
    %get3A_32 = arith.constant 0 : index
    %get3A_33 = arith.constant 0 : index
    %get3A_34 = vector.load %arg8[%get3A_32, %get3A_33] : memref<1x256xf32, #tpu.memory_space<vmem>>, vector<1x256xf32>
    %mul3A_35 = vector.broadcast %get3A_34 : vector<1x256xf32> to vector<1000x256xf32>
    %mul3A_36 = arith.mulf %mul3A_35, %add3A_31 : vector<1000x256xf32>
    %get3A_37 = arith.constant 0 : index
    %get3A_38 = arith.constant 0 : index
    %get3A_39 = vector.load %arg9[%get3A_37, %get3A_38] : memref<1x256xf32, #tpu.memory_space<vmem>>, vector<1x256xf32>
    %add3A_40 = vector.broadcast %get3A_39 : vector<1x256xf32> to vector<1000x256xf32>
    %add3A_41 = arith.addf %mul3A_36, %add3A_40 : vector<1000x256xf32>
    %max3A_42 = arith.constant 0.000000e+00 : f32
    %max3A_43 = vector.broadcast %max3A_42 : f32 to vector<1000x256xf32>
    %max3A_44 = arith.maximumf %add3A_41, %max3A_43 : vector<1000x256xf32>
    %swap3A = arith.constant 0 : index
    %swap3A_45 = arith.constant 0 : index
    %swap3A_46 = vector.load %arg10[%swap3A, %swap3A_45] : memref<1000x256xf32, #tpu.memory_space<vmem>>, vector<1000x256xf32>
    tpu.vector_store %arg10[%swap3A, %swap3A_45], %max3A_44 {strides = array<i32>} : memref<1000x256xf32, #tpu.memory_space<vmem>>, vector<1000x256xf32>,
    %mul3A_47 = vector.broadcast %rsqrt3A : vector<1000x1xf32> to vector<1000x256xf32>
    %mul3A_48 = arith.mulf %mul3A_47, %max3A_44 : vector<1000x256xf32>
    %slice3A = vector.extract_strided_slice %mul3A_48 {offsets = [0, 0], sizes = [1000, 64], strides = [1, 1]} : vector<1000x256xf32> to vector<1000x64xf32>
    %swap3A_49 = arith.constant 0 : index
    %swap3A_50 = arith.constant 0 : index
    %swap3A_51 = arith.constant 0 : index
    %swap3A_52 = vector.load %arg11[%swap3A_49, %swap3A_50, %swap3A_51] : memref<4x1000x64xf32, #tpu.memory_space<vmem>>, vector<1x1000x64xf32>
    %swap3A_53 = vector.shape_cast %swap3A_52 : vector<1x1000x64xf32> to vector<1000x64xf32>
    %swap3A_54 = vector.shape_cast %slice3A : vector<1000x64xf32> to vector<1x1000x64xf32>
    tpu.vector_store %arg11[%swap3A_49, %swap3A_50, %swap3A_51], %swap3A_54 {strides = array<i32>} : memref<4x1000x64xf32, #tpu.memory_space<vmem>>, vector<1x1000x64xf32>,
    %slice3A_55 = vector.extract_strided_slice %mul3A_48 {offsets = [0, 64], sizes = [1000, 64], strides = [1, 1]} : vector<1000x256xf32> to vector<1000x64xf32>
    %swap3A_56 = arith.constant 1 : index
    %swap3A_57 = arith.constant 0 : index
    %swap3A_58 = arith.constant 0 : index
    %swap3A_59 = vector.load %arg11[%swap3A_56, %swap3A_57, %swap3A_58] : memref<4x1000x64xf32, #tpu.memory_space<vmem>>, vector<1x1000x64xf32>
    %swap3A_60 = vector.shape_cast %swap3A_59 : vector<1x1000x64xf32> to vector<1000x64xf32>
    %swap3A_61 = vector.shape_cast %slice3A_55 : vector<1000x64xf32> to vector<1x1000x64xf32>
    tpu.vector_store %arg11[%swap3A_56, %swap3A_57, %swap3A_58], %swap3A_61 {strides = array<i32>} : memref<4x1000x64xf32, #tpu.memory_space<vmem>>, vector<1x1000x64xf32>,
    %slice3A_62 = vector.extract_strided_slice %mul3A_48 {offsets = [0, 128], sizes = [1000, 64], strides = [1, 1]} : vector<1000x256xf32> to vector<1000x64xf32>
    %swap3A_63 = arith.constant 2 : index
    %swap3A_64 = arith.constant 0 : index
    %swap3A_65 = arith.constant 0 : index
    %swap3A_66 = vector.load %arg11[%swap3A_63, %swap3A_64, %swap3A_65] : memref<4x1000x64xf32, #tpu.memory_space<vmem>>, vector<1x1000x64xf32>
    %swap3A_67 = vector.shape_cast %swap3A_66 : vector<1x1000x64xf32> to vector<1000x64xf32>
    %swap3A_68 = vector.shape_cast %slice3A_62 : vector<1000x64xf32> to vector<1x1000x64xf32>
    tpu.vector_store %arg11[%swap3A_63, %swap3A_64, %swap3A_65], %swap3A_68 {strides = array<i32>} : memref<4x1000x64xf32, #tpu.memory_space<vmem>>, vector<1x1000x64xf32>,
    %slice3A_69 = vector.extract_strided_slice %mul3A_48 {offsets = [0, 192], sizes = [1000, 64], strides = [1, 1]} : vector<1000x256xf32> to vector<1000x64xf32>
    %swap3A_70 = arith.constant 3 : index
    %swap3A_71 = arith.constant 0 : index
    %swap3A_72 = arith.constant 0 : index
    %swap3A_73 = vector.load %arg11[%swap3A_70, %swap3A_71, %swap3A_72] : memref<4x1000x64xf32, #tpu.memory_space<vmem>>, vector<1x1000x64xf32>
    %swap3A_74 = vector.shape_cast %swap3A_73 : vector<1x1000x64xf32> to vector<1000x64xf32>
    %swap3A_75 = vector.shape_cast %slice3A_69 : vector<1000x64xf32> to vector<1x1000x64xf32>
    tpu.vector_store %arg11[%swap3A_70, %swap3A_71, %swap3A_72], %swap3A_75 {strides = array<i32>} : memref<4x1000x64xf32, #tpu.memory_space<vmem>>, vector<1x1000x64xf32>,
    return
  }
  func.func @transform_0(%arg0: i32) -> (i32, i32) {
    %c0_i32 = arith.constant 0 : i32
    %c0_i32_0 = arith.constant 0 : i32
    return %arg0, %c0_i32 : i32, i32
  }
  func.func @transform_1(%arg0: i32) -> (i32, i32) {
    %c0_i32 = arith.constant 0 : i32
    %c0_i32_0 = arith.constant 0 : i32
    return %arg0, %c0_i32 : i32, i32
  }
  func.func @transform_2(%arg0: i32) -> (i32, i32) {
    %c0_i32 = arith.constant 0 : i32
    %c0_i32_0 = arith.constant 0 : i32
    return %arg0, %c0_i32 : i32, i32
  }
  func.func @transform_3(%arg0: i32) -> (i32, i32) {
    %c0_i32 = arith.constant 0 : i32
    %c0_i32_0 = arith.constant 0 : i32
    return %arg0, %c0_i32 : i32, i32
  }
  func.func @transform_4(%arg0: i32) -> (i32, i32) {
    %c0_i32 = arith.constant 0 : i32
    %c0_i32_0 = arith.constant 0 : i32
    return %arg0, %c0_i32 : i32, i32
  }
  func.func @transform_5(%arg0: i32) -> (i32, i32) {
    %c0_i32 = arith.constant 0 : i32
    %c0_i32_0 = arith.constant 0 : i32
    %c0_i32_1 = arith.constant 0 : i32
    return %c0_i32, %c0_i32_0 : i32, i32
  }
  func.func @transform_6(%arg0: i32) -> (i32, i32) {
    %c0_i32 = arith.constant 0 : i32
    %c0_i32_0 = arith.constant 0 : i32
    %c0_i32_1 = arith.constant 0 : i32
    return %c0_i32, %c0_i32_0 : i32, i32
  }
  func.func @transform_7(%arg0: i32) -> (i32, i32) {
    %c0_i32 = arith.constant 0 : i32
    %c0_i32_0 = arith.constant 0 : i32
    %c0_i32_1 = arith.constant 0 : i32
    return %c0_i32, %c0_i32_0 : i32, i32
  }
  func.func @transform_8(%arg0: i32) -> (i32, i32) {
    %c0_i32 = arith.constant 0 : i32
    %c0_i32_0 = arith.constant 0 : i32
    %c0_i32_1 = arith.constant 0 : i32
    return %c0_i32, %c0_i32_0 : i32, i32
  }
  func.func @transform_9(%arg0: i32) -> (i32, i32) {
    %c0_i32 = arith.constant 0 : i32
    %c0_i32_0 = arith.constant 0 : i32
    return %arg0, %c0_i32 : i32, i32
  }
  func.func @transform_10(%arg0: i32) -> (i32, i32, i32) {
    %c0_i32 = arith.constant 0 : i32
    %c0_i32_0 = arith.constant 0 : i32
    %c0_i32_1 = arith.constant 0 : i32
    return %c0_i32, %arg0, %c0_i32_0 : i32, i32, i32
  }
}

module attributes {stable_mosaic.version = 14 : i64} {
  func.func @body(%arg0: i32, %arg1: memref<1000x64xf32, #tpu.memory_space<vmem>>, %arg2: memref<1000x64xf32, #tpu.memory_space<vmem>>, %arg3: memref<1000x64xf32, #tpu.memory_space<vmem>>, %arg4: memref<1000x64xf32, #tpu.memory_space<vmem>>, %arg5: memref<1000x256xf32, #tpu.memory_space<vmem>>, %arg6: memref<1000x16xf32, #tpu.memory_space<vmem>>, %arg7: memref<1000x16xf32, #tpu.memory_space<vmem>>, %arg8: memref<256x256xf32, #tpu.memory_space<vmem>>, %arg9: memref<1x256xf32, #tpu.memory_space<vmem>>, %arg10: memref<1x256xf32, #tpu.memory_space<vmem>>, %arg11: memref<1x256xf32, #tpu.memory_space<vmem>>, %arg12: memref<256x40xf32, #tpu.memory_space<vmem>>, %arg13: memref<1000x256xf32, #tpu.memory_space<vmem>>, %arg14: memref<1000x64xf32, #tpu.memory_space<vmem>>, %arg15: memref<2x1000x32xf32, #tpu.memory_space<vmem>>) attributes {dimension_semantics = [#tpu.dimension_semantics<arbitrary>], iteration_bounds = array<i64: 10>, scalar_prefetch = 0 : i64, scratch_operands = 0 : i64, tpu.core_type = #tpu.core_type<tc>, window_params = [{transform_indices = @transform_0, window_bounds = array<i64: 1000, 64>}, {transform_indices = @transform_1, window_bounds = array<i64: 1000, 64>}, {transform_indices = @transform_2, window_bounds = array<i64: 1000, 64>}, {transform_indices = @transform_3, window_bounds = array<i64: 1000, 64>}, {transform_indices = @transform_4, window_bounds = array<i64: 1000, 256>}, {transform_indices = @transform_5, window_bounds = array<i64: 1000, 16>}, {transform_indices = @transform_6, window_bounds = array<i64: 1000, 16>}, {pipeline_mode = #tpu.pipeline_mode<synchronous>, transform_indices = @transform_7, window_bounds = array<i64: 256, 256>}, {pipeline_mode = #tpu.pipeline_mode<synchronous>, transform_indices = @transform_8, window_bounds = array<i64: 1, 256>}, {pipeline_mode = #tpu.pipeline_mode<synchronous>, transform_indices = @transform_9, window_bounds = array<i64: 1, 256>}, {pipeline_mode = #tpu.pipeline_mode<synchronous>, transform_indices = @transform_10, window_bounds = array<i64: 1, 256>}, {pipeline_mode = #tpu.pipeline_mode<synchronous>, transform_indices = @transform_11, window_bounds = array<i64: 256, 40>}, {transform_indices = @transform_12, window_bounds = array<i64: 1000, 256>}, {transform_indices = @transform_13, window_bounds = array<i64: 1000, 64>}, {transform_indices = @transform_14, window_bounds = array<i64: 2, 1000, 32>}]} {
    %get3A = arith.constant 0 : index
    %get3A_0 = arith.constant 0 : index
    %get3A_1 = vector.load %arg6[%get3A, %get3A_0] : memref<1000x16xf32, #tpu.memory_space<vmem>>, vector<1000x1xf32>
    %get3A_2 = arith.constant 0 : index
    %get3A_3 = arith.constant 0 : index
    %get3A_4 = vector.load %arg7[%get3A_2, %get3A_3] : memref<1000x16xf32, #tpu.memory_space<vmem>>, vector<1000x1xf32>
    %add3A = arith.addf %get3A_1, %get3A_4 : vector<1000x1xf32>
    %add3A_5 = arith.constant 1.000000e+00 : f32
    %add3A_6 = vector.broadcast %add3A_5 : f32 to vector<1000x1xf32>
    %add3A_7 = arith.addf %add3A, %add3A_6 : vector<1000x1xf32>
    %max3A = arith.constant 1.000000e+00 : f32
    %max3A_8 = vector.broadcast %max3A : f32 to vector<1000x1xf32>
    %max3A_9 = arith.maximumf %add3A_7, %max3A_8 : vector<1000x1xf32>
    %rsqrt3A = math.rsqrt %max3A_9 : vector<1000x1xf32>
    %get3A_10 = arith.constant 0 : index
    %get3A_11 = arith.constant 0 : index
    %get3A_12 = vector.load %arg1[%get3A_10, %get3A_11] : memref<1000x64xf32, #tpu.memory_space<vmem>>, vector<1000x64xf32>
    %get3A_13 = arith.constant 0 : index
    %get3A_14 = arith.constant 0 : index
    %get3A_15 = vector.load %arg2[%get3A_13, %get3A_14] : memref<1000x64xf32, #tpu.memory_space<vmem>>, vector<1000x64xf32>
    %get3A_16 = arith.constant 0 : index
    %get3A_17 = arith.constant 0 : index
    %get3A_18 = vector.load %arg3[%get3A_16, %get3A_17] : memref<1000x64xf32, #tpu.memory_space<vmem>>, vector<1000x64xf32>
    %get3A_19 = arith.constant 0 : index
    %get3A_20 = arith.constant 0 : index
    %get3A_21 = vector.load %arg4[%get3A_19, %get3A_20] : memref<1000x64xf32, #tpu.memory_space<vmem>>, vector<1000x64xf32>
    %concatenate3A = tpu.concatenate %get3A_12, %get3A_15, %get3A_18, %get3A_21 in 1 : vector<1000x64xf32>, vector<1000x64xf32>, vector<1000x64xf32>, vector<1000x64xf32> -> vector<1000x256xf32>
    %get3A_22 = arith.constant 0 : index
    %get3A_23 = arith.constant 0 : index
    %get3A_24 = vector.load %arg5[%get3A_22, %get3A_23] : memref<1000x256xf32, #tpu.memory_space<vmem>>, vector<1000x256xf32>
    %mul3A = vector.broadcast %rsqrt3A : vector<1000x1xf32> to vector<1000x256xf32>
    %mul3A_25 = arith.mulf %mul3A, %get3A_24 : vector<1000x256xf32>
    %add3A_26 = arith.addf %concatenate3A, %mul3A_25 : vector<1000x256xf32>
    %mul3A_27 = vector.broadcast %rsqrt3A : vector<1000x1xf32> to vector<1000x256xf32>
    %mul3A_28 = arith.mulf %mul3A_27, %add3A_26 : vector<1000x256xf32>
    %get3A_29 = arith.constant 0 : index
    %get3A_30 = arith.constant 0 : index
    %get3A_31 = vector.load %arg8[%get3A_29, %get3A_30] : memref<256x256xf32, #tpu.memory_space<vmem>>, vector<256x256xf32>
    %dot_general3A = arith.constant dense<0.000000e+00> : vector<1000x256xf32>
    %dot_general3A_32 = tpu.matmul %mul3A_28, %get3A_31, %dot_general3A {dimension_numbers = #tpu.dot_dimension_numbers<[1], [0], [0], [1], [0, 0, 1, 1], [], []>, precision = #tpu.contract_precision<fp32>, transpose_lhs_hint = false} : vector<1000x256xf32>, vector<256x256xf32>, vector<1000x256xf32> -> vector<1000x256xf32>
    %get3A_33 = arith.constant 0 : index
    %get3A_34 = arith.constant 0 : index
    %get3A_35 = vector.load %arg9[%get3A_33, %get3A_34] : memref<1x256xf32, #tpu.memory_space<vmem>>, vector<1x256xf32>
    %add3A_36 = vector.broadcast %get3A_35 : vector<1x256xf32> to vector<1000x256xf32>
    %add3A_37 = arith.addf %dot_general3A_32, %add3A_36 : vector<1000x256xf32>
    %get3A_38 = arith.constant 0 : index
    %get3A_39 = arith.constant 0 : index
    %get3A_40 = vector.load %arg10[%get3A_38, %get3A_39] : memref<1x256xf32, #tpu.memory_space<vmem>>, vector<1x256xf32>
    %mul3A_41 = vector.broadcast %get3A_40 : vector<1x256xf32> to vector<1000x256xf32>
    %mul3A_42 = arith.mulf %mul3A_41, %add3A_37 : vector<1000x256xf32>
    %get3A_43 = arith.constant 0 : index
    %get3A_44 = arith.constant 0 : index
    %get3A_45 = vector.load %arg11[%get3A_43, %get3A_44] : memref<1x256xf32, #tpu.memory_space<vmem>>, vector<1x256xf32>
    %add3A_46 = vector.broadcast %get3A_45 : vector<1x256xf32> to vector<1000x256xf32>
    %add3A_47 = arith.addf %mul3A_42, %add3A_46 : vector<1000x256xf32>
    %max3A_48 = arith.constant 0.000000e+00 : f32
    %max3A_49 = vector.broadcast %max3A_48 : f32 to vector<1000x256xf32>
    %max3A_50 = arith.maximumf %add3A_47, %max3A_49 : vector<1000x256xf32>
    %swap3A = arith.constant 0 : index
    %swap3A_51 = arith.constant 0 : index
    %swap3A_52 = vector.load %arg13[%swap3A, %swap3A_51] : memref<1000x256xf32, #tpu.memory_space<vmem>>, vector<1000x256xf32>
    tpu.vector_store %arg13[%swap3A, %swap3A_51], %max3A_50 {strides = array<i32>} : memref<1000x256xf32, #tpu.memory_space<vmem>>, vector<1000x256xf32>,
    %get3A_53 = arith.constant 0 : index
    %get3A_54 = arith.constant 0 : index
    %get3A_55 = vector.load %arg12[%get3A_53, %get3A_54] : memref<256x40xf32, #tpu.memory_space<vmem>>, vector<256x40xf32>
    %broadcast_in_dim3A = arith.constant 0.000000e+00 : f32
    %broadcast_in_dim3A_56 = vector.broadcast %broadcast_in_dim3A : f32 to vector<256x24xf32>
    %concatenate3A_57 = tpu.concatenate %get3A_55, %broadcast_in_dim3A_56 in 1 : vector<256x40xf32>, vector<256x24xf32> -> vector<256x64xf32>
    %dot_general3A_58 = arith.constant dense<0.000000e+00> : vector<1000x64xf32>
    %dot_general3A_59 = tpu.matmul %max3A_50, %concatenate3A_57, %dot_general3A_58 {dimension_numbers = #tpu.dot_dimension_numbers<[1], [0], [0], [1], [0, 0, 1, 1], [], []>, precision = #tpu.contract_precision<fp32>, transpose_lhs_hint = false} : vector<1000x256xf32>, vector<256x64xf32>, vector<1000x64xf32> -> vector<1000x64xf32>
    %swap3A_60 = arith.constant 0 : index
    %swap3A_61 = arith.constant 0 : index
    %swap3A_62 = vector.load %arg14[%swap3A_60, %swap3A_61] : memref<1000x64xf32, #tpu.memory_space<vmem>>, vector<1000x64xf32>
    tpu.vector_store %arg14[%swap3A_60, %swap3A_61], %dot_general3A_59 {strides = array<i32>} : memref<1000x64xf32, #tpu.memory_space<vmem>>, vector<1000x64xf32>,
    %mul3A_63 = vector.broadcast %rsqrt3A : vector<1000x1xf32> to vector<1000x64xf32>
    %mul3A_64 = arith.mulf %mul3A_63, %dot_general3A_59 : vector<1000x64xf32>
    %slice3A = vector.extract_strided_slice %mul3A_64 {offsets = [0, 0], sizes = [1000, 32], strides = [1, 1]} : vector<1000x64xf32> to vector<1000x32xf32>
    %swap3A_65 = arith.constant 0 : index
    %swap3A_66 = arith.constant 0 : index
    %swap3A_67 = arith.constant 0 : index
    %swap3A_68 = vector.load %arg15[%swap3A_65, %swap3A_66, %swap3A_67] : memref<2x1000x32xf32, #tpu.memory_space<vmem>>, vector<1x1000x32xf32>
    %swap3A_69 = vector.shape_cast %swap3A_68 : vector<1x1000x32xf32> to vector<1000x32xf32>
    %swap3A_70 = vector.shape_cast %slice3A : vector<1000x32xf32> to vector<1x1000x32xf32>
    tpu.vector_store %arg15[%swap3A_65, %swap3A_66, %swap3A_67], %swap3A_70 {strides = array<i32>} : memref<2x1000x32xf32, #tpu.memory_space<vmem>>, vector<1x1000x32xf32>,
    %slice3A_71 = vector.extract_strided_slice %mul3A_64 {offsets = [0, 32], sizes = [1000, 32], strides = [1, 1]} : vector<1000x64xf32> to vector<1000x32xf32>
    %swap3A_72 = arith.constant 1 : index
    %swap3A_73 = arith.constant 0 : index
    %swap3A_74 = arith.constant 0 : index
    %swap3A_75 = vector.load %arg15[%swap3A_72, %swap3A_73, %swap3A_74] : memref<2x1000x32xf32, #tpu.memory_space<vmem>>, vector<1x1000x32xf32>
    %swap3A_76 = vector.shape_cast %swap3A_75 : vector<1x1000x32xf32> to vector<1000x32xf32>
    %swap3A_77 = vector.shape_cast %slice3A_71 : vector<1000x32xf32> to vector<1x1000x32xf32>
    tpu.vector_store %arg15[%swap3A_72, %swap3A_73, %swap3A_74], %swap3A_77 {strides = array<i32>} : memref<2x1000x32xf32, #tpu.memory_space<vmem>>, vector<1x1000x32xf32>,
    return
  }
  func.func @transform_0(%arg0: i32) -> (i32, i32) {
    %c0_i32 = arith.constant 0 : i32
    %c0_i32_0 = arith.constant 0 : i32
    return %arg0, %c0_i32 : i32, i32
  }
  func.func @transform_1(%arg0: i32) -> (i32, i32) {
    %c0_i32 = arith.constant 0 : i32
    %c0_i32_0 = arith.constant 0 : i32
    return %arg0, %c0_i32 : i32, i32
  }
  func.func @transform_2(%arg0: i32) -> (i32, i32) {
    %c0_i32 = arith.constant 0 : i32
    %c0_i32_0 = arith.constant 0 : i32
    return %arg0, %c0_i32 : i32, i32
  }
  func.func @transform_3(%arg0: i32) -> (i32, i32) {
    %c0_i32 = arith.constant 0 : i32
    %c0_i32_0 = arith.constant 0 : i32
    return %arg0, %c0_i32 : i32, i32
  }
  func.func @transform_4(%arg0: i32) -> (i32, i32) {
    %c0_i32 = arith.constant 0 : i32
    %c0_i32_0 = arith.constant 0 : i32
    return %arg0, %c0_i32 : i32, i32
  }
  func.func @transform_5(%arg0: i32) -> (i32, i32) {
    %c0_i32 = arith.constant 0 : i32
    %c0_i32_0 = arith.constant 0 : i32
    return %arg0, %c0_i32 : i32, i32
  }
  func.func @transform_6(%arg0: i32) -> (i32, i32) {
    %c0_i32 = arith.constant 0 : i32
    %c0_i32_0 = arith.constant 0 : i32
    return %arg0, %c0_i32 : i32, i32
  }
  func.func @transform_7(%arg0: i32) -> (i32, i32) {
    %c0_i32 = arith.constant 0 : i32
    %c0_i32_0 = arith.constant 0 : i32
    %c0_i32_1 = arith.constant 0 : i32
    return %c0_i32, %c0_i32_0 : i32, i32
  }
  func.func @transform_8(%arg0: i32) -> (i32, i32) {
    %c0_i32 = arith.constant 0 : i32
    %c0_i32_0 = arith.constant 0 : i32
    %c0_i32_1 = arith.constant 0 : i32
    return %c0_i32, %c0_i32_0 : i32, i32
  }
  func.func @transform_9(%arg0: i32) -> (i32, i32) {
    %c0_i32 = arith.constant 0 : i32
    %c0_i32_0 = arith.constant 0 : i32
    %c0_i32_1 = arith.constant 0 : i32
    return %c0_i32, %c0_i32_0 : i32, i32
  }
  func.func @transform_10(%arg0: i32) -> (i32, i32) {
    %c0_i32 = arith.constant 0 : i32
    %c0_i32_0 = arith.constant 0 : i32
    %c0_i32_1 = arith.constant 0 : i32
    return %c0_i32, %c0_i32_0 : i32, i32
  }
  func.func @transform_11(%arg0: i32) -> (i32, i32) {
    %c0_i32 = arith.constant 0 : i32
    %c0_i32_0 = arith.constant 0 : i32
    %c0_i32_1 = arith.constant 0 : i32
    return %c0_i32, %c0_i32_0 : i32, i32
  }
  func.func @transform_12(%arg0: i32) -> (i32, i32) {
    %c0_i32 = arith.constant 0 : i32
    %c0_i32_0 = arith.constant 0 : i32
    return %arg0, %c0_i32 : i32, i32
  }
  func.func @transform_13(%arg0: i32) -> (i32, i32) {
    %c0_i32 = arith.constant 0 : i32
    %c0_i32_0 = arith.constant 0 : i32
    return %arg0, %c0_i32 : i32, i32
  }
  func.func @transform_14(%arg0: i32) -> (i32, i32, i32) {
    %c0_i32 = arith.constant 0 : i32
    %c0_i32_0 = arith.constant 0 : i32
    %c0_i32_1 = arith.constant 0 : i32
    return %c0_i32, %arg0, %c0_i32_0 : i32, i32, i32
  }
}

module attributes {stable_mosaic.version = 14 : i64} {
  func.func @body(%arg0: i32, %arg1: memref<1000x32xf32, #tpu.memory_space<vmem>>, %arg2: memref<1000x32xf32, #tpu.memory_space<vmem>>, %arg3: memref<1000x64xf32, #tpu.memory_space<vmem>>, %arg4: memref<1000x16xf32, #tpu.memory_space<vmem>>, %arg5: memref<1000x16xf32, #tpu.memory_space<vmem>>, %arg6: memref<1x40xf32, #tpu.memory_space<vmem>>, %arg7: memref<1000x40xf32, #tpu.memory_space<vmem>>) attributes {dimension_semantics = [#tpu.dimension_semantics<arbitrary>], iteration_bounds = array<i64: 10>, scalar_prefetch = 0 : i64, scratch_operands = 0 : i64, tpu.core_type = #tpu.core_type<tc>, window_params = [{transform_indices = @transform_0, window_bounds = array<i64: 1000, 32>}, {transform_indices = @transform_1, window_bounds = array<i64: 1000, 32>}, {transform_indices = @transform_2, window_bounds = array<i64: 1000, 64>}, {transform_indices = @transform_3, window_bounds = array<i64: 1000, 16>}, {transform_indices = @transform_4, window_bounds = array<i64: 1000, 16>}, {pipeline_mode = #tpu.pipeline_mode<synchronous>, transform_indices = @transform_5, window_bounds = array<i64: 1, 40>}, {transform_indices = @transform_6, window_bounds = array<i64: 1000, 40>}]} {
    %get3A = arith.constant 0 : index
    %get3A_0 = arith.constant 0 : index
    %get3A_1 = vector.load %arg4[%get3A, %get3A_0] : memref<1000x16xf32, #tpu.memory_space<vmem>>, vector<1000x1xf32>
    %get3A_2 = arith.constant 0 : index
    %get3A_3 = arith.constant 0 : index
    %get3A_4 = vector.load %arg5[%get3A_2, %get3A_3] : memref<1000x16xf32, #tpu.memory_space<vmem>>, vector<1000x1xf32>
    %add3A = arith.addf %get3A_1, %get3A_4 : vector<1000x1xf32>
    %add3A_5 = arith.constant 1.000000e+00 : f32
    %add3A_6 = vector.broadcast %add3A_5 : f32 to vector<1000x1xf32>
    %add3A_7 = arith.addf %add3A, %add3A_6 : vector<1000x1xf32>
    %max3A = arith.constant 1.000000e+00 : f32
    %max3A_8 = vector.broadcast %max3A : f32 to vector<1000x1xf32>
    %max3A_9 = arith.maximumf %add3A_7, %max3A_8 : vector<1000x1xf32>
    %rsqrt3A = math.rsqrt %max3A_9 : vector<1000x1xf32>
    %get3A_10 = arith.constant 0 : index
    %get3A_11 = arith.constant 0 : index
    %get3A_12 = vector.load %arg1[%get3A_10, %get3A_11] : memref<1000x32xf32, #tpu.memory_space<vmem>>, vector<1000x32xf32>
    %get3A_13 = arith.constant 0 : index
    %get3A_14 = arith.constant 0 : index
    %get3A_15 = vector.load %arg2[%get3A_13, %get3A_14] : memref<1000x32xf32, #tpu.memory_space<vmem>>, vector<1000x32xf32>
    %concatenate3A = tpu.concatenate %get3A_12, %get3A_15 in 1 : vector<1000x32xf32>, vector<1000x32xf32> -> vector<1000x64xf32>
    %get3A_16 = arith.constant 0 : index
    %get3A_17 = arith.constant 0 : index
    %get3A_18 = vector.load %arg3[%get3A_16, %get3A_17] : memref<1000x64xf32, #tpu.memory_space<vmem>>, vector<1000x64xf32>
    %mul3A = vector.broadcast %rsqrt3A : vector<1000x1xf32> to vector<1000x64xf32>
    %mul3A_19 = arith.mulf %mul3A, %get3A_18 : vector<1000x64xf32>
    %add3A_20 = arith.addf %concatenate3A, %mul3A_19 : vector<1000x64xf32>
    %mul3A_21 = vector.broadcast %rsqrt3A : vector<1000x1xf32> to vector<1000x64xf32>
    %mul3A_22 = arith.mulf %mul3A_21, %add3A_20 : vector<1000x64xf32>
    %slice3A = vector.extract_strided_slice %mul3A_22 {offsets = [0, 0], sizes = [1000, 40], strides = [1, 1]} : vector<1000x64xf32> to vector<1000x40xf32>
    %get3A_23 = arith.constant 0 : index
    %get3A_24 = arith.constant 0 : index
    %get3A_25 = vector.load %arg6[%get3A_23, %get3A_24] : memref<1x40xf32, #tpu.memory_space<vmem>>, vector<1x40xf32>
    %add3A_26 = vector.broadcast %get3A_25 : vector<1x40xf32> to vector<1000x40xf32>
    %add3A_27 = arith.addf %slice3A, %add3A_26 : vector<1000x40xf32>
    %reduce_max3A = arith.constant dense<0xFF800000> : vector<1000xf32>
    %reduce_max3A_28 = vector.multi_reduction <maximumf>, %add3A_27, %reduce_max3A [1] : vector<1000x40xf32> to vector<1000xf32>
    %broadcast_in_dim3A = vector.shape_cast %reduce_max3A_28 : vector<1000xf32> to vector<1000x1xf32>
    %sub3A = vector.broadcast %broadcast_in_dim3A : vector<1000x1xf32> to vector<1000x40xf32>
    %sub3A_29 = arith.subf %add3A_27, %sub3A : vector<1000x40xf32>
    %exp3A = math.exp %sub3A_29 : vector<1000x40xf32>
    %reduce_sum3A = arith.constant dense<0.000000e+00> : vector<1000xf32>
    %reduce_sum3A_30 = vector.multi_reduction <add>, %exp3A, %reduce_sum3A [1] : vector<1000x40xf32> to vector<1000xf32>
    %broadcast_in_dim3A_31 = vector.shape_cast %reduce_sum3A_30 : vector<1000xf32> to vector<1000x1xf32>
    %log3A = math.log %broadcast_in_dim3A_31 : vector<1000x1xf32>
    %add3A_32 = arith.addf %log3A, %broadcast_in_dim3A : vector<1000x1xf32>
    %sub3A_33 = vector.broadcast %add3A_32 : vector<1000x1xf32> to vector<1000x40xf32>
    %sub3A_34 = arith.subf %add3A_27, %sub3A_33 : vector<1000x40xf32>
    %swap3A = arith.constant 0 : index
    %swap3A_35 = arith.constant 0 : index
    %swap3A_36 = vector.load %arg7[%swap3A, %swap3A_35] : memref<1000x40xf32, #tpu.memory_space<vmem>>, vector<1000x40xf32>
    tpu.vector_store %arg7[%swap3A, %swap3A_35], %sub3A_34 {strides = array<i32>} : memref<1000x40xf32, #tpu.memory_space<vmem>>, vector<1000x40xf32>,
    return
  }
  func.func @transform_0(%arg0: i32) -> (i32, i32) {
    %c0_i32 = arith.constant 0 : i32
    %c0_i32_0 = arith.constant 0 : i32
    return %arg0, %c0_i32 : i32, i32
  }
  func.func @transform_1(%arg0: i32) -> (i32, i32) {
    %c0_i32 = arith.constant 0 : i32
    %c0_i32_0 = arith.constant 0 : i32
    return %arg0, %c0_i32 : i32, i32
  }
  func.func @transform_2(%arg0: i32) -> (i32, i32) {
    %c0_i32 = arith.constant 0 : i32
    %c0_i32_0 = arith.constant 0 : i32
    return %arg0, %c0_i32 : i32, i32
  }
  func.func @transform_3(%arg0: i32) -> (i32, i32) {
    %c0_i32 = arith.constant 0 : i32
    %c0_i32_0 = arith.constant 0 : i32
    return %arg0, %c0_i32 : i32, i32
  }
  func.func @transform_4(%arg0: i32) -> (i32, i32) {
    %c0_i32 = arith.constant 0 : i32
    %c0_i32_0 = arith.constant 0 : i32
    return %arg0, %c0_i32 : i32, i32
  }
  func.func @transform_5(%arg0: i32) -> (i32, i32) {
    %c0_i32 = arith.constant 0 : i32
    %c0_i32_0 = arith.constant 0 : i32
    %c0_i32_1 = arith.constant 0 : i32
    return %c0_i32, %c0_i32_0 : i32, i32
  }
  func.func @transform_6(%arg0: i32) -> (i32, i32) {
    %c0_i32 = arith.constant 0 : i32
    %c0_i32_0 = arith.constant 0 : i32
    return %arg0, %c0_i32 : i32, i32
  }
}

</mosaic_0001>

<sc_bundles>
// kernel: kernel.10.cloned.1.call-start
scs
__scs_entry_jumppad:
0x0: {  	(pc) =	sbr.rel $0x88, $3  }
0x1: {  	(tag) =	ssettag $0x0;
	lr =	simm.s32 $0x1  }
0x2: {  	[smem:$0x3F95] =	sst lr;
	_ =	strace $0xD0000000  }
0x3: {  	_ = 	snop  }
0x4: {  	_ = 	snop  }
0x5: {  	_ = 	snop  }
0x6: {  	_ = 	snop  }
0x7: {  	_ = 	snop  }
__scs_overlays_trampoline_lowered:
0x8: {  	[smem:$0x3FA4] =	sst s0  }
0x9: {  	[smem:$0x3FA5] =	sst s1  }
0xa: {  	[smem:$0x3FA6] =	sst s2  }
0xb: {  	[smem:$0x3FA7] =	sst s3  }
0xc: {  	[smem:$0x3FA8] =	sst s4  }
0xd: {  	[smem:$0x3FA9] =	sst s5  }
0xe: {  	[smem:$0x3FAA] =	sst s6  }
0xf: {  	[smem:$0x3FAB] =	sst s7  }
0x10: {  	[smem:$0x3FAC] =	sst s8  }
0x11: {  	[smem:$0x3FAD] =	sst s9;
	s0 =	simm.s32 @!p0 $0x0  }
0x12: {  	s1 =	sld [smem:$0x3F93];
	s0 =	simm.s32 @p0 $0x1  }
0x13: {  	[smem:$0x3FAE] =	sst s0;
	s0 =	simm.s32 @!p1 $0x0  }
0x14: {  	s2 =	sld [smem:$0x3F92];
	s0 =	simm.s32 @p1 $0x1  }
0x15: {  	[smem:$0x3FAF] =	sst s0;
	s0 =	simm.s32 @!p2 $0x0  }
0x16: {  	s3 =	sld [smem:$0x3FDB];
	s0 =	simm.s32 @p2 $0x1  }
0x17: {  	s4 =	simm.s32 $0x1BF5;
	[smem:$0x3FB1] =	sst s0  }
0x18: {  	s0 =	sld [smem:$0x3F94];
	_ =	swait.ge [sflag:s4], $0x0  }
0x19: {  	s7 =	sld [smem:$0x3F95]  }
0x1a: {  	s8 =	sadd.s32 $0xFFFFE003, lr  }
0x1b: {  	s9 =	sadd.s32 $0xFFFFFEF7, lr;
	s5 =	simm.s32 $0xFFFFFFFF;
	p2 =	slt.u32 s8, $0xFFFFF086  }
0x1c: {  	p1 =	slt.u32 s9, $0xF7A;
	s5 =	simm.s32 @!p2 $0x0  }
0x1d: {  	s5 =	simm.s32 @p1 $0x1;
	p0 =	seq.s32 s7, s2  }
0x1e: {  	s7 =	smul.u32 @!p0 $0xF7A, s2;
	p2 =	seq.s32 @!p0 s5, $0x0  }
0x1f: {  	s9 =	smul.u32 $0xF7A, s1;
	s8 =	simm.s32 @!p0 $0x1BF5;
	p2 =	por !p2, p0  }
0x20: {  	[sflag:s8] =	ssyncset.s32 @!p0 $0xFFFFF086;
	s6 =	sadd.s32 @!p0 s3, s7;
	s7 =	simm.s32 @!p0 $0x108  }
0x21: {  	s3 =	sadd.s32 s3, s9;
	s6 =	sadd.s32 @!p0 $0x88, s6;
	s7 =	simm.s32 @p2 $0x1082  }
0x22: {  	[simem:s7], [sflag:s8] =	dma.local @!p0 [hbm:s6], $0xF7A  }
0x23: {  	s9 =	sor.u32 $0xD0000000, s2;
	s6 =	simm.s32 $0x108;
	_ =	swait.ge @!p0 [sflag:s8], $0x0  }
0x24: {  	s3 =	sadd.s32 $0x88, s3;
	s6 =	simm.s32 @!p1 $0x1082;
	[sflag:s4] =	ssyncset.s32 $0xFFFFF086  }
0x25: {  	[simem:s6], [sflag:s4] =	dma.local [hbm:s3], $0xF7A  }
0x26: {  	[smem:$0x3F95] =	sst s1;
	(tag) =	ssettag s2;
	_ =	strace s9  }
0x27: {  	s1 =	sld [smem:$0x3FA5]  }
0x28: {  	s2 =	sld [smem:$0x3FA6]  }
0x29: {  	s4 =	sld [smem:$0x3FA8]  }
0x2a: {  	p0 =	seq.s32 s5, $0x0;
	s5 =	sld [smem:$0x3FA9]  }
0x2b: {  	s6 =	sld [smem:$0x3FAA]  }
0x2c: {  	s7 =	sld [smem:$0x3FAB]  }
0x2d: {  	s3 =	simm.s32 $0x108;
	s8 =	sld [smem:$0x3FAC]  }
0x2e: {  	s3 =	simm.s32 @!p0 $0x1082;
	s9 =	sld [smem:$0x3FAD]  }
0x2f: {  	lr =	sadd.s32 s0, s3;
	s0 =	sld [smem:$0x3FA4]  }
0x30: {  	s3 =	sld [smem:$0x3FA7]  }
0x31: {  	[smem:$0x3FB0] =	sst s10  }
0x32: {  	s10 =	sld [smem:$0x3FAE];
	_ =	sdelay $0x3  }
0x33: {  	p0 =	seq.s32 s10, $0x1;
	s10 =	sld [smem:$0x3FB0];
	_ =	sdelay $0x3  }
0x34: {  	[smem:$0x3FB0] =	sst s10  }
0x35: {  	s10 =	sld [smem:$0x3FAF];
	_ =	sdelay $0x3  }
0x36: {  	p1 =	seq.s32 s10, $0x1;
	s10 =	sld [smem:$0x3FB0];
	_ =	sdelay $0x3  }
0x37: {  	[smem:$0x3FB0] =	sst s10  }
0x38: {  	s10 =	sld [smem:$0x3FB1]  }
0x39: {  	_ = 	snop;
	(pc) =	sbr.ind lr, $3  }
0x3a: {  	_ = 	snop  }
0x3b: {  	_ = 	snop  }
0x3c: {  	p2 =	seq.s32 s10, $0x1;
	s10 =	sld [smem:$0x3FB0]  }
0x3d: {  	_ =	shalt  }
0x3e: {  	_ =	shalt  }
0x3f: {  	_ =	shalt  }
0x40: {  	_ =	shalt  }
0x41: {  	_ =	shalt  }
0x42: {  	_ =	shalt  }
0x43: {  	_ =	shalt  }
0x44: {  	_ =	shalt  }
0x45: {  	_ =	shalt  }
0x46: {  	_ =	shalt  }
0x47: {  	_ =	shalt  }
0x48: {  	_ =	shalt  }
0x49: {  	_ =	shalt  }
0x4a: {  	_ =	shalt  }
0x4b: {  	_ =	shalt  }
0x4c: {  	_ =	shalt  }
0x4d: {  	_ =	shalt  }
0x4e: {  	_ =	shalt  }
0x4f: {  	_ =	shalt  }
0x50: {  	_ =	shalt  }
0x51: {  	_ =	shalt  }
0x52: {  	_ =	shalt  }
0x53: {  	_ =	shalt  }
0x54: {  	_ =	shalt  }
0x55: {  	_ =	shalt  }
0x56: {  	_ =	shalt  }
0x57: {  	_ =	shalt  }
0x58: {  	_ =	shalt  }
0x59: {  	_ =	shalt  }
0x5a: {  	_ =	shalt  }
0x5b: {  	_ =	shalt  }
0x5c: {  	_ =	shalt  }
0x5d: {  	_ =	shalt  }
0x5e: {  	_ =	shalt  }
0x5f: {  	_ =	shalt  }
0x60: {  	_ =	shalt  }
0x61: {  	_ =	shalt  }
0x62: {  	_ =	shalt  }
0x63: {  	_ =	shalt  }
0x64: {  	_ =	shalt  }
0x65: {  	_ =	shalt  }
0x66: {  	_ =	shalt  }
0x67: {  	_ =	shalt  }
0x68: {  	_ =	shalt  }
0x69: {  	_ =	shalt  }
0x6a: {  	_ =	shalt  }
0x6b: {  	_ =	shalt  }
0x6c: {  	_ =	shalt  }
0x6d: {  	_ =	shalt  }
0x6e: {  	_ =	shalt  }
0x6f: {  	_ =	shalt  }
0x70: {  	_ =	shalt  }
0x71: {  	_ =	shalt  }
0x72: {  	_ =	shalt  }
0x73: {  	_ =	shalt  }
0x74: {  	_ =	shalt  }
0x75: {  	_ =	shalt  }
0x76: {  	_ =	shalt  }
0x77: {  	_ =	shalt  }
0x78: {  	_ =	shalt  }
0x79: {  	_ =	shalt  }
0x7a: {  	_ =	shalt  }
0x7b: {  	_ =	shalt  }
0x7c: {  	_ =	shalt  }
0x7d: {  	_ =	shalt  }
0x7e: {  	_ =	shalt  }
0x7f: {  	_ =	shalt  }
0x80: {  	_ =	shalt  }
0x81: {  	_ =	shalt  }
0x82: {  	_ =	shalt  }
0x83: {  	_ =	shalt  }
0x84: {  	_ =	shalt  }
0x85: {  	_ =	shalt  }
0x86: {  	_ =	shalt  }
0x87: {  	_ =	shalt  }
.Lfunc_end0:
.L_simem_size_0:
called_computation_lowered:
.L_overlay_start_0:
0x88: {  	s2 =	sld [smem:$0x3FD9]  }
0x89: {  	s3 =	sld [smem:$0x3FFE];
	_ =	sdelay $0x1  }
0x8a: {  	s1 =	srdreg.scid  }
0x8b: {  	s0 =	sand.u32 $0x1, s1  }
0x8c: {  	s14 =	sshll.u32 s0, $0xA;
	s2 =	sadd.s32 s3, s2  }
0x8d: {  	s2 =	sadd.s32 s2, s14  }
0x8e: {  	[smem:$0x3FBC] =	sst s2  }
0x8f: {  	_ = 	snop  }
0x90: {  	s2 =	sld [smem:$0x3FD0];
	_ =	sdelay $0x2  }
0x91: {  	s15 =	simm.s32 $0xA;
	s4 =	simm.s32 $0x10  }
0x92: {  	[smem:s4], [sflag:s15] =	dma.local [hbm:s2], $0x1  }
0x93: {  	_ =	swait.eq [sflag:s15], $0x1  }
0x94: {  	[sflag:s15] =	ssyncset.done $0x0  }
0x95: {  	[sflag:s15] =	ssyncadd.s32 $0xFFFFFFFF  }
0x96: {  	s16 =	sld [smem:$0x11];
	(tm) =	ssettm $0x1  }
0x97: {  	s17 =	sld [smem:$0x3FFB];
	_ =	sdelay $0x3  }
0x98: {  	_ =	strace s17  }
0x99: {  	s3 =	sld [smem:$0x3FFC];
	_ =	sdelay $0x3  }
0x9a: {  	_ =	strace s3  }
0x9b: {  	s3 =	sld [smem:$0x3FFD];
	_ =	sdelay $0x3  }
0x9c: {  	_ =	strace s3  }
0x9d: {  	_ =	strace $0x8FFFFFFF  }
0x9e: {  	s18 =	sld [smem:$0x3FDB];
	_ =	sdelay $0x1  }
0x9f: {  	s19 =	simm.s32 $_scs_section_size  }
0xa0: {  	s5 =	simm.s32 $_size__tile_overlayer_lowered;
	s6 =	simm.s32 $_tile_overlayer_lowered  }
0xa1: {  	s22 =	simm.s32 $0x1BFF;
	s21 =	sshll.u32 s6, $0x1;
	s3 =	sadd.s32 s19, s18  }
0xa2: {  	s7 =	simm.s32 $0x0;
	s20 =	sshll.u32 s5, $0x1;
	s5 =	sadd.s32 s21, s3  }
0xa3: {  	[timem:s7], [sflag:s22] =	dma.local [hbm:s5], s20  }
0xa4: {  	_ =	swait.ge [sflag:s22], s20  }
0xa5: {  	s4 =	ssub.s32 $0x0, s20;
	[sflag:s22] =	ssyncset.done $0x0  }
0xa6: {  	[sflag:s22] =	ssyncadd.s32 s4;
	_ =	sdelay $0x1  }
0xa7: {  	s23 =	simm.s32 $0x1B8B  }
0xa8: {  	_ =	swait.ge [sflag:s23], $0x1  }
0xa9: {  	[sflag:s23] =	ssyncset.done $0x0  }
0xaa: {  	s25 =	simm.s32 $0x1B8E;
	s24 =	sld [smem:$0x3FFE];
	[sflag:s23] =	ssyncadd.s32 $0xFFFFFFFF  }
0xab: {  	s26 =	simm.s32 $execute0_lowered;
	[smem:$0x3FD2] =	sst s25  }
0xac: {  	s5 =	sshll.u32 s26, $0x1;
	_ =	strace $0x80000046;
	[dreg:$0x1] =	wrdreg $0xFFFFFFFF  }
0xad: {  	s28 =	simm.s32 $_size_execute0_lowered;
	s3 =	sadd.s32 s3, s5;
	[dreg:$0x0] =	wrdreg $0x0  }
0xae: {  	s5 =	sshll.u32 s28, $0x1;
	[dreg:$0x2] =	wrdreg s3  }
0xaf: {  	[dreg:$0x3] =	wrdreg s5  }
0xb0: {  	[dreg:$0x4] =	wrdreg $0xC0  }
0xb1: {  	_ =	task [dreg:s7], $0x5FFFF  }
0xb2: {  	[dreg:$0x1] =	wrdreg $0xFFFFFFFF  }
0xb3: {  	[dreg:$0x0] =	wrdreg $0x60  }
0xb4: {  	[dreg:$0x2] =	wrdreg s24  }
0xb5: {  	[dreg:$0x3] =	wrdreg s16  }
0xb6: {  	[dreg:$0x4] =	wrdreg $0x0  }
0xb7: {  	[dreg:$0x5] =	wrdreg $0x9  }
0xb8: {  	_ =	task.clear_ibuf [dreg:s7], $0x6FFFF;
	_ =	strace $0x90000046  }
0xb9: {  	s29 =	simm.s32 $0x9;
	_ =	strace $0x80000048  }
0xba: {  	_ =	swait.ge [sflag:s29], $0x1  }
0xbb: {  	[sflag:s29] =	ssyncadd.s32 $0xFFFFFFFF  }
0xbc: {  	_ =	strace $0x90000048  }
0xbd: {  	_ =	sfence  }
0xbe: {  	s30 =	sld [smem:$0x0];
	_ =	sdelay $0x2  }
0xbf: {  	s31 =	sshll.u32 s1, $0xD;
	s1 =	sshrl.u32 s1, $0x2  }
0xc0: {  	s3 =	sand.u32 $0x4000, s31;
	s1 =	sadd.s32 s1, s30  }
0xc1: {  	s0 =	sor.u32 s3, s0;
	s1 =	sshll.u32 s1, $0x11  }
0xc2: {  	s0 =	sor.u32 s1, s0  }
0xc3: {  	s0 =	sadd.s32 $0x8F2B, s0  }
0xc4: {  	[sflag:s0] =	ssyncadd.remote.s32 $0x1  }
0xc5: {  	_ =	sfence.sel $0xFFFF  }
0xc6: {  	[dreg:$0x0] =	wrdreg $0xFFFFFFFF;
	(pc) =	sbr.abs _section_cstart, $3  }
0xc7: {  	[dreg:$0x1] =	wrdreg $0xFFFFFFFF  }
0xc8: {  	_ =	task.clear_ibuf [dreg:s7], $0x2FFFF;
	_ =	strace $0x9FFFFFFF  }
0xc9: {  	(tm) =	ssettm $0x7FFFFFFF  }
tec
execute0_lowered:
.L_overlay_start_1:
0x0: {  	(tag) =	ssettag $0x1  }
0x1: {  	s4 =	rddreg [dreg:$0x0];
	s1 =	srdreg.scid  }
0x2: {  	s0 =	stileid.u32;
	s6 =	rddreg [dreg:$0x1]  }
0x3: {  	s2 =	rddreg [dreg:$0x2];
	s3 =	simm.s32 $0x0;
	s21 =	simm.s32 $0xABE0  }
0x4: {  	s22 =	simm.s32 $0x1;
	s23 =	simm.s32 $0xA410;
	s24 =	simm.s32 $0x7D0  }
0x5: {  	s28 =	simm.s32 $0x0;
	s5 =	sand.u32 $0x1, s1;
	s1 =	rddreg [dreg:$0x3]  }
0x6: {  	s26 =	sshll.u32 s0, $0x1;
	[smem:$0x7FF] =	sst s3;
	s9 =	smul.u32 $0x2700, s0  }
0x7: {  	s31 =	smul.u32 $0x9C00, s0;
	p0 =	sne.s32 s0, $0xF;
	s7 =	sor.u32 s5, s26  }
0x8: {  	s8 =	smul.u32 $0x27100, s5;
	s5 =	ssub.s32 $0x2, s5;
	_ =	strace $0x80000047  }
0x9: {  	s26 =	simm.s32 $0x2710;
	s7 =	smul.u32 $0x2710, s7;
	s29 =	sshrl.u32 s5, $0x1  }
0xa: {  	s25 =	sadd.s32 s9, s2;
	s10 =	ssub.s32 s5, s29;
	s30 =	sadd.s32 s9, s8  }
0xb: {  	s8 =	sshrl.u32 s8, $0x3;
	s25 =	sshrl.u32 s25, $0x3;
	s7 =	sshrl.u32 s7, $0x3  }
0xc: {  	s5 =	sshrl.u32 s30, $0x3;
	s20 =	sadd.s32 s7, s4;
	s4 =	sadd.s32 $0x27000, s2  }
0xd: {  	s5 =	sadd.s32 s6, s5;
	s6 =	sadd.s32 s6, s8;
	s7 =	sshrl.u32 s31, $0x2  }
0xe: {  	s8 =	smax.u32 s10, $0x1;
	s6 =	sadd.s32 $0x4E00, s6;
	s7 =	sadd.s32 s7, s2  }
0xf: {  	s16 =	sadd.s32 $0x3400, s20;
	s17 =	sadd.s32 $0x34FA, s20;
	s18 =	sadd.s32 $0x35F4, s20  }
0x10: {  	s19 =	sadd.s32 $0x36EE, s20;
	s20 =	sadd.s32 $0x37E8, s20;
	s9 =	sadd.s32 $0x4E0, s7  }
0x11: {  	s10 =	sadd.s32 $0x9C0, s7;
	s11 =	sadd.s32 $0xEA0, s7;
	s12 =	sadd.s32 $0x1380, s7  }
0x12: {  	v0 =	vimm.f32 $0.0e+00;
	v1 =	vimm.f32 $1.000000000e+00;
	s13 =	sadd.s32 $0x1860, s7;
	s14 =	sadd.s32 $0x1D40, s7;
	s15 =	sadd.s32 $0x2220, s7  }
.LBB2_1:
0x13: {  	s29 =	simm.s32 $0x0  }
.LBB2_2:
0x14: {  	p1 =	sne.s32 s29, $0x1340  }
.Ltmp0:
0x15: {  	_ = 	snop;
	(pc) =	sbr.rel @p1 .LBB2_2-.Ltmp0, $3  }
0x16: {  	_ =	sdelay $0x1  }
0x17: {  	s30 =	sshra.s32 s29, $0x2  }
0x18: {  	s29 =	sadd.s32 $0x40, s29;
	[tilespmem:s30+$0xABE0] =	vst v0  }
0x19: {  	s29 =	simm.s32 $0x0;
	s30 =	simm.s32 $0x200  }
.LBB2_4:
0x1a: {  	p1 =	sne.s32 s30, $0x1F200;
	[tilespmem:s29+$0x2780] =	vst v1  }
0x1b: {  	[tilespmem:s29+$0x2710] =	vst v1  }
0x1c: {  	[tilespmem:s29+$0x2720] =	vst v1  }
.Ltmp1:
0x1d: {  	[tilespmem:s29+$0x2730] =	vst v1;
	(pc) =	sbr.rel @p1 .LBB2_4-.Ltmp1, $4  }
0x1e: {  	[tilespmem:s29+$0x2740] =	vst v1  }
0x1f: {  	[tilespmem:s29+$0x2750] =	vst v1  }
0x20: {  	[tilespmem:s29+$0x2760] =	vst v1  }
0x21: {  	[tilespmem:s29+$0x2770] =	vst v1;
	s29 =	sshra.s32 s30, $0x2;
	s30 =	sadd.s32 $0x200, s30  }
0x22: {  	[tilespmem:s29+$0x2780] =	vst v1  }
0x23: {  	[tilespmem:s29+$0x2710] =	vst v1  }
0x24: {  	[tilespmem:s29+$0x2720] =	vst v1  }
0x25: {  	[tilespmem:s29+$0x2730] =	vst v1  }
0x26: {  	[tilespmem:s29+$0x2740] =	vst v1  }
0x27: {  	[tilespmem:s29+$0x2750] =	vst v1  }
0x28: {  	[tilespmem:s29+$0x2760] =	vst v1  }
0x29: {  	[tilespmem:s29+$0x2770] =	vst v1  }
0x2a: {  	[spmem:s7] =	stream.linear.scatter [tilespmem:s21], [sflag:$0x1], $0x4E0, $0x38;
	[tilespmem:$0xB0C0] =	vst v63  }
0x2b: {  	_ =	swait.ge [sflag:s22], $0x4E0  }
0x2c: {  	[sflag:s22] =	ssyncset.done $0x0  }
0x2d: {  	[sflag:s22] =	ssyncadd.s32 $0xFFFFFB20  }
0x2e: {  	[spmem:s9] =	stream.linear.scatter [tilespmem:s21], [sflag:$0x1], $0x4E0, $0x38;
	[tilespmem:$0xB0C0] =	vst v63  }
0x2f: {  	_ =	swait.ge [sflag:s22], $0x4E0  }
0x30: {  	[sflag:s22] =	ssyncset.done $0x0  }
0x31: {  	[sflag:s22] =	ssyncadd.s32 $0xFFFFFB20  }
0x32: {  	[spmem:s10] =	stream.linear.scatter [tilespmem:s21], [sflag:$0x1], $0x4E0, $0x38;
	[tilespmem:$0xB0C0] =	vst v63  }
0x33: {  	_ =	swait.ge [sflag:s22], $0x4E0  }
0x34: {  	[sflag:s22] =	ssyncset.done $0x0  }
0x35: {  	[sflag:s22] =	ssyncadd.s32 $0xFFFFFB20  }
0x36: {  	[spmem:s11] =	stream.linear.scatter [tilespmem:s21], [sflag:$0x1], $0x4E0, $0x38;
	[tilespmem:$0xB0C0] =	vst v63  }
0x37: {  	_ =	swait.ge [sflag:s22], $0x4E0  }
0x38: {  	[sflag:s22] =	ssyncset.done $0x0  }
0x39: {  	[sflag:s22] =	ssyncadd.s32 $0xFFFFFB20  }
0x3a: {  	[spmem:s12] =	stream.linear.scatter [tilespmem:s21], [sflag:$0x1], $0x4E0, $0x38;
	[tilespmem:$0xB0C0] =	vst v63  }
0x3b: {  	_ =	swait.ge [sflag:s22], $0x4E0  }
0x3c: {  	[sflag:s22] =	ssyncset.done $0x0  }
0x3d: {  	[sflag:s22] =	ssyncadd.s32 $0xFFFFFB20  }
0x3e: {  	[spmem:s13] =	stream.linear.scatter [tilespmem:s21], [sflag:$0x1], $0x4E0, $0x38;
	[tilespmem:$0xB0C0] =	vst v63  }
0x3f: {  	_ =	swait.ge [sflag:s22], $0x4E0  }
0x40: {  	[sflag:s22] =	ssyncset.done $0x0  }
0x41: {  	[sflag:s22] =	ssyncadd.s32 $0xFFFFFB20  }
0x42: {  	[spmem:s14] =	stream.linear.scatter [tilespmem:s21], [sflag:$0x1], $0x4E0, $0x38;
	[tilespmem:$0xB0C0] =	vst v63  }
0x43: {  	_ =	swait.ge [sflag:s22], $0x4E0  }
0x44: {  	[sflag:s22] =	ssyncset.done $0x0  }
0x45: {  	[sflag:s22] =	ssyncadd.s32 $0xFFFFFB20  }
0x46: {  	[spmem:s15] =	stream.linear.scatter [tilespmem:s21], [sflag:$0x1], $0x4E0, $0x38;
	[tilespmem:$0xB0C0] =	vst v63  }
0x47: {  	_ =	swait.ge [sflag:s22], $0x4E0  }
0x48: {  	[sflag:s22] =	ssyncset.done $0x0  }
0x49: {  	s29 =	simm.s32 @!p0 $0xABE0;
	[sflag:s22] =	ssyncadd.s32 $0xFFFFFB20  }
0x4a: {  	[spmem:s4] =	stream.linear.scatter @!p0 [tilespmem:s29], [sflag:$0x1], $0x100, $0x38;
	[tilespmem:$0xB0C0] =	vst v63  }
0x4b: {  	s29 =	simm.s32 @!p0 $0x1  }
0x4c: {  	_ =	swait.ge @!p0 [sflag:s29], $0x100  }
0x4d: {  	[sflag:s29] =	ssyncset.done @!p0 $0x0  }
0x4e: {  	[sflag:s29] =	ssyncadd.s32 @!p0 $0xFFFFFF00  }
0x4f: {  	[bflag:$0x0] =	sbarrier.arrive $0xFFFF  }
0x50: {  	[tilespmem:s23], [sflag:$0x1] =	stream.linear.gather [hbm4b:s16+s3], $0x7D0, $0x38;
	[tilespmem:$0xB0C0] =	vst v63  }
0x51: {  	_ =	swait.ge [sflag:s22], $0x7D0  }
0x52: {  	[sflag:s22] =	ssyncset.done $0x0  }
0x53: {  	[sflag:s22] =	ssyncadd.s32 $0xFFFFF830  }
0x54: {  	[spmem:s2] =	stream.indirect.scatter.add.f32 [tilespmem:s26], [sflag:$0x1], $0x10, s23, s24, $0xb8;
	[tilespmem:$0xB0C0] =	vst v63  }
0x55: {  	_ =	swait.ge [sflag:s22], $0x7D00  }
0x56: {  	[sflag:s22] =	ssyncset.done $0x0  }
0x57: {  	[sflag:s22] =	ssyncadd.s32 $0xFFFF8300  }
0x58: {  	[tilespmem:s23], [sflag:$0x1] =	stream.linear.gather [hbm4b:s17+s3], $0x7D0, $0x38;
	[tilespmem:$0xB0C0] =	vst v63  }
0x59: {  	_ =	swait.ge [sflag:s22], $0x7D0  }
0x5a: {  	[sflag:s22] =	ssyncset.done $0x0  }
0x5b: {  	[sflag:s22] =	ssyncadd.s32 $0xFFFFF830  }
0x5c: {  	[spmem:s2] =	stream.indirect.scatter.add.f32 [tilespmem:s26], [sflag:$0x1], $0x10, s23, s24, $0xb8;
	[tilespmem:$0xB0C0] =	vst v63  }
0x5d: {  	_ =	swait.ge [sflag:s22], $0x7D00  }
0x5e: {  	[sflag:s22] =	ssyncset.done $0x0  }
0x5f: {  	[sflag:s22] =	ssyncadd.s32 $0xFFFF8300  }
0x60: {  	[tilespmem:s23], [sflag:$0x1] =	stream.linear.gather [hbm4b:s18+s3], $0x7D0, $0x38;
	[tilespmem:$0xB0C0] =	vst v63  }
0x61: {  	_ =	swait.ge [sflag:s22], $0x7D0  }
0x62: {  	[sflag:s22] =	ssyncset.done $0x0  }
0x63: {  	[sflag:s22] =	ssyncadd.s32 $0xFFFFF830  }
0x64: {  	[spmem:s2] =	stream.indirect.scatter.add.f32 [tilespmem:s26], [sflag:$0x1], $0x10, s23, s24, $0xb8;
	[tilespmem:$0xB0C0] =	vst v63  }
0x65: {  	_ =	swait.ge [sflag:s22], $0x7D00  }
0x66: {  	[sflag:s22] =	ssyncset.done $0x0  }
0x67: {  	[sflag:s22] =	ssyncadd.s32 $0xFFFF8300  }
0x68: {  	[tilespmem:s23], [sflag:$0x1] =	stream.linear.gather [hbm4b:s19+s3], $0x7D0, $0x38;
	[tilespmem:$0xB0C0] =	vst v63  }
0x69: {  	_ =	swait.ge [sflag:s22], $0x7D0  }
0x6a: {  	[sflag:s22] =	ssyncset.done $0x0  }
0x6b: {  	[sflag:s22] =	ssyncadd.s32 $0xFFFFF830  }
0x6c: {  	[spmem:s2] =	stream.indirect.scatter.add.f32 [tilespmem:s26], [sflag:$0x1], $0x10, s23, s24, $0xb8;
	[tilespmem:$0xB0C0] =	vst v63  }
0x6d: {  	_ =	swait.ge [sflag:s22], $0x7D00  }
0x6e: {  	[sflag:s22] =	ssyncset.done $0x0  }
0x6f: {  	[sflag:s22] =	ssyncadd.s32 $0xFFFF8300  }
0x70: {  	[tilespmem:s23], [sflag:$0x1] =	stream.linear.gather [hbm4b:s20+s3], $0x7D0, $0x38;
	[tilespmem:$0xB0C0] =	vst v63  }
0x71: {  	_ =	swait.ge [sflag:s22], $0x7D0  }
0x72: {  	[sflag:s22] =	ssyncset.done $0x0  }
0x73: {  	[sflag:s22] =	ssyncadd.s32 $0xFFFFF830  }
0x74: {  	[spmem:s2] =	stream.indirect.scatter.add.f32 [tilespmem:s26], [sflag:$0x1], $0x10, s23, s24, $0xb8;
	[tilespmem:$0xB0C0] =	vst v63  }
0x75: {  	_ =	swait.ge [sflag:s22], $0x7D00  }
0x76: {  	[sflag:s22] =	ssyncset.done $0x0  }
0x77: {  	s30 =	sshll.u32 s0, $0x6;
	[sflag:s22] =	ssyncadd.s32 $0xFFFF8300  }
0x78: {  	s30 =	sor.u32 $0x1C01, s30;
	[bflag:$0x0] =	sbarrier.arrive $0xFFFF  }
0x79: {  	[hbm:s5], [sflag:s30] =	dma.local [spmem:s25], $0x4E0  }
0x7a: {  	s28 =	sadd.s32 $0x1, s28;
	_ =	swait.ge [sflag:s22], $0x4E0  }
0x7b: {  	p1 =	sne.s32 s28, s8;
	[sflag:s22] =	ssyncset.done $0x0  }
.Ltmp2:
0x7c: {  	s31 =	sshrl.u32 @!p0 s4, $0x3;
	[sflag:s22] =	ssyncadd.s32 $0xFFFFFB20;
	(pc) =	sbr.rel @p1 .LBB2_1-.Ltmp2, $4  }
0x7d: {  	[hbm:s6], [sflag:s30] =	dma.local @!p0 [spmem:s31], $0x20  }
0x7e: {  	_ =	swait.ge @!p0 [sflag:s29], $0x20  }
0x7f: {  	[sflag:s29] =	ssyncset.done @!p0 $0x0  }
0x80: {  	[sflag:s29] =	ssyncadd.s32 @!p0 $0xFFFFFFE0  }
0x81: {  	_ =	sfence.sel $0x180000  }
0x82: {  	[bflag:$0x0] =	sbarrier.arrive $0xFFFF  }
0x83: {  	p0 =	sne.s32 s0, $0x0;
	_ =	strace $0x90000047  }
0x84: {  	s0 =	sadd.s32 @!p0 $0x100000, s1;
	[bflag:$0x2] =	sbarrier.arrive $0xFFFF  }
0x85: {  	[sflag:s0] =	ssyncadd.tile.s32 @!p0 $0x1;
	_ =	shalt  }
.Lfunc_end2:
_tile_overlayer_lowered:
.L_overlay_start_2:
0x86: {  	(tag) =	ssettag $0x2  }
0x87: {  	s0 =	rddreg [dreg:$0x0];
	s2 =	stileid.u32  }
0x88: {  	s1 =	rddreg [dreg:$0x1];
	p0 =	sne.s32 s2, $0x0  }
0x89: {  	s3 =	rddreg [dreg:$0x2];
	[bflag:$0x3] =	sbarrier.arrive $0xFFFF;
	s2 =	simm.s32 @!p0 $0x1C01  }
0x8a: {  	[timem:s3], [sflag:s2] =	dma.local @!p0 [hbm:s0], s1  }
0x8b: {  	s0 =	simm.s32 @!p0 $0x1  }
0x8c: {  	_ =	swait.ge @!p0 [sflag:s0], s1  }
0x8d: {  	s1 =	ssub.s32 @!p0 $0x0, s1;
	[sflag:s0] =	ssyncset.done @!p0 $0x0  }
0x8e: {  	[sflag:s0] =	ssyncadd.s32 @!p0 s1  }
0x8f: {  	[bflag:$0x3] =	sbarrier.arrive $0xFFFF  }
0x90: {  	_ =	shalt  }

// kernel: kernel.13.cloned.1.call-start
scs
__scs_entry_jumppad:
0x0: {  	(pc) =	sbr.rel $0x88, $3  }
0x1: {  	(tag) =	ssettag $0x0;
	lr =	simm.s32 $0x1  }
0x2: {  	[smem:$0x3F95] =	sst lr;
	_ =	strace $0xD0000000  }
0x3: {  	_ = 	snop  }
0x4: {  	_ = 	snop  }
0x5: {  	_ = 	snop  }
0x6: {  	_ = 	snop  }
0x7: {  	_ = 	snop  }
__scs_overlays_trampoline_lowered:
0x8: {  	[smem:$0x3FA4] =	sst s0  }
0x9: {  	[smem:$0x3FA5] =	sst s1  }
0xa: {  	[smem:$0x3FA6] =	sst s2  }
0xb: {  	[smem:$0x3FA7] =	sst s3  }
0xc: {  	[smem:$0x3FA8] =	sst s4  }
0xd: {  	[smem:$0x3FA9] =	sst s5  }
0xe: {  	[smem:$0x3FAA] =	sst s6  }
0xf: {  	[smem:$0x3FAB] =	sst s7  }
0x10: {  	[smem:$0x3FAC] =	sst s8  }
0x11: {  	[smem:$0x3FAD] =	sst s9;
	s0 =	simm.s32 @!p0 $0x0  }
0x12: {  	s1 =	sld [smem:$0x3F93];
	s0 =	simm.s32 @p0 $0x1  }
0x13: {  	[smem:$0x3FAE] =	sst s0;
	s0 =	simm.s32 @!p1 $0x0  }
0x14: {  	s2 =	sld [smem:$0x3F92];
	s0 =	simm.s32 @p1 $0x1  }
0x15: {  	[smem:$0x3FAF] =	sst s0;
	s0 =	simm.s32 @!p2 $0x0  }
0x16: {  	s3 =	sld [smem:$0x3FDB];
	s0 =	simm.s32 @p2 $0x1  }
0x17: {  	s4 =	simm.s32 $0x1BF5;
	[smem:$0x3FB1] =	sst s0  }
0x18: {  	s0 =	sld [smem:$0x3F94];
	_ =	swait.ge [sflag:s4], $0x0  }
0x19: {  	s7 =	sld [smem:$0x3F95]  }
0x1a: {  	s8 =	sadd.s32 $0xFFFFE003, lr  }
0x1b: {  	s9 =	sadd.s32 $0xFFFFFEF7, lr;
	s5 =	simm.s32 $0xFFFFFFFF;
	p2 =	slt.u32 s8, $0xFFFFF086  }
0x1c: {  	p1 =	slt.u32 s9, $0xF7A;
	s5 =	simm.s32 @!p2 $0x0  }
0x1d: {  	s5 =	simm.s32 @p1 $0x1;
	p0 =	seq.s32 s7, s2  }
0x1e: {  	s7 =	smul.u32 @!p0 $0xF7A, s2;
	p2 =	seq.s32 @!p0 s5, $0x0  }
0x1f: {  	s9 =	smul.u32 $0xF7A, s1;
	s8 =	simm.s32 @!p0 $0x1BF5;
	p2 =	por !p2, p0  }
0x20: {  	[sflag:s8] =	ssyncset.s32 @!p0 $0xFFFFF086;
	s6 =	sadd.s32 @!p0 s3, s7;
	s7 =	simm.s32 @!p0 $0x108  }
0x21: {  	s3 =	sadd.s32 s3, s9;
	s6 =	sadd.s32 @!p0 $0x88, s6;
	s7 =	simm.s32 @p2 $0x1082  }
0x22: {  	[simem:s7], [sflag:s8] =	dma.local @!p0 [hbm:s6], $0xF7A  }
0x23: {  	s9 =	sor.u32 $0xD0000000, s2;
	s6 =	simm.s32 $0x108;
	_ =	swait.ge @!p0 [sflag:s8], $0x0  }
0x24: {  	s3 =	sadd.s32 $0x88, s3;
	s6 =	simm.s32 @!p1 $0x1082;
	[sflag:s4] =	ssyncset.s32 $0xFFFFF086  }
0x25: {  	[simem:s6], [sflag:s4] =	dma.local [hbm:s3], $0xF7A  }
0x26: {  	[smem:$0x3F95] =	sst s1;
	(tag) =	ssettag s2;
	_ =	strace s9  }
0x27: {  	s1 =	sld [smem:$0x3FA5]  }
0x28: {  	s2 =	sld [smem:$0x3FA6]  }
0x29: {  	s4 =	sld [smem:$0x3FA8]  }
0x2a: {  	p0 =	seq.s32 s5, $0x0;
	s5 =	sld [smem:$0x3FA9]  }
0x2b: {  	s6 =	sld [smem:$0x3FAA]  }
0x2c: {  	s7 =	sld [smem:$0x3FAB]  }
0x2d: {  	s3 =	simm.s32 $0x108;
	s8 =	sld [smem:$0x3FAC]  }
0x2e: {  	s3 =	simm.s32 @!p0 $0x1082;
	s9 =	sld [smem:$0x3FAD]  }
0x2f: {  	lr =	sadd.s32 s0, s3;
	s0 =	sld [smem:$0x3FA4]  }
0x30: {  	s3 =	sld [smem:$0x3FA7]  }
0x31: {  	[smem:$0x3FB0] =	sst s10  }
0x32: {  	s10 =	sld [smem:$0x3FAE];
	_ =	sdelay $0x3  }
0x33: {  	p0 =	seq.s32 s10, $0x1;
	s10 =	sld [smem:$0x3FB0];
	_ =	sdelay $0x3  }
0x34: {  	[smem:$0x3FB0] =	sst s10  }
0x35: {  	s10 =	sld [smem:$0x3FAF];
	_ =	sdelay $0x3  }
0x36: {  	p1 =	seq.s32 s10, $0x1;
	s10 =	sld [smem:$0x3FB0];
	_ =	sdelay $0x3  }
0x37: {  	[smem:$0x3FB0] =	sst s10  }
0x38: {  	s10 =	sld [smem:$0x3FB1]  }
0x39: {  	_ = 	snop;
	(pc) =	sbr.ind lr, $3  }
0x3a: {  	_ = 	snop  }
0x3b: {  	_ = 	snop  }
0x3c: {  	p2 =	seq.s32 s10, $0x1;
	s10 =	sld [smem:$0x3FB0]  }
0x3d: {  	_ =	shalt  }
0x3e: {  	_ =	shalt  }
0x3f: {  	_ =	shalt  }
0x40: {  	_ =	shalt  }
0x41: {  	_ =	shalt  }
0x42: {  	_ =	shalt  }
0x43: {  	_ =	shalt  }
0x44: {  	_ =	shalt  }
0x45: {  	_ =	shalt  }
0x46: {  	_ =	shalt  }
0x47: {  	_ =	shalt  }
0x48: {  	_ =	shalt  }
0x49: {  	_ =	shalt  }
0x4a: {  	_ =	shalt  }
0x4b: {  	_ =	shalt  }
0x4c: {  	_ =	shalt  }
0x4d: {  	_ =	shalt  }
0x4e: {  	_ =	shalt  }
0x4f: {  	_ =	shalt  }
0x50: {  	_ =	shalt  }
0x51: {  	_ =	shalt  }
0x52: {  	_ =	shalt  }
0x53: {  	_ =	shalt  }
0x54: {  	_ =	shalt  }
0x55: {  	_ =	shalt  }
0x56: {  	_ =	shalt  }
0x57: {  	_ =	shalt  }
0x58: {  	_ =	shalt  }
0x59: {  	_ =	shalt  }
0x5a: {  	_ =	shalt  }
0x5b: {  	_ =	shalt  }
0x5c: {  	_ =	shalt  }
0x5d: {  	_ =	shalt  }
0x5e: {  	_ =	shalt  }
0x5f: {  	_ =	shalt  }
0x60: {  	_ =	shalt  }
0x61: {  	_ =	shalt  }
0x62: {  	_ =	shalt  }
0x63: {  	_ =	shalt  }
0x64: {  	_ =	shalt  }
0x65: {  	_ =	shalt  }
0x66: {  	_ =	shalt  }
0x67: {  	_ =	shalt  }
0x68: {  	_ =	shalt  }
0x69: {  	_ =	shalt  }
0x6a: {  	_ =	shalt  }
0x6b: {  	_ =	shalt  }
0x6c: {  	_ =	shalt  }
0x6d: {  	_ =	shalt  }
0x6e: {  	_ =	shalt  }
0x6f: {  	_ =	shalt  }
0x70: {  	_ =	shalt  }
0x71: {  	_ =	shalt  }
0x72: {  	_ =	shalt  }
0x73: {  	_ =	shalt  }
0x74: {  	_ =	shalt  }
0x75: {  	_ =	shalt  }
0x76: {  	_ =	shalt  }
0x77: {  	_ =	shalt  }
0x78: {  	_ =	shalt  }
0x79: {  	_ =	shalt  }
0x7a: {  	_ =	shalt  }
0x7b: {  	_ =	shalt  }
0x7c: {  	_ =	shalt  }
0x7d: {  	_ =	shalt  }
0x7e: {  	_ =	shalt  }
0x7f: {  	_ =	shalt  }
0x80: {  	_ =	shalt  }
0x81: {  	_ =	shalt  }
0x82: {  	_ =	shalt  }
0x83: {  	_ =	shalt  }
0x84: {  	_ =	shalt  }
0x85: {  	_ =	shalt  }
0x86: {  	_ =	shalt  }
0x87: {  	_ =	shalt  }
.Lfunc_end0:
.L_simem_size_0:
called_computation.1_lowered:
.L_overlay_start_0:
0x88: {  	s2 =	sld [smem:$0x3FD9]  }
0x89: {  	s3 =	sld [smem:$0x3FFE];
	_ =	sdelay $0x1  }
0x8a: {  	s1 =	srdreg.scid  }
0x8b: {  	s0 =	sand.u32 $0x1, s1  }
0x8c: {  	s14 =	sshll.u32 s0, $0xA;
	s2 =	sadd.s32 s3, s2  }
0x8d: {  	s2 =	sadd.s32 s2, s14  }
0x8e: {  	[smem:$0x3FBC] =	sst s2  }
0x8f: {  	_ = 	snop  }
0x90: {  	s2 =	sld [smem:$0x3FD0];
	_ =	sdelay $0x2  }
0x91: {  	s15 =	simm.s32 $0xA;
	s4 =	simm.s32 $0x10  }
0x92: {  	[smem:s4], [sflag:s15] =	dma.local [hbm:s2], $0x1  }
0x93: {  	_ =	swait.eq [sflag:s15], $0x1  }
0x94: {  	[sflag:s15] =	ssyncset.done $0x0  }
0x95: {  	s16 =	sld [smem:$0x10];
	[sflag:s15] =	ssyncadd.s32 $0xFFFFFFFF  }
0x96: {  	s17 =	sld [smem:$0x11];
	(tm) =	ssettm $0x1  }
0x97: {  	s18 =	sld [smem:$0x3FFB];
	_ =	sdelay $0x3  }
0x98: {  	_ =	strace s18  }
0x99: {  	s4 =	sld [smem:$0x3FFC];
	_ =	sdelay $0x3  }
0x9a: {  	_ =	strace s4  }
0x9b: {  	s4 =	sld [smem:$0x3FFD];
	_ =	sdelay $0x3  }
0x9c: {  	_ =	strace s4  }
0x9d: {  	_ =	strace $0x8FFFFFFF  }
0x9e: {  	s19 =	sld [smem:$0x3FDB];
	_ =	sdelay $0x1  }
0x9f: {  	s5 =	simm.s32 $_scs_section_size  }
0xa0: {  	s6 =	simm.s32 $_size__tile_overlayer_lowered;
	s7 =	simm.s32 $_tile_overlayer_lowered  }
0xa1: {  	s22 =	simm.s32 $0x1BFF;
	s21 =	sshll.u32 s7, $0x1;
	s4 =	sadd.s32 s5, s19  }
0xa2: {  	s8 =	simm.s32 $0x0;
	s20 =	sshll.u32 s6, $0x1;
	s6 =	sadd.s32 s21, s4  }
0xa3: {  	[timem:s8], [sflag:s22] =	dma.local [hbm:s6], s20  }
0xa4: {  	_ =	swait.ge [sflag:s22], s20  }
0xa5: {  	s5 =	ssub.s32 $0x0, s20;
	[sflag:s22] =	ssyncset.done $0x0  }
0xa6: {  	[sflag:s22] =	ssyncadd.s32 s5;
	_ =	sdelay $0x1  }
0xa7: {  	s23 =	simm.s32 $0x1B8B  }
0xa8: {  	_ =	swait.ge [sflag:s23], $0x1  }
0xa9: {  	[sflag:s23] =	ssyncset.done $0x0  }
0xaa: {  	s25 =	simm.s32 $0x1B8E;
	s24 =	sld [smem:$0x3FFE];
	[sflag:s23] =	ssyncadd.s32 $0xFFFFFFFF  }
0xab: {  	s26 =	simm.s32 $execute0_lowered;
	[smem:$0x3FD2] =	sst s25  }
0xac: {  	s6 =	sshll.u32 s26, $0x1;
	_ =	strace $0x80000049;
	[dreg:$0x1] =	wrdreg $0xFFFFFFFF  }
0xad: {  	s28 =	simm.s32 $_size_execute0_lowered;
	s4 =	sadd.s32 s4, s6;
	[dreg:$0x0] =	wrdreg $0x0  }
0xae: {  	s6 =	sshll.u32 s28, $0x1;
	[dreg:$0x2] =	wrdreg s4  }
0xaf: {  	[dreg:$0x3] =	wrdreg s6  }
0xb0: {  	[dreg:$0x4] =	wrdreg $0xC0  }
0xb1: {  	_ =	task [dreg:s8], $0x5FFFF  }
0xb2: {  	[dreg:$0x1] =	wrdreg $0xFFFFFFFF  }
0xb3: {  	[dreg:$0x0] =	wrdreg $0x60  }
0xb4: {  	[dreg:$0x2] =	wrdreg s24  }
0xb5: {  	[dreg:$0x3] =	wrdreg s16  }
0xb6: {  	[dreg:$0x4] =	wrdreg s17  }
0xb7: {  	[dreg:$0x5] =	wrdreg $0x0  }
0xb8: {  	[dreg:$0x6] =	wrdreg $0x9  }
0xb9: {  	_ =	task.clear_ibuf [dreg:s8], $0x7FFFF;
	_ =	strace $0x90000049  }
0xba: {  	s29 =	simm.s32 $0x9;
	_ =	strace $0x8000004B  }
0xbb: {  	_ =	swait.ge [sflag:s29], $0x1  }
0xbc: {  	[sflag:s29] =	ssyncadd.s32 $0xFFFFFFFF  }
0xbd: {  	_ =	strace $0x9000004B  }
0xbe: {  	_ =	sfence  }
0xbf: {  	s30 =	sld [smem:$0x0];
	_ =	sdelay $0x2  }
0xc0: {  	s31 =	sshll.u32 s1, $0xD;
	s1 =	sshrl.u32 s1, $0x2  }
0xc1: {  	s3 =	sand.u32 $0x4000, s31;
	s1 =	sadd.s32 s1, s30  }
0xc2: {  	s0 =	sor.u32 s3, s0;
	s1 =	sshll.u32 s1, $0x11  }
0xc3: {  	s0 =	sor.u32 s1, s0  }
0xc4: {  	s0 =	sadd.s32 $0x8F2B, s0  }
0xc5: {  	[sflag:s0] =	ssyncadd.remote.s32 $0x1  }
0xc6: {  	_ =	sfence.sel $0xFFFF  }
0xc7: {  	[dreg:$0x0] =	wrdreg $0xFFFFFFFF;
	(pc) =	sbr.abs _section_cstart, $3  }
0xc8: {  	[dreg:$0x1] =	wrdreg $0xFFFFFFFF  }
0xc9: {  	_ =	task.clear_ibuf [dreg:s8], $0x2FFFF;
	_ =	strace $0x9FFFFFFF  }
0xca: {  	(tm) =	ssettm $0x7FFFFFFF  }
0xcb: {  	_ =	shalt  }
tec
execute0_lowered:
.L_overlay_start_1:
0x0: {  	(tag) =	ssettag $0x1  }
0x1: {  	s0 =	rddreg [dreg:$0x0]  }
0x2: {  	s2 =	rddreg [dreg:$0x1]  }
0x3: {  	s5 =	rddreg [dreg:$0x2];
	s3 =	srdreg.scid  }
0x4: {  	s1 =	rddreg [dreg:$0x3];
	s15 =	stileid.u32  }
0x5: {  	s28 =	simm.s32 $0x16760;
	s29 =	simm.s32 $0x3;
	s7 =	smul.u32 $0x4E20, s15  }
0x6: {  	s30 =	simm.s32 $0x190;
	s31 =	simm.s32 $0x9C40;
	s12 =	smul.u32 $0x9C00, s15  }
0x7: {  	s4 =	sand.u32 $0x1, s3;
	s3 =	simm.s32 $0x0;
	s16 =	smul.u32 $0x27000, s15  }
0x8: {  	s22 =	smul.u32 $0x9C4, s15;
	p0 =	sne.s32 s15, $0xF;
	[smem:$0x7FF] =	sst s3  }
0x9: {  	s6 =	smul.u32 $0x9C400, s4;
	s4 =	ssub.s32 $0x2, s4;
	_ =	strace $0x8000004A  }
0xa: {  	s10 =	sshrl.u32 s4, $0x1;
	s11 =	sshrl.u32 s7, $0x3;
	s17 =	sadd.s32 s12, s1  }
0xb: {  	s18 =	sshrl.u32 s16, $0x2;
	s8 =	sshrl.u32 s6, $0x3;
	s10 =	ssub.s32 s4, s10  }
0xc: {  	s4 =	sadd.s32 $0x9C000, s1;
	s7 =	sadd.s32 s2, s11;
	s6 =	sadd.s32 s12, s6  }
0xd: {  	s14 =	sadd.s32 $0x32, s11;
	s9 =	sadd.s32 s8, s0;
	s0 =	sadd.s32 $0x3400, s0  }
0xe: {  	[dreg:$0x5] =	wrdreg s7;
	s6 =	sshrl.u32 s6, $0x3;
	s19 =	smax.u32 s10, $0x1  }
0xf: {  	s13 =	sadd.s32 s0, s11;
	s7 =	sadd.s32 $0x5B600, s9;
	[dreg:$0xb] =	wrdreg s19  }
0x10: {  	s9 =	sadd.s32 s0, s14;
	s6 =	sadd.s32 s5, s6;
	[dreg:$0x6] =	wrdreg s13  }
0x11: {  	s5 =	sadd.s32 s5, s8;
	s0 =	sadd.s32 s22, s0;
	[dreg:$0x8] =	wrdreg s9  }
0x12: {  	s13 =	sadd.s32 s2, s14;
	[dreg:$0x9] =	wrdreg s6;
	s5 =	sadd.s32 $0x13800, s5  }
0x13: {  	s2 =	sadd.s32 s22, s2;
	[dreg:$0x7] =	wrdreg s13;
	s13 =	sadd.s32 s18, s1  }
0x14: {  	s14 =	sadd.s32 $0x64, s0;
	[dreg:$0xa] =	wrdreg s5;
	s20 =	sadd.s32 $0x1380, s13  }
0x15: {  	s0 =	simm.s32 $0x165D0;
	s21 =	sadd.s32 $0x2700, s13;
	[dreg:$0xc] =	wrdreg s20  }
0x16: {  	s6 =	simm.s32 $0x4;
	s8 =	sadd.s32 $0x3A80, s13;
	[dreg:$0xd] =	wrdreg s21  }
0x17: {  	s9 =	simm.s32 $0x2;
	s23 =	sadd.s32 $0x4E00, s13;
	[dreg:$0xe] =	wrdreg s8  }
0x18: {  	s22 =	sadd.s32 $0x64, s2;
	s24 =	sadd.s32 $0x6180, s13;
	[dreg:$0xf] =	wrdreg s23  }
0x19: {  	s2 =	simm.s32 $0x168F0;
	s25 =	sadd.s32 $0x7500, s13;
	[dreg:$0x10] =	wrdreg s24  }
0x1a: {  	s5 =	simm.s32 $0x1;
	s26 =	sadd.s32 $0x8880, s13;
	[dreg:$0x11] =	wrdreg s25  }
0x1b: {  	[dreg:$0x12] =	wrdreg s26;
	s23 =	simm.s32 $0x16A80;
	s24 =	simm.s32 $0x5  }
0x1c: {  	v0 =	vimm.f32 $0.0e+00;
	s25 =	sshrl.u32 s17, $0x3;
	s26 =	simm.s32 $0x16440;
	s8 =	simm.s32 $0x10040  }
.LBB2_1:
0x1d: {  	s11 =	simm.s32 $0x100;
	s10 =	simm.s32 $0x0  }
.LBB2_2:
0x1e: {  	p1 =	sne.s32 s11, $0x4D00;
	[tilespmem:s10+$0x16AB0] =	vst v0;
	s12 =	smov.u32 s11;
	s11 =	sadd.s32 $0x100, s11  }
.Ltmp0:
0x1f: {  	[tilespmem:s10+$0x16AA0] =	vst v0;
	(pc) =	sbr.rel @p1 .LBB2_2-.Ltmp0, $3  }
0x20: {  	[tilespmem:s10+$0x16A80] =	vst v0  }
0x21: {  	[tilespmem:s10+$0x16A90] =	vst v0;
	_ =	sdelay $0x1  }
0x22: {  	s10 =	sshra.s32 s12, $0x2  }
0x23: {  	[tilespmem:s10+$0x16AB0] =	vst v0  }
0x24: {  	[tilespmem:s10+$0x16AA0] =	vst v0  }
0x25: {  	[tilespmem:s10+$0x16A80] =	vst v0  }
0x26: {  	[tilespmem:s10+$0x16A90] =	vst v0  }
0x27: {  	[spmem:s13] =	stream.linear.scatter [tilespmem:s23], [sflag:$0x5], $0x1380, $0x38;
	[tilespmem:$0x17E00] =	vst v63  }
0x28: {  	_ =	swait.ge [sflag:s24], $0x1380  }
0x29: {  	[sflag:s24] =	ssyncset.done $0x0  }
0x2a: {  	s19 =	rddreg [dreg:$0xc];
	[sflag:s24] =	ssyncadd.s32 $0xFFFFEC80  }
0x2b: {  	[spmem:s19] =	stream.linear.scatter [tilespmem:s23], [sflag:$0x5], $0x1380, $0x38;
	[tilespmem:$0x17E00] =	vst v63  }
0x2c: {  	_ =	swait.ge [sflag:s24], $0x1380  }
0x2d: {  	[sflag:s24] =	ssyncset.done $0x0  }
0x2e: {  	s20 =	rddreg [dreg:$0xd];
	[sflag:s24] =	ssyncadd.s32 $0xFFFFEC80  }
0x2f: {  	[spmem:s20] =	stream.linear.scatter [tilespmem:s23], [sflag:$0x5], $0x1380, $0x38;
	[tilespmem:$0x17E00] =	vst v63  }
0x30: {  	_ =	swait.ge [sflag:s24], $0x1380  }
0x31: {  	[sflag:s24] =	ssyncset.done $0x0  }
0x32: {  	s21 =	rddreg [dreg:$0xe];
	[sflag:s24] =	ssyncadd.s32 $0xFFFFEC80  }
0x33: {  	[spmem:s21] =	stream.linear.scatter [tilespmem:s23], [sflag:$0x5], $0x1380, $0x38;
	[tilespmem:$0x17E00] =	vst v63  }
0x34: {  	_ =	swait.ge [sflag:s24], $0x1380  }
0x35: {  	[sflag:s24] =	ssyncset.done $0x0  }
0x36: {  	s11 =	rddreg [dreg:$0xf];
	[sflag:s24] =	ssyncadd.s32 $0xFFFFEC80  }
0x37: {  	[spmem:s11] =	stream.linear.scatter [tilespmem:s23], [sflag:$0x5], $0x1380, $0x38;
	[tilespmem:$0x17E00] =	vst v63  }
0x38: {  	_ =	swait.ge [sflag:s24], $0x1380  }
0x39: {  	[sflag:s24] =	ssyncset.done $0x0  }
0x3a: {  	s12 =	rddreg [dreg:$0x10];
	[sflag:s24] =	ssyncadd.s32 $0xFFFFEC80  }
0x3b: {  	[spmem:s12] =	stream.linear.scatter [tilespmem:s23], [sflag:$0x5], $0x1380, $0x38;
	[tilespmem:$0x17E00] =	vst v63  }
0x3c: {  	_ =	swait.ge [sflag:s24], $0x1380  }
0x3d: {  	[sflag:s24] =	ssyncset.done $0x0  }
0x3e: {  	s15 =	rddreg [dreg:$0x11];
	[sflag:s24] =	ssyncadd.s32 $0xFFFFEC80  }
0x3f: {  	[spmem:s15] =	stream.linear.scatter [tilespmem:s23], [sflag:$0x5], $0x1380, $0x38;
	[tilespmem:$0x17E00] =	vst v63  }
0x40: {  	_ =	swait.ge [sflag:s24], $0x1380  }
0x41: {  	[sflag:s24] =	ssyncset.done $0x0  }
0x42: {  	s16 =	rddreg [dreg:$0x12];
	[sflag:s24] =	ssyncadd.s32 $0xFFFFEC80  }
0x43: {  	[spmem:s16] =	stream.linear.scatter [tilespmem:s23], [sflag:$0x5], $0x1380, $0x38;
	[tilespmem:$0x17E00] =	vst v63  }
0x44: {  	_ =	swait.ge [sflag:s24], $0x1380  }
0x45: {  	[sflag:s24] =	ssyncset.done $0x0  }
0x46: {  	s10 =	simm.s32 @!p0 $0x16A80;
	[sflag:s24] =	ssyncadd.s32 $0xFFFFEC80  }
0x47: {  	[spmem:s4] =	stream.linear.scatter @!p0 [tilespmem:s10], [sflag:$0x5], $0x400, $0x38;
	[tilespmem:$0x17E00] =	vst v63  }
0x48: {  	s10 =	simm.s32 @!p0 $0x5  }
0x49: {  	_ =	swait.ge @!p0 [sflag:s10], $0x400  }
0x4a: {  	[sflag:s10] =	ssyncset.done @!p0 $0x0  }
0x4b: {  	[sflag:s10] =	ssyncadd.s32 @!p0 $0xFFFFFC00  }
0x4c: {  	[bflag:$0x0] =	sbarrier.arrive $0xFFFF  }
0x4d: {  	s17 =	simm.s32 $0x0;
	s11 =	rddreg [dreg:$0x5]  }
0x4e: {  	[tilespmem:s26], [sflag:$0x3] =	stream.linear.gather [hbm4b:s11+s17], $0x190, $0x38;
	[tilespmem:$0x17E00] =	vst v63  }
0x4f: {  	s18 =	rddreg [dreg:$0x6]  }
0x50: {  	[tilespmem:s28], [sflag:$0x3] =	stream.linear.gather [hbm4b:s18+s17], $0x190, $0x38;
	[tilespmem:$0x17E00] =	vst v63  }
0x51: {  	_ =	swait.ge [sflag:s29], $0x190  }
0x52: {  	[sflag:s29] =	ssyncset.done $0x0  }
0x53: {  	[sflag:s29] =	ssyncadd.s32 $0xFFFFFE70  }
0x54: {  	_ =	swait.ge [sflag:s29], $0x190  }
0x55: {  	[sflag:s29] =	ssyncset.done $0x0  }
0x56: {  	s10 =	sand.u32 $0x1, s17;
	[sflag:s29] =	ssyncadd.s32 $0xFFFFFE70  }
0x57: {  	[tilespmem:s31], [sflag:$0x1] =	stream.indirect.gather [hbm4b:s7+s30], $0x40, s26, s30, $0xb8;
	[tilespmem:$0x17E00] =	vst v63  }
0x58: {  	p1 =	seq.s32 s10, $0x1;
	s19 =	rddreg [dreg:$0x7]  }
0x59: {  	[tilespmem:s0], [sflag:$0x4] =	stream.linear.gather [hbm4b:s19+s17], $0x190, $0x38;
	[tilespmem:$0x17E00] =	vst v63  }
0x5a: {  	s10 =	simm.s32 @p1 $0x2;
	s20 =	rddreg [dreg:$0x8]  }
0x5b: {  	[tilespmem:s2], [sflag:$0x4] =	stream.linear.gather [hbm4b:s20+s17], $0x190, $0x38;
	[tilespmem:$0x17E00] =	vst v63  }
0x5c: {  	_ =	swait.ge @p1 [sflag:s10], $0x6400;
	p1 =	por p1, p1  }
0x5d: {  	[sflag:s10] =	ssyncset.done @p1 $0x0  }
0x5e: {  	[sflag:s10] =	ssyncadd.s32 @p1 $0xFFFF9C00;
	s10 =	simm.s32 @p1 $0x3  }
0x5f: {  	_ =	swait.ge @p1 [sflag:s10], $0x190  }
0x60: {  	[sflag:s10] =	ssyncset.done @p1 $0x0  }
0x61: {  	[sflag:s10] =	ssyncadd.s32 @p1 $0xFFFFFE70  }
0x62: {  	_ =	swait.ge @p1 [sflag:s10], $0x190  }
0x63: {  	s11 =	simm.s32 @p1 $0x9C40;
	[sflag:s10] =	ssyncset.done @p1 $0x0  }
0x64: {  	s12 =	simm.s32 @p1 $0x16440;
	[sflag:s10] =	ssyncadd.s32 @p1 $0xFFFFFE70;
	s10 =	simm.s32 @p1 $0x190  }
0x65: {  	[tilespmem:s11], [sflag:$0x1] =	stream.indirect.gather @p1 [hbm4b:s7+s10], $0x40, s12, s10, $0xb8;
	[tilespmem:$0x17E00] =	vst v63  }
0x66: {  	s15 =	simm.s32 @p1 $0x5;
	s11 =	simm.s32 @p1 $0x168F0;
	s12 =	simm.s32 @p1 $0x10040  }
0x67: {  	[spmem:s1] =	stream.indirect.scatter.add.f32 @p1 [tilespmem:s12], [sflag:$0x5], $0x40, s11, s10, $0xb8;
	[tilespmem:$0x17E00] =	vst v63  }
0x68: {  	_ =	swait.ge @p1 [sflag:s15], $0x6400  }
0x69: {  	[sflag:s15] =	ssyncset.done @p1 $0x0  }
0x6a: {  	s10 =	simm.s32 @p1 $0x0;
	s12 =	simm.s32 @p1 $0x165D0;
	[sflag:s15] =	ssyncadd.s32 @p1 $0xFFFF9C00  }
0x6b: {  	[tilespmem:s12], [sflag:$0x4] =	stream.linear.gather @p1 [hbm4b:s22+s10], $0x190, $0x38;
	[tilespmem:$0x17E00] =	vst v63  }
0x6c: {  	s12 =	simm.s32 @!p1 $0x1  }
0x6d: {  	[tilespmem:s11], [sflag:$0x4] =	stream.linear.gather @p1 [hbm4b:s14+s10], $0x190, $0x38;
	[tilespmem:$0x17E00] =	vst v63  }
0x6e: {  	_ =	swait.ge @!p1 [sflag:s12], $0x6400  }
0x6f: {  	[sflag:s12] =	ssyncset.done @!p1 $0x0  }
0x70: {  	s10 =	simm.s32 @!p1 $0x4;
	[sflag:s12] =	ssyncadd.s32 @!p1 $0xFFFF9C00  }
0x71: {  	_ =	swait.ge @!p1 [sflag:s10], $0x190  }
0x72: {  	[sflag:s10] =	ssyncset.done @!p1 $0x0  }
0x73: {  	[sflag:s10] =	ssyncadd.s32 @!p1 $0xFFFFFE70  }
0x74: {  	_ =	swait.ge @!p1 [sflag:s10], $0x190  }
0x75: {  	s11 =	simm.s32 @!p1 $0x10040;
	[sflag:s10] =	ssyncset.done @!p1 $0x0  }
0x76: {  	s12 =	simm.s32 @!p1 $0x165D0;
	[sflag:s10] =	ssyncadd.s32 @!p1 $0xFFFFFE70;
	s10 =	simm.s32 @!p1 $0x190  }
0x77: {  	[tilespmem:s11], [sflag:$0x2] =	stream.indirect.gather @!p1 [hbm4b:s7+s10], $0x40, s12, s10, $0xb8;
	[tilespmem:$0x17E00] =	vst v63  }
0x78: {  	s17 =	simm.s32 @!p1 $0x16760;
	s11 =	simm.s32 @!p1 $0x9C40;
	s12 =	simm.s32 @!p1 $0x5  }
0x79: {  	[spmem:s1] =	stream.indirect.scatter.add.f32 @!p1 [tilespmem:s11], [sflag:$0x5], $0x40, s17, s10, $0xb8;
	[tilespmem:$0x17E00] =	vst v63  }
0x7a: {  	s21 =	simm.s32 $0x1;
	_ =	swait.ge @!p1 [sflag:s12], $0x6400  }
0x7b: {  	s16 =	sand.u32 $0x1, s21;
	s21 =	smov.u32 s14;
	[sflag:s12] =	ssyncset.done @!p1 $0x0  }
0x7c: {  	s18 =	simm.s32 @!p1 $0x0;
	s10 =	simm.s32 @!p1 $0x16440;
	[sflag:s12] =	ssyncadd.s32 @!p1 $0xFFFF9C00  }
0x7d: {  	[tilespmem:s10], [sflag:$0x3] =	stream.linear.gather @!p1 [hbm4b:s22+s18], $0x190, $0x38;
	[tilespmem:$0x17E00] =	vst v63  }
0x7e: {  	s11 =	smov.u32 s14;
	s12 =	simm.s32 $0x2;
	s10 =	sadd.s32 $0x32, s22  }
.LBB2_4:
0x7f: {  	p3 =	seq.s32 s16, $0x1;
	s21 =	sadd.s32 $0x32, s21  }
0x80: {  	s16 =	smov.u32 s12;
	s12 =	sadd.s32 $0x1, s12;
	s15 =	smov.u32 s10  }
0x81: {  	p2 =	sne.s32 s12, $0x30;
	s19 =	simm.s32 @p3 $0x2  }
0x82: {  	[tilespmem:s17], [sflag:$0x3] =	stream.linear.gather @!p1 [hbm4b:s11+s18], $0x190, $0x38;
	[tilespmem:$0x17E00] =	vst v63  }
0x83: {  	s11 =	smov.u32 s21;
	p1 =	por p3, p3;
	_ =	swait.ge @p3 [sflag:s19], $0x6400  }
0x84: {  	[sflag:s19] =	ssyncset.done @p1 $0x0  }
0x85: {  	s17 =	simm.s32 @p1 $0x3;
	[sflag:s19] =	ssyncadd.s32 @p1 $0xFFFF9C00  }
0x86: {  	_ =	swait.ge @p1 [sflag:s17], $0x190  }
0x87: {  	[sflag:s17] =	ssyncset.done @p1 $0x0  }
0x88: {  	[sflag:s17] =	ssyncadd.s32 @p1 $0xFFFFFE70  }
0x89: {  	_ =	swait.ge @p1 [sflag:s17], $0x190  }
0x8a: {  	s18 =	simm.s32 @p1 $0x9C40;
	[sflag:s17] =	ssyncset.done @p1 $0x0  }
0x8b: {  	s19 =	simm.s32 @p1 $0x16440;
	[sflag:s17] =	ssyncadd.s32 @p1 $0xFFFFFE70;
	s17 =	simm.s32 @p1 $0x190  }
0x8c: {  	[tilespmem:s18], [sflag:$0x1] =	stream.indirect.gather @p1 [hbm4b:s7+s17], $0x40, s19, s17, $0xb8;
	[tilespmem:$0x17E00] =	vst v63  }
0x8d: {  	s20 =	simm.s32 @p1 $0x5;
	s18 =	simm.s32 @p1 $0x168F0;
	s19 =	simm.s32 @p1 $0x10040  }
0x8e: {  	[spmem:s1] =	stream.indirect.scatter.add.f32 @p1 [tilespmem:s19], [sflag:$0x5], $0x40, s18, s17, $0xb8;
	[tilespmem:$0x17E00] =	vst v63  }
0x8f: {  	_ =	swait.ge @p1 [sflag:s20], $0x6400  }
0x90: {  	[sflag:s20] =	ssyncset.done @p1 $0x0  }
0x91: {  	s17 =	simm.s32 @p1 $0x0;
	s19 =	simm.s32 @p1 $0x165D0;
	[sflag:s20] =	ssyncadd.s32 @p1 $0xFFFF9C00  }
0x92: {  	[tilespmem:s19], [sflag:$0x4] =	stream.linear.gather @p1 [hbm4b:s10+s17], $0x190, $0x38;
	[tilespmem:$0x17E00] =	vst v63  }
0x93: {  	s19 =	simm.s32 @!p1 $0x1  }
0x94: {  	[tilespmem:s18], [sflag:$0x4] =	stream.linear.gather @p1 [hbm4b:s21+s17], $0x190, $0x38;
	[tilespmem:$0x17E00] =	vst v63  }
0x95: {  	_ =	swait.ge @!p1 [sflag:s19], $0x6400  }
0x96: {  	[sflag:s19] =	ssyncset.done @!p1 $0x0  }
0x97: {  	s17 =	simm.s32 @!p1 $0x4;
	[sflag:s19] =	ssyncadd.s32 @!p1 $0xFFFF9C00  }
0x98: {  	_ =	swait.ge @!p1 [sflag:s17], $0x190  }
0x99: {  	[sflag:s17] =	ssyncset.done @!p1 $0x0  }
0x9a: {  	[sflag:s17] =	ssyncadd.s32 @!p1 $0xFFFFFE70  }
0x9b: {  	_ =	swait.ge @!p1 [sflag:s17], $0x190  }
0x9c: {  	s18 =	simm.s32 @!p1 $0x10040;
	[sflag:s17] =	ssyncset.done @!p1 $0x0  }
0x9d: {  	s19 =	simm.s32 @!p1 $0x190;
	[sflag:s17] =	ssyncadd.s32 @!p1 $0xFFFFFE70;
	s17 =	simm.s32 @!p1 $0x165D0  }
0x9e: {  	[tilespmem:s18], [sflag:$0x2] =	stream.indirect.gather @!p1 [hbm4b:s7+s19], $0x40, s17, s19, $0xb8;
	[tilespmem:$0x17E00] =	vst v63  }
0x9f: {  	s20 =	simm.s32 @!p1 $0x5;
	s17 =	simm.s32 @!p1 $0x16760;
	s18 =	simm.s32 @!p1 $0x9C40  }
0xa0: {  	[spmem:s1] =	stream.indirect.scatter.add.f32 @!p1 [tilespmem:s18], [sflag:$0x5], $0x40, s17, s19, $0xb8;
	[tilespmem:$0x17E00] =	vst v63  }
.Ltmp1:
0xa1: {  	_ = 	snop;
	(pc) =	sbr.rel @p2 .LBB2_4-.Ltmp1, $4  }
0xa2: {  	_ =	swait.ge @!p1 [sflag:s20], $0x6400  }
0xa3: {  	s16 =	sand.u32 $0x1, s16;
	s10 =	sadd.s32 $0x32, s10;
	[sflag:s20] =	ssyncset.done @!p1 $0x0  }
0xa4: {  	s18 =	simm.s32 @!p1 $0x0;
	s19 =	simm.s32 @!p1 $0x16440;
	[sflag:s20] =	ssyncadd.s32 @!p1 $0xFFFF9C00  }
0xa5: {  	[tilespmem:s19], [sflag:$0x3] =	stream.linear.gather @!p1 [hbm4b:s15+s18], $0x190, $0x38;
	[tilespmem:$0x17E00] =	vst v63  }
0xa6: {  	p2 =	seq.s32 s16, $0x1  }
0xa7: {  	[tilespmem:s17], [sflag:$0x3] =	stream.linear.gather @!p1 [hbm4b:s11+s18], $0x190, $0x38;
	[tilespmem:$0x17E00] =	vst v63  }
0xa8: {  	s12 =	simm.s32 @p2 $0x2  }
0xa9: {  	p1 =	por p2, p2;
	_ =	swait.ge @p2 [sflag:s12], $0x6400  }
0xaa: {  	[sflag:s12] =	ssyncset.done @p1 $0x0  }
0xab: {  	s11 =	simm.s32 @p1 $0x3;
	[sflag:s12] =	ssyncadd.s32 @p1 $0xFFFF9C00  }
0xac: {  	_ =	swait.ge @p1 [sflag:s11], $0x190  }
0xad: {  	[sflag:s11] =	ssyncset.done @p1 $0x0  }
0xae: {  	[sflag:s11] =	ssyncadd.s32 @p1 $0xFFFFFE70  }
0xaf: {  	_ =	swait.ge @p1 [sflag:s11], $0x190  }
0xb0: {  	s15 =	simm.s32 @p1 $0x16440;
	[sflag:s11] =	ssyncset.done @p1 $0x0  }
0xb1: {  	s12 =	simm.s32 @p1 $0x9C40;
	[sflag:s11] =	ssyncadd.s32 @p1 $0xFFFFFE70;
	s11 =	simm.s32 @p1 $0x190  }
0xb2: {  	[tilespmem:s12], [sflag:$0x1] =	stream.indirect.gather @p1 [hbm4b:s7+s11], $0x40, s15, s11, $0xb8;
	[tilespmem:$0x17E00] =	vst v63  }
0xb3: {  	s16 =	simm.s32 @p1 $0x5;
	s12 =	simm.s32 @p1 $0x168F0;
	s15 =	simm.s32 @p1 $0x10040  }
0xb4: {  	[spmem:s1] =	stream.indirect.scatter.add.f32 @p1 [tilespmem:s15], [sflag:$0x5], $0x40, s12, s11, $0xb8;
	[tilespmem:$0x17E00] =	vst v63  }
0xb5: {  	_ =	swait.ge @p1 [sflag:s16], $0x6400  }
0xb6: {  	[sflag:s16] =	ssyncset.done @p1 $0x0  }
0xb7: {  	s11 =	simm.s32 @p1 $0x0;
	s15 =	simm.s32 @p1 $0x165D0;
	[sflag:s16] =	ssyncadd.s32 @p1 $0xFFFF9C00  }
0xb8: {  	[tilespmem:s15], [sflag:$0x4] =	stream.linear.gather @p1 [hbm4b:s10+s11], $0x190, $0x38;
	[tilespmem:$0x17E00] =	vst v63  }
0xb9: {  	s16 =	simm.s32 @!p1 $0x1;
	s15 =	sadd.s32 $0x32, s21  }
0xba: {  	[tilespmem:s12], [sflag:$0x4] =	stream.linear.gather @p1 [hbm4b:s15+s11], $0x190, $0x38;
	[tilespmem:$0x17E00] =	vst v63  }
0xbb: {  	_ =	swait.ge @!p1 [sflag:s16], $0x6400  }
0xbc: {  	[sflag:s16] =	ssyncset.done @!p1 $0x0  }
0xbd: {  	s11 =	simm.s32 @!p1 $0x4;
	[sflag:s16] =	ssyncadd.s32 @!p1 $0xFFFF9C00  }
0xbe: {  	_ =	swait.ge @!p1 [sflag:s11], $0x190  }
0xbf: {  	[sflag:s11] =	ssyncset.done @!p1 $0x0  }
0xc0: {  	[sflag:s11] =	ssyncadd.s32 @!p1 $0xFFFFFE70  }
0xc1: {  	_ =	swait.ge @!p1 [sflag:s11], $0x190  }
0xc2: {  	s12 =	simm.s32 @!p1 $0x10040;
	[sflag:s11] =	ssyncset.done @!p1 $0x0  }
0xc3: {  	s16 =	simm.s32 @!p1 $0x165D0;
	[sflag:s11] =	ssyncadd.s32 @!p1 $0xFFFFFE70;
	s11 =	simm.s32 @!p1 $0x190  }
0xc4: {  	[tilespmem:s12], [sflag:$0x2] =	stream.indirect.gather @!p1 [hbm4b:s7+s11], $0x40, s16, s11, $0xb8;
	[tilespmem:$0x17E00] =	vst v63  }
0xc5: {  	s17 =	simm.s32 @!p1 $0x5;
	s12 =	simm.s32 @!p1 $0x16760;
	s16 =	simm.s32 @!p1 $0x9C40  }
0xc6: {  	[spmem:s1] =	stream.indirect.scatter.add.f32 @!p1 [tilespmem:s16], [sflag:$0x5], $0x40, s12, s11, $0xb8;
	[tilespmem:$0x17E00] =	vst v63  }
0xc7: {  	_ =	swait.ge @!p1 [sflag:s17], $0x6400  }
0xc8: {  	[sflag:s17] =	ssyncset.done @!p1 $0x0  }
0xc9: {  	s11 =	simm.s32 @!p1 $0x0;
	s16 =	simm.s32 @!p1 $0x16440;
	[sflag:s17] =	ssyncadd.s32 @!p1 $0xFFFF9C00  }
0xca: {  	[tilespmem:s16], [sflag:$0x3] =	stream.linear.gather @!p1 [hbm4b:s10+s11], $0x190, $0x38;
	[tilespmem:$0x17E00] =	vst v63  }
0xcb: {  	_ = 	snop  }
0xcc: {  	[tilespmem:s12], [sflag:$0x3] =	stream.linear.gather @!p1 [hbm4b:s15+s11], $0x190, $0x38;
	[tilespmem:$0x17E00] =	vst v63  }
0xcd: {  	_ =	swait.ge [sflag:s5], $0x6400  }
0xce: {  	[sflag:s5] =	ssyncset.done $0x0  }
0xcf: {  	[sflag:s5] =	ssyncadd.s32 $0xFFFF9C00  }
0xd0: {  	_ =	swait.ge [sflag:s6], $0x190  }
0xd1: {  	[sflag:s6] =	ssyncset.done $0x0  }
0xd2: {  	[sflag:s6] =	ssyncadd.s32 $0xFFFFFE70  }
0xd3: {  	_ =	swait.ge [sflag:s6], $0x190  }
0xd4: {  	[sflag:s6] =	ssyncset.done $0x0  }
0xd5: {  	[sflag:s6] =	ssyncadd.s32 $0xFFFFFE70  }
0xd6: {  	[tilespmem:s8], [sflag:$0x2] =	stream.indirect.gather [hbm4b:s7+s30], $0x40, s0, s30, $0xb8;
	[tilespmem:$0x17E00] =	vst v63  }
0xd7: {  	_ = 	snop  }
0xd8: {  	[spmem:s1] =	stream.indirect.scatter.add.f32 [tilespmem:s31], [sflag:$0x5], $0x40, s28, s30, $0xb8;
	[tilespmem:$0x17E00] =	vst v63  }
0xd9: {  	_ =	swait.ge [sflag:s24], $0x6400  }
0xda: {  	[sflag:s24] =	ssyncset.done $0x0  }
0xdb: {  	[sflag:s24] =	ssyncadd.s32 $0xFFFF9C00  }
0xdc: {  	_ =	swait.ge [sflag:s9], $0x6400  }
0xdd: {  	[sflag:s9] =	ssyncset.done $0x0  }
0xde: {  	[sflag:s9] =	ssyncadd.s32 $0xFFFF9C00  }
0xdf: {  	[spmem:s1] =	stream.indirect.scatter.add.f32 [tilespmem:s8], [sflag:$0x5], $0x40, s2, s30, $0xb8;
	[tilespmem:$0x17E00] =	vst v63  }
0xe0: {  	_ =	swait.ge [sflag:s24], $0x6400  }
0xe1: {  	[sflag:s24] =	ssyncset.done $0x0  }
0xe2: {  	s19 =	stileid.u32;
	[sflag:s24] =	ssyncadd.s32 $0xFFFF9C00  }
0xe3: {  	s10 =	sshll.u32 s19, $0x6;
	[bflag:$0x0] =	sbarrier.arrive $0xFFFF  }
0xe4: {  	s10 =	sor.u32 $0x1C05, s10;
	s20 =	rddreg [dreg:$0x9]  }
0xe5: {  	[hbm:s20], [sflag:s10] =	dma.local [spmem:s25], $0x1380  }
0xe6: {  	_ =	swait.ge [sflag:s24], $0x1380  }
0xe7: {  	[sflag:s24] =	ssyncset.done $0x0  }
0xe8: {  	s11 =	sshrl.u32 @!p0 s4, $0x3;
	s12 =	rddreg [dreg:$0xa];
	[sflag:s24] =	ssyncadd.s32 $0xFFFFEC80  }
0xe9: {  	[hbm:s12], [sflag:s10] =	dma.local @!p0 [spmem:s11], $0x80  }
0xea: {  	s10 =	simm.s32 @!p0 $0x5  }
0xeb: {  	_ =	swait.ge @!p0 [sflag:s10], $0x80  }
0xec: {  	s3 =	sadd.s32 $0x1, s3;
	s21 =	rddreg [dreg:$0xb]  }
0xed: {  	p1 =	sne.s32 s3, s21  }
.Ltmp2:
0xee: {  	_ = 	snop;
	(pc) =	sbr.rel @p1 .LBB2_1-.Ltmp2, $3  }
0xef: {  	_ =	sdelay $0x1  }
0xf0: {  	[sflag:s10] =	ssyncset.done @!p0 $0x0  }
0xf1: {  	[sflag:s10] =	ssyncadd.s32 @!p0 $0xFFFFFF80  }
0xf2: {  	_ =	sfence.sel $0x180000  }
0xf3: {  	[bflag:$0x0] =	sbarrier.arrive $0xFFFF  }
0xf4: {  	_ =	strace $0x9000004A  }
0xf5: {  	s0 =	stileid.u32;
	[bflag:$0x2] =	sbarrier.arrive $0xFFFF  }
0xf6: {  	p0 =	sne.s32 s0, $0x0;
	s0 =	rddreg [dreg:$0x4]  }
0xf7: {  	s0 =	sadd.s32 @!p0 $0x100000, s0  }
0xf8: {  	[sflag:s0] =	ssyncadd.tile.s32 @!p0 $0x1;
	_ =	shalt  }
.Lfunc_end2:
_tile_overlayer_lowered:
.L_overlay_start_2:
0xf9: {  	(tag) =	ssettag $0x2  }
0xfa: {  	s0 =	rddreg [dreg:$0x0];
	s2 =	stileid.u32  }
0xfb: {  	s1 =	rddreg [dreg:$0x1];
	p0 =	sne.s32 s2, $0x0  }
0xfc: {  	s3 =	rddreg [dreg:$0x2];
	[bflag:$0x3] =	sbarrier.arrive $0xFFFF;
	s2 =	simm.s32 @!p0 $0x1C05  }
0xfd: {  	[timem:s3], [sflag:s2] =	dma.local @!p0 [hbm:s0], s1  }
0xfe: {  	s0 =	simm.s32 @!p0 $0x5  }
0xff: {  	_ =	swait.ge @!p0 [sflag:s0], s1  }
0x100: {  	s1 =	ssub.s32 @!p0 $0x0, s1;
	[sflag:s0] =	ssyncset.done @!p0 $0x0  }
0x101: {  	[sflag:s0] =	ssyncadd.s32 @!p0 s1  }
0x102: {  	[bflag:$0x3] =	sbarrier.arrive $0xFFFF  }
0x103: {  	_ =	shalt  }

// kernel: kernel.16.cloned.1.call-start
scs
__scs_entry_jumppad:
0x0: {  	(pc) =	sbr.rel $0x88, $3  }
0x1: {  	(tag) =	ssettag $0x0;
	lr =	simm.s32 $0x1  }
0x2: {  	[smem:$0x3F95] =	sst lr;
	_ =	strace $0xD0000000  }
0x3: {  	_ = 	snop  }
0x4: {  	_ = 	snop  }
0x5: {  	_ = 	snop  }
0x6: {  	_ = 	snop  }
0x7: {  	_ = 	snop  }
__scs_overlays_trampoline_lowered:
0x8: {  	[smem:$0x3FA4] =	sst s0  }
0x9: {  	[smem:$0x3FA5] =	sst s1  }
0xa: {  	[smem:$0x3FA6] =	sst s2  }
0xb: {  	[smem:$0x3FA7] =	sst s3  }
0xc: {  	[smem:$0x3FA8] =	sst s4  }
0xd: {  	[smem:$0x3FA9] =	sst s5  }
0xe: {  	[smem:$0x3FAA] =	sst s6  }
0xf: {  	[smem:$0x3FAB] =	sst s7  }
0x10: {  	[smem:$0x3FAC] =	sst s8  }
0x11: {  	[smem:$0x3FAD] =	sst s9;
	s0 =	simm.s32 @!p0 $0x0  }
0x12: {  	s1 =	sld [smem:$0x3F93];
	s0 =	simm.s32 @p0 $0x1  }
0x13: {  	[smem:$0x3FAE] =	sst s0;
	s0 =	simm.s32 @!p1 $0x0  }
0x14: {  	s2 =	sld [smem:$0x3F92];
	s0 =	simm.s32 @p1 $0x1  }
0x15: {  	[smem:$0x3FAF] =	sst s0;
	s0 =	simm.s32 @!p2 $0x0  }
0x16: {  	s3 =	sld [smem:$0x3FDB];
	s0 =	simm.s32 @p2 $0x1  }
0x17: {  	s4 =	simm.s32 $0x1BF5;
	[smem:$0x3FB1] =	sst s0  }
0x18: {  	s0 =	sld [smem:$0x3F94];
	_ =	swait.ge [sflag:s4], $0x0  }
0x19: {  	s7 =	sld [smem:$0x3F95]  }
0x1a: {  	s8 =	sadd.s32 $0xFFFFE003, lr  }
0x1b: {  	s9 =	sadd.s32 $0xFFFFFEF7, lr;
	s5 =	simm.s32 $0xFFFFFFFF;
	p2 =	slt.u32 s8, $0xFFFFF086  }
0x1c: {  	p1 =	slt.u32 s9, $0xF7A;
	s5 =	simm.s32 @!p2 $0x0  }
0x1d: {  	s5 =	simm.s32 @p1 $0x1;
	p0 =	seq.s32 s7, s2  }
0x1e: {  	s7 =	smul.u32 @!p0 $0xF7A, s2;
	p2 =	seq.s32 @!p0 s5, $0x0  }
0x1f: {  	s9 =	smul.u32 $0xF7A, s1;
	s8 =	simm.s32 @!p0 $0x1BF5;
	p2 =	por !p2, p0  }
0x20: {  	[sflag:s8] =	ssyncset.s32 @!p0 $0xFFFFF086;
	s6 =	sadd.s32 @!p0 s3, s7;
	s7 =	simm.s32 @!p0 $0x108  }
0x21: {  	s3 =	sadd.s32 s3, s9;
	s6 =	sadd.s32 @!p0 $0x88, s6;
	s7 =	simm.s32 @p2 $0x1082  }
0x22: {  	[simem:s7], [sflag:s8] =	dma.local @!p0 [hbm:s6], $0xF7A  }
0x23: {  	s9 =	sor.u32 $0xD0000000, s2;
	s6 =	simm.s32 $0x108;
	_ =	swait.ge @!p0 [sflag:s8], $0x0  }
0x24: {  	s3 =	sadd.s32 $0x88, s3;
	s6 =	simm.s32 @!p1 $0x1082;
	[sflag:s4] =	ssyncset.s32 $0xFFFFF086  }
0x25: {  	[simem:s6], [sflag:s4] =	dma.local [hbm:s3], $0xF7A  }
0x26: {  	[smem:$0x3F95] =	sst s1;
	(tag) =	ssettag s2;
	_ =	strace s9  }
0x27: {  	s1 =	sld [smem:$0x3FA5]  }
0x28: {  	s2 =	sld [smem:$0x3FA6]  }
0x29: {  	s4 =	sld [smem:$0x3FA8]  }
0x2a: {  	p0 =	seq.s32 s5, $0x0;
	s5 =	sld [smem:$0x3FA9]  }
0x2b: {  	s6 =	sld [smem:$0x3FAA]  }
0x2c: {  	s7 =	sld [smem:$0x3FAB]  }
0x2d: {  	s3 =	simm.s32 $0x108;
	s8 =	sld [smem:$0x3FAC]  }
0x2e: {  	s3 =	simm.s32 @!p0 $0x1082;
	s9 =	sld [smem:$0x3FAD]  }
0x2f: {  	lr =	sadd.s32 s0, s3;
	s0 =	sld [smem:$0x3FA4]  }
0x30: {  	s3 =	sld [smem:$0x3FA7]  }
0x31: {  	[smem:$0x3FB0] =	sst s10  }
0x32: {  	s10 =	sld [smem:$0x3FAE];
	_ =	sdelay $0x3  }
0x33: {  	p0 =	seq.s32 s10, $0x1;
	s10 =	sld [smem:$0x3FB0];
	_ =	sdelay $0x3  }
0x34: {  	[smem:$0x3FB0] =	sst s10  }
0x35: {  	s10 =	sld [smem:$0x3FAF];
	_ =	sdelay $0x3  }
0x36: {  	p1 =	seq.s32 s10, $0x1;
	s10 =	sld [smem:$0x3FB0];
	_ =	sdelay $0x3  }
0x37: {  	[smem:$0x3FB0] =	sst s10  }
0x38: {  	s10 =	sld [smem:$0x3FB1]  }
0x39: {  	_ = 	snop;
	(pc) =	sbr.ind lr, $3  }
0x3a: {  	_ = 	snop  }
0x3b: {  	_ = 	snop  }
0x3c: {  	p2 =	seq.s32 s10, $0x1;
	s10 =	sld [smem:$0x3FB0]  }
0x3d: {  	_ =	shalt  }
0x3e: {  	_ =	shalt  }
0x3f: {  	_ =	shalt  }
0x40: {  	_ =	shalt  }
0x41: {  	_ =	shalt  }
0x42: {  	_ =	shalt  }
0x43: {  	_ =	shalt  }
0x44: {  	_ =	shalt  }
0x45: {  	_ =	shalt  }
0x46: {  	_ =	shalt  }
0x47: {  	_ =	shalt  }
0x48: {  	_ =	shalt  }
0x49: {  	_ =	shalt  }
0x4a: {  	_ =	shalt  }
0x4b: {  	_ =	shalt  }
0x4c: {  	_ =	shalt  }
0x4d: {  	_ =	shalt  }
0x4e: {  	_ =	shalt  }
0x4f: {  	_ =	shalt  }
0x50: {  	_ =	shalt  }
0x51: {  	_ =	shalt  }
0x52: {  	_ =	shalt  }
0x53: {  	_ =	shalt  }
0x54: {  	_ =	shalt  }
0x55: {  	_ =	shalt  }
0x56: {  	_ =	shalt  }
0x57: {  	_ =	shalt  }
0x58: {  	_ =	shalt  }
0x59: {  	_ =	shalt  }
0x5a: {  	_ =	shalt  }
0x5b: {  	_ =	shalt  }
0x5c: {  	_ =	shalt  }
0x5d: {  	_ =	shalt  }
0x5e: {  	_ =	shalt  }
0x5f: {  	_ =	shalt  }
0x60: {  	_ =	shalt  }
0x61: {  	_ =	shalt  }
0x62: {  	_ =	shalt  }
0x63: {  	_ =	shalt  }
0x64: {  	_ =	shalt  }
0x65: {  	_ =	shalt  }
0x66: {  	_ =	shalt  }
0x67: {  	_ =	shalt  }
0x68: {  	_ =	shalt  }
0x69: {  	_ =	shalt  }
0x6a: {  	_ =	shalt  }
0x6b: {  	_ =	shalt  }
0x6c: {  	_ =	shalt  }
0x6d: {  	_ =	shalt  }
0x6e: {  	_ =	shalt  }
0x6f: {  	_ =	shalt  }
0x70: {  	_ =	shalt  }
0x71: {  	_ =	shalt  }
0x72: {  	_ =	shalt  }
0x73: {  	_ =	shalt  }
0x74: {  	_ =	shalt  }
0x75: {  	_ =	shalt  }
0x76: {  	_ =	shalt  }
0x77: {  	_ =	shalt  }
0x78: {  	_ =	shalt  }
0x79: {  	_ =	shalt  }
0x7a: {  	_ =	shalt  }
0x7b: {  	_ =	shalt  }
0x7c: {  	_ =	shalt  }
0x7d: {  	_ =	shalt  }
0x7e: {  	_ =	shalt  }
0x7f: {  	_ =	shalt  }
0x80: {  	_ =	shalt  }
0x81: {  	_ =	shalt  }
0x82: {  	_ =	shalt  }
0x83: {  	_ =	shalt  }
0x84: {  	_ =	shalt  }
0x85: {  	_ =	shalt  }
0x86: {  	_ =	shalt  }
0x87: {  	_ =	shalt  }
.Lfunc_end0:
.L_simem_size_0:
called_computation.2_lowered:
.L_overlay_start_0:
0x88: {  	s2 =	sld [smem:$0x3FD9]  }
0x89: {  	s3 =	sld [smem:$0x3FFE];
	_ =	sdelay $0x1  }
0x8a: {  	s1 =	srdreg.scid  }
0x8b: {  	s0 =	sand.u32 $0x1, s1  }
0x8c: {  	s14 =	sshll.u32 s0, $0xA;
	s2 =	sadd.s32 s3, s2  }
0x8d: {  	s2 =	sadd.s32 s2, s14  }
0x8e: {  	[smem:$0x3FBC] =	sst s2  }
0x8f: {  	_ = 	snop  }
0x90: {  	s2 =	sld [smem:$0x3FD0];
	_ =	sdelay $0x2  }
0x91: {  	s15 =	simm.s32 $0xA;
	s4 =	simm.s32 $0x10  }
0x92: {  	[smem:s4], [sflag:s15] =	dma.local [hbm:s2], $0x1  }
0x93: {  	_ =	swait.eq [sflag:s15], $0x1  }
0x94: {  	[sflag:s15] =	ssyncset.done $0x0  }
0x95: {  	s16 =	sld [smem:$0x10];
	[sflag:s15] =	ssyncadd.s32 $0xFFFFFFFF  }
0x96: {  	s17 =	sld [smem:$0x11];
	(tm) =	ssettm $0x1  }
0x97: {  	s18 =	sld [smem:$0x3FFB];
	_ =	sdelay $0x3  }
0x98: {  	_ =	strace s18  }
0x99: {  	s4 =	sld [smem:$0x3FFC];
	_ =	sdelay $0x3  }
0x9a: {  	_ =	strace s4  }
0x9b: {  	s4 =	sld [smem:$0x3FFD];
	_ =	sdelay $0x3  }
0x9c: {  	_ =	strace s4  }
0x9d: {  	_ =	strace $0x8FFFFFFF  }
0x9e: {  	s19 =	sld [smem:$0x3FDB];
	_ =	sdelay $0x1  }
0x9f: {  	s5 =	simm.s32 $_scs_section_size  }
0xa0: {  	s6 =	simm.s32 $_size__tile_overlayer_lowered;
	s7 =	simm.s32 $_tile_overlayer_lowered  }
0xa1: {  	s22 =	simm.s32 $0x1BFF;
	s21 =	sshll.u32 s7, $0x1;
	s4 =	sadd.s32 s5, s19  }
0xa2: {  	s8 =	simm.s32 $0x0;
	s20 =	sshll.u32 s6, $0x1;
	s6 =	sadd.s32 s21, s4  }
0xa3: {  	[timem:s8], [sflag:s22] =	dma.local [hbm:s6], s20  }
0xa4: {  	_ =	swait.ge [sflag:s22], s20  }
0xa5: {  	s5 =	ssub.s32 $0x0, s20;
	[sflag:s22] =	ssyncset.done $0x0  }
0xa6: {  	[sflag:s22] =	ssyncadd.s32 s5;
	_ =	sdelay $0x1  }
0xa7: {  	s23 =	simm.s32 $0x1B8B  }
0xa8: {  	_ =	swait.ge [sflag:s23], $0x1  }
0xa9: {  	[sflag:s23] =	ssyncset.done $0x0  }
0xaa: {  	s25 =	simm.s32 $0x1B8E;
	s24 =	sld [smem:$0x3FFE];
	[sflag:s23] =	ssyncadd.s32 $0xFFFFFFFF  }
0xab: {  	s26 =	simm.s32 $execute0_lowered;
	[smem:$0x3FD2] =	sst s25  }
0xac: {  	s6 =	sshll.u32 s26, $0x1;
	_ =	strace $0x8000004C;
	[dreg:$0x1] =	wrdreg $0xFFFFFFFF  }
0xad: {  	s28 =	simm.s32 $_size_execute0_lowered;
	s4 =	sadd.s32 s4, s6;
	[dreg:$0x0] =	wrdreg $0x0  }
0xae: {  	s6 =	sshll.u32 s28, $0x1;
	[dreg:$0x2] =	wrdreg s4  }
0xaf: {  	[dreg:$0x3] =	wrdreg s6  }
0xb0: {  	[dreg:$0x4] =	wrdreg $0xC0  }
0xb1: {  	_ =	task [dreg:s8], $0x5FFFF  }
0xb2: {  	[dreg:$0x1] =	wrdreg $0xFFFFFFFF  }
0xb3: {  	[dreg:$0x0] =	wrdreg $0x60  }
0xb4: {  	[dreg:$0x2] =	wrdreg s17  }
0xb5: {  	[dreg:$0x3] =	wrdreg s16  }
0xb6: {  	[dreg:$0x4] =	wrdreg s24  }
0xb7: {  	[dreg:$0x5] =	wrdreg $0x0  }
0xb8: {  	[dreg:$0x6] =	wrdreg $0x9  }
0xb9: {  	_ =	task.clear_ibuf [dreg:s8], $0x7FFFF;
	_ =	strace $0x9000004C  }
0xba: {  	s29 =	simm.s32 $0x9;
	_ =	strace $0x8000004E  }
0xbb: {  	_ =	swait.ge [sflag:s29], $0x1  }
0xbc: {  	[sflag:s29] =	ssyncadd.s32 $0xFFFFFFFF  }
0xbd: {  	_ =	strace $0x9000004E  }
0xbe: {  	_ =	sfence  }
0xbf: {  	s30 =	sld [smem:$0x0];
	_ =	sdelay $0x2  }
0xc0: {  	s31 =	sshll.u32 s1, $0xD;
	s1 =	sshrl.u32 s1, $0x2  }
0xc1: {  	s3 =	sand.u32 $0x4000, s31;
	s1 =	sadd.s32 s1, s30  }
0xc2: {  	s0 =	sor.u32 s3, s0;
	s1 =	sshll.u32 s1, $0x11  }
0xc3: {  	s0 =	sor.u32 s1, s0  }
0xc4: {  	s0 =	sadd.s32 $0x8F2B, s0  }
0xc5: {  	[sflag:s0] =	ssyncadd.remote.s32 $0x1  }
0xc6: {  	_ =	sfence.sel $0xFFFF  }
0xc7: {  	[dreg:$0x0] =	wrdreg $0xFFFFFFFF;
	(pc) =	sbr.abs _section_cstart, $3  }
0xc8: {  	[dreg:$0x1] =	wrdreg $0xFFFFFFFF  }
0xc9: {  	_ =	task.clear_ibuf [dreg:s8], $0x2FFFF;
	_ =	strace $0x9FFFFFFF  }
0xca: {  	(tm) =	ssettm $0x7FFFFFFF  }
0xcb: {  	_ =	shalt  }
tec
execute0_lowered:
.L_overlay_start_1:
0x0: {  	(tag) =	ssettag $0x1  }
0x1: {  	s0 =	rddreg [dreg:$0x0]  }
0x2: {  	s2 =	rddreg [dreg:$0x1]  }
0x3: {  	s4 =	rddreg [dreg:$0x2]  }
0x4: {  	s1 =	rddreg [dreg:$0x3];
	s3 =	simm.s32 $0x0;
	s5 =	srdreg.scid  }
0x5: {  	s14 =	stileid.u32;
	s28 =	simm.s32 $0x16A80;
	s29 =	simm.s32 $0x5  }
0x6: {  	[smem:$0x7FF] =	sst s3;
	s5 =	sand.u32 $0x1, s5;
	s8 =	smul.u32 $0x4E20, s14  }
0x7: {  	s6 =	sadd.s32 $0x3400, s4;
	s9 =	sadd.s32 $0x5B600, s4;
	s22 =	smul.u32 $0x9C00, s14  }
0x8: {  	s23 =	sadd.s32 $0x9C000, s1;
	s30 =	smul.u32 $0x27000, s14;
	p0 =	sne.s32 s14, $0xF  }
0x9: {  	_ =	strace $0x8000004D;
	s7 =	ssub.s32 $0x2, s5;
	s5 =	smul.u32 $0x9C400, s5  }
0xa: {  	[dreg:$0xd] =	wrdreg s23;
	s20 =	sshrl.u32 s7, $0x1;
	s21 =	sshrl.u32 s8, $0x3  }
0xb: {  	s25 =	sadd.s32 s22, s1;
	s17 =	sshrl.u32 s30, $0x2;
	s10 =	ssub.s32 s7, s20  }
0xc: {  	s26 =	sadd.s32 s2, s21;
	s31 =	sadd.s32 s6, s21;
	s11 =	sshrl.u32 s5, $0x3  }
0xd: {  	s12 =	sadd.s32 $0x32, s21;
	s13 =	sadd.s32 s22, s5;
	[dreg:$0x8] =	wrdreg s25  }
0xe: {  	s5 =	sadd.s32 $0x138800, s5;
	s20 =	smul.u32 $0x9C4, s14;
	s14 =	simm.s32 $0x16760  }
0xf: {  	s7 =	sadd.s32 s0, s11;
	s15 =	sadd.s32 s2, s12;
	s13 =	sshrl.u32 s13, $0x3  }
0x10: {  	s12 =	sadd.s32 s6, s12;
	s11 =	sadd.s32 s9, s11;
	[dreg:$0x5] =	wrdreg s15  }
0x11: {  	s19 =	smax.u32 s10, $0x1;
	[dreg:$0x6] =	wrdreg s12;
	s24 =	sadd.s32 s9, s13  }
0x12: {  	s4 =	sadd.s32 $0x13800, s11;
	s15 =	sshrl.u32 s5, $0x3;
	[dreg:$0xc] =	wrdreg s19  }
0x13: {  	s5 =	sadd.s32 s22, s5;
	s18 =	sadd.s32 $0x3A900, s11;
	[dreg:$0x7] =	wrdreg s24  }
0x14: {  	[dreg:$0x9] =	wrdreg s4;
	s13 =	sadd.s32 s0, s15;
	s16 =	sshrl.u32 s5, $0x3  }
0x15: {  	[dreg:$0xb] =	wrdreg s18;
	s24 =	sadd.s32 s20, s6;
	s18 =	simm.s32 $0x190  }
0x16: {  	s5 =	simm.s32 $0x9C40;
	s15 =	simm.s32 $0x4;
	s0 =	sadd.s32 s9, s16  }
0x17: {  	s16 =	sadd.s32 s17, s1;
	s17 =	simm.s32 $0x168F0;
	[dreg:$0xa] =	wrdreg s0  }
0x18: {  	s11 =	sadd.s32 $0x1380, s16;
	s21 =	sadd.s32 $0x3A80, s16;
	[dreg:$0x13] =	wrdreg s16  }
0x19: {  	s12 =	sadd.s32 $0x2700, s16;
	s22 =	sadd.s32 $0x4E00, s16;
	[dreg:$0xe] =	wrdreg s21  }
0x1a: {  	s23 =	sadd.s32 $0x6180, s16;
	s0 =	sadd.s32 s20, s2;
	[dreg:$0xf] =	wrdreg s22  }
0x1b: {  	s25 =	sadd.s32 $0x7500, s16;
	s30 =	sadd.s32 $0x8880, s16;
	[dreg:$0x10] =	wrdreg s23  }
0x1c: {  	s2 =	simm.s32 $0x165D0;
	[dreg:$0x11] =	wrdreg s25;
	s21 =	sadd.s32 $0x64, s24  }
0x1d: {  	v0 =	vimm.f32 $0.0e+00;
	s25 =	sadd.s32 $0x64, s0;
	[dreg:$0x12] =	wrdreg s30;
	s0 =	simm.s32 $0x3  }
.LBB2_1:
0x1e: {  	s8 =	simm.s32 $0x100;
	s6 =	simm.s32 $0x0  }
.LBB2_2:
0x1f: {  	p1 =	sne.s32 s8, $0x4D00;
	[tilespmem:s6+$0x16AB0] =	vst v0;
	s9 =	smov.u32 s8;
	s8 =	sadd.s32 $0x100, s8  }
.Ltmp0:
0x20: {  	[tilespmem:s6+$0x16AA0] =	vst v0;
	(pc) =	sbr.rel @p1 .LBB2_2-.Ltmp0, $3  }
0x21: {  	[tilespmem:s6+$0x16A80] =	vst v0  }
0x22: {  	[tilespmem:s6+$0x16A90] =	vst v0;
	_ =	sdelay $0x1  }
0x23: {  	s6 =	sshra.s32 s9, $0x2  }
0x24: {  	[tilespmem:s6+$0x16AB0] =	vst v0  }
0x25: {  	[tilespmem:s6+$0x16AA0] =	vst v0  }
0x26: {  	[tilespmem:s6+$0x16A80] =	vst v0  }
0x27: {  	[tilespmem:s6+$0x16A90] =	vst v0  }
0x28: {  	[spmem:s16] =	stream.linear.scatter [tilespmem:s28], [sflag:$0x5], $0x1380, $0x38;
	[tilespmem:$0x17E00] =	vst v63  }
0x29: {  	_ =	swait.ge [sflag:s29], $0x1380  }
0x2a: {  	[sflag:s29] =	ssyncset.done $0x0  }
0x2b: {  	[sflag:s29] =	ssyncadd.s32 $0xFFFFEC80  }
0x2c: {  	[spmem:s11] =	stream.linear.scatter [tilespmem:s28], [sflag:$0x5], $0x1380, $0x38;
	[tilespmem:$0x17E00] =	vst v63  }
0x2d: {  	_ =	swait.ge [sflag:s29], $0x1380  }
0x2e: {  	[sflag:s29] =	ssyncset.done $0x0  }
0x2f: {  	[sflag:s29] =	ssyncadd.s32 $0xFFFFEC80  }
0x30: {  	[spmem:s12] =	stream.linear.scatter [tilespmem:s28], [sflag:$0x5], $0x1380, $0x38;
	[tilespmem:$0x17E00] =	vst v63  }
0x31: {  	_ =	swait.ge [sflag:s29], $0x1380  }
0x32: {  	[sflag:s29] =	ssyncset.done $0x0  }
0x33: {  	s4 =	rddreg [dreg:$0xe];
	[sflag:s29] =	ssyncadd.s32 $0xFFFFEC80  }
0x34: {  	[spmem:s4] =	stream.linear.scatter [tilespmem:s28], [sflag:$0x5], $0x1380, $0x38;
	[tilespmem:$0x17E00] =	vst v63  }
0x35: {  	_ =	swait.ge [sflag:s29], $0x1380  }
0x36: {  	[sflag:s29] =	ssyncset.done $0x0  }
0x37: {  	s9 =	rddreg [dreg:$0xf];
	[sflag:s29] =	ssyncadd.s32 $0xFFFFEC80  }
0x38: {  	[spmem:s9] =	stream.linear.scatter [tilespmem:s28], [sflag:$0x5], $0x1380, $0x38;
	[tilespmem:$0x17E00] =	vst v63  }
0x39: {  	_ =	swait.ge [sflag:s29], $0x1380  }
0x3a: {  	[sflag:s29] =	ssyncset.done $0x0  }
0x3b: {  	s10 =	rddreg [dreg:$0x10];
	[sflag:s29] =	ssyncadd.s32 $0xFFFFEC80  }
0x3c: {  	[spmem:s10] =	stream.linear.scatter [tilespmem:s28], [sflag:$0x5], $0x1380, $0x38;
	[tilespmem:$0x17E00] =	vst v63  }
0x3d: {  	_ =	swait.ge [sflag:s29], $0x1380  }
0x3e: {  	[sflag:s29] =	ssyncset.done $0x0  }
0x3f: {  	s19 =	rddreg [dreg:$0x11];
	[sflag:s29] =	ssyncadd.s32 $0xFFFFEC80  }
0x40: {  	[spmem:s19] =	stream.linear.scatter [tilespmem:s28], [sflag:$0x5], $0x1380, $0x38;
	[tilespmem:$0x17E00] =	vst v63  }
0x41: {  	_ =	swait.ge [sflag:s29], $0x1380  }
0x42: {  	[sflag:s29] =	ssyncset.done $0x0  }
0x43: {  	s20 =	rddreg [dreg:$0x12];
	[sflag:s29] =	ssyncadd.s32 $0xFFFFEC80  }
0x44: {  	[spmem:s20] =	stream.linear.scatter [tilespmem:s28], [sflag:$0x5], $0x1380, $0x38;
	[tilespmem:$0x17E00] =	vst v63  }
0x45: {  	_ =	swait.ge [sflag:s29], $0x1380  }
0x46: {  	[sflag:s29] =	ssyncset.done $0x0  }
0x47: {  	s6 =	simm.s32 @!p0 $0x16A80;
	s4 =	rddreg [dreg:$0xd];
	[sflag:s29] =	ssyncadd.s32 $0xFFFFEC80  }
0x48: {  	[spmem:s4] =	stream.linear.scatter @!p0 [tilespmem:s6], [sflag:$0x5], $0x400, $0x38;
	[tilespmem:$0x17E00] =	vst v63  }
0x49: {  	s6 =	simm.s32 @!p0 $0x5  }
0x4a: {  	_ =	swait.ge @!p0 [sflag:s6], $0x400  }
0x4b: {  	[sflag:s6] =	ssyncset.done @!p0 $0x0  }
0x4c: {  	[sflag:s6] =	ssyncadd.s32 @!p0 $0xFFFFFC00  }
0x4d: {  	s22 =	simm.s32 $0x0;
	s23 =	simm.s32 $0x16440;
	[bflag:$0x0] =	sbarrier.arrive $0xFFFF  }
0x4e: {  	[tilespmem:s23], [sflag:$0x3] =	stream.linear.gather [hbm4b:s26+s22], $0x190, $0x38;
	[tilespmem:$0x17E00] =	vst v63  }
0x4f: {  	_ = 	snop  }
0x50: {  	[tilespmem:s14], [sflag:$0x3] =	stream.linear.gather [hbm4b:s31+s22], $0x190, $0x38;
	[tilespmem:$0x17E00] =	vst v63  }
0x51: {  	_ =	swait.ge [sflag:s0], $0x190  }
0x52: {  	[sflag:s0] =	ssyncset.done $0x0  }
0x53: {  	[sflag:s0] =	ssyncadd.s32 $0xFFFFFE70  }
0x54: {  	_ =	swait.ge [sflag:s0], $0x190  }
0x55: {  	[sflag:s0] =	ssyncset.done $0x0  }
0x56: {  	s6 =	sand.u32 $0x1, s22;
	[sflag:s0] =	ssyncadd.s32 $0xFFFFFE70  }
0x57: {  	[tilespmem:s5], [sflag:$0x1] =	stream.indirect.gather [hbm4b:s7+s18], $0x40, s23, s18, $0xb8;
	[tilespmem:$0x17E00] =	vst v63  }
0x58: {  	p1 =	seq.s32 s6, $0x1;
	s8 =	rddreg [dreg:$0x5]  }
0x59: {  	[tilespmem:s2], [sflag:$0x4] =	stream.linear.gather [hbm4b:s8+s22], $0x190, $0x38;
	[tilespmem:$0x17E00] =	vst v63  }
0x5a: {  	s6 =	simm.s32 @p1 $0x2;
	s24 =	rddreg [dreg:$0x6]  }
0x5b: {  	[tilespmem:s17], [sflag:$0x4] =	stream.linear.gather [hbm4b:s24+s22], $0x190, $0x38;
	[tilespmem:$0x17E00] =	vst v63  }
0x5c: {  	_ =	swait.ge @p1 [sflag:s6], $0x6400;
	p1 =	por p1, p1  }
0x5d: {  	[sflag:s6] =	ssyncset.done @p1 $0x0  }
0x5e: {  	[sflag:s6] =	ssyncadd.s32 @p1 $0xFFFF9C00;
	s6 =	simm.s32 @p1 $0x3  }
0x5f: {  	_ =	swait.ge @p1 [sflag:s6], $0x190  }
0x60: {  	[sflag:s6] =	ssyncset.done @p1 $0x0  }
0x61: {  	[sflag:s6] =	ssyncadd.s32 @p1 $0xFFFFFE70  }
0x62: {  	_ =	swait.ge @p1 [sflag:s6], $0x190  }
0x63: {  	s8 =	simm.s32 @p1 $0x9C40;
	[sflag:s6] =	ssyncset.done @p1 $0x0  }
0x64: {  	s9 =	simm.s32 @p1 $0x16440;
	[sflag:s6] =	ssyncadd.s32 @p1 $0xFFFFFE70;
	s6 =	simm.s32 @p1 $0x190  }
0x65: {  	[tilespmem:s8], [sflag:$0x1] =	stream.indirect.gather @p1 [hbm4b:s7+s6], $0x40, s9, s6, $0xb8;
	[tilespmem:$0x17E00] =	vst v63  }
0x66: {  	s18 =	simm.s32 @p1 $0x5;
	s8 =	simm.s32 @p1 $0x168F0;
	s9 =	simm.s32 @p1 $0x10040  }
0x67: {  	[spmem:s1] =	stream.indirect.scatter.add.f32 @p1 [tilespmem:s9], [sflag:$0x5], $0x40, s8, s6, $0xb8;
	[tilespmem:$0x17E00] =	vst v63  }
0x68: {  	_ =	swait.ge @p1 [sflag:s18], $0x6400  }
0x69: {  	[sflag:s18] =	ssyncset.done @p1 $0x0  }
0x6a: {  	s6 =	simm.s32 @p1 $0x0;
	s9 =	simm.s32 @p1 $0x165D0;
	[sflag:s18] =	ssyncadd.s32 @p1 $0xFFFF9C00  }
0x6b: {  	[tilespmem:s9], [sflag:$0x4] =	stream.linear.gather @p1 [hbm4b:s25+s6], $0x190, $0x38;
	[tilespmem:$0x17E00] =	vst v63  }
0x6c: {  	s9 =	simm.s32 @!p1 $0x1  }
0x6d: {  	[tilespmem:s8], [sflag:$0x4] =	stream.linear.gather @p1 [hbm4b:s21+s6], $0x190, $0x38;
	[tilespmem:$0x17E00] =	vst v63  }
0x6e: {  	_ =	swait.ge @!p1 [sflag:s9], $0x6400  }
0x6f: {  	[sflag:s9] =	ssyncset.done @!p1 $0x0  }
0x70: {  	s6 =	simm.s32 @!p1 $0x4;
	[sflag:s9] =	ssyncadd.s32 @!p1 $0xFFFF9C00  }
0x71: {  	_ =	swait.ge @!p1 [sflag:s6], $0x190  }
0x72: {  	[sflag:s6] =	ssyncset.done @!p1 $0x0  }
0x73: {  	[sflag:s6] =	ssyncadd.s32 @!p1 $0xFFFFFE70  }
0x74: {  	_ =	swait.ge @!p1 [sflag:s6], $0x190  }
0x75: {  	s8 =	simm.s32 @!p1 $0x10040;
	[sflag:s6] =	ssyncset.done @!p1 $0x0  }
0x76: {  	s9 =	simm.s32 @!p1 $0x165D0;
	[sflag:s6] =	ssyncadd.s32 @!p1 $0xFFFFFE70;
	s6 =	simm.s32 @!p1 $0x190  }
0x77: {  	[tilespmem:s8], [sflag:$0x2] =	stream.indirect.gather @!p1 [hbm4b:s7+s6], $0x40, s9, s6, $0xb8;
	[tilespmem:$0x17E00] =	vst v63  }
0x78: {  	s22 =	simm.s32 @!p1 $0x16760;
	s8 =	simm.s32 @!p1 $0x9C40;
	s9 =	simm.s32 @!p1 $0x5  }
0x79: {  	[spmem:s1] =	stream.indirect.scatter.add.f32 @!p1 [tilespmem:s8], [sflag:$0x5], $0x40, s22, s6, $0xb8;
	[tilespmem:$0x17E00] =	vst v63  }
0x7a: {  	s30 =	simm.s32 $0x1;
	_ =	swait.ge @!p1 [sflag:s9], $0x6400  }
0x7b: {  	s20 =	sand.u32 $0x1, s30;
	s23 =	simm.s32 @!p1 $0x0;
	[sflag:s9] =	ssyncset.done @!p1 $0x0  }
0x7c: {  	s18 =	smov.u32 s21;
	s6 =	simm.s32 @!p1 $0x16440;
	[sflag:s9] =	ssyncadd.s32 @!p1 $0xFFFF9C00  }
0x7d: {  	[tilespmem:s6], [sflag:$0x3] =	stream.linear.gather @!p1 [hbm4b:s25+s23], $0x190, $0x38;
	[tilespmem:$0x17E00] =	vst v63  }
0x7e: {  	s8 =	smov.u32 s21;
	s9 =	simm.s32 $0x2;
	s6 =	sadd.s32 $0x32, s25  }
.LBB2_4:
0x7f: {  	p3 =	seq.s32 s20, $0x1;
	s8 =	sadd.s32 $0x32, s8  }
0x80: {  	s20 =	smov.u32 s9;
	s9 =	sadd.s32 $0x1, s9;
	s19 =	smov.u32 s6  }
0x81: {  	p2 =	sne.s32 s9, $0x30;
	s24 =	simm.s32 @p3 $0x2  }
0x82: {  	[tilespmem:s22], [sflag:$0x3] =	stream.linear.gather @!p1 [hbm4b:s18+s23], $0x190, $0x38;
	[tilespmem:$0x17E00] =	vst v63  }
0x83: {  	s18 =	smov.u32 s8;
	p1 =	por p3, p3;
	_ =	swait.ge @p3 [sflag:s24], $0x6400  }
0x84: {  	[sflag:s24] =	ssyncset.done @p1 $0x0  }
0x85: {  	s22 =	simm.s32 @p1 $0x3;
	[sflag:s24] =	ssyncadd.s32 @p1 $0xFFFF9C00  }
0x86: {  	_ =	swait.ge @p1 [sflag:s22], $0x190  }
0x87: {  	[sflag:s22] =	ssyncset.done @p1 $0x0  }
0x88: {  	[sflag:s22] =	ssyncadd.s32 @p1 $0xFFFFFE70  }
0x89: {  	_ =	swait.ge @p1 [sflag:s22], $0x190  }
0x8a: {  	s23 =	simm.s32 @p1 $0x9C40;
	[sflag:s22] =	ssyncset.done @p1 $0x0  }
0x8b: {  	s24 =	simm.s32 @p1 $0x16440;
	[sflag:s22] =	ssyncadd.s32 @p1 $0xFFFFFE70;
	s22 =	simm.s32 @p1 $0x190  }
0x8c: {  	[tilespmem:s23], [sflag:$0x1] =	stream.indirect.gather @p1 [hbm4b:s7+s22], $0x40, s24, s22, $0xb8;
	[tilespmem:$0x17E00] =	vst v63  }
0x8d: {  	s30 =	simm.s32 @p1 $0x5;
	s23 =	simm.s32 @p1 $0x168F0;
	s24 =	simm.s32 @p1 $0x10040  }
0x8e: {  	[spmem:s1] =	stream.indirect.scatter.add.f32 @p1 [tilespmem:s24], [sflag:$0x5], $0x40, s23, s22, $0xb8;
	[tilespmem:$0x17E00] =	vst v63  }
0x8f: {  	_ =	swait.ge @p1 [sflag:s30], $0x6400  }
0x90: {  	[sflag:s30] =	ssyncset.done @p1 $0x0  }
0x91: {  	s22 =	simm.s32 @p1 $0x0;
	s24 =	simm.s32 @p1 $0x165D0;
	[sflag:s30] =	ssyncadd.s32 @p1 $0xFFFF9C00  }
0x92: {  	[tilespmem:s24], [sflag:$0x4] =	stream.linear.gather @p1 [hbm4b:s6+s22], $0x190, $0x38;
	[tilespmem:$0x17E00] =	vst v63  }
0x93: {  	s24 =	simm.s32 @!p1 $0x1  }
0x94: {  	[tilespmem:s23], [sflag:$0x4] =	stream.linear.gather @p1 [hbm4b:s8+s22], $0x190, $0x38;
	[tilespmem:$0x17E00] =	vst v63  }
0x95: {  	_ =	swait.ge @!p1 [sflag:s24], $0x6400  }
0x96: {  	[sflag:s24] =	ssyncset.done @!p1 $0x0  }
0x97: {  	s22 =	simm.s32 @!p1 $0x4;
	[sflag:s24] =	ssyncadd.s32 @!p1 $0xFFFF9C00  }
0x98: {  	_ =	swait.ge @!p1 [sflag:s22], $0x190  }
0x99: {  	[sflag:s22] =	ssyncset.done @!p1 $0x0  }
0x9a: {  	[sflag:s22] =	ssyncadd.s32 @!p1 $0xFFFFFE70  }
0x9b: {  	_ =	swait.ge @!p1 [sflag:s22], $0x190  }
0x9c: {  	s23 =	simm.s32 @!p1 $0x10040;
	[sflag:s22] =	ssyncset.done @!p1 $0x0  }
0x9d: {  	s24 =	simm.s32 @!p1 $0x190;
	[sflag:s22] =	ssyncadd.s32 @!p1 $0xFFFFFE70;
	s22 =	simm.s32 @!p1 $0x165D0  }
0x9e: {  	[tilespmem:s23], [sflag:$0x2] =	stream.indirect.gather @!p1 [hbm4b:s7+s24], $0x40, s22, s24, $0xb8;
	[tilespmem:$0x17E00] =	vst v63  }
0x9f: {  	s30 =	simm.s32 @!p1 $0x5;
	s22 =	simm.s32 @!p1 $0x16760;
	s23 =	simm.s32 @!p1 $0x9C40  }
0xa0: {  	[spmem:s1] =	stream.indirect.scatter.add.f32 @!p1 [tilespmem:s23], [sflag:$0x5], $0x40, s22, s24, $0xb8;
	[tilespmem:$0x17E00] =	vst v63  }
.Ltmp1:
0xa1: {  	_ = 	snop;
	(pc) =	sbr.rel @p2 .LBB2_4-.Ltmp1, $4  }
0xa2: {  	_ =	swait.ge @!p1 [sflag:s30], $0x6400  }
0xa3: {  	s20 =	sand.u32 $0x1, s20;
	s6 =	sadd.s32 $0x32, s6;
	[sflag:s30] =	ssyncset.done @!p1 $0x0  }
0xa4: {  	s23 =	simm.s32 @!p1 $0x0;
	s24 =	simm.s32 @!p1 $0x16440;
	[sflag:s30] =	ssyncadd.s32 @!p1 $0xFFFF9C00  }
0xa5: {  	[tilespmem:s24], [sflag:$0x3] =	stream.linear.gather @!p1 [hbm4b:s19+s23], $0x190, $0x38;
	[tilespmem:$0x17E00] =	vst v63  }
0xa6: {  	p2 =	seq.s32 s20, $0x1  }
0xa7: {  	[tilespmem:s22], [sflag:$0x3] =	stream.linear.gather @!p1 [hbm4b:s18+s23], $0x190, $0x38;
	[tilespmem:$0x17E00] =	vst v63  }
0xa8: {  	s9 =	simm.s32 @p2 $0x2  }
0xa9: {  	p1 =	por p2, p2;
	_ =	swait.ge @p2 [sflag:s9], $0x6400  }
0xaa: {  	[sflag:s9] =	ssyncset.done @p1 $0x0  }
0xab: {  	[sflag:s9] =	ssyncadd.s32 @p1 $0xFFFF9C00;
	s9 =	simm.s32 @p1 $0x3  }
0xac: {  	_ =	swait.ge @p1 [sflag:s9], $0x190  }
0xad: {  	[sflag:s9] =	ssyncset.done @p1 $0x0  }
0xae: {  	[sflag:s9] =	ssyncadd.s32 @p1 $0xFFFFFE70  }
0xaf: {  	_ =	swait.ge @p1 [sflag:s9], $0x190  }
0xb0: {  	s18 =	simm.s32 @p1 $0x9C40;
	[sflag:s9] =	ssyncset.done @p1 $0x0  }
0xb1: {  	s19 =	simm.s32 @p1 $0x16440;
	[sflag:s9] =	ssyncadd.s32 @p1 $0xFFFFFE70;
	s9 =	simm.s32 @p1 $0x190  }
0xb2: {  	[tilespmem:s18], [sflag:$0x1] =	stream.indirect.gather @p1 [hbm4b:s7+s9], $0x40, s19, s9, $0xb8;
	[tilespmem:$0x17E00] =	vst v63  }
0xb3: {  	s20 =	simm.s32 @p1 $0x5;
	s18 =	simm.s32 @p1 $0x168F0;
	s19 =	simm.s32 @p1 $0x10040  }
0xb4: {  	[spmem:s1] =	stream.indirect.scatter.add.f32 @p1 [tilespmem:s19], [sflag:$0x5], $0x40, s18, s9, $0xb8;
	[tilespmem:$0x17E00] =	vst v63  }
0xb5: {  	_ =	swait.ge @p1 [sflag:s20], $0x6400  }
0xb6: {  	[sflag:s20] =	ssyncset.done @p1 $0x0  }
0xb7: {  	s9 =	simm.s32 @p1 $0x0;
	s19 =	simm.s32 @p1 $0x165D0;
	[sflag:s20] =	ssyncadd.s32 @p1 $0xFFFF9C00  }
0xb8: {  	[tilespmem:s19], [sflag:$0x4] =	stream.linear.gather @p1 [hbm4b:s6+s9], $0x190, $0x38;
	[tilespmem:$0x17E00] =	vst v63  }
0xb9: {  	s8 =	sadd.s32 $0x32, s8;
	s19 =	simm.s32 @!p1 $0x1  }
0xba: {  	[tilespmem:s18], [sflag:$0x4] =	stream.linear.gather @p1 [hbm4b:s8+s9], $0x190, $0x38;
	[tilespmem:$0x17E00] =	vst v63  }
0xbb: {  	_ =	swait.ge @!p1 [sflag:s19], $0x6400  }
0xbc: {  	[sflag:s19] =	ssyncset.done @!p1 $0x0  }
0xbd: {  	s9 =	simm.s32 @!p1 $0x4;
	[sflag:s19] =	ssyncadd.s32 @!p1 $0xFFFF9C00  }
0xbe: {  	_ =	swait.ge @!p1 [sflag:s9], $0x190  }
0xbf: {  	[sflag:s9] =	ssyncset.done @!p1 $0x0  }
0xc0: {  	[sflag:s9] =	ssyncadd.s32 @!p1 $0xFFFFFE70  }
0xc1: {  	_ =	swait.ge @!p1 [sflag:s9], $0x190  }
0xc2: {  	s18 =	simm.s32 @!p1 $0x10040;
	[sflag:s9] =	ssyncset.done @!p1 $0x0  }
0xc3: {  	s19 =	simm.s32 @!p1 $0x165D0;
	[sflag:s9] =	ssyncadd.s32 @!p1 $0xFFFFFE70;
	s9 =	simm.s32 @!p1 $0x190  }
0xc4: {  	[tilespmem:s18], [sflag:$0x2] =	stream.indirect.gather @!p1 [hbm4b:s7+s9], $0x40, s19, s9, $0xb8;
	[tilespmem:$0x17E00] =	vst v63  }
0xc5: {  	s20 =	simm.s32 @!p1 $0x5;
	s18 =	simm.s32 @!p1 $0x16760;
	s19 =	simm.s32 @!p1 $0x9C40  }
0xc6: {  	[spmem:s1] =	stream.indirect.scatter.add.f32 @!p1 [tilespmem:s19], [sflag:$0x5], $0x40, s18, s9, $0xb8;
	[tilespmem:$0x17E00] =	vst v63  }
0xc7: {  	_ =	swait.ge @!p1 [sflag:s20], $0x6400  }
0xc8: {  	[sflag:s20] =	ssyncset.done @!p1 $0x0  }
0xc9: {  	s9 =	simm.s32 @!p1 $0x0;
	s19 =	simm.s32 @!p1 $0x16440;
	[sflag:s20] =	ssyncadd.s32 @!p1 $0xFFFF9C00  }
0xca: {  	[tilespmem:s19], [sflag:$0x3] =	stream.linear.gather @!p1 [hbm4b:s6+s9], $0x190, $0x38;
	[tilespmem:$0x17E00] =	vst v63  }
0xcb: {  	s2 =	simm.s32 $0x1  }
0xcc: {  	[tilespmem:s18], [sflag:$0x3] =	stream.linear.gather @!p1 [hbm4b:s8+s9], $0x190, $0x38;
	[tilespmem:$0x17E00] =	vst v63  }
0xcd: {  	_ =	swait.ge [sflag:s2], $0x6400  }
0xce: {  	[sflag:s2] =	ssyncset.done $0x0  }
0xcf: {  	[sflag:s2] =	ssyncadd.s32 $0xFFFF9C00  }
0xd0: {  	_ =	swait.ge [sflag:s15], $0x190  }
0xd1: {  	[sflag:s15] =	ssyncset.done $0x0  }
0xd2: {  	[sflag:s15] =	ssyncadd.s32 $0xFFFFFE70  }
0xd3: {  	_ =	swait.ge [sflag:s15], $0x190  }
0xd4: {  	s24 =	simm.s32 $0x165D0;
	[sflag:s15] =	ssyncset.done $0x0  }
0xd5: {  	s4 =	simm.s32 $0x10040;
	s2 =	simm.s32 $0x190;
	[sflag:s15] =	ssyncadd.s32 $0xFFFFFE70  }
0xd6: {  	[tilespmem:s4], [sflag:$0x2] =	stream.indirect.gather [hbm4b:s7+s2], $0x40, s24, s2, $0xb8;
	[tilespmem:$0x17E00] =	vst v63  }
0xd7: {  	s22 =	simm.s32 $0x16760;
	s23 =	simm.s32 $0x9C40  }
0xd8: {  	[spmem:s1] =	stream.indirect.scatter.add.f32 [tilespmem:s23], [sflag:$0x5], $0x40, s22, s2, $0xb8;
	[tilespmem:$0x17E00] =	vst v63  }
0xd9: {  	_ =	swait.ge [sflag:s29], $0x6400  }
0xda: {  	[sflag:s29] =	ssyncset.done $0x0  }
0xdb: {  	s5 =	simm.s32 $0x2;
	[sflag:s29] =	ssyncadd.s32 $0xFFFF9C00  }
0xdc: {  	_ =	swait.ge [sflag:s5], $0x6400  }
0xdd: {  	[sflag:s5] =	ssyncset.done $0x0  }
0xde: {  	s30 =	simm.s32 $0x168F0;
	[sflag:s5] =	ssyncadd.s32 $0xFFFF9C00  }
0xdf: {  	[spmem:s1] =	stream.indirect.scatter.add.f32 [tilespmem:s4], [sflag:$0x5], $0x40, s30, s2, $0xb8;
	[tilespmem:$0x17E00] =	vst v63  }
0xe0: {  	_ =	swait.ge [sflag:s29], $0x6400  }
0xe1: {  	[sflag:s29] =	ssyncset.done $0x0  }
0xe2: {  	[sflag:s29] =	ssyncadd.s32 $0xFFFF9C00  }
0xe3: {  	s19 =	stileid.u32;
	[bflag:$0x0] =	sbarrier.arrive $0xFFFF  }
0xe4: {  	s6 =	sshll.u32 s19, $0x6;
	s20 =	rddreg [dreg:$0x8]  }
0xe5: {  	s6 =	sor.u32 $0x1C05, s6;
	s4 =	rddreg [dreg:$0x7];
	s8 =	sshrl.u32 s20, $0x3  }
0xe6: {  	[hbm:s4], [sflag:s6] =	dma.local [spmem:s8], $0x1380  }
0xe7: {  	_ =	swait.ge [sflag:s29], $0x1380  }
0xe8: {  	s18 =	simm.s32 @!p0 $0x5;
	[sflag:s29] =	ssyncset.done $0x0;
	s20 =	rddreg [dreg:$0xd]  }
0xe9: {  	s10 =	rddreg [dreg:$0x9];
	[sflag:s29] =	ssyncadd.s32 $0xFFFFEC80;
	s9 =	sshrl.u32 @!p0 s20, $0x3  }
0xea: {  	[hbm:s10], [sflag:s6] =	dma.local @!p0 [spmem:s9], $0x80  }
0xeb: {  	_ =	swait.ge @!p0 [sflag:s18], $0x80  }
0xec: {  	[sflag:s18] =	ssyncset.done @!p0 $0x0  }
0xed: {  	[sflag:s18] =	ssyncadd.s32 @!p0 $0xFFFFFF80  }
0xee: {  	[spmem:s16] =	stream.linear.scatter [tilespmem:s28], [sflag:$0x5], $0x1380, $0x38;
	[tilespmem:$0x17E00] =	vst v63  }
0xef: {  	_ =	swait.ge [sflag:s29], $0x1380  }
0xf0: {  	[sflag:s29] =	ssyncset.done $0x0  }
0xf1: {  	[sflag:s29] =	ssyncadd.s32 $0xFFFFEC80  }
0xf2: {  	[spmem:s11] =	stream.linear.scatter [tilespmem:s28], [sflag:$0x5], $0x1380, $0x38;
	[tilespmem:$0x17E00] =	vst v63  }
0xf3: {  	_ =	swait.ge [sflag:s29], $0x1380  }
0xf4: {  	[sflag:s29] =	ssyncset.done $0x0  }
0xf5: {  	[sflag:s29] =	ssyncadd.s32 $0xFFFFEC80  }
0xf6: {  	[spmem:s12] =	stream.linear.scatter [tilespmem:s28], [sflag:$0x5], $0x1380, $0x38;
	[tilespmem:$0x17E00] =	vst v63  }
0xf7: {  	_ =	swait.ge [sflag:s29], $0x1380  }
0xf8: {  	[sflag:s29] =	ssyncset.done $0x0  }
0xf9: {  	s5 =	rddreg [dreg:$0xe];
	[sflag:s29] =	ssyncadd.s32 $0xFFFFEC80  }
0xfa: {  	[spmem:s5] =	stream.linear.scatter [tilespmem:s28], [sflag:$0x5], $0x1380, $0x38;
	[tilespmem:$0x17E00] =	vst v63  }
0xfb: {  	_ =	swait.ge [sflag:s29], $0x1380  }
0xfc: {  	[sflag:s29] =	ssyncset.done $0x0  }
0xfd: {  	s4 =	smov.u32 s11;
	s11 =	rddreg [dreg:$0xf];
	[sflag:s29] =	ssyncadd.s32 $0xFFFFEC80  }
0xfe: {  	[spmem:s11] =	stream.linear.scatter [tilespmem:s28], [sflag:$0x5], $0x1380, $0x38;
	[tilespmem:$0x17E00] =	vst v63  }
0xff: {  	_ =	swait.ge [sflag:s29], $0x1380  }
0x100: {  	[sflag:s29] =	ssyncset.done $0x0  }
0x101: {  	s16 =	smov.u32 s12;
	s12 =	rddreg [dreg:$0x10];
	[sflag:s29] =	ssyncadd.s32 $0xFFFFEC80  }
0x102: {  	[spmem:s12] =	stream.linear.scatter [tilespmem:s28], [sflag:$0x5], $0x1380, $0x38;
	[tilespmem:$0x17E00] =	vst v63  }
0x103: {  	_ =	swait.ge [sflag:s29], $0x1380  }
0x104: {  	[sflag:s29] =	ssyncset.done $0x0  }
0x105: {  	s14 =	rddreg [dreg:$0x11];
	[sflag:s29] =	ssyncadd.s32 $0xFFFFEC80  }
0x106: {  	[spmem:s14] =	stream.linear.scatter [tilespmem:s28], [sflag:$0x5], $0x1380, $0x38;
	[tilespmem:$0x17E00] =	vst v63  }
0x107: {  	_ =	swait.ge [sflag:s29], $0x1380  }
0x108: {  	[sflag:s29] =	ssyncset.done $0x0  }
0x109: {  	s17 =	rddreg [dreg:$0x12];
	[sflag:s29] =	ssyncadd.s32 $0xFFFFEC80  }
0x10a: {  	[spmem:s17] =	stream.linear.scatter [tilespmem:s28], [sflag:$0x5], $0x1380, $0x38;
	[tilespmem:$0x17E00] =	vst v63  }
0x10b: {  	_ =	swait.ge [sflag:s29], $0x1380  }
0x10c: {  	[sflag:s29] =	ssyncset.done $0x0  }
0x10d: {  	s19 =	simm.s32 @!p0 $0x16A80;
	[sflag:s29] =	ssyncadd.s32 $0xFFFFEC80  }
0x10e: {  	[spmem:s20] =	stream.linear.scatter @!p0 [tilespmem:s19], [sflag:$0x5], $0x400, $0x38;
	[tilespmem:$0x17E00] =	vst v63  }
0x10f: {  	_ =	swait.ge @!p0 [sflag:s18], $0x400  }
0x110: {  	[sflag:s18] =	ssyncset.done @!p0 $0x0  }
0x111: {  	[sflag:s18] =	ssyncadd.s32 @!p0 $0xFFFFFC00  }
0x112: {  	s19 =	simm.s32 $0x0;
	s20 =	simm.s32 $0x16440;
	[bflag:$0x0] =	sbarrier.arrive $0xFFFF  }
0x113: {  	[tilespmem:s20], [sflag:$0x3] =	stream.linear.gather [hbm4b:s26+s19], $0x190, $0x38;
	[tilespmem:$0x17E00] =	vst v63  }
0x114: {  	_ = 	snop  }
0x115: {  	[tilespmem:s22], [sflag:$0x3] =	stream.linear.gather [hbm4b:s31+s19], $0x190, $0x38;
	[tilespmem:$0x17E00] =	vst v63  }
0x116: {  	_ =	swait.ge [sflag:s0], $0x190  }
0x117: {  	[sflag:s0] =	ssyncset.done $0x0  }
0x118: {  	[sflag:s0] =	ssyncadd.s32 $0xFFFFFE70  }
0x119: {  	_ =	swait.ge [sflag:s0], $0x190  }
0x11a: {  	[sflag:s0] =	ssyncset.done $0x0  }
0x11b: {  	s18 =	sand.u32 $0x1, s19;
	[sflag:s0] =	ssyncadd.s32 $0xFFFFFE70  }
0x11c: {  	[tilespmem:s23], [sflag:$0x1] =	stream.indirect.gather [hbm4b:s13+s2], $0x40, s20, s2, $0xb8;
	[tilespmem:$0x17E00] =	vst v63  }
0x11d: {  	p1 =	seq.s32 s18, $0x1;
	s23 =	rddreg [dreg:$0x5]  }
0x11e: {  	[tilespmem:s24], [sflag:$0x4] =	stream.linear.gather [hbm4b:s23+s19], $0x190, $0x38;
	[tilespmem:$0x17E00] =	vst v63  }
0x11f: {  	s18 =	simm.s32 @p1 $0x2;
	s24 =	rddreg [dreg:$0x6]  }
0x120: {  	[tilespmem:s30], [sflag:$0x4] =	stream.linear.gather [hbm4b:s24+s19], $0x190, $0x38;
	[tilespmem:$0x17E00] =	vst v63  }
0x121: {  	_ =	swait.ge @p1 [sflag:s18], $0x6400;
	p1 =	por p1, p1  }
0x122: {  	[sflag:s18] =	ssyncset.done @p1 $0x0  }
0x123: {  	[sflag:s18] =	ssyncadd.s32 @p1 $0xFFFF9C00;
	s18 =	simm.s32 @p1 $0x3  }
0x124: {  	_ =	swait.ge @p1 [sflag:s18], $0x190  }
0x125: {  	[sflag:s18] =	ssyncset.done @p1 $0x0  }
0x126: {  	[sflag:s18] =	ssyncadd.s32 @p1 $0xFFFFFE70  }
0x127: {  	_ =	swait.ge @p1 [sflag:s18], $0x190  }
0x128: {  	s19 =	simm.s32 @p1 $0x9C40;
	[sflag:s18] =	ssyncset.done @p1 $0x0  }
0x129: {  	s20 =	simm.s32 @p1 $0x16440;
	[sflag:s18] =	ssyncadd.s32 @p1 $0xFFFFFE70;
	s18 =	simm.s32 @p1 $0x190  }
0x12a: {  	[tilespmem:s19], [sflag:$0x1] =	stream.indirect.gather @p1 [hbm4b:s13+s18], $0x40, s20, s18, $0xb8;
	[tilespmem:$0x17E00] =	vst v63  }
0x12b: {  	s22 =	simm.s32 @p1 $0x5;
	s19 =	simm.s32 @p1 $0x168F0;
	s20 =	simm.s32 @p1 $0x10040  }
0x12c: {  	[spmem:s1] =	stream.indirect.scatter.add.f32 @p1 [tilespmem:s20], [sflag:$0x5], $0x40, s19, s18, $0xb8;
	[tilespmem:$0x17E00] =	vst v63  }
0x12d: {  	_ =	swait.ge @p1 [sflag:s22], $0x6400  }
0x12e: {  	[sflag:s22] =	ssyncset.done @p1 $0x0  }
0x12f: {  	s18 =	simm.s32 @p1 $0x0;
	s20 =	simm.s32 @p1 $0x165D0;
	[sflag:s22] =	ssyncadd.s32 @p1 $0xFFFF9C00  }
0x130: {  	[tilespmem:s20], [sflag:$0x4] =	stream.linear.gather @p1 [hbm4b:s25+s18], $0x190, $0x38;
	[tilespmem:$0x17E00] =	vst v63  }
0x131: {  	s20 =	simm.s32 @!p1 $0x1  }
0x132: {  	[tilespmem:s19], [sflag:$0x4] =	stream.linear.gather @p1 [hbm4b:s21+s18], $0x190, $0x38;
	[tilespmem:$0x17E00] =	vst v63  }
0x133: {  	_ =	swait.ge @!p1 [sflag:s20], $0x6400  }
0x134: {  	[sflag:s20] =	ssyncset.done @!p1 $0x0  }
0x135: {  	s18 =	simm.s32 @!p1 $0x4;
	[sflag:s20] =	ssyncadd.s32 @!p1 $0xFFFF9C00  }
0x136: {  	_ =	swait.ge @!p1 [sflag:s18], $0x190  }
0x137: {  	[sflag:s18] =	ssyncset.done @!p1 $0x0  }
0x138: {  	s5 =	simm.s32 $0x9C40;
	s11 =	smov.u32 s26;
	[sflag:s18] =	ssyncadd.s32 @!p1 $0xFFFFFE70  }
0x139: {  	s12 =	smov.u32 s31;
	s14 =	simm.s32 $0x16760;
	_ =	swait.ge @!p1 [sflag:s18], $0x190  }
0x13a: {  	s17 =	simm.s32 $0x168F0;
	s19 =	simm.s32 @!p1 $0x10040;
	[sflag:s18] =	ssyncset.done @!p1 $0x0  }
0x13b: {  	s20 =	simm.s32 @!p1 $0x165D0;
	[sflag:s18] =	ssyncadd.s32 @!p1 $0xFFFFFE70;
	s18 =	simm.s32 @!p1 $0x190  }
0x13c: {  	[tilespmem:s19], [sflag:$0x2] =	stream.indirect.gather @!p1 [hbm4b:s13+s18], $0x40, s20, s18, $0xb8;
	[tilespmem:$0x17E00] =	vst v63  }
0x13d: {  	s30 =	simm.s32 @!p1 $0x16760;
	s19 =	simm.s32 @!p1 $0x9C40;
	s20 =	simm.s32 @!p1 $0x5  }
0x13e: {  	[spmem:s1] =	stream.indirect.scatter.add.f32 @!p1 [tilespmem:s19], [sflag:$0x5], $0x40, s30, s18, $0xb8;
	[tilespmem:$0x17E00] =	vst v63  }
0x13f: {  	s26 =	simm.s32 $0x1;
	s2 =	simm.s32 $0x165D0;
	_ =	swait.ge @!p1 [sflag:s20], $0x6400  }
0x140: {  	s23 =	sand.u32 $0x1, s26;
	s24 =	smov.u32 s21;
	[sflag:s20] =	ssyncset.done @!p1 $0x0  }
0x141: {  	s31 =	simm.s32 @!p1 $0x0;
	s18 =	simm.s32 @!p1 $0x16440;
	[sflag:s20] =	ssyncadd.s32 @!p1 $0xFFFF9C00  }
0x142: {  	[tilespmem:s18], [sflag:$0x3] =	stream.linear.gather @!p1 [hbm4b:s25+s31], $0x190, $0x38;
	[tilespmem:$0x17E00] =	vst v63  }
0x143: {  	s19 =	smov.u32 s21;
	s20 =	simm.s32 $0x2;
	s18 =	sadd.s32 $0x32, s25  }
.LBB2_6:
0x144: {  	p3 =	seq.s32 s23, $0x1;
	s24 =	sadd.s32 $0x32, s24  }
0x145: {  	s23 =	smov.u32 s20;
	s20 =	sadd.s32 $0x1, s20;
	s22 =	smov.u32 s18  }
0x146: {  	p2 =	sne.s32 s20, $0x30;
	s26 =	simm.s32 @p3 $0x2  }
0x147: {  	[tilespmem:s30], [sflag:$0x3] =	stream.linear.gather @!p1 [hbm4b:s19+s31], $0x190, $0x38;
	[tilespmem:$0x17E00] =	vst v63  }
0x148: {  	s19 =	smov.u32 s24;
	p1 =	por p3, p3;
	_ =	swait.ge @p3 [sflag:s26], $0x6400  }
0x149: {  	[sflag:s26] =	ssyncset.done @p1 $0x0  }
0x14a: {  	[sflag:s26] =	ssyncadd.s32 @p1 $0xFFFF9C00;
	s26 =	simm.s32 @p1 $0x3  }
0x14b: {  	_ =	swait.ge @p1 [sflag:s26], $0x190  }
0x14c: {  	[sflag:s26] =	ssyncset.done @p1 $0x0  }
0x14d: {  	[sflag:s26] =	ssyncadd.s32 @p1 $0xFFFFFE70  }
0x14e: {  	_ =	swait.ge @p1 [sflag:s26], $0x190  }
0x14f: {  	s30 =	simm.s32 @p1 $0x9C40;
	[sflag:s26] =	ssyncset.done @p1 $0x0  }
0x150: {  	s31 =	simm.s32 @p1 $0x16440;
	[sflag:s26] =	ssyncadd.s32 @p1 $0xFFFFFE70;
	s26 =	simm.s32 @p1 $0x190  }
0x151: {  	[tilespmem:s30], [sflag:$0x1] =	stream.indirect.gather @p1 [hbm4b:s13+s26], $0x40, s31, s26, $0xb8;
	[tilespmem:$0x17E00] =	vst v63  }
0x152: {  	s10 =	simm.s32 @p1 $0x5;
	s30 =	simm.s32 @p1 $0x168F0;
	s31 =	simm.s32 @p1 $0x10040  }
0x153: {  	[spmem:s1] =	stream.indirect.scatter.add.f32 @p1 [tilespmem:s31], [sflag:$0x5], $0x40, s30, s26, $0xb8;
	[tilespmem:$0x17E00] =	vst v63  }
0x154: {  	_ =	swait.ge @p1 [sflag:s10], $0x6400  }
0x155: {  	[sflag:s10] =	ssyncset.done @p1 $0x0  }
0x156: {  	s26 =	simm.s32 @p1 $0x165D0;
	[sflag:s10] =	ssyncadd.s32 @p1 $0xFFFF9C00;
	s10 =	simm.s32 @p1 $0x0  }
0x157: {  	[tilespmem:s26], [sflag:$0x4] =	stream.linear.gather @p1 [hbm4b:s18+s10], $0x190, $0x38;
	[tilespmem:$0x17E00] =	vst v63  }
0x158: {  	s26 =	simm.s32 @!p1 $0x1  }
0x159: {  	[tilespmem:s30], [sflag:$0x4] =	stream.linear.gather @p1 [hbm4b:s24+s10], $0x190, $0x38;
	[tilespmem:$0x17E00] =	vst v63  }
0x15a: {  	_ =	swait.ge @!p1 [sflag:s26], $0x6400  }
0x15b: {  	[sflag:s26] =	ssyncset.done @!p1 $0x0  }
0x15c: {  	s10 =	simm.s32 @!p1 $0x4;
	[sflag:s26] =	ssyncadd.s32 @!p1 $0xFFFF9C00  }
0x15d: {  	_ =	swait.ge @!p1 [sflag:s10], $0x190  }
0x15e: {  	[sflag:s10] =	ssyncset.done @!p1 $0x0  }
0x15f: {  	[sflag:s10] =	ssyncadd.s32 @!p1 $0xFFFFFE70  }
0x160: {  	_ =	swait.ge @!p1 [sflag:s10], $0x190  }
0x161: {  	s26 =	simm.s32 @!p1 $0x10040;
	[sflag:s10] =	ssyncset.done @!p1 $0x0  }
0x162: {  	s30 =	simm.s32 @!p1 $0x165D0;
	[sflag:s10] =	ssyncadd.s32 @!p1 $0xFFFFFE70;
	s10 =	simm.s32 @!p1 $0x190  }
0x163: {  	[tilespmem:s26], [sflag:$0x2] =	stream.indirect.gather @!p1 [hbm4b:s13+s10], $0x40, s30, s10, $0xb8;
	[tilespmem:$0x17E00] =	vst v63  }
0x164: {  	s31 =	simm.s32 @!p1 $0x5;
	s30 =	simm.s32 @!p1 $0x16760;
	s26 =	simm.s32 @!p1 $0x9C40  }
0x165: {  	[spmem:s1] =	stream.indirect.scatter.add.f32 @!p1 [tilespmem:s26], [sflag:$0x5], $0x40, s30, s10, $0xb8;
	[tilespmem:$0x17E00] =	vst v63  }
.Ltmp2:
0x166: {  	_ = 	snop;
	(pc) =	sbr.rel @p2 .LBB2_6-.Ltmp2, $4  }
0x167: {  	_ =	swait.ge @!p1 [sflag:s31], $0x6400  }
0x168: {  	s23 =	sand.u32 $0x1, s23;
	s18 =	sadd.s32 $0x32, s18;
	[sflag:s31] =	ssyncset.done @!p1 $0x0  }
0x169: {  	s10 =	simm.s32 @!p1 $0x16440;
	[sflag:s31] =	ssyncadd.s32 @!p1 $0xFFFF9C00;
	s31 =	simm.s32 @!p1 $0x0  }
0x16a: {  	[tilespmem:s10], [sflag:$0x3] =	stream.linear.gather @!p1 [hbm4b:s22+s31], $0x190, $0x38;
	[tilespmem:$0x17E00] =	vst v63  }
0x16b: {  	p2 =	seq.s32 s23, $0x1  }
0x16c: {  	[tilespmem:s30], [sflag:$0x3] =	stream.linear.gather @!p1 [hbm4b:s19+s31], $0x190, $0x38;
	[tilespmem:$0x17E00] =	vst v63  }
0x16d: {  	s10 =	simm.s32 @p2 $0x2  }
0x16e: {  	p1 =	por p2, p2;
	_ =	swait.ge @p2 [sflag:s10], $0x6400  }
0x16f: {  	[sflag:s10] =	ssyncset.done @p1 $0x0  }
0x170: {  	[sflag:s10] =	ssyncadd.s32 @p1 $0xFFFF9C00;
	s10 =	simm.s32 @p1 $0x3  }
0x171: {  	_ =	swait.ge @p1 [sflag:s10], $0x190  }
0x172: {  	[sflag:s10] =	ssyncset.done @p1 $0x0  }
0x173: {  	[sflag:s10] =	ssyncadd.s32 @p1 $0xFFFFFE70  }
0x174: {  	_ =	swait.ge @p1 [sflag:s10], $0x190  }
0x175: {  	s19 =	simm.s32 @p1 $0x9C40;
	[sflag:s10] =	ssyncset.done @p1 $0x0  }
0x176: {  	s20 =	simm.s32 @p1 $0x16440;
	[sflag:s10] =	ssyncadd.s32 @p1 $0xFFFFFE70;
	s10 =	simm.s32 @p1 $0x190  }
0x177: {  	[tilespmem:s19], [sflag:$0x1] =	stream.indirect.gather @p1 [hbm4b:s13+s10], $0x40, s20, s10, $0xb8;
	[tilespmem:$0x17E00] =	vst v63  }
0x178: {  	s22 =	simm.s32 @p1 $0x5;
	s19 =	simm.s32 @p1 $0x168F0;
	s20 =	simm.s32 @p1 $0x10040  }
0x179: {  	[spmem:s1] =	stream.indirect.scatter.add.f32 @p1 [tilespmem:s20], [sflag:$0x5], $0x40, s19, s10, $0xb8;
	[tilespmem:$0x17E00] =	vst v63  }
0x17a: {  	_ =	swait.ge @p1 [sflag:s22], $0x6400  }
0x17b: {  	[sflag:s22] =	ssyncset.done @p1 $0x0  }
0x17c: {  	s10 =	simm.s32 @p1 $0x0;
	s20 =	simm.s32 @p1 $0x165D0;
	[sflag:s22] =	ssyncadd.s32 @p1 $0xFFFF9C00  }
0x17d: {  	[tilespmem:s20], [sflag:$0x4] =	stream.linear.gather @p1 [hbm4b:s18+s10], $0x190, $0x38;
	[tilespmem:$0x17E00] =	vst v63  }
0x17e: {  	s22 =	simm.s32 @!p1 $0x1;
	s20 =	sadd.s32 $0x32, s24  }
0x17f: {  	[tilespmem:s19], [sflag:$0x4] =	stream.linear.gather @p1 [hbm4b:s20+s10], $0x190, $0x38;
	[tilespmem:$0x17E00] =	vst v63  }
0x180: {  	_ =	swait.ge @!p1 [sflag:s22], $0x6400  }
0x181: {  	[sflag:s22] =	ssyncset.done @!p1 $0x0  }
0x182: {  	s10 =	simm.s32 @!p1 $0x4;
	[sflag:s22] =	ssyncadd.s32 @!p1 $0xFFFF9C00  }
0x183: {  	_ =	swait.ge @!p1 [sflag:s10], $0x190  }
0x184: {  	[sflag:s10] =	ssyncset.done @!p1 $0x0  }
0x185: {  	[sflag:s10] =	ssyncadd.s32 @!p1 $0xFFFFFE70  }
0x186: {  	_ =	swait.ge @!p1 [sflag:s10], $0x190  }
0x187: {  	s19 =	simm.s32 @!p1 $0x10040;
	[sflag:s10] =	ssyncset.done @!p1 $0x0  }
0x188: {  	s22 =	simm.s32 @!p1 $0x165D0;
	[sflag:s10] =	ssyncadd.s32 @!p1 $0xFFFFFE70;
	s10 =	simm.s32 @!p1 $0x190  }
0x189: {  	[tilespmem:s19], [sflag:$0x2] =	stream.indirect.gather @!p1 [hbm4b:s13+s10], $0x40, s22, s10, $0xb8;
	[tilespmem:$0x17E00] =	vst v63  }
0x18a: {  	s23 =	simm.s32 @!p1 $0x5;
	s19 =	simm.s32 @!p1 $0x16760;
	s22 =	simm.s32 @!p1 $0x9C40  }
0x18b: {  	[spmem:s1] =	stream.indirect.scatter.add.f32 @!p1 [tilespmem:s22], [sflag:$0x5], $0x40, s19, s10, $0xb8;
	[tilespmem:$0x17E00] =	vst v63  }
0x18c: {  	_ =	swait.ge @!p1 [sflag:s23], $0x6400  }
0x18d: {  	[sflag:s23] =	ssyncset.done @!p1 $0x0  }
0x18e: {  	s10 =	simm.s32 @!p1 $0x0;
	s22 =	simm.s32 @!p1 $0x16440;
	[sflag:s23] =	ssyncadd.s32 @!p1 $0xFFFF9C00  }
0x18f: {  	[tilespmem:s22], [sflag:$0x3] =	stream.linear.gather @!p1 [hbm4b:s18+s10], $0x190, $0x38;
	[tilespmem:$0x17E00] =	vst v63  }
0x190: {  	_ = 	snop  }
0x191: {  	[tilespmem:s19], [sflag:$0x3] =	stream.linear.gather @!p1 [hbm4b:s20+s10], $0x190, $0x38;
	[tilespmem:$0x17E00] =	vst v63  }
0x192: {  	s20 =	simm.s32 $0x1  }
0x193: {  	_ =	swait.ge [sflag:s20], $0x6400  }
0x194: {  	[sflag:s20] =	ssyncset.done $0x0  }
0x195: {  	[sflag:s20] =	ssyncadd.s32 $0xFFFF9C00  }
0x196: {  	_ =	swait.ge [sflag:s15], $0x190  }
0x197: {  	[sflag:s15] =	ssyncset.done $0x0  }
0x198: {  	[sflag:s15] =	ssyncadd.s32 $0xFFFFFE70  }
0x199: {  	_ =	swait.ge [sflag:s15], $0x190  }
0x19a: {  	[sflag:s15] =	ssyncset.done $0x0  }
0x19b: {  	s23 =	simm.s32 $0x10040;
	s22 =	simm.s32 $0x190;
	[sflag:s15] =	ssyncadd.s32 $0xFFFFFE70  }
0x19c: {  	[tilespmem:s23], [sflag:$0x2] =	stream.indirect.gather [hbm4b:s13+s22], $0x40, s2, s22, $0xb8;
	[tilespmem:$0x17E00] =	vst v63  }
0x19d: {  	_ = 	snop  }
0x19e: {  	[spmem:s1] =	stream.indirect.scatter.add.f32 [tilespmem:s5], [sflag:$0x5], $0x40, s14, s22, $0xb8;
	[tilespmem:$0x17E00] =	vst v63  }
0x19f: {  	_ =	swait.ge [sflag:s29], $0x6400  }
0x1a0: {  	[sflag:s29] =	ssyncset.done $0x0  }
0x1a1: {  	s24 =	simm.s32 $0x2;
	[sflag:s29] =	ssyncadd.s32 $0xFFFF9C00  }
0x1a2: {  	_ =	swait.ge [sflag:s24], $0x6400  }
0x1a3: {  	[sflag:s24] =	ssyncset.done $0x0  }
0x1a4: {  	[sflag:s24] =	ssyncadd.s32 $0xFFFF9C00  }
0x1a5: {  	[spmem:s1] =	stream.indirect.scatter.add.f32 [tilespmem:s23], [sflag:$0x5], $0x40, s17, s22, $0xb8;
	[tilespmem:$0x17E00] =	vst v63  }
0x1a6: {  	_ =	swait.ge [sflag:s29], $0x6400  }
0x1a7: {  	[sflag:s29] =	ssyncset.done $0x0  }
0x1a8: {  	[sflag:s29] =	ssyncadd.s32 $0xFFFF9C00  }
0x1a9: {  	[bflag:$0x0] =	sbarrier.arrive $0xFFFF  }
0x1aa: {  	s26 =	rddreg [dreg:$0xa]  }
0x1ab: {  	[hbm:s26], [sflag:s6] =	dma.local [spmem:s8], $0x1380  }
0x1ac: {  	_ =	swait.ge [sflag:s29], $0x1380  }
0x1ad: {  	[sflag:s29] =	ssyncset.done $0x0  }
0x1ae: {  	s8 =	rddreg [dreg:$0xb];
	[sflag:s29] =	ssyncadd.s32 $0xFFFFEC80  }
0x1af: {  	[hbm:s8], [sflag:s6] =	dma.local @!p0 [spmem:s9], $0x80  }
0x1b0: {  	s6 =	simm.s32 @!p0 $0x5  }
0x1b1: {  	_ =	swait.ge @!p0 [sflag:s6], $0x80  }
0x1b2: {  	s3 =	sadd.s32 $0x1, s3;
	s30 =	rddreg [dreg:$0xc]  }
0x1b3: {  	p1 =	sne.s32 s3, s30  }
.Ltmp3:
0x1b4: {  	_ = 	snop;
	(pc) =	sbr.rel @p1 .LBB2_1-.Ltmp3, $4  }
0x1b5: {  	_ = 	snop  }
0x1b6: {  	s31 =	smov.u32 s12;
	s12 =	smov.u32 s16  }
0x1b7: {  	s18 =	simm.s32 $0x190;
	s26 =	smov.u32 s11;
	[sflag:s6] =	ssyncset.done @!p0 $0x0  }
0x1b8: {  	s11 =	smov.u32 s4;
	s16 =	rddreg [dreg:$0x13];
	[sflag:s6] =	ssyncadd.s32 @!p0 $0xFFFFFF80  }
0x1b9: {  	_ =	sfence.sel $0x180000  }
0x1ba: {  	[bflag:$0x0] =	sbarrier.arrive $0xFFFF  }
0x1bb: {  	_ =	strace $0x9000004D  }
0x1bc: {  	s0 =	stileid.u32;
	[bflag:$0x2] =	sbarrier.arrive $0xFFFF  }
0x1bd: {  	p0 =	sne.s32 s0, $0x0;
	s0 =	rddreg [dreg:$0x4]  }
0x1be: {  	s0 =	sadd.s32 @!p0 $0x100000, s0  }
0x1bf: {  	[sflag:s0] =	ssyncadd.tile.s32 @!p0 $0x1;
	_ =	shalt  }
.Lfunc_end2:
_tile_overlayer_lowered:
.L_overlay_start_2:
0x1c0: {  	(tag) =	ssettag $0x2  }
0x1c1: {  	s0 =	rddreg [dreg:$0x0];
	s2 =	stileid.u32  }
0x1c2: {  	s1 =	rddreg [dreg:$0x1];
	p0 =	sne.s32 s2, $0x0  }
0x1c3: {  	s3 =	rddreg [dreg:$0x2];
	[bflag:$0x3] =	sbarrier.arrive $0xFFFF;
	s2 =	simm.s32 @!p0 $0x1C05  }
0x1c4: {  	[timem:s3], [sflag:s2] =	dma.local @!p0 [hbm:s0], s1  }
0x1c5: {  	s0 =	simm.s32 @!p0 $0x5  }
0x1c6: {  	_ =	swait.ge @!p0 [sflag:s0], s1  }
0x1c7: {  	s1 =	ssub.s32 @!p0 $0x0, s1;
	[sflag:s0] =	ssyncset.done @!p0 $0x0  }
0x1c8: {  	[sflag:s0] =	ssyncadd.s32 @!p0 s1  }
0x1c9: {  	[bflag:$0x3] =	sbarrier.arrive $0xFFFF  }
0x1ca: {  	_ =	shalt  }

// kernel: kernel.19.cloned.1.call-start
scs
__scs_entry_jumppad:
0x0: {  	(pc) =	sbr.rel $0x88, $3  }
0x1: {  	(tag) =	ssettag $0x0;
	lr =	simm.s32 $0x1  }
0x2: {  	[smem:$0x3F95] =	sst lr;
	_ =	strace $0xD0000000  }
0x3: {  	_ = 	snop  }
0x4: {  	_ = 	snop  }
0x5: {  	_ = 	snop  }
0x6: {  	_ = 	snop  }
0x7: {  	_ = 	snop  }
__scs_overlays_trampoline_lowered:
0x8: {  	[smem:$0x3FA4] =	sst s0  }
0x9: {  	[smem:$0x3FA5] =	sst s1  }
0xa: {  	[smem:$0x3FA6] =	sst s2  }
0xb: {  	[smem:$0x3FA7] =	sst s3  }
0xc: {  	[smem:$0x3FA8] =	sst s4  }
0xd: {  	[smem:$0x3FA9] =	sst s5  }
0xe: {  	[smem:$0x3FAA] =	sst s6  }
0xf: {  	[smem:$0x3FAB] =	sst s7  }
0x10: {  	[smem:$0x3FAC] =	sst s8  }
0x11: {  	[smem:$0x3FAD] =	sst s9;
	s0 =	simm.s32 @!p0 $0x0  }
0x12: {  	s1 =	sld [smem:$0x3F93];
	s0 =	simm.s32 @p0 $0x1  }
0x13: {  	[smem:$0x3FAE] =	sst s0;
	s0 =	simm.s32 @!p1 $0x0  }
0x14: {  	s2 =	sld [smem:$0x3F92];
	s0 =	simm.s32 @p1 $0x1  }
0x15: {  	[smem:$0x3FAF] =	sst s0;
	s0 =	simm.s32 @!p2 $0x0  }
0x16: {  	s3 =	sld [smem:$0x3FDB];
	s0 =	simm.s32 @p2 $0x1  }
0x17: {  	s4 =	simm.s32 $0x1BF5;
	[smem:$0x3FB1] =	sst s0  }
0x18: {  	s0 =	sld [smem:$0x3F94];
	_ =	swait.ge [sflag:s4], $0x0  }
0x19: {  	s7 =	sld [smem:$0x3F95]  }
0x1a: {  	s8 =	sadd.s32 $0xFFFFE003, lr  }
0x1b: {  	s9 =	sadd.s32 $0xFFFFFEF7, lr;
	s5 =	simm.s32 $0xFFFFFFFF;
	p2 =	slt.u32 s8, $0xFFFFF086  }
0x1c: {  	p1 =	slt.u32 s9, $0xF7A;
	s5 =	simm.s32 @!p2 $0x0  }
0x1d: {  	s5 =	simm.s32 @p1 $0x1;
	p0 =	seq.s32 s7, s2  }
0x1e: {  	s7 =	smul.u32 @!p0 $0xF7A, s2;
	p2 =	seq.s32 @!p0 s5, $0x0  }
0x1f: {  	s9 =	smul.u32 $0xF7A, s1;
	s8 =	simm.s32 @!p0 $0x1BF5;
	p2 =	por !p2, p0  }
0x20: {  	[sflag:s8] =	ssyncset.s32 @!p0 $0xFFFFF086;
	s6 =	sadd.s32 @!p0 s3, s7;
	s7 =	simm.s32 @!p0 $0x108  }
0x21: {  	s3 =	sadd.s32 s3, s9;
	s6 =	sadd.s32 @!p0 $0x88, s6;
	s7 =	simm.s32 @p2 $0x1082  }
0x22: {  	[simem:s7], [sflag:s8] =	dma.local @!p0 [hbm:s6], $0xF7A  }
0x23: {  	s9 =	sor.u32 $0xD0000000, s2;
	s6 =	simm.s32 $0x108;
	_ =	swait.ge @!p0 [sflag:s8], $0x0  }
0x24: {  	s3 =	sadd.s32 $0x88, s3;
	s6 =	simm.s32 @!p1 $0x1082;
	[sflag:s4] =	ssyncset.s32 $0xFFFFF086  }
0x25: {  	[simem:s6], [sflag:s4] =	dma.local [hbm:s3], $0xF7A  }
0x26: {  	[smem:$0x3F95] =	sst s1;
	(tag) =	ssettag s2;
	_ =	strace s9  }
0x27: {  	s1 =	sld [smem:$0x3FA5]  }
0x28: {  	s2 =	sld [smem:$0x3FA6]  }
0x29: {  	s4 =	sld [smem:$0x3FA8]  }
0x2a: {  	p0 =	seq.s32 s5, $0x0;
	s5 =	sld [smem:$0x3FA9]  }
0x2b: {  	s6 =	sld [smem:$0x3FAA]  }
0x2c: {  	s7 =	sld [smem:$0x3FAB]  }
0x2d: {  	s3 =	simm.s32 $0x108;
	s8 =	sld [smem:$0x3FAC]  }
0x2e: {  	s3 =	simm.s32 @!p0 $0x1082;
	s9 =	sld [smem:$0x3FAD]  }
0x2f: {  	lr =	sadd.s32 s0, s3;
	s0 =	sld [smem:$0x3FA4]  }
0x30: {  	s3 =	sld [smem:$0x3FA7]  }
0x31: {  	[smem:$0x3FB0] =	sst s10  }
0x32: {  	s10 =	sld [smem:$0x3FAE];
	_ =	sdelay $0x3  }
0x33: {  	p0 =	seq.s32 s10, $0x1;
	s10 =	sld [smem:$0x3FB0];
	_ =	sdelay $0x3  }
0x34: {  	[smem:$0x3FB0] =	sst s10  }
0x35: {  	s10 =	sld [smem:$0x3FAF];
	_ =	sdelay $0x3  }
0x36: {  	p1 =	seq.s32 s10, $0x1;
	s10 =	sld [smem:$0x3FB0];
	_ =	sdelay $0x3  }
0x37: {  	[smem:$0x3FB0] =	sst s10  }
0x38: {  	s10 =	sld [smem:$0x3FB1]  }
0x39: {  	_ = 	snop;
	(pc) =	sbr.ind lr, $3  }
0x3a: {  	_ = 	snop  }
0x3b: {  	_ = 	snop  }
0x3c: {  	p2 =	seq.s32 s10, $0x1;
	s10 =	sld [smem:$0x3FB0]  }
0x3d: {  	_ =	shalt  }
0x3e: {  	_ =	shalt  }
0x3f: {  	_ =	shalt  }
0x40: {  	_ =	shalt  }
0x41: {  	_ =	shalt  }
0x42: {  	_ =	shalt  }
0x43: {  	_ =	shalt  }
0x44: {  	_ =	shalt  }
0x45: {  	_ =	shalt  }
0x46: {  	_ =	shalt  }
0x47: {  	_ =	shalt  }
0x48: {  	_ =	shalt  }
0x49: {  	_ =	shalt  }
0x4a: {  	_ =	shalt  }
0x4b: {  	_ =	shalt  }
0x4c: {  	_ =	shalt  }
0x4d: {  	_ =	shalt  }
0x4e: {  	_ =	shalt  }
0x4f: {  	_ =	shalt  }
0x50: {  	_ =	shalt  }
0x51: {  	_ =	shalt  }
0x52: {  	_ =	shalt  }
0x53: {  	_ =	shalt  }
0x54: {  	_ =	shalt  }
0x55: {  	_ =	shalt  }
0x56: {  	_ =	shalt  }
0x57: {  	_ =	shalt  }
0x58: {  	_ =	shalt  }
0x59: {  	_ =	shalt  }
0x5a: {  	_ =	shalt  }
0x5b: {  	_ =	shalt  }
0x5c: {  	_ =	shalt  }
0x5d: {  	_ =	shalt  }
0x5e: {  	_ =	shalt  }
0x5f: {  	_ =	shalt  }
0x60: {  	_ =	shalt  }
0x61: {  	_ =	shalt  }
0x62: {  	_ =	shalt  }
0x63: {  	_ =	shalt  }
0x64: {  	_ =	shalt  }
0x65: {  	_ =	shalt  }
0x66: {  	_ =	shalt  }
0x67: {  	_ =	shalt  }
0x68: {  	_ =	shalt  }
0x69: {  	_ =	shalt  }
0x6a: {  	_ =	shalt  }
0x6b: {  	_ =	shalt  }
0x6c: {  	_ =	shalt  }
0x6d: {  	_ =	shalt  }
0x6e: {  	_ =	shalt  }
0x6f: {  	_ =	shalt  }
0x70: {  	_ =	shalt  }
0x71: {  	_ =	shalt  }
0x72: {  	_ =	shalt  }
0x73: {  	_ =	shalt  }
0x74: {  	_ =	shalt  }
0x75: {  	_ =	shalt  }
0x76: {  	_ =	shalt  }
0x77: {  	_ =	shalt  }
0x78: {  	_ =	shalt  }
0x79: {  	_ =	shalt  }
0x7a: {  	_ =	shalt  }
0x7b: {  	_ =	shalt  }
0x7c: {  	_ =	shalt  }
0x7d: {  	_ =	shalt  }
0x7e: {  	_ =	shalt  }
0x7f: {  	_ =	shalt  }
0x80: {  	_ =	shalt  }
0x81: {  	_ =	shalt  }
0x82: {  	_ =	shalt  }
0x83: {  	_ =	shalt  }
0x84: {  	_ =	shalt  }
0x85: {  	_ =	shalt  }
0x86: {  	_ =	shalt  }
0x87: {  	_ =	shalt  }
.Lfunc_end0:
.L_simem_size_0:
called_computation.3_lowered:
.L_overlay_start_0:
0x88: {  	s2 =	sld [smem:$0x3FD9]  }
0x89: {  	s3 =	sld [smem:$0x3FFE];
	_ =	sdelay $0x1  }
0x8a: {  	s1 =	srdreg.scid  }
0x8b: {  	s0 =	sand.u32 $0x1, s1  }
0x8c: {  	s14 =	sshll.u32 s0, $0xA;
	s2 =	sadd.s32 s3, s2  }
0x8d: {  	s2 =	sadd.s32 s2, s14  }
0x8e: {  	[smem:$0x3FBC] =	sst s2  }
0x8f: {  	_ = 	snop  }
0x90: {  	s2 =	sld [smem:$0x3FD0];
	_ =	sdelay $0x2  }
0x91: {  	s15 =	simm.s32 $0xA;
	s4 =	simm.s32 $0x10  }
0x92: {  	[smem:s4], [sflag:s15] =	dma.local [hbm:s2], $0x1  }
0x93: {  	_ =	swait.eq [sflag:s15], $0x1  }
0x94: {  	[sflag:s15] =	ssyncset.done $0x0  }
0x95: {  	[sflag:s15] =	ssyncadd.s32 $0xFFFFFFFF  }
0x96: {  	s16 =	sld [smem:$0x10];
	(tm) =	ssettm $0x1  }
0x97: {  	s17 =	sld [smem:$0x3FFB];
	_ =	sdelay $0x3  }
0x98: {  	_ =	strace s17  }
0x99: {  	s3 =	sld [smem:$0x3FFC];
	_ =	sdelay $0x3  }
0x9a: {  	_ =	strace s3  }
0x9b: {  	s3 =	sld [smem:$0x3FFD];
	_ =	sdelay $0x3  }
0x9c: {  	_ =	strace s3  }
0x9d: {  	_ =	strace $0x8FFFFFFF  }
0x9e: {  	s18 =	sld [smem:$0x3FDB];
	_ =	sdelay $0x1  }
0x9f: {  	s19 =	simm.s32 $_scs_section_size  }
0xa0: {  	s5 =	simm.s32 $_size__tile_overlayer_lowered;
	s6 =	simm.s32 $_tile_overlayer_lowered  }
0xa1: {  	s22 =	simm.s32 $0x1BFF;
	s21 =	sshll.u32 s6, $0x1;
	s3 =	sadd.s32 s19, s18  }
0xa2: {  	s7 =	simm.s32 $0x0;
	s20 =	sshll.u32 s5, $0x1;
	s5 =	sadd.s32 s21, s3  }
0xa3: {  	[timem:s7], [sflag:s22] =	dma.local [hbm:s5], s20  }
0xa4: {  	_ =	swait.ge [sflag:s22], s20  }
0xa5: {  	s4 =	ssub.s32 $0x0, s20;
	[sflag:s22] =	ssyncset.done $0x0  }
0xa6: {  	[sflag:s22] =	ssyncadd.s32 s4;
	_ =	sdelay $0x1  }
0xa7: {  	s23 =	simm.s32 $0x1B8B  }
0xa8: {  	_ =	swait.ge [sflag:s23], $0x1  }
0xa9: {  	[sflag:s23] =	ssyncset.done $0x0  }
0xaa: {  	s25 =	simm.s32 $0x1B8E;
	s24 =	sld [smem:$0x3FFE];
	[sflag:s23] =	ssyncadd.s32 $0xFFFFFFFF  }
0xab: {  	s26 =	simm.s32 $execute0_lowered;
	[smem:$0x3FD2] =	sst s25  }
0xac: {  	s5 =	sshll.u32 s26, $0x1;
	_ =	strace $0x8000004F;
	[dreg:$0x1] =	wrdreg $0xFFFFFFFF  }
0xad: {  	s28 =	simm.s32 $_size_execute0_lowered;
	s3 =	sadd.s32 s3, s5;
	[dreg:$0x0] =	wrdreg $0x0  }
0xae: {  	s5 =	sshll.u32 s28, $0x1;
	[dreg:$0x2] =	wrdreg s3  }
0xaf: {  	[dreg:$0x3] =	wrdreg s5  }
0xb0: {  	[dreg:$0x4] =	wrdreg $0xC0  }
0xb1: {  	_ =	task [dreg:s7], $0x5FFFF  }
0xb2: {  	[dreg:$0x1] =	wrdreg $0xFFFFFFFF  }
0xb3: {  	[dreg:$0x0] =	wrdreg $0x60  }
0xb4: {  	[dreg:$0x2] =	wrdreg s24  }
0xb5: {  	[dreg:$0x3] =	wrdreg s16  }
0xb6: {  	[dreg:$0x4] =	wrdreg $0x0  }
0xb7: {  	[dreg:$0x5] =	wrdreg $0x9  }
0xb8: {  	_ =	task.clear_ibuf [dreg:s7], $0x6FFFF;
	_ =	strace $0x9000004F  }
0xb9: {  	s29 =	simm.s32 $0x9;
	_ =	strace $0x80000051  }
0xba: {  	_ =	swait.ge [sflag:s29], $0x1  }
0xbb: {  	[sflag:s29] =	ssyncadd.s32 $0xFFFFFFFF  }
0xbc: {  	_ =	strace $0x90000051  }
0xbd: {  	_ =	sfence  }
0xbe: {  	s30 =	sld [smem:$0x0];
	_ =	sdelay $0x2  }
0xbf: {  	s31 =	sshll.u32 s1, $0xD;
	s1 =	sshrl.u32 s1, $0x2  }
0xc0: {  	s3 =	sand.u32 $0x4000, s31;
	s1 =	sadd.s32 s1, s30  }
0xc1: {  	s0 =	sor.u32 s3, s0;
	s1 =	sshll.u32 s1, $0x11  }
0xc2: {  	s0 =	sor.u32 s1, s0  }
0xc3: {  	s0 =	sadd.s32 $0x8F2B, s0  }
0xc4: {  	[sflag:s0] =	ssyncadd.remote.s32 $0x1  }
0xc5: {  	_ =	sfence.sel $0xFFFF  }
0xc6: {  	[dreg:$0x0] =	wrdreg $0xFFFFFFFF;
	(pc) =	sbr.abs _section_cstart, $3  }
0xc7: {  	[dreg:$0x1] =	wrdreg $0xFFFFFFFF  }
0xc8: {  	_ =	task.clear_ibuf [dreg:s7], $0x2FFFF;
	_ =	strace $0x9FFFFFFF  }
0xc9: {  	(tm) =	ssettm $0x7FFFFFFF  }
tec
execute0_lowered:
.L_overlay_start_1:
0x0: {  	(tag) =	ssettag $0x1  }
0x1: {  	s0 =	rddreg [dreg:$0x0]  }
0x2: {  	s3 =	rddreg [dreg:$0x1]  }
0x3: {  	s1 =	rddreg [dreg:$0x2]  }
0x4: {  	s4 =	srdreg.scid;
	s2 =	simm.s32 $0x0;
	s13 =	stileid.u32  }
0x5: {  	s28 =	simm.s32 $0x11C60;
	s29 =	simm.s32 $0x3;
	s9 =	smul.u32 $0x4E20, s13  }
0x6: {  	s30 =	simm.s32 $0x320;
	s31 =	simm.s32 $0x4E20;
	s11 =	smul.u32 $0x4E00, s13  }
0x7: {  	s4 =	sand.u32 $0x1, s4;
	[smem:$0x7FF] =	sst s2;
	s15 =	smul.u32 $0x13800, s13  }
0x8: {  	s10 =	sadd.s32 $0x3400, s0;
	s23 =	smul.u32 $0x9C4, s13;
	p0 =	sne.s32 s13, $0xF  }
0x9: {  	s5 =	smul.u32 $0x4E200, s4;
	_ =	strace $0x80000050;
	s4 =	ssub.s32 $0x2, s4  }
0xa: {  	s8 =	sshrl.u32 s4, $0x1;
	s9 =	sshrl.u32 s9, $0x3;
	s16 =	sshrl.u32 s15, $0x2  }
0xb: {  	s17 =	sadd.s32 s11, s1;
	s26 =	sadd.s32 s23, s10;
	s6 =	sshrl.u32 s5, $0x3  }
0xc: {  	s8 =	ssub.s32 s4, s8;
	s4 =	sadd.s32 $0x4E000, s1;
	s12 =	sadd.s32 s3, s9  }
0xd: {  	s14 =	sadd.s32 s10, s9;
	s9 =	sadd.s32 $0x64, s9;
	s5 =	sadd.s32 s11, s5  }
0xe: {  	s7 =	sadd.s32 s6, s0;
	s0 =	sadd.s32 $0x6F000, s0;
	[dreg:$0x4] =	wrdreg s12  }
0xf: {  	[dreg:$0x5] =	wrdreg s14;
	s14 =	sadd.s32 s3, s9;
	s9 =	sadd.s32 s10, s9  }
0x10: {  	s5 =	sshrl.u32 s5, $0x3;
	s12 =	sadd.s32 s16, s1;
	[dreg:$0x6] =	wrdreg s14  }
0x11: {  	s21 =	smax.u32 s8, $0x1;
	s10 =	sadd.s32 $0xC8, s26;
	[dreg:$0x7] =	wrdreg s9  }
0x12: {  	s26 =	simm.s32 $0x11620;
	s5 =	sadd.s32 s0, s5;
	[dreg:$0xa] =	wrdreg s21  }
0x13: {  	s7 =	sadd.s32 $0x5B600, s7;
	s22 =	sadd.s32 $0x9C0, s12;
	[dreg:$0x8] =	wrdreg s5  }
0x14: {  	s0 =	sadd.s32 s0, s6;
	s24 =	sadd.s32 $0x1D40, s12;
	[dreg:$0xb] =	wrdreg s22  }
0x15: {  	s25 =	sadd.s32 $0x2700, s12;
	s18 =	sadd.s32 $0x30C0, s12;
	[dreg:$0xd] =	wrdreg s24  }
0x16: {  	s19 =	sadd.s32 $0x3A80, s12;
	s0 =	sadd.s32 $0x9C00, s0;
	[dreg:$0xe] =	wrdreg s25  }
0x17: {  	s20 =	sadd.s32 $0x4440, s12;
	s5 =	sadd.s32 $0x1380, s12;
	[dreg:$0x9] =	wrdreg s0  }
0x18: {  	s24 =	simm.s32 $0x5;
	s25 =	sshrl.u32 s17, $0x3;
	[dreg:$0xc] =	wrdreg s5  }
0x19: {  	s0 =	sadd.s32 s23, s3;
	s23 =	simm.s32 $0x122A0;
	s3 =	simm.s32 $0x2  }
0x1a: {  	v0 =	vimm.f32 $0.0e+00;
	s5 =	simm.s32 $0x1;
	s22 =	sadd.s32 $0xC8, s0;
	s0 =	simm.s32 $0x11F80  }
.LBB2_1:
0x1b: {  	s6 =	simm.s32 $0x80;
	s8 =	simm.s32 $0x0  }
.LBB2_2:
0x1c: {  	p1 =	sne.s32 s6, $0x2680;
	[tilespmem:s8+$0x122A0] =	vst v0;
	s9 =	smov.u32 s6;
	s6 =	sadd.s32 $0x80, s6  }
.Ltmp0:
0x1d: {  	[tilespmem:s8+$0x122B0] =	vst v0;
	(pc) =	sbr.rel @p1 .LBB2_2-.Ltmp0, $2  }
0x1e: {  	_ =	sdelay $0x2  }
0x1f: {  	s8 =	sshra.s32 s9, $0x2  }
0x20: {  	[tilespmem:s8+$0x122A0] =	vst v0  }
0x21: {  	[tilespmem:s8+$0x122B0] =	vst v0  }
0x22: {  	[spmem:s12] =	stream.linear.scatter [tilespmem:s23], [sflag:$0x5], $0x9C0, $0x38;
	[tilespmem:$0x12C60] =	vst v63  }
0x23: {  	_ =	swait.ge [sflag:s24], $0x9C0  }
0x24: {  	[sflag:s24] =	ssyncset.done $0x0  }
0x25: {  	s6 =	rddreg [dreg:$0xb];
	[sflag:s24] =	ssyncadd.s32 $0xFFFFF640  }
0x26: {  	[spmem:s6] =	stream.linear.scatter [tilespmem:s23], [sflag:$0x5], $0x9C0, $0x38;
	[tilespmem:$0x12C60] =	vst v63  }
0x27: {  	_ =	swait.ge [sflag:s24], $0x9C0  }
0x28: {  	[sflag:s24] =	ssyncset.done $0x0  }
0x29: {  	s8 =	rddreg [dreg:$0xc];
	[sflag:s24] =	ssyncadd.s32 $0xFFFFF640  }
0x2a: {  	[spmem:s8] =	stream.linear.scatter [tilespmem:s23], [sflag:$0x5], $0x9C0, $0x38;
	[tilespmem:$0x12C60] =	vst v63  }
0x2b: {  	_ =	swait.ge [sflag:s24], $0x9C0  }
0x2c: {  	[sflag:s24] =	ssyncset.done $0x0  }
0x2d: {  	s9 =	rddreg [dreg:$0xd];
	[sflag:s24] =	ssyncadd.s32 $0xFFFFF640  }
0x2e: {  	[spmem:s9] =	stream.linear.scatter [tilespmem:s23], [sflag:$0x5], $0x9C0, $0x38;
	[tilespmem:$0x12C60] =	vst v63  }
0x2f: {  	_ =	swait.ge [sflag:s24], $0x9C0  }
0x30: {  	[sflag:s24] =	ssyncset.done $0x0  }
0x31: {  	s11 =	rddreg [dreg:$0xe];
	[sflag:s24] =	ssyncadd.s32 $0xFFFFF640  }
0x32: {  	[spmem:s11] =	stream.linear.scatter [tilespmem:s23], [sflag:$0x5], $0x9C0, $0x38;
	[tilespmem:$0x12C60] =	vst v63  }
0x33: {  	_ =	swait.ge [sflag:s24], $0x9C0  }
0x34: {  	[sflag:s24] =	ssyncset.done $0x0  }
0x35: {  	[sflag:s24] =	ssyncadd.s32 $0xFFFFF640  }
0x36: {  	[spmem:s18] =	stream.linear.scatter [tilespmem:s23], [sflag:$0x5], $0x9C0, $0x38;
	[tilespmem:$0x12C60] =	vst v63  }
0x37: {  	_ =	swait.ge [sflag:s24], $0x9C0  }
0x38: {  	[sflag:s24] =	ssyncset.done $0x0  }
0x39: {  	[sflag:s24] =	ssyncadd.s32 $0xFFFFF640  }
0x3a: {  	[spmem:s19] =	stream.linear.scatter [tilespmem:s23], [sflag:$0x5], $0x9C0, $0x38;
	[tilespmem:$0x12C60] =	vst v63  }
0x3b: {  	_ =	swait.ge [sflag:s24], $0x9C0  }
0x3c: {  	[sflag:s24] =	ssyncset.done $0x0  }
0x3d: {  	[sflag:s24] =	ssyncadd.s32 $0xFFFFF640  }
0x3e: {  	[spmem:s20] =	stream.linear.scatter [tilespmem:s23], [sflag:$0x5], $0x9C0, $0x38;
	[tilespmem:$0x12C60] =	vst v63  }
0x3f: {  	_ =	swait.ge [sflag:s24], $0x9C0  }
0x40: {  	[sflag:s24] =	ssyncset.done $0x0  }
0x41: {  	s6 =	simm.s32 @!p0 $0x122A0;
	[sflag:s24] =	ssyncadd.s32 $0xFFFFF640  }
0x42: {  	[spmem:s4] =	stream.linear.scatter @!p0 [tilespmem:s6], [sflag:$0x5], $0x200, $0x38;
	[tilespmem:$0x12C60] =	vst v63  }
0x43: {  	s6 =	simm.s32 @!p0 $0x5  }
0x44: {  	_ =	swait.ge @!p0 [sflag:s6], $0x200  }
0x45: {  	[sflag:s6] =	ssyncset.done @!p0 $0x0  }
0x46: {  	[sflag:s6] =	ssyncadd.s32 @!p0 $0xFFFFFE00  }
0x47: {  	[bflag:$0x0] =	sbarrier.arrive $0xFFFF  }
0x48: {  	s13 =	simm.s32 $0x0;
	s14 =	rddreg [dreg:$0x4]  }
0x49: {  	[tilespmem:s26], [sflag:$0x3] =	stream.linear.gather [hbm4b:s14+s13], $0x320, $0x38;
	[tilespmem:$0x12C60] =	vst v63  }
0x4a: {  	s15 =	rddreg [dreg:$0x5]  }
0x4b: {  	[tilespmem:s28], [sflag:$0x3] =	stream.linear.gather [hbm4b:s15+s13], $0x320, $0x38;
	[tilespmem:$0x12C60] =	vst v63  }
0x4c: {  	_ =	swait.ge [sflag:s29], $0x320  }
0x4d: {  	[sflag:s29] =	ssyncset.done $0x0  }
0x4e: {  	[sflag:s29] =	ssyncadd.s32 $0xFFFFFCE0  }
0x4f: {  	_ =	swait.ge [sflag:s29], $0x320  }
0x50: {  	[sflag:s29] =	ssyncset.done $0x0  }
0x51: {  	s6 =	sand.u32 $0x1, s13;
	[sflag:s29] =	ssyncadd.s32 $0xFFFFFCE0  }
0x52: {  	[tilespmem:s31], [sflag:$0x1] =	stream.indirect.gather [hbm4b:s7+s30], $0x20, s26, s30, $0xb8;
	[tilespmem:$0x12C60] =	vst v63  }
0x53: {  	s9 =	simm.s32 $0x11940;
	p1 =	seq.s32 s6, $0x1;
	s16 =	rddreg [dreg:$0x6]  }
0x54: {  	[tilespmem:s9], [sflag:$0x4] =	stream.linear.gather [hbm4b:s16+s13], $0x320, $0x38;
	[tilespmem:$0x12C60] =	vst v63  }
0x55: {  	s6 =	simm.s32 @p1 $0x2;
	s17 =	rddreg [dreg:$0x7]  }
0x56: {  	[tilespmem:s0], [sflag:$0x4] =	stream.linear.gather [hbm4b:s17+s13], $0x320, $0x38;
	[tilespmem:$0x12C60] =	vst v63  }
0x57: {  	_ =	swait.ge @p1 [sflag:s6], $0x6400;
	p1 =	por p1, p1  }
0x58: {  	[sflag:s6] =	ssyncset.done @p1 $0x0  }
0x59: {  	[sflag:s6] =	ssyncadd.s32 @p1 $0xFFFF9C00;
	s6 =	simm.s32 @p1 $0x3  }
0x5a: {  	_ =	swait.ge @p1 [sflag:s6], $0x320  }
0x5b: {  	[sflag:s6] =	ssyncset.done @p1 $0x0  }
0x5c: {  	[sflag:s6] =	ssyncadd.s32 @p1 $0xFFFFFCE0  }
0x5d: {  	_ =	swait.ge @p1 [sflag:s6], $0x320  }
0x5e: {  	s8 =	simm.s32 @p1 $0x4E20;
	[sflag:s6] =	ssyncset.done @p1 $0x0  }
0x5f: {  	s9 =	simm.s32 @p1 $0x11620;
	[sflag:s6] =	ssyncadd.s32 @p1 $0xFFFFFCE0;
	s6 =	simm.s32 @p1 $0x320  }
0x60: {  	[tilespmem:s8], [sflag:$0x1] =	stream.indirect.gather @p1 [hbm4b:s7+s6], $0x20, s9, s6, $0xb8;
	[tilespmem:$0x12C60] =	vst v63  }
0x61: {  	s11 =	simm.s32 @p1 $0x5;
	s8 =	simm.s32 @p1 $0x11F80;
	s9 =	simm.s32 @p1 $0xB220  }
0x62: {  	[spmem:s1] =	stream.indirect.scatter.add.f32 @p1 [tilespmem:s9], [sflag:$0x5], $0x20, s8, s6, $0xb8;
	[tilespmem:$0x12C60] =	vst v63  }
0x63: {  	_ =	swait.ge @p1 [sflag:s11], $0x6400  }
0x64: {  	[sflag:s11] =	ssyncset.done @p1 $0x0  }
0x65: {  	s6 =	simm.s32 @p1 $0x0;
	s9 =	simm.s32 @p1 $0x11940;
	[sflag:s11] =	ssyncadd.s32 @p1 $0xFFFF9C00  }
0x66: {  	[tilespmem:s9], [sflag:$0x4] =	stream.linear.gather @p1 [hbm4b:s22+s6], $0x320, $0x38;
	[tilespmem:$0x12C60] =	vst v63  }
0x67: {  	s9 =	simm.s32 @!p1 $0x1  }
0x68: {  	[tilespmem:s8], [sflag:$0x4] =	stream.linear.gather @p1 [hbm4b:s10+s6], $0x320, $0x38;
	[tilespmem:$0x12C60] =	vst v63  }
0x69: {  	_ =	swait.ge @!p1 [sflag:s9], $0x6400  }
0x6a: {  	[sflag:s9] =	ssyncset.done @!p1 $0x0  }
0x6b: {  	s6 =	simm.s32 @!p1 $0x4;
	[sflag:s9] =	ssyncadd.s32 @!p1 $0xFFFF9C00  }
0x6c: {  	_ =	swait.ge @!p1 [sflag:s6], $0x320  }
0x6d: {  	[sflag:s6] =	ssyncset.done @!p1 $0x0  }
0x6e: {  	[sflag:s6] =	ssyncadd.s32 @!p1 $0xFFFFFCE0  }
0x6f: {  	_ =	swait.ge @!p1 [sflag:s6], $0x320  }
0x70: {  	s8 =	simm.s32 @!p1 $0xB220;
	[sflag:s6] =	ssyncset.done @!p1 $0x0  }
0x71: {  	s9 =	simm.s32 @!p1 $0x11940;
	[sflag:s6] =	ssyncadd.s32 @!p1 $0xFFFFFCE0;
	s6 =	simm.s32 @!p1 $0x320  }
0x72: {  	[tilespmem:s8], [sflag:$0x2] =	stream.indirect.gather @!p1 [hbm4b:s7+s6], $0x20, s9, s6, $0xb8;
	[tilespmem:$0x12C60] =	vst v63  }
0x73: {  	s14 =	simm.s32 @!p1 $0x11C60;
	s8 =	simm.s32 @!p1 $0x4E20;
	s9 =	simm.s32 @!p1 $0x5  }
0x74: {  	[spmem:s1] =	stream.indirect.scatter.add.f32 @!p1 [tilespmem:s8], [sflag:$0x5], $0x20, s14, s6, $0xb8;
	[tilespmem:$0x12C60] =	vst v63  }
0x75: {  	s21 =	simm.s32 $0x1;
	_ =	swait.ge @!p1 [sflag:s9], $0x6400  }
0x76: {  	s13 =	sand.u32 $0x1, s21;
	s21 =	smov.u32 s10;
	[sflag:s9] =	ssyncset.done @!p1 $0x0  }
0x77: {  	s15 =	simm.s32 @!p1 $0x0;
	s6 =	simm.s32 @!p1 $0x11620;
	[sflag:s9] =	ssyncadd.s32 @!p1 $0xFFFF9C00  }
0x78: {  	[tilespmem:s6], [sflag:$0x3] =	stream.linear.gather @!p1 [hbm4b:s22+s15], $0x320, $0x38;
	[tilespmem:$0x12C60] =	vst v63  }
0x79: {  	s8 =	smov.u32 s10;
	s9 =	simm.s32 $0x2;
	s6 =	sadd.s32 $0x64, s22  }
.LBB2_4:
0x7a: {  	p3 =	seq.s32 s13, $0x1;
	s21 =	sadd.s32 $0x64, s21  }
0x7b: {  	s13 =	smov.u32 s9;
	s9 =	sadd.s32 $0x1, s9;
	s11 =	smov.u32 s6  }
0x7c: {  	p2 =	sne.s32 s9, $0x17;
	s16 =	simm.s32 @p3 $0x2  }
0x7d: {  	[tilespmem:s14], [sflag:$0x3] =	stream.linear.gather @!p1 [hbm4b:s8+s15], $0x320, $0x38;
	[tilespmem:$0x12C60] =	vst v63  }
0x7e: {  	s8 =	smov.u32 s21;
	p1 =	por p3, p3;
	_ =	swait.ge @p3 [sflag:s16], $0x6400  }
0x7f: {  	[sflag:s16] =	ssyncset.done @p1 $0x0  }
0x80: {  	s14 =	simm.s32 @p1 $0x3;
	[sflag:s16] =	ssyncadd.s32 @p1 $0xFFFF9C00  }
0x81: {  	_ =	swait.ge @p1 [sflag:s14], $0x320  }
0x82: {  	[sflag:s14] =	ssyncset.done @p1 $0x0  }
0x83: {  	[sflag:s14] =	ssyncadd.s32 @p1 $0xFFFFFCE0  }
0x84: {  	_ =	swait.ge @p1 [sflag:s14], $0x320  }
0x85: {  	s15 =	simm.s32 @p1 $0x4E20;
	[sflag:s14] =	ssyncset.done @p1 $0x0  }
0x86: {  	s16 =	simm.s32 @p1 $0x11620;
	[sflag:s14] =	ssyncadd.s32 @p1 $0xFFFFFCE0;
	s14 =	simm.s32 @p1 $0x320  }
0x87: {  	[tilespmem:s15], [sflag:$0x1] =	stream.indirect.gather @p1 [hbm4b:s7+s14], $0x20, s16, s14, $0xb8;
	[tilespmem:$0x12C60] =	vst v63  }
0x88: {  	s17 =	simm.s32 @p1 $0x5;
	s15 =	simm.s32 @p1 $0x11F80;
	s16 =	simm.s32 @p1 $0xB220  }
0x89: {  	[spmem:s1] =	stream.indirect.scatter.add.f32 @p1 [tilespmem:s16], [sflag:$0x5], $0x20, s15, s14, $0xb8;
	[tilespmem:$0x12C60] =	vst v63  }
0x8a: {  	_ =	swait.ge @p1 [sflag:s17], $0x6400  }
0x8b: {  	[sflag:s17] =	ssyncset.done @p1 $0x0  }
0x8c: {  	s14 =	simm.s32 @p1 $0x0;
	s16 =	simm.s32 @p1 $0x11940;
	[sflag:s17] =	ssyncadd.s32 @p1 $0xFFFF9C00  }
0x8d: {  	[tilespmem:s16], [sflag:$0x4] =	stream.linear.gather @p1 [hbm4b:s6+s14], $0x320, $0x38;
	[tilespmem:$0x12C60] =	vst v63  }
0x8e: {  	s16 =	simm.s32 @!p1 $0x1  }
0x8f: {  	[tilespmem:s15], [sflag:$0x4] =	stream.linear.gather @p1 [hbm4b:s21+s14], $0x320, $0x38;
	[tilespmem:$0x12C60] =	vst v63  }
0x90: {  	_ =	swait.ge @!p1 [sflag:s16], $0x6400  }
0x91: {  	[sflag:s16] =	ssyncset.done @!p1 $0x0  }
0x92: {  	s14 =	simm.s32 @!p1 $0x4;
	[sflag:s16] =	ssyncadd.s32 @!p1 $0xFFFF9C00  }
0x93: {  	_ =	swait.ge @!p1 [sflag:s14], $0x320  }
0x94: {  	[sflag:s14] =	ssyncset.done @!p1 $0x0  }
0x95: {  	[sflag:s14] =	ssyncadd.s32 @!p1 $0xFFFFFCE0  }
0x96: {  	_ =	swait.ge @!p1 [sflag:s14], $0x320  }
0x97: {  	s15 =	simm.s32 @!p1 $0xB220;
	[sflag:s14] =	ssyncset.done @!p1 $0x0  }
0x98: {  	s16 =	simm.s32 @!p1 $0x320;
	[sflag:s14] =	ssyncadd.s32 @!p1 $0xFFFFFCE0;
	s14 =	simm.s32 @!p1 $0x11940  }
0x99: {  	[tilespmem:s15], [sflag:$0x2] =	stream.indirect.gather @!p1 [hbm4b:s7+s16], $0x20, s14, s16, $0xb8;
	[tilespmem:$0x12C60] =	vst v63  }
0x9a: {  	s17 =	simm.s32 @!p1 $0x5;
	s14 =	simm.s32 @!p1 $0x11C60;
	s15 =	simm.s32 @!p1 $0x4E20  }
0x9b: {  	[spmem:s1] =	stream.indirect.scatter.add.f32 @!p1 [tilespmem:s15], [sflag:$0x5], $0x20, s14, s16, $0xb8;
	[tilespmem:$0x12C60] =	vst v63  }
.Ltmp1:
0x9c: {  	_ = 	snop;
	(pc) =	sbr.rel @p2 .LBB2_4-.Ltmp1, $4  }
0x9d: {  	_ =	swait.ge @!p1 [sflag:s17], $0x6400  }
0x9e: {  	s13 =	sand.u32 $0x1, s13;
	s6 =	sadd.s32 $0x64, s6;
	[sflag:s17] =	ssyncset.done @!p1 $0x0  }
0x9f: {  	s15 =	simm.s32 @!p1 $0x0;
	s16 =	simm.s32 @!p1 $0x11620;
	[sflag:s17] =	ssyncadd.s32 @!p1 $0xFFFF9C00  }
0xa0: {  	[tilespmem:s16], [sflag:$0x3] =	stream.linear.gather @!p1 [hbm4b:s11+s15], $0x320, $0x38;
	[tilespmem:$0x12C60] =	vst v63  }
0xa1: {  	p2 =	seq.s32 s13, $0x1  }
0xa2: {  	[tilespmem:s14], [sflag:$0x3] =	stream.linear.gather @!p1 [hbm4b:s8+s15], $0x320, $0x38;
	[tilespmem:$0x12C60] =	vst v63  }
0xa3: {  	s9 =	simm.s32 @p2 $0x2  }
0xa4: {  	p1 =	por p2, p2;
	_ =	swait.ge @p2 [sflag:s9], $0x6400  }
0xa5: {  	[sflag:s9] =	ssyncset.done @p1 $0x0  }
0xa6: {  	s8 =	simm.s32 @p1 $0x3;
	[sflag:s9] =	ssyncadd.s32 @p1 $0xFFFF9C00  }
0xa7: {  	_ =	swait.ge @p1 [sflag:s8], $0x320  }
0xa8: {  	[sflag:s8] =	ssyncset.done @p1 $0x0  }
0xa9: {  	[sflag:s8] =	ssyncadd.s32 @p1 $0xFFFFFCE0  }
0xaa: {  	_ =	swait.ge @p1 [sflag:s8], $0x320  }
0xab: {  	s11 =	simm.s32 @p1 $0x11620;
	[sflag:s8] =	ssyncset.done @p1 $0x0  }
0xac: {  	s9 =	simm.s32 @p1 $0x4E20;
	[sflag:s8] =	ssyncadd.s32 @p1 $0xFFFFFCE0;
	s8 =	simm.s32 @p1 $0x320  }
0xad: {  	[tilespmem:s9], [sflag:$0x1] =	stream.indirect.gather @p1 [hbm4b:s7+s8], $0x20, s11, s8, $0xb8;
	[tilespmem:$0x12C60] =	vst v63  }
0xae: {  	s13 =	simm.s32 @p1 $0x5;
	s9 =	simm.s32 @p1 $0x11F80;
	s11 =	simm.s32 @p1 $0xB220  }
0xaf: {  	[spmem:s1] =	stream.indirect.scatter.add.f32 @p1 [tilespmem:s11], [sflag:$0x5], $0x20, s9, s8, $0xb8;
	[tilespmem:$0x12C60] =	vst v63  }
0xb0: {  	_ =	swait.ge @p1 [sflag:s13], $0x6400  }
0xb1: {  	[sflag:s13] =	ssyncset.done @p1 $0x0  }
0xb2: {  	s8 =	simm.s32 @p1 $0x0;
	s11 =	simm.s32 @p1 $0x11940;
	[sflag:s13] =	ssyncadd.s32 @p1 $0xFFFF9C00  }
0xb3: {  	[tilespmem:s11], [sflag:$0x4] =	stream.linear.gather @p1 [hbm4b:s6+s8], $0x320, $0x38;
	[tilespmem:$0x12C60] =	vst v63  }
0xb4: {  	s13 =	simm.s32 @!p1 $0x1;
	s11 =	sadd.s32 $0x64, s21  }
0xb5: {  	[tilespmem:s9], [sflag:$0x4] =	stream.linear.gather @p1 [hbm4b:s11+s8], $0x320, $0x38;
	[tilespmem:$0x12C60] =	vst v63  }
0xb6: {  	_ =	swait.ge @!p1 [sflag:s13], $0x6400  }
0xb7: {  	[sflag:s13] =	ssyncset.done @!p1 $0x0  }
0xb8: {  	s8 =	simm.s32 @!p1 $0x4;
	[sflag:s13] =	ssyncadd.s32 @!p1 $0xFFFF9C00  }
0xb9: {  	_ =	swait.ge @!p1 [sflag:s8], $0x320  }
0xba: {  	[sflag:s8] =	ssyncset.done @!p1 $0x0  }
0xbb: {  	[sflag:s8] =	ssyncadd.s32 @!p1 $0xFFFFFCE0  }
0xbc: {  	_ =	swait.ge @!p1 [sflag:s8], $0x320  }
0xbd: {  	s9 =	simm.s32 @!p1 $0xB220;
	[sflag:s8] =	ssyncset.done @!p1 $0x0  }
0xbe: {  	s13 =	simm.s32 @!p1 $0x11940;
	[sflag:s8] =	ssyncadd.s32 @!p1 $0xFFFFFCE0;
	s8 =	simm.s32 @!p1 $0x320  }
0xbf: {  	[tilespmem:s9], [sflag:$0x2] =	stream.indirect.gather @!p1 [hbm4b:s7+s8], $0x20, s13, s8, $0xb8;
	[tilespmem:$0x12C60] =	vst v63  }
0xc0: {  	s14 =	simm.s32 @!p1 $0x5;
	s9 =	simm.s32 @!p1 $0x11C60;
	s13 =	simm.s32 @!p1 $0x4E20  }
0xc1: {  	[spmem:s1] =	stream.indirect.scatter.add.f32 @!p1 [tilespmem:s13], [sflag:$0x5], $0x20, s9, s8, $0xb8;
	[tilespmem:$0x12C60] =	vst v63  }
0xc2: {  	_ =	swait.ge @!p1 [sflag:s14], $0x6400  }
0xc3: {  	[sflag:s14] =	ssyncset.done @!p1 $0x0  }
0xc4: {  	s8 =	simm.s32 @!p1 $0x0;
	s13 =	simm.s32 @!p1 $0x11620;
	[sflag:s14] =	ssyncadd.s32 @!p1 $0xFFFF9C00  }
0xc5: {  	[tilespmem:s13], [sflag:$0x3] =	stream.linear.gather @!p1 [hbm4b:s6+s8], $0x320, $0x38;
	[tilespmem:$0x12C60] =	vst v63  }
0xc6: {  	_ = 	snop  }
0xc7: {  	[tilespmem:s9], [sflag:$0x3] =	stream.linear.gather @!p1 [hbm4b:s11+s8], $0x320, $0x38;
	[tilespmem:$0x12C60] =	vst v63  }
0xc8: {  	_ =	swait.ge [sflag:s3], $0x6400  }
0xc9: {  	[sflag:s3] =	ssyncset.done $0x0  }
0xca: {  	[sflag:s3] =	ssyncadd.s32 $0xFFFF9C00  }
0xcb: {  	_ =	swait.ge [sflag:s29], $0x320  }
0xcc: {  	[sflag:s29] =	ssyncset.done $0x0  }
0xcd: {  	[sflag:s29] =	ssyncadd.s32 $0xFFFFFCE0  }
0xce: {  	_ =	swait.ge [sflag:s29], $0x320  }
0xcf: {  	[sflag:s29] =	ssyncset.done $0x0  }
0xd0: {  	[sflag:s29] =	ssyncadd.s32 $0xFFFFFCE0  }
0xd1: {  	[tilespmem:s31], [sflag:$0x1] =	stream.indirect.gather [hbm4b:s7+s30], $0x20, s26, s30, $0xb8;
	[tilespmem:$0x12C60] =	vst v63  }
0xd2: {  	s15 =	simm.s32 $0xB220  }
0xd3: {  	[spmem:s1] =	stream.indirect.scatter.add.f32 [tilespmem:s15], [sflag:$0x5], $0x20, s0, s30, $0xb8;
	[tilespmem:$0x12C60] =	vst v63  }
0xd4: {  	_ =	swait.ge [sflag:s24], $0x6400  }
0xd5: {  	[sflag:s24] =	ssyncset.done $0x0  }
0xd6: {  	[sflag:s24] =	ssyncadd.s32 $0xFFFF9C00  }
0xd7: {  	_ =	swait.ge [sflag:s5], $0x6400  }
0xd8: {  	[sflag:s5] =	ssyncset.done $0x0  }
0xd9: {  	[sflag:s5] =	ssyncadd.s32 $0xFFFF9C00  }
0xda: {  	[spmem:s1] =	stream.indirect.scatter.add.f32 [tilespmem:s31], [sflag:$0x5], $0x20, s28, s30, $0xb8;
	[tilespmem:$0x12C60] =	vst v63  }
0xdb: {  	_ =	swait.ge [sflag:s24], $0x6400  }
0xdc: {  	[sflag:s24] =	ssyncset.done $0x0  }
0xdd: {  	s16 =	stileid.u32;
	[sflag:s24] =	ssyncadd.s32 $0xFFFF9C00  }
0xde: {  	s6 =	sshll.u32 s16, $0x6;
	[bflag:$0x0] =	sbarrier.arrive $0xFFFF  }
0xdf: {  	s6 =	sor.u32 $0x1C05, s6;
	s17 =	rddreg [dreg:$0x8]  }
0xe0: {  	[hbm:s17], [sflag:s6] =	dma.local [spmem:s25], $0x9C0  }
0xe1: {  	_ =	swait.ge [sflag:s24], $0x9C0  }
0xe2: {  	[sflag:s24] =	ssyncset.done $0x0  }
0xe3: {  	s8 =	sshrl.u32 @!p0 s4, $0x3;
	s9 =	rddreg [dreg:$0x9];
	[sflag:s24] =	ssyncadd.s32 $0xFFFFF640  }
0xe4: {  	[hbm:s9], [sflag:s6] =	dma.local @!p0 [spmem:s8], $0x40  }
0xe5: {  	s6 =	simm.s32 @!p0 $0x5  }
0xe6: {  	_ =	swait.ge @!p0 [sflag:s6], $0x40  }
0xe7: {  	s2 =	sadd.s32 $0x1, s2;
	s21 =	rddreg [dreg:$0xa]  }
0xe8: {  	p1 =	sne.s32 s2, s21  }
.Ltmp2:
0xe9: {  	_ = 	snop;
	(pc) =	sbr.rel @p1 .LBB2_1-.Ltmp2, $3  }
0xea: {  	_ =	sdelay $0x1  }
0xeb: {  	[sflag:s6] =	ssyncset.done @!p0 $0x0  }
0xec: {  	[sflag:s6] =	ssyncadd.s32 @!p0 $0xFFFFFFC0  }
0xed: {  	_ =	sfence.sel $0x180000  }
0xee: {  	[bflag:$0x0] =	sbarrier.arrive $0xFFFF  }
0xef: {  	_ =	strace $0x90000050  }
0xf0: {  	s0 =	stileid.u32;
	[bflag:$0x2] =	sbarrier.arrive $0xFFFF  }
0xf1: {  	p0 =	sne.s32 s0, $0x0;
	s0 =	rddreg [dreg:$0x3]  }
0xf2: {  	s0 =	sadd.s32 @!p0 $0x100000, s0  }
0xf3: {  	[sflag:s0] =	ssyncadd.tile.s32 @!p0 $0x1;
	_ =	shalt  }
.Lfunc_end2:
_tile_overlayer_lowered:
.L_overlay_start_2:
0xf4: {  	(tag) =	ssettag $0x2  }
0xf5: {  	s0 =	rddreg [dreg:$0x0];
	s2 =	stileid.u32  }
0xf6: {  	s1 =	rddreg [dreg:$0x1];
	p0 =	sne.s32 s2, $0x0  }
0xf7: {  	s3 =	rddreg [dreg:$0x2];
	[bflag:$0x3] =	sbarrier.arrive $0xFFFF;
	s2 =	simm.s32 @!p0 $0x1C05  }
0xf8: {  	[timem:s3], [sflag:s2] =	dma.local @!p0 [hbm:s0], s1  }
0xf9: {  	s0 =	simm.s32 @!p0 $0x5  }
0xfa: {  	_ =	swait.ge @!p0 [sflag:s0], s1  }
0xfb: {  	s1 =	ssub.s32 @!p0 $0x0, s1;
	[sflag:s0] =	ssyncset.done @!p0 $0x0  }
0xfc: {  	[sflag:s0] =	ssyncadd.s32 @!p0 s1  }
0xfd: {  	[bflag:$0x3] =	sbarrier.arrive $0xFFFF  }
0xfe: {  	_ =	shalt  }

</sc_bundles>
